<compile_context>
chip_gen: v7x
topology: tpu7x:2x2x1
jax: 0.10.2.dev20260603
libtpu: 0.0.44.dev20260713+nightly
codegen_flags: <defaults>
</compile_context>

<pallas_src>
import jax
import jax.numpy as jnp
from jax import lax
from jax.experimental import pallas as pl
from jax.experimental.pallas import tpu as pltpu
from jax.experimental.pallas import tpu_sc as plsc

D = 768
V = 1024
B = 16384
NC = 2
NS = 16
NW = NC * NS
B_PER_W = B // NW
CHUNK = 16
NBUF = 8
NCHUNK = B_PER_W // CHUNK


def _gather_body(table_hbm, idx_hbm, out_hbm, idx_v, rows_v, gsems, ssems):
    cid = lax.axis_index("c")
    sid = lax.axis_index("s")
    wid = sid * NC + cid
    base = wid * B_PER_W

    pltpu.sync_copy(idx_hbm.at[pl.ds(base, B_PER_W)], idx_v)

    def gather(c):
        return pltpu.async_copy(
            table_hbm.at[idx_v.at[pl.ds(c * CHUNK, CHUNK)]],
            rows_v.at[c % NBUF],
            gsems.at[c % NBUF],
        )

    def store(c):
        return pltpu.async_copy(
            rows_v.at[c % NBUF],
            out_hbm.at[pl.ds(base + c * CHUNK, CHUNK)],
            ssems.at[c % NBUF],
        )

    skew = NBUF // 2
    gcp = [None] * NCHUNK
    scp = [None] * NCHUNK
    for i in range(skew):
        gcp[i] = gather(i)
    for i in range(NCHUNK):
        if i >= skew:
            scp[i - skew].wait()
        nxt = i + skew
        if nxt < NCHUNK:
            gcp[nxt] = gather(nxt)
        gcp[i].wait()
        scp[i] = store(i)
    for i in range(NCHUNK - skew, NCHUNK):
        scp[i].wait()


@jax.jit
def _gather(pos, pos_embd):
    mesh = plsc.VectorSubcoreMesh(core_axis_name="c", subcore_axis_name="s")
    run = pl.kernel(
        _gather_body,
        mesh=mesh,
        out_type=jax.ShapeDtypeStruct((B, D), jnp.float32),
        scratch_types=[
            pltpu.VMEM((B_PER_W,), jnp.int32),
            pltpu.VMEM((NBUF, CHUNK, D), jnp.float32),
            pltpu.SemaphoreType.DMA((NBUF,)),
            pltpu.SemaphoreType.DMA((NBUF,)),
        ],
    )
    return run(pos_embd, pos)


def kernel(pos, pos_embd):
    return _gather(pos, pos_embd)

# --- scband reference (transcript-rebuilt; emitter-appended) ---
"""Pipeline reference for scband-positional-embedding-36971078484241 (READ-ONLY COPY).

The authoritative reference and input builder live on the scoring server;
editing this copy changes nothing except your own understanding.
"""

import jax, jax.numpy as jnp
import numpy as np

D = 768
WP, HP = 32, 32
TEMPERATURE = 10000.0
N_POS = 16384


def _build_pos_embd(d, wp, hp, temperature):
    grid_wp = jnp.arange(wp, dtype=jnp.float32)
    grid_hp = jnp.arange(hp, dtype=jnp.float32)
    gw, gh = jnp.meshgrid(grid_wp, grid_hp, indexing='ij')
    pos_d = d // 4
    omega = jnp.arange(pos_d, dtype=jnp.float32) / pos_d
    omega = 1.0 / (temperature ** omega)
    out_w = jnp.einsum('m,d->md', gw.flatten(), omega)
    out_h = jnp.einsum('m,d->md', gh.flatten(), omega)
    pos_embd = jnp.concatenate([
        jnp.sin(out_w), jnp.cos(out_w),
        jnp.sin(out_h), jnp.cos(out_h)
    ], axis=1)
    return pos_embd


def setup_inputs(seed: int = 0) -> dict:
    key = jax.random.key(seed)
    pos = jax.random.randint(key, (N_POS,), 0, WP * HP, dtype=jnp.int64 if jax.config.jax_enable_x64 else jnp.int32)
    pos_embd = _build_pos_embd(D, WP, HP, TEMPERATURE)
    return {"pos": pos, "pos_embd": pos_embd}


def reference(pos, pos_embd):
    # Faithful translation of forward: pos_embd[pos]
    return jnp.take(pos_embd, pos, axis=0)

if __name__ == "__main__":
    import jax
    _d = setup_inputs()
    print(jax.jit(kernel)(*tuple(_d.values())))

</pallas_src>

<mosaic_0001>
#map = affine_map<(d0, d1) -> (0, 0)>
#map1 = affine_map<(d0, d1) -> (0)>
module attributes {stable_mosaic.version = 14 : i64} {
  func.func @_gather_body(%arg0: i32, %arg1: i32, %arg2: memref<1024x768xf32, #tpu.memory_space<hbm>>, %arg3: memref<16384xi32, #tpu.memory_space<hbm>>, %arg4: memref<16384x768xf32, #tpu.memory_space<hbm>>, %arg5: memref<512xi32, #tpu.memory_space<vmem>>, %arg6: memref<8x16x768xf32, #tpu.memory_space<vmem>>, %arg7: memref<8x!tpu.dma_semaphore, #tpu.memory_space<semaphore_mem>>, %arg8: memref<8x!tpu.dma_semaphore, #tpu.memory_space<semaphore_mem>>) attributes {dimension_semantics = [#tpu.dimension_semantics<core_parallel>, #tpu.dimension_semantics<subcore_parallel>], iteration_bounds = array<i64: 2, 16>, scalar_prefetch = 0 : i64, scratch_operands = 4 : i64, tpu.core_type = #tpu.core_type<sc_vector_subcore>, window_params = [{transform_indices = #map}, {transform_indices = #map1}, {transform_indices = #map}]} {
    %mul3A = arith.constant 2 : i32
    %mul3A_0 = arith.muli %arg1, %mul3A : i32
    %add3A = arith.addi %mul3A_0, %arg0 : i32
    %mul3A_1 = arith.constant 512 : i32
    %mul3A_2 = arith.muli %add3A, %mul3A_1 : i32
    "tpu.region"() ({
      %run_scoped3A = tpu.sem_alloc : memref<!tpu.dma_semaphore, #tpu.memory_space<semaphore_mem>>
      %dma_start3A_1921 = tpu.memref_slice %arg3[%mul3A_2] : memref<16384xi32, #tpu.memory_space<hbm>> -> memref<512xi32, #tpu.memory_space<hbm>>
      %dma_start3A_1922 = tpu.memref_slice %arg3[%mul3A_2] : memref<16384xi32, #tpu.memory_space<hbm>> -> memref<512xi32, #tpu.memory_space<hbm>>
      tpu.enqueue_dma source(%dma_start3A_1922 : memref<512xi32, #tpu.memory_space<hbm>>) target(%arg5 : memref<512xi32, #tpu.memory_space<vmem>>) target_semaphore(%run_scoped3A : memref<!tpu.dma_semaphore, #tpu.memory_space<semaphore_mem>>)
      %dma_wait3A_1923 = tpu.memref_slice %arg3[%mul3A_2] : memref<16384xi32, #tpu.memory_space<hbm>> -> memref<512xi32, #tpu.memory_space<hbm>>
      %dma_wait3A_1924 = tpu.memref_slice %arg3[%mul3A_2] : memref<16384xi32, #tpu.memory_space<hbm>> -> memref<512xi32, #tpu.memory_space<hbm>>
      tpu.wait_dma2 semaphore(%run_scoped3A : memref<!tpu.dma_semaphore, #tpu.memory_space<semaphore_mem>>) src(%dma_wait3A_1924 : memref<512xi32, #tpu.memory_space<hbm>>) dst(%arg5 : memref<512xi32, #tpu.memory_space<vmem>>)
      tpu.yield
    }) : () -> ()
    %dma_start3A = arith.constant 0 : i32
    %dma_start3A_3 = arith.constant 0 : i32
    %dma_start3A_4 = arith.constant 0 : i32
    %dma_start3A_5 = arith.constant 0 : i32
    %dma_start3A_6 = tpu.memref_slice %arg6[%dma_start3A, %dma_start3A_4, %dma_start3A_5] : memref<8x16x768xf32, #tpu.memory_space<vmem>> -> memref<1x16x768xf32, #tpu.memory_space<vmem>>
    %dma_start3A_7 = tpu.memref_squeeze %dma_start3A_6 : memref<1x16x768xf32, #tpu.memory_space<vmem>> -> memref<16x768xf32, #tpu.memory_space<vmem>>
    %dma_start3A_8 = arith.constant 0 : i32
    %dma_start3A_9 = tpu.memref_slice %arg5[%dma_start3A_8] : memref<512xi32, #tpu.memory_space<vmem>> -> memref<16xi32, #tpu.memory_space<vmem>>
    %dma_start3A_10 = arith.constant 0 : i32
    %dma_start3A_11 = arith.constant 0 : i32
    %dma_start3A_12 = tpu.memref_slice %arg2[%dma_start3A_10, %dma_start3A_11] : memref<1024x768xf32, #tpu.memory_space<hbm>> -> memref<1024x768xf32, #tpu.memory_space<hbm>>
    %dma_start3A_13 = tpu.memref_slice %arg7[%dma_start3A_3] : memref<8x!tpu.dma_semaphore, #tpu.memory_space<semaphore_mem>> -> memref<1x!tpu.dma_semaphore, #tpu.memory_space<semaphore_mem>>
    %dma_start3A_14 = tpu.memref_squeeze %dma_start3A_13 : memref<1x!tpu.dma_semaphore, #tpu.memory_space<semaphore_mem>> -> memref<!tpu.dma_semaphore, #tpu.memory_space<semaphore_mem>>
    tpu.enqueue_indirect_dma source(%dma_start3A_12 : memref<1024x768xf32, #tpu.memory_space<hbm>>) target(%dma_start3A_7 : memref<16x768xf32, #tpu.memory_space<vmem>>) offsets(%dma_start3A_9 : memref<16xi32, #tpu.memory_space<vmem>>) semaphore(%dma_start3A_14 : memref<!tpu.dma_semaphore, #tpu.memory_space<semaphore_mem>>)
    %dma_start3A_15 = arith.constant 1 : i32
    %dma_start3A_16 = arith.constant 1 : i32
    %dma_start3A_17 = arith.constant 0 : i32
    %dma_start3A_18 = arith.constant 0 : i32
    %dma_start3A_19 = tpu.memref_slice %arg6[%dma_start3A_15, %dma_start3A_17, %dma_start3A_18] : memref<8x16x768xf32, #tpu.memory_space<vmem>> -> memref<1x16x768xf32, #tpu.memory_space<vmem>>
    %dma_start3A_20 = tpu.memref_squeeze %dma_start3A_19 : memref<1x16x768xf32, #tpu.memory_space<vmem>> -> memref<16x768xf32, #tpu.memory_space<vmem>>
    %dma_start3A_21 = arith.constant 16 : i32
    %dma_start3A_22 = tpu.memref_slice %arg5[%dma_start3A_21] : memref<512xi32, #tpu.memory_space<vmem>> -> memref<16xi32, #tpu.memory_space<vmem>>
    %dma_start3A_23 = arith.constant 0 : i32
    %dma_start3A_24 = arith.constant 0 : i32
    %dma_start3A_25 = tpu.memref_slice %arg2[%dma_start3A_23, %dma_start3A_24] : memref<1024x768xf32, #tpu.memory_space<hbm>> -> memref<1024x768xf32, #tpu.memory_space<hbm>>
    %dma_start3A_26 = tpu.memref_slice %arg7[%dma_start3A_16] : memref<8x!tpu.dma_semaphore, #tpu.memory_space<semaphore_mem>> -> memref<1x!tpu.dma_semaphore, #tpu.memory_space<semaphore_mem>>
    %dma_start3A_27 = tpu.memref_squeeze %dma_start3A_26 : memref<1x!tpu.dma_semaphore, #tpu.memory_space<semaphore_mem>> -> memref<!tpu.dma_semaphore, #tpu.memory_space<semaphore_mem>>
    tpu.enqueue_indirect_dma source(%dma_start3A_25 : memref<1024x768xf32, #tpu.memory_space<hbm>>) target(%dma_start3A_20 : memref<16x768xf32, #tpu.memory_space<vmem>>) offsets(%dma_start3A_22 : memref<16xi32, #tpu.memory_space<vmem>>) semaphore(%dma_start3A_27 : memref<!tpu.dma_semaphore, #tpu.memory_space<semaphore_mem>>)
    %dma_start3A_28 = arith.constant 2 : i32
    %dma_start3A_29 = arith.constant 2 : i32
    %dma_start3A_30 = arith.constant 0 : i32
    %dma_start3A_31 = arith.constant 0 : i32
    %dma_start3A_32 = tpu.memref_slice %arg6[%dma_start3A_28, %dma_start3A_30, %dma_start3A_31] : memref<8x16x768xf32, #tpu.memory_space<vmem>> -> memref<1x16x768xf32, #tpu.memory_space<vmem>>
    %dma_start3A_33 = tpu.memref_squeeze %dma_start3A_32 : memref<1x16x768xf32, #tpu.memory_space<vmem>> -> memref<16x768xf32, #tpu.memory_space<vmem>>
    %dma_start3A_34 = arith.constant 32 : i32
    %dma_start3A_35 = tpu.memref_slice %arg5[%dma_start3A_34] : memref<512xi32, #tpu.memory_space<vmem>> -> memref<16xi32, #tpu.memory_space<vmem>>
    %dma_start3A_36 = arith.constant 0 : i32
    %dma_start3A_37 = arith.constant 0 : i32
    %dma_start3A_38 = tpu.memref_slice %arg2[%dma_start3A_36, %dma_start3A_37] : memref<1024x768xf32, #tpu.memory_space<hbm>> -> memref<1024x768xf32, #tpu.memory_space<hbm>>
    %dma_start3A_39 = tpu.memref_slice %arg7[%dma_start3A_29] : memref<8x!tpu.dma_semaphore, #tpu.memory_space<semaphore_mem>> -> memref<1x!tpu.dma_semaphore, #tpu.memory_space<semaphore_mem>>
    %dma_start3A_40 = tpu.memref_squeeze %dma_start3A_39 : memref<1x!tpu.dma_semaphore, #tpu.memory_space<semaphore_mem>> -> memref<!tpu.dma_semaphore, #tpu.memory_space<semaphore_mem>>
    tpu.enqueue_indirect_dma source(%dma_start3A_38 : memref<1024x768xf32, #tpu.memory_space<hbm>>) target(%dma_start3A_33 : memref<16x768xf32, #tpu.memory_space<vmem>>) offsets(%dma_start3A_35 : memref<16xi32, #tpu.memory_space<vmem>>) semaphore(%dma_start3A_40 : memref<!tpu.dma_semaphore, #tpu.memory_space<semaphore_mem>>)
    %dma_start3A_41 = arith.constant 3 : i32
    %dma_start3A_42 = arith.constant 3 : i32
    %dma_start3A_43 = arith.constant 0 : i32
    %dma_start3A_44 = arith.constant 0 : i32
    %dma_start3A_45 = tpu.memref_slice %arg6[%dma_start3A_41, %dma_start3A_43, %dma_start3A_44] : memref<8x16x768xf32, #tpu.memory_space<vmem>> -> memref<1x16x768xf32, #tpu.memory_space<vmem>>
    %dma_start3A_46 = tpu.memref_squeeze %dma_start3A_45 : memref<1x16x768xf32, #tpu.memory_space<vmem>> -> memref<16x768xf32, #tpu.memory_space<vmem>>
    %dma_start3A_47 = arith.constant 48 : i32
    %dma_start3A_48 = tpu.memref_slice %arg5[%dma_start3A_47] : memref<512xi32, #tpu.memory_space<vmem>> -> memref<16xi32, #tpu.memory_space<vmem>>
    %dma_start3A_49 = arith.constant 0 : i32
    %dma_start3A_50 = arith.constant 0 : i32
    %dma_start3A_51 = tpu.memref_slice %arg2[%dma_start3A_49, %dma_start3A_50] : memref<1024x768xf32, #tpu.memory_space<hbm>> -> memref<1024x768xf32, #tpu.memory_space<hbm>>
    %dma_start3A_52 = tpu.memref_slice %arg7[%dma_start3A_42] : memref<8x!tpu.dma_semaphore, #tpu.memory_space<semaphore_mem>> -> memref<1x!tpu.dma_semaphore, #tpu.memory_space<semaphore_mem>>
    %dma_start3A_53 = tpu.memref_squeeze %dma_start3A_52 : memref<1x!tpu.dma_semaphore, #tpu.memory_space<semaphore_mem>> -> memref<!tpu.dma_semaphore, #tpu.memory_space<semaphore_mem>>
    tpu.enqueue_indirect_dma source(%dma_start3A_51 : memref<1024x768xf32, #tpu.memory_space<hbm>>) target(%dma_start3A_46 : memref<16x768xf32, #tpu.memory_space<vmem>>) offsets(%dma_start3A_48 : memref<16xi32, #tpu.memory_space<vmem>>) semaphore(%dma_start3A_53 : memref<!tpu.dma_semaphore, #tpu.memory_space<semaphore_mem>>)
    %dma_start3A_54 = arith.constant 4 : i32
    %dma_start3A_55 = arith.constant 4 : i32
    %dma_start3A_56 = arith.constant 0 : i32
    %dma_start3A_57 = arith.constant 0 : i32
    %dma_start3A_58 = tpu.memref_slice %arg6[%dma_start3A_54, %dma_start3A_56, %dma_start3A_57] : memref<8x16x768xf32, #tpu.memory_space<vmem>> -> memref<1x16x768xf32, #tpu.memory_space<vmem>>
    %dma_start3A_59 = tpu.memref_squeeze %dma_start3A_58 : memref<1x16x768xf32, #tpu.memory_space<vmem>> -> memref<16x768xf32, #tpu.memory_space<vmem>>
    %dma_start3A_60 = arith.constant 64 : i32
    %dma_start3A_61 = tpu.memref_slice %arg5[%dma_start3A_60] : memref<512xi32, #tpu.memory_space<vmem>> -> memref<16xi32, #tpu.memory_space<vmem>>
    %dma_start3A_62 = arith.constant 0 : i32
    %dma_start3A_63 = arith.constant 0 : i32
    %dma_start3A_64 = tpu.memref_slice %arg2[%dma_start3A_62, %dma_start3A_63] : memref<1024x768xf32, #tpu.memory_space<hbm>> -> memref<1024x768xf32, #tpu.memory_space<hbm>>
    %dma_start3A_65 = tpu.memref_slice %arg7[%dma_start3A_55] : memref<8x!tpu.dma_semaphore, #tpu.memory_space<semaphore_mem>> -> memref<1x!tpu.dma_semaphore, #tpu.memory_space<semaphore_mem>>
    %dma_start3A_66 = tpu.memref_squeeze %dma_start3A_65 : memref<1x!tpu.dma_semaphore, #tpu.memory_space<semaphore_mem>> -> memref<!tpu.dma_semaphore, #tpu.memory_space<semaphore_mem>>
    tpu.enqueue_indirect_dma source(%dma_start3A_64 : memref<1024x768xf32, #tpu.memory_space<hbm>>) target(%dma_start3A_59 : memref<16x768xf32, #tpu.memory_space<vmem>>) offsets(%dma_start3A_61 : memref<16xi32, #tpu.memory_space<vmem>>) semaphore(%dma_start3A_66 : memref<!tpu.dma_semaphore, #tpu.memory_space<semaphore_mem>>)
    %dma_wait3A = arith.constant 0 : i32
    %dma_wait3A_67 = arith.constant 0 : i32
    %dma_wait3A_68 = arith.constant 0 : i32
    %dma_wait3A_69 = arith.constant 0 : i32
    %dma_wait3A_70 = tpu.memref_slice %arg6[%dma_wait3A, %dma_wait3A_68, %dma_wait3A_69] : memref<8x16x768xf32, #tpu.memory_space<vmem>> -> memref<1x16x768xf32, #tpu.memory_space<vmem>>
    %dma_wait3A_71 = tpu.memref_squeeze %dma_wait3A_70 : memref<1x16x768xf32, #tpu.memory_space<vmem>> -> memref<16x768xf32, #tpu.memory_space<vmem>>
    %dma_wait3A_72 = arith.constant 0 : i32
    %dma_wait3A_73 = tpu.memref_slice %arg5[%dma_wait3A_72] : memref<512xi32, #tpu.memory_space<vmem>> -> memref<16xi32, #tpu.memory_space<vmem>>
    %dma_wait3A_74 = arith.constant 0 : i32
    %dma_wait3A_75 = arith.constant 0 : i32
    %dma_wait3A_76 = tpu.memref_slice %arg2[%dma_wait3A_74, %dma_wait3A_75] : memref<1024x768xf32, #tpu.memory_space<hbm>> -> memref<1024x768xf32, #tpu.memory_space<hbm>>
    %dma_wait3A_77 = tpu.memref_slice %arg7[%dma_wait3A_67] : memref<8x!tpu.dma_semaphore, #tpu.memory_space<semaphore_mem>> -> memref<1x!tpu.dma_semaphore, #tpu.memory_space<semaphore_mem>>
    %dma_wait3A_78 = tpu.memref_squeeze %dma_wait3A_77 : memref<1x!tpu.dma_semaphore, #tpu.memory_space<semaphore_mem>> -> memref<!tpu.dma_semaphore, #tpu.memory_space<semaphore_mem>>
    tpu.wait_indirect_dma semaphore(%dma_wait3A_78 : memref<!tpu.dma_semaphore, #tpu.memory_space<semaphore_mem>>) src(%dma_wait3A_76 : memref<1024x768xf32, #tpu.memory_space<hbm>>) dst(%dma_wait3A_71 : memref<16x768xf32, #tpu.memory_space<vmem>>)
    %add3A_79 = arith.constant 0 : i32
    %add3A_80 = arith.addi %mul3A_2, %add3A_79 : i32
    %dma_start3A_81 = arith.constant 0 : i32
    %dma_start3A_82 = arith.constant 0 : i32
    %dma_start3A_83 = arith.constant 0 : i32
    %dma_start3A_84 = arith.constant 0 : i32
    %dma_start3A_85 = tpu.memref_slice %arg6[%dma_start3A_81, %dma_start3A_83, %dma_start3A_84] : memref<8x16x768xf32, #tpu.memory_space<vmem>> -> memref<1x16x768xf32, #tpu.memory_space<vmem>>
    %dma_start3A_86 = tpu.memref_squeeze %dma_start3A_85 : memref<1x16x768xf32, #tpu.memory_space<vmem>> -> memref<16x768xf32, #tpu.memory_space<vmem>>
    %dma_start3A_87 = arith.constant 0 : i32
    %dma_start3A_88 = tpu.memref_slice %arg4[%add3A_80, %dma_start3A_87] : memref<16384x768xf32, #tpu.memory_space<hbm>> -> memref<16x768xf32, #tpu.memory_space<hbm>>
    %dma_start3A_89 = tpu.memref_slice %arg8[%dma_start3A_82] : memref<8x!tpu.dma_semaphore, #tpu.memory_space<semaphore_mem>> -> memref<1x!tpu.dma_semaphore, #tpu.memory_space<semaphore_mem>>
    %dma_start3A_90 = tpu.memref_squeeze %dma_start3A_89 : memref<1x!tpu.dma_semaphore, #tpu.memory_space<semaphore_mem>> -> memref<!tpu.dma_semaphore, #tpu.memory_space<semaphore_mem>>
    %dma_start3A_91 = arith.constant 0 : i32
    %dma_start3A_92 = tpu.memref_slice %arg4[%add3A_80, %dma_start3A_91] : memref<16384x768xf32, #tpu.memory_space<hbm>> -> memref<16x768xf32, #tpu.memory_space<hbm>>
    %dma_start3A_93 = arith.constant 0 : i32
    %dma_start3A_94 = arith.constant 0 : i32
    %dma_start3A_95 = tpu.memref_slice %arg6[%dma_start3A_81, %dma_start3A_93, %dma_start3A_94] : memref<8x16x768xf32, #tpu.memory_space<vmem>> -> memref<1x16x768xf32, #tpu.memory_space<vmem>>
    %dma_start3A_96 = tpu.memref_squeeze %dma_start3A_95 : memref<1x16x768xf32, #tpu.memory_space<vmem>> -> memref<16x768xf32, #tpu.memory_space<vmem>>
    tpu.enqueue_dma source(%dma_start3A_96 : memref<16x768xf32, #tpu.memory_space<vmem>>) target(%dma_start3A_92 : memref<16x768xf32, #tpu.memory_space<hbm>>) target_semaphore(%dma_start3A_90 : memref<!tpu.dma_semaphore, #tpu.memory_space<semaphore_mem>>)
    %dma_start3A_97 = arith.constant 5 : i32
    %dma_start3A_98 = arith.constant 5 : i32
    %dma_start3A_99 = arith.constant 0 : i32
    %dma_start3A_100 = arith.constant 0 : i32
    %dma_start3A_101 = tpu.memref_slice %arg6[%dma_start3A_97, %dma_start3A_99, %dma_start3A_100] : memref<8x16x768xf32, #tpu.memory_space<vmem>> -> memref<1x16x768xf32, #tpu.memory_space<vmem>>
    %dma_start3A_102 = tpu.memref_squeeze %dma_start3A_101 : memref<1x16x768xf32, #tpu.memory_space<vmem>> -> memref<16x768xf32, #tpu.memory_space<vmem>>
    %dma_start3A_103 = arith.constant 80 : i32
    %dma_start3A_104 = tpu.memref_slice %arg5[%dma_start3A_103] : memref<512xi32, #tpu.memory_space<vmem>> -> memref<16xi32, #tpu.memory_space<vmem>>
    %dma_start3A_105 = arith.constant 0 : i32
    %dma_start3A_106 = arith.constant 0 : i32
    %dma_start3A_107 = tpu.memref_slice %arg2[%dma_start3A_105, %dma_start3A_106] : memref<1024x768xf32, #tpu.memory_space<hbm>> -> memref<1024x768xf32, #tpu.memory_space<hbm>>
    %dma_start3A_108 = tpu.memref_slice %arg7[%dma_start3A_98] : memref<8x!tpu.dma_semaphore, #tpu.memory_space<semaphore_mem>> -> memref<1x!tpu.dma_semaphore, #tpu.memory_space<semaphore_mem>>
    %dma_start3A_109 = tpu.memref_squeeze %dma_start3A_108 : memref<1x!tpu.dma_semaphore, #tpu.memory_space<semaphore_mem>> -> memref<!tpu.dma_semaphore, #tpu.memory_space<semaphore_mem>>
    tpu.enqueue_indirect_dma source(%dma_start3A_107 : memref<1024x768xf32, #tpu.memory_space<hbm>>) target(%dma_start3A_102 : memref<16x768xf32, #tpu.memory_space<vmem>>) offsets(%dma_start3A_104 : memref<16xi32, #tpu.memory_space<vmem>>) semaphore(%dma_start3A_109 : memref<!tpu.dma_semaphore, #tpu.memory_space<semaphore_mem>>)
    %dma_wait3A_110 = arith.constant 1 : i32
    %dma_wait3A_111 = arith.constant 1 : i32
    %dma_wait3A_112 = arith.constant 0 : i32
    %dma_wait3A_113 = arith.constant 0 : i32
    %dma_wait3A_114 = tpu.memref_slice %arg6[%dma_wait3A_110, %dma_wait3A_112, %dma_wait3A_113] : memref<8x16x768xf32, #tpu.memory_space<vmem>> -> memref<1x16x768xf32, #tpu.memory_space<vmem>>
    %dma_wait3A_115 = tpu.memref_squeeze %dma_wait3A_114 : memref<1x16x768xf32, #tpu.memory_space<vmem>> -> memref<16x768xf32, #tpu.memory_space<vmem>>
    %dma_wait3A_116 = arith.constant 16 : i32
    %dma_wait3A_117 = tpu.memref_slice %arg5[%dma_wait3A_116] : memref<512xi32, #tpu.memory_space<vmem>> -> memref<16xi32, #tpu.memory_space<vmem>>
    %dma_wait3A_118 = arith.constant 0 : i32
    %dma_wait3A_119 = arith.constant 0 : i32
    %dma_wait3A_120 = tpu.memref_slice %arg2[%dma_wait3A_118, %dma_wait3A_119] : memref<1024x768xf32, #tpu.memory_space<hbm>> -> memref<1024x768xf32, #tpu.memory_space<hbm>>
    %dma_wait3A_121 = tpu.memref_slice %arg7[%dma_wait3A_111] : memref<8x!tpu.dma_semaphore, #tpu.memory_space<semaphore_mem>> -> memref<1x!tpu.dma_semaphore, #tpu.memory_space<semaphore_mem>>
    %dma_wait3A_122 = tpu.memref_squeeze %dma_wait3A_121 : memref<1x!tpu.dma_semaphore, #tpu.memory_space<semaphore_mem>> -> memref<!tpu.dma_semaphore, #tpu.memory_space<semaphore_mem>>
    tpu.wait_indirect_dma semaphore(%dma_wait3A_122 : memref<!tpu.dma_semaphore, #tpu.memory_space<semaphore_mem>>) src(%dma_wait3A_120 : memref<1024x768xf32, #tpu.memory_space<hbm>>) dst(%dma_wait3A_115 : memref<16x768xf32, #tpu.memory_space<vmem>>)
    %add3A_123 = arith.constant 16 : i32
    %add3A_124 = arith.addi %mul3A_2, %add3A_123 : i32
    %dma_start3A_125 = arith.constant 1 : i32
    %dma_start3A_126 = arith.constant 1 : i32
    %dma_start3A_127 = arith.constant 0 : i32
    %dma_start3A_128 = arith.constant 0 : i32
    %dma_start3A_129 = tpu.memref_slice %arg6[%dma_start3A_125, %dma_start3A_127, %dma_start3A_128] : memref<8x16x768xf32, #tpu.memory_space<vmem>> -> memref<1x16x768xf32, #tpu.memory_space<vmem>>
    %dma_start3A_130 = tpu.memref_squeeze %dma_start3A_129 : memref<1x16x768xf32, #tpu.memory_space<vmem>> -> memref<16x768xf32, #tpu.memory_space<vmem>>
    %dma_start3A_131 = arith.constant 0 : i32
    %dma_start3A_132 = tpu.memref_slice %arg4[%add3A_124, %dma_start3A_131] : memref<16384x768xf32, #tpu.memory_space<hbm>> -> memref<16x768xf32, #tpu.memory_space<hbm>>
    %dma_start3A_133 = tpu.memref_slice %arg8[%dma_start3A_126] : memref<8x!tpu.dma_semaphore, #tpu.memory_space<semaphore_mem>> -> memref<1x!tpu.dma_semaphore, #tpu.memory_space<semaphore_mem>>
    %dma_start3A_134 = tpu.memref_squeeze %dma_start3A_133 : memref<1x!tpu.dma_semaphore, #tpu.memory_space<semaphore_mem>> -> memref<!tpu.dma_semaphore, #tpu.memory_space<semaphore_mem>>
    %dma_start3A_135 = arith.constant 0 : i32
    %dma_start3A_136 = tpu.memref_slice %arg4[%add3A_124, %dma_start3A_135] : memref<16384x768xf32, #tpu.memory_space<hbm>> -> memref<16x768xf32, #tpu.memory_space<hbm>>
    %dma_start3A_137 = arith.constant 0 : i32
    %dma_start3A_138 = arith.constant 0 : i32
    %dma_start3A_139 = tpu.memref_slice %arg6[%dma_start3A_125, %dma_start3A_137, %dma_start3A_138] : memref<8x16x768xf32, #tpu.memory_space<vmem>> -> memref<1x16x768xf32, #tpu.memory_space<vmem>>
    %dma_start3A_140 = tpu.memref_squeeze %dma_start3A_139 : memref<1x16x768xf32, #tpu.memory_space<vmem>> -> memref<16x768xf32, #tpu.memory_space<vmem>>
    tpu.enqueue_dma source(%dma_start3A_140 : memref<16x768xf32, #tpu.memory_space<vmem>>) target(%dma_start3A_136 : memref<16x768xf32, #tpu.memory_space<hbm>>) target_semaphore(%dma_start3A_134 : memref<!tpu.dma_semaphore, #tpu.memory_space<semaphore_mem>>)
    %dma_start3A_141 = arith.constant 6 : i32
    %dma_start3A_142 = arith.constant 6 : i32
    %dma_start3A_143 = arith.constant 0 : i32
    %dma_start3A_144 = arith.constant 0 : i32
    %dma_start3A_145 = tpu.memref_slice %arg6[%dma_start3A_141, %dma_start3A_143, %dma_start3A_144] : memref<8x16x768xf32, #tpu.memory_space<vmem>> -> memref<1x16x768xf32, #tpu.memory_space<vmem>>
    %dma_start3A_146 = tpu.memref_squeeze %dma_start3A_145 : memref<1x16x768xf32, #tpu.memory_space<vmem>> -> memref<16x768xf32, #tpu.memory_space<vmem>>
    %dma_start3A_147 = arith.constant 96 : i32
    %dma_start3A_148 = tpu.memref_slice %arg5[%dma_start3A_147] : memref<512xi32, #tpu.memory_space<vmem>> -> memref<16xi32, #tpu.memory_space<vmem>>
    %dma_start3A_149 = arith.constant 0 : i32
    %dma_start3A_150 = arith.constant 0 : i32
    %dma_start3A_151 = tpu.memref_slice %arg2[%dma_start3A_149, %dma_start3A_150] : memref<1024x768xf32, #tpu.memory_space<hbm>> -> memref<1024x768xf32, #tpu.memory_space<hbm>>
    %dma_start3A_152 = tpu.memref_slice %arg7[%dma_start3A_142] : memref<8x!tpu.dma_semaphore, #tpu.memory_space<semaphore_mem>> -> memref<1x!tpu.dma_semaphore, #tpu.memory_space<semaphore_mem>>
    %dma_start3A_153 = tpu.memref_squeeze %dma_start3A_152 : memref<1x!tpu.dma_semaphore, #tpu.memory_space<semaphore_mem>> -> memref<!tpu.dma_semaphore, #tpu.memory_space<semaphore_mem>>
    tpu.enqueue_indirect_dma source(%dma_start3A_151 : memref<1024x768xf32, #tpu.memory_space<hbm>>) target(%dma_start3A_146 : memref<16x768xf32, #tpu.memory_space<vmem>>) offsets(%dma_start3A_148 : memref<16xi32, #tpu.memory_space<vmem>>) semaphore(%dma_start3A_153 : memref<!tpu.dma_semaphore, #tpu.memory_space<semaphore_mem>>)
    %dma_wait3A_154 = arith.constant 2 : i32
    %dma_wait3A_155 = arith.constant 2 : i32
    %dma_wait3A_156 = arith.constant 0 : i32
    %dma_wait3A_157 = arith.constant 0 : i32
    %dma_wait3A_158 = tpu.memref_slice %arg6[%dma_wait3A_154, %dma_wait3A_156, %dma_wait3A_157] : memref<8x16x768xf32, #tpu.memory_space<vmem>> -> memref<1x16x768xf32, #tpu.memory_space<vmem>>
    %dma_wait3A_159 = tpu.memref_squeeze %dma_wait3A_158 : memref<1x16x768xf32, #tpu.memory_space<vmem>> -> memref<16x768xf32, #tpu.memory_space<vmem>>
    %dma_wait3A_160 = arith.constant 32 : i32
    %dma_wait3A_161 = tpu.memref_slice %arg5[%dma_wait3A_160] : memref<512xi32, #tpu.memory_space<vmem>> -> memref<16xi32, #tpu.memory_space<vmem>>
    %dma_wait3A_162 = arith.constant 0 : i32
    %dma_wait3A_163 = arith.constant 0 : i32
    %dma_wait3A_164 = tpu.memref_slice %arg2[%dma_wait3A_162, %dma_wait3A_163] : memref<1024x768xf32, #tpu.memory_space<hbm>> -> memref<1024x768xf32, #tpu.memory_space<hbm>>
    %dma_wait3A_165 = tpu.memref_slice %arg7[%dma_wait3A_155] : memref<8x!tpu.dma_semaphore, #tpu.memory_space<semaphore_mem>> -> memref<1x!tpu.dma_semaphore, #tpu.memory_space<semaphore_mem>>
    %dma_wait3A_166 = tpu.memref_squeeze %dma_wait3A_165 : memref<1x!tpu.dma_semaphore, #tpu.memory_space<semaphore_mem>> -> memref<!tpu.dma_semaphore, #tpu.memory_space<semaphore_mem>>
    tpu.wait_indirect_dma semaphore(%dma_wait3A_166 : memref<!tpu.dma_semaphore, #tpu.memory_space<semaphore_mem>>) src(%dma_wait3A_164 : memref<1024x768xf32, #tpu.memory_space<hbm>>) dst(%dma_wait3A_159 : memref<16x768xf32, #tpu.memory_space<vmem>>)
    %add3A_167 = arith.constant 32 : i32
    %add3A_168 = arith.addi %mul3A_2, %add3A_167 : i32
    %dma_start3A_169 = arith.constant 2 : i32
    %dma_start3A_170 = arith.constant 2 : i32
    %dma_start3A_171 = arith.constant 0 : i32
    %dma_start3A_172 = arith.constant 0 : i32
    %dma_start3A_173 = tpu.memref_slice %arg6[%dma_start3A_169, %dma_start3A_171, %dma_start3A_172] : memref<8x16x768xf32, #tpu.memory_space<vmem>> -> memref<1x16x768xf32, #tpu.memory_space<vmem>>
    %dma_start3A_174 = tpu.memref_squeeze %dma_start3A_173 : memref<1x16x768xf32, #tpu.memory_space<vmem>> -> memref<16x768xf32, #tpu.memory_space<vmem>>
    %dma_start3A_175 = arith.constant 0 : i32
    %dma_start3A_176 = tpu.memref_slice %arg4[%add3A_168, %dma_start3A_175] : memref<16384x768xf32, #tpu.memory_space<hbm>> -> memref<16x768xf32, #tpu.memory_space<hbm>>
    %dma_start3A_177 = tpu.memref_slice %arg8[%dma_start3A_170] : memref<8x!tpu.dma_semaphore, #tpu.memory_space<semaphore_mem>> -> memref<1x!tpu.dma_semaphore, #tpu.memory_space<semaphore_mem>>
    %dma_start3A_178 = tpu.memref_squeeze %dma_start3A_177 : memref<1x!tpu.dma_semaphore, #tpu.memory_space<semaphore_mem>> -> memref<!tpu.dma_semaphore, #tpu.memory_space<semaphore_mem>>
    %dma_start3A_179 = arith.constant 0 : i32
    %dma_start3A_180 = tpu.memref_slice %arg4[%add3A_168, %dma_start3A_179] : memref<16384x768xf32, #tpu.memory_space<hbm>> -> memref<16x768xf32, #tpu.memory_space<hbm>>
    %dma_start3A_181 = arith.constant 0 : i32
    %dma_start3A_182 = arith.constant 0 : i32
    %dma_start3A_183 = tpu.memref_slice %arg6[%dma_start3A_169, %dma_start3A_181, %dma_start3A_182] : memref<8x16x768xf32, #tpu.memory_space<vmem>> -> memref<1x16x768xf32, #tpu.memory_space<vmem>>
    %dma_start3A_184 = tpu.memref_squeeze %dma_start3A_183 : memref<1x16x768xf32, #tpu.memory_space<vmem>> -> memref<16x768xf32, #tpu.memory_space<vmem>>
    tpu.enqueue_dma source(%dma_start3A_184 : memref<16x768xf32, #tpu.memory_space<vmem>>) target(%dma_start3A_180 : memref<16x768xf32, #tpu.memory_space<hbm>>) target_semaphore(%dma_start3A_178 : memref<!tpu.dma_semaphore, #tpu.memory_space<semaphore_mem>>)
    %dma_start3A_185 = arith.constant 7 : i32
    %dma_start3A_186 = arith.constant 7 : i32
    %dma_start3A_187 = arith.constant 0 : i32
    %dma_start3A_188 = arith.constant 0 : i32
    %dma_start3A_189 = tpu.memref_slice %arg6[%dma_start3A_185, %dma_start3A_187, %dma_start3A_188] : memref<8x16x768xf32, #tpu.memory_space<vmem>> -> memref<1x16x768xf32, #tpu.memory_space<vmem>>
    %dma_start3A_190 = tpu.memref_squeeze %dma_start3A_189 : memref<1x16x768xf32, #tpu.memory_space<vmem>> -> memref<16x768xf32, #tpu.memory_space<vmem>>
    %dma_start3A_191 = arith.constant 112 : i32
    %dma_start3A_192 = tpu.memref_slice %arg5[%dma_start3A_191] : memref<512xi32, #tpu.memory_space<vmem>> -> memref<16xi32, #tpu.memory_space<vmem>>
    %dma_start3A_193 = arith.constant 0 : i32
    %dma_start3A_194 = arith.constant 0 : i32
    %dma_start3A_195 = tpu.memref_slice %arg2[%dma_start3A_193, %dma_start3A_194] : memref<1024x768xf32, #tpu.memory_space<hbm>> -> memref<1024x768xf32, #tpu.memory_space<hbm>>
    %dma_start3A_196 = tpu.memref_slice %arg7[%dma_start3A_186] : memref<8x!tpu.dma_semaphore, #tpu.memory_space<semaphore_mem>> -> memref<1x!tpu.dma_semaphore, #tpu.memory_space<semaphore_mem>>
    %dma_start3A_197 = tpu.memref_squeeze %dma_start3A_196 : memref<1x!tpu.dma_semaphore, #tpu.memory_space<semaphore_mem>> -> memref<!tpu.dma_semaphore, #tpu.memory_space<semaphore_mem>>
    tpu.enqueue_indirect_dma source(%dma_start3A_195 : memref<1024x768xf32, #tpu.memory_space<hbm>>) target(%dma_start3A_190 : memref<16x768xf32, #tpu.memory_space<vmem>>) offsets(%dma_start3A_192 : memref<16xi32, #tpu.memory_space<vmem>>) semaphore(%dma_start3A_197 : memref<!tpu.dma_semaphore, #tpu.memory_space<semaphore_mem>>)
    %dma_wait3A_198 = arith.constant 3 : i32
    %dma_wait3A_199 = arith.constant 3 : i32
    %dma_wait3A_200 = arith.constant 0 : i32
    %dma_wait3A_201 = arith.constant 0 : i32
    %dma_wait3A_202 = tpu.memref_slice %arg6[%dma_wait3A_198, %dma_wait3A_200, %dma_wait3A_201] : memref<8x16x768xf32, #tpu.memory_space<vmem>> -> memref<1x16x768xf32, #tpu.memory_space<vmem>>
    %dma_wait3A_203 = tpu.memref_squeeze %dma_wait3A_202 : memref<1x16x768xf32, #tpu.memory_space<vmem>> -> memref<16x768xf32, #tpu.memory_space<vmem>>
    %dma_wait3A_204 = arith.constant 48 : i32
    %dma_wait3A_205 = tpu.memref_slice %arg5[%dma_wait3A_204] : memref<512xi32, #tpu.memory_space<vmem>> -> memref<16xi32, #tpu.memory_space<vmem>>
    %dma_wait3A_206 = arith.constant 0 : i32
    %dma_wait3A_207 = arith.constant 0 : i32
    %dma_wait3A_208 = tpu.memref_slice %arg2[%dma_wait3A_206, %dma_wait3A_207] : memref<1024x768xf32, #tpu.memory_space<hbm>> -> memref<1024x768xf32, #tpu.memory_space<hbm>>
    %dma_wait3A_209 = tpu.memref_slice %arg7[%dma_wait3A_199] : memref<8x!tpu.dma_semaphore, #tpu.memory_space<semaphore_mem>> -> memref<1x!tpu.dma_semaphore, #tpu.memory_space<semaphore_mem>>
    %dma_wait3A_210 = tpu.memref_squeeze %dma_wait3A_209 : memref<1x!tpu.dma_semaphore, #tpu.memory_space<semaphore_mem>> -> memref<!tpu.dma_semaphore, #tpu.memory_space<semaphore_mem>>
    tpu.wait_indirect_dma semaphore(%dma_wait3A_210 : memref<!tpu.dma_semaphore, #tpu.memory_space<semaphore_mem>>) src(%dma_wait3A_208 : memref<1024x768xf32, #tpu.memory_space<hbm>>) dst(%dma_wait3A_203 : memref<16x768xf32, #tpu.memory_space<vmem>>)
    %add3A_211 = arith.constant 48 : i32
    %add3A_212 = arith.addi %mul3A_2, %add3A_211 : i32
    %dma_start3A_213 = arith.constant 3 : i32
    %dma_start3A_214 = arith.constant 3 : i32
    %dma_start3A_215 = arith.constant 0 : i32
    %dma_start3A_216 = arith.constant 0 : i32
    %dma_start3A_217 = tpu.memref_slice %arg6[%dma_start3A_213, %dma_start3A_215, %dma_start3A_216] : memref<8x16x768xf32, #tpu.memory_space<vmem>> -> memref<1x16x768xf32, #tpu.memory_space<vmem>>
    %dma_start3A_218 = tpu.memref_squeeze %dma_start3A_217 : memref<1x16x768xf32, #tpu.memory_space<vmem>> -> memref<16x768xf32, #tpu.memory_space<vmem>>
    %dma_start3A_219 = arith.constant 0 : i32
    %dma_start3A_220 = tpu.memref_slice %arg4[%add3A_212, %dma_start3A_219] : memref<16384x768xf32, #tpu.memory_space<hbm>> -> memref<16x768xf32, #tpu.memory_space<hbm>>
    %dma_start3A_221 = tpu.memref_slice %arg8[%dma_start3A_214] : memref<8x!tpu.dma_semaphore, #tpu.memory_space<semaphore_mem>> -> memref<1x!tpu.dma_semaphore, #tpu.memory_space<semaphore_mem>>
    %dma_start3A_222 = tpu.memref_squeeze %dma_start3A_221 : memref<1x!tpu.dma_semaphore, #tpu.memory_space<semaphore_mem>> -> memref<!tpu.dma_semaphore, #tpu.memory_space<semaphore_mem>>
    %dma_start3A_223 = arith.constant 0 : i32
    %dma_start3A_224 = tpu.memref_slice %arg4[%add3A_212, %dma_start3A_223] : memref<16384x768xf32, #tpu.memory_space<hbm>> -> memref<16x768xf32, #tpu.memory_space<hbm>>
    %dma_start3A_225 = arith.constant 0 : i32
    %dma_start3A_226 = arith.constant 0 : i32
    %dma_start3A_227 = tpu.memref_slice %arg6[%dma_start3A_213, %dma_start3A_225, %dma_start3A_226] : memref<8x16x768xf32, #tpu.memory_space<vmem>> -> memref<1x16x768xf32, #tpu.memory_space<vmem>>
    %dma_start3A_228 = tpu.memref_squeeze %dma_start3A_227 : memref<1x16x768xf32, #tpu.memory_space<vmem>> -> memref<16x768xf32, #tpu.memory_space<vmem>>
    tpu.enqueue_dma source(%dma_start3A_228 : memref<16x768xf32, #tpu.memory_space<vmem>>) target(%dma_start3A_224 : memref<16x768xf32, #tpu.memory_space<hbm>>) target_semaphore(%dma_start3A_222 : memref<!tpu.dma_semaphore, #tpu.memory_space<semaphore_mem>>)
    %dma_wait3A_229 = arith.constant 0 : i32
    %dma_wait3A_230 = arith.constant 0 : i32
    %dma_wait3A_231 = arith.constant 0 : i32
    %dma_wait3A_232 = arith.constant 0 : i32
    %dma_wait3A_233 = tpu.memref_slice %arg6[%dma_wait3A_229, %dma_wait3A_231, %dma_wait3A_232] : memref<8x16x768xf32, #tpu.memory_space<vmem>> -> memref<1x16x768xf32, #tpu.memory_space<vmem>>
    %dma_wait3A_234 = tpu.memref_squeeze %dma_wait3A_233 : memref<1x16x768xf32, #tpu.memory_space<vmem>> -> memref<16x768xf32, #tpu.memory_space<vmem>>
    %dma_wait3A_235 = arith.constant 0 : i32
    %dma_wait3A_236 = tpu.memref_slice %arg4[%add3A_80, %dma_wait3A_235] : memref<16384x768xf32, #tpu.memory_space<hbm>> -> memref<16x768xf32, #tpu.memory_space<hbm>>
    %dma_wait3A_237 = tpu.memref_slice %arg8[%dma_wait3A_230] : memref<8x!tpu.dma_semaphore, #tpu.memory_space<semaphore_mem>> -> memref<1x!tpu.dma_semaphore, #tpu.memory_space<semaphore_mem>>
    %dma_wait3A_238 = tpu.memref_squeeze %dma_wait3A_237 : memref<1x!tpu.dma_semaphore, #tpu.memory_space<semaphore_mem>> -> memref<!tpu.dma_semaphore, #tpu.memory_space<semaphore_mem>>
    %dma_wait3A_239 = arith.constant 0 : i32
    %dma_wait3A_240 = tpu.memref_slice %arg4[%add3A_80, %dma_wait3A_239] : memref<16384x768xf32, #tpu.memory_space<hbm>> -> memref<16x768xf32, #tpu.memory_space<hbm>>
    %dma_wait3A_241 = arith.constant 0 : i32
    %dma_wait3A_242 = arith.constant 0 : i32
    %dma_wait3A_243 = tpu.memref_slice %arg6[%dma_wait3A_229, %dma_wait3A_241, %dma_wait3A_242] : memref<8x16x768xf32, #tpu.memory_space<vmem>> -> memref<1x16x768xf32, #tpu.memory_space<vmem>>
    %dma_wait3A_244 = tpu.memref_squeeze %dma_wait3A_243 : memref<1x16x768xf32, #tpu.memory_space<vmem>> -> memref<16x768xf32, #tpu.memory_space<vmem>>
    tpu.wait_dma2 semaphore(%dma_wait3A_238 : memref<!tpu.dma_semaphore, #tpu.memory_space<semaphore_mem>>) src(%dma_wait3A_244 : memref<16x768xf32, #tpu.memory_space<vmem>>) dst(%dma_wait3A_240 : memref<16x768xf32, #tpu.memory_space<hbm>>)
    %dma_start3A_245 = arith.constant 0 : i32
    %dma_start3A_246 = arith.constant 0 : i32
    %dma_start3A_247 = arith.constant 0 : i32
    %dma_start3A_248 = arith.constant 0 : i32
    %dma_start3A_249 = tpu.memref_slice %arg6[%dma_start3A_245, %dma_start3A_247, %dma_start3A_248] : memref<8x16x768xf32, #tpu.memory_space<vmem>> -> memref<1x16x768xf32, #tpu.memory_space<vmem>>
    %dma_start3A_250 = tpu.memref_squeeze %dma_start3A_249 : memref<1x16x768xf32, #tpu.memory_space<vmem>> -> memref<16x768xf32, #tpu.memory_space<vmem>>
    %dma_start3A_251 = arith.constant 128 : i32
    %dma_start3A_252 = tpu.memref_slice %arg5[%dma_start3A_251] : memref<512xi32, #tpu.memory_space<vmem>> -> memref<16xi32, #tpu.memory_space<vmem>>
    %dma_start3A_253 = arith.constant 0 : i32
    %dma_start3A_254 = arith.constant 0 : i32
    %dma_start3A_255 = tpu.memref_slice %arg2[%dma_start3A_253, %dma_start3A_254] : memref<1024x768xf32, #tpu.memory_space<hbm>> -> memref<1024x768xf32, #tpu.memory_space<hbm>>
    %dma_start3A_256 = tpu.memref_slice %arg7[%dma_start3A_246] : memref<8x!tpu.dma_semaphore, #tpu.memory_space<semaphore_mem>> -> memref<1x!tpu.dma_semaphore, #tpu.memory_space<semaphore_mem>>
    %dma_start3A_257 = tpu.memref_squeeze %dma_start3A_256 : memref<1x!tpu.dma_semaphore, #tpu.memory_space<semaphore_mem>> -> memref<!tpu.dma_semaphore, #tpu.memory_space<semaphore_mem>>
    tpu.enqueue_indirect_dma source(%dma_start3A_255 : memref<1024x768xf32, #tpu.memory_space<hbm>>) target(%dma_start3A_250 : memref<16x768xf32, #tpu.memory_space<vmem>>) offsets(%dma_start3A_252 : memref<16xi32, #tpu.memory_space<vmem>>) semaphore(%dma_start3A_257 : memref<!tpu.dma_semaphore, #tpu.memory_space<semaphore_mem>>)
    %dma_wait3A_258 = arith.constant 4 : i32
    %dma_wait3A_259 = arith.constant 4 : i32
    %dma_wait3A_260 = arith.constant 0 : i32
    %dma_wait3A_261 = arith.constant 0 : i32
    %dma_wait3A_262 = tpu.memref_slice %arg6[%dma_wait3A_258, %dma_wait3A_260, %dma_wait3A_261] : memref<8x16x768xf32, #tpu.memory_space<vmem>> -> memref<1x16x768xf32, #tpu.memory_space<vmem>>
    %dma_wait3A_263 = tpu.memref_squeeze %dma_wait3A_262 : memref<1x16x768xf32, #tpu.memory_space<vmem>> -> memref<16x768xf32, #tpu.memory_space<vmem>>
    %dma_wait3A_264 = arith.constant 64 : i32
    %dma_wait3A_265 = tpu.memref_slice %arg5[%dma_wait3A_264] : memref<512xi32, #tpu.memory_space<vmem>> -> memref<16xi32, #tpu.memory_space<vmem>>
    %dma_wait3A_266 = arith.constant 0 : i32
    %dma_wait3A_267 = arith.constant 0 : i32
    %dma_wait3A_268 = tpu.memref_slice %arg2[%dma_wait3A_266, %dma_wait3A_267] : memref<1024x768xf32, #tpu.memory_space<hbm>> -> memref<1024x768xf32, #tpu.memory_space<hbm>>
    %dma_wait3A_269 = tpu.memref_slice %arg7[%dma_wait3A_259] : memref<8x!tpu.dma_semaphore, #tpu.memory_space<semaphore_mem>> -> memref<1x!tpu.dma_semaphore, #tpu.memory_space<semaphore_mem>>
    %dma_wait3A_270 = tpu.memref_squeeze %dma_wait3A_269 : memref<1x!tpu.dma_semaphore, #tpu.memory_space<semaphore_mem>> -> memref<!tpu.dma_semaphore, #tpu.memory_space<semaphore_mem>>
    tpu.wait_indirect_dma semaphore(%dma_wait3A_270 : memref<!tpu.dma_semaphore, #tpu.memory_space<semaphore_mem>>) src(%dma_wait3A_268 : memref<1024x768xf32, #tpu.memory_space<hbm>>) dst(%dma_wait3A_263 : memref<16x768xf32, #tpu.memory_space<vmem>>)
    %add3A_271 = arith.constant 64 : i32
    %add3A_272 = arith.addi %mul3A_2, %add3A_271 : i32
    %dma_start3A_273 = arith.constant 4 : i32
    %dma_start3A_274 = arith.constant 4 : i32
    %dma_start3A_275 = arith.constant 0 : i32
    %dma_start3A_276 = arith.constant 0 : i32
    %dma_start3A_277 = tpu.memref_slice %arg6[%dma_start3A_273, %dma_start3A_275, %dma_start3A_276] : memref<8x16x768xf32, #tpu.memory_space<vmem>> -> memref<1x16x768xf32, #tpu.memory_space<vmem>>
    %dma_start3A_278 = tpu.memref_squeeze %dma_start3A_277 : memref<1x16x768xf32, #tpu.memory_space<vmem>> -> memref<16x768xf32, #tpu.memory_space<vmem>>
    %dma_start3A_279 = arith.constant 0 : i32
    %dma_start3A_280 = tpu.memref_slice %arg4[%add3A_272, %dma_start3A_279] : memref<16384x768xf32, #tpu.memory_space<hbm>> -> memref<16x768xf32, #tpu.memory_space<hbm>>
    %dma_start3A_281 = tpu.memref_slice %arg8[%dma_start3A_274] : memref<8x!tpu.dma_semaphore, #tpu.memory_space<semaphore_mem>> -> memref<1x!tpu.dma_semaphore, #tpu.memory_space<semaphore_mem>>
    %dma_start3A_282 = tpu.memref_squeeze %dma_start3A_281 : memref<1x!tpu.dma_semaphore, #tpu.memory_space<semaphore_mem>> -> memref<!tpu.dma_semaphore, #tpu.memory_space<semaphore_mem>>
    %dma_start3A_283 = arith.constant 0 : i32
    %dma_start3A_284 = tpu.memref_slice %arg4[%add3A_272, %dma_start3A_283] : memref<16384x768xf32, #tpu.memory_space<hbm>> -> memref<16x768xf32, #tpu.memory_space<hbm>>
    %dma_start3A_285 = arith.constant 0 : i32
    %dma_start3A_286 = arith.constant 0 : i32
    %dma_start3A_287 = tpu.memref_slice %arg6[%dma_start3A_273, %dma_start3A_285, %dma_start3A_286] : memref<8x16x768xf32, #tpu.memory_space<vmem>> -> memref<1x16x768xf32, #tpu.memory_space<vmem>>
    %dma_start3A_288 = tpu.memref_squeeze %dma_start3A_287 : memref<1x16x768xf32, #tpu.memory_space<vmem>> -> memref<16x768xf32, #tpu.memory_space<vmem>>
    tpu.enqueue_dma source(%dma_start3A_288 : memref<16x768xf32, #tpu.memory_space<vmem>>) target(%dma_start3A_284 : memref<16x768xf32, #tpu.memory_space<hbm>>) target_semaphore(%dma_start3A_282 : memref<!tpu.dma_semaphore, #tpu.memory_space<semaphore_mem>>)
    %dma_wait3A_289 = arith.constant 1 : i32
    %dma_wait3A_290 = arith.constant 1 : i32
    %dma_wait3A_291 = arith.constant 0 : i32
    %dma_wait3A_292 = arith.constant 0 : i32
    %dma_wait3A_293 = tpu.memref_slice %arg6[%dma_wait3A_289, %dma_wait3A_291, %dma_wait3A_292] : memref<8x16x768xf32, #tpu.memory_space<vmem>> -> memref<1x16x768xf32, #tpu.memory_space<vmem>>
    %dma_wait3A_294 = tpu.memref_squeeze %dma_wait3A_293 : memref<1x16x768xf32, #tpu.memory_space<vmem>> -> memref<16x768xf32, #tpu.memory_space<vmem>>
    %dma_wait3A_295 = arith.constant 0 : i32
    %dma_wait3A_296 = tpu.memref_slice %arg4[%add3A_124, %dma_wait3A_295] : memref<16384x768xf32, #tpu.memory_space<hbm>> -> memref<16x768xf32, #tpu.memory_space<hbm>>
    %dma_wait3A_297 = tpu.memref_slice %arg8[%dma_wait3A_290] : memref<8x!tpu.dma_semaphore, #tpu.memory_space<semaphore_mem>> -> memref<1x!tpu.dma_semaphore, #tpu.memory_space<semaphore_mem>>
    %dma_wait3A_298 = tpu.memref_squeeze %dma_wait3A_297 : memref<1x!tpu.dma_semaphore, #tpu.memory_space<semaphore_mem>> -> memref<!tpu.dma_semaphore, #tpu.memory_space<semaphore_mem>>
    %dma_wait3A_299 = arith.constant 0 : i32
    %dma_wait3A_300 = tpu.memref_slice %arg4[%add3A_124, %dma_wait3A_299] : memref<16384x768xf32, #tpu.memory_space<hbm>> -> memref<16x768xf32, #tpu.memory_space<hbm>>
    %dma_wait3A_301 = arith.constant 0 : i32
    %dma_wait3A_302 = arith.constant 0 : i32
    %dma_wait3A_303 = tpu.memref_slice %arg6[%dma_wait3A_289, %dma_wait3A_301, %dma_wait3A_302] : memref<8x16x768xf32, #tpu.memory_space<vmem>> -> memref<1x16x768xf32, #tpu.memory_space<vmem>>
    %dma_wait3A_304 = tpu.memref_squeeze %dma_wait3A_303 : memref<1x16x768xf32, #tpu.memory_space<vmem>> -> memref<16x768xf32, #tpu.memory_space<vmem>>
    tpu.wait_dma2 semaphore(%dma_wait3A_298 : memref<!tpu.dma_semaphore, #tpu.memory_space<semaphore_mem>>) src(%dma_wait3A_304 : memref<16x768xf32, #tpu.memory_space<vmem>>) dst(%dma_wait3A_300 : memref<16x768xf32, #tpu.memory_space<hbm>>)
    %dma_start3A_305 = arith.constant 1 : i32
    %dma_start3A_306 = arith.constant 1 : i32
    %dma_start3A_307 = arith.constant 0 : i32
    %dma_start3A_308 = arith.constant 0 : i32
    %dma_start3A_309 = tpu.memref_slice %arg6[%dma_start3A_305, %dma_start3A_307, %dma_start3A_308] : memref<8x16x768xf32, #tpu.memory_space<vmem>> -> memref<1x16x768xf32, #tpu.memory_space<vmem>>
    %dma_start3A_310 = tpu.memref_squeeze %dma_start3A_309 : memref<1x16x768xf32, #tpu.memory_space<vmem>> -> memref<16x768xf32, #tpu.memory_space<vmem>>
    %dma_start3A_311 = arith.constant 144 : i32
    %dma_start3A_312 = tpu.memref_slice %arg5[%dma_start3A_311] : memref<512xi32, #tpu.memory_space<vmem>> -> memref<16xi32, #tpu.memory_space<vmem>>
    %dma_start3A_313 = arith.constant 0 : i32
    %dma_start3A_314 = arith.constant 0 : i32
    %dma_start3A_315 = tpu.memref_slice %arg2[%dma_start3A_313, %dma_start3A_314] : memref<1024x768xf32, #tpu.memory_space<hbm>> -> memref<1024x768xf32, #tpu.memory_space<hbm>>
    %dma_start3A_316 = tpu.memref_slice %arg7[%dma_start3A_306] : memref<8x!tpu.dma_semaphore, #tpu.memory_space<semaphore_mem>> -> memref<1x!tpu.dma_semaphore, #tpu.memory_space<semaphore_mem>>
    %dma_start3A_317 = tpu.memref_squeeze %dma_start3A_316 : memref<1x!tpu.dma_semaphore, #tpu.memory_space<semaphore_mem>> -> memref<!tpu.dma_semaphore, #tpu.memory_space<semaphore_mem>>
    tpu.enqueue_indirect_dma source(%dma_start3A_315 : memref<1024x768xf32, #tpu.memory_space<hbm>>) target(%dma_start3A_310 : memref<16x768xf32, #tpu.memory_space<vmem>>) offsets(%dma_start3A_312 : memref<16xi32, #tpu.memory_space<vmem>>) semaphore(%dma_start3A_317 : memref<!tpu.dma_semaphore, #tpu.memory_space<semaphore_mem>>)
    %dma_wait3A_318 = arith.constant 5 : i32
    %dma_wait3A_319 = arith.constant 5 : i32
    %dma_wait3A_320 = arith.constant 0 : i32
    %dma_wait3A_321 = arith.constant 0 : i32
    %dma_wait3A_322 = tpu.memref_slice %arg6[%dma_wait3A_318, %dma_wait3A_320, %dma_wait3A_321] : memref<8x16x768xf32, #tpu.memory_space<vmem>> -> memref<1x16x768xf32, #tpu.memory_space<vmem>>
    %dma_wait3A_323 = tpu.memref_squeeze %dma_wait3A_322 : memref<1x16x768xf32, #tpu.memory_space<vmem>> -> memref<16x768xf32, #tpu.memory_space<vmem>>
    %dma_wait3A_324 = arith.constant 80 : i32
    %dma_wait3A_325 = tpu.memref_slice %arg5[%dma_wait3A_324] : memref<512xi32, #tpu.memory_space<vmem>> -> memref<16xi32, #tpu.memory_space<vmem>>
    %dma_wait3A_326 = arith.constant 0 : i32
    %dma_wait3A_327 = arith.constant 0 : i32
    %dma_wait3A_328 = tpu.memref_slice %arg2[%dma_wait3A_326, %dma_wait3A_327] : memref<1024x768xf32, #tpu.memory_space<hbm>> -> memref<1024x768xf32, #tpu.memory_space<hbm>>
    %dma_wait3A_329 = tpu.memref_slice %arg7[%dma_wait3A_319] : memref<8x!tpu.dma_semaphore, #tpu.memory_space<semaphore_mem>> -> memref<1x!tpu.dma_semaphore, #tpu.memory_space<semaphore_mem>>
    %dma_wait3A_330 = tpu.memref_squeeze %dma_wait3A_329 : memref<1x!tpu.dma_semaphore, #tpu.memory_space<semaphore_mem>> -> memref<!tpu.dma_semaphore, #tpu.memory_space<semaphore_mem>>
    tpu.wait_indirect_dma semaphore(%dma_wait3A_330 : memref<!tpu.dma_semaphore, #tpu.memory_space<semaphore_mem>>) src(%dma_wait3A_328 : memref<1024x768xf32, #tpu.memory_space<hbm>>) dst(%dma_wait3A_323 : memref<16x768xf32, #tpu.memory_space<vmem>>)
    %add3A_331 = arith.constant 80 : i32
    %add3A_332 = arith.addi %mul3A_2, %add3A_331 : i32
    %dma_start3A_333 = arith.constant 5 : i32
    %dma_start3A_334 = arith.constant 5 : i32
    %dma_start3A_335 = arith.constant 0 : i32
    %dma_start3A_336 = arith.constant 0 : i32
    %dma_start3A_337 = tpu.memref_slice %arg6[%dma_start3A_333, %dma_start3A_335, %dma_start3A_336] : memref<8x16x768xf32, #tpu.memory_space<vmem>> -> memref<1x16x768xf32, #tpu.memory_space<vmem>>
    %dma_start3A_338 = tpu.memref_squeeze %dma_start3A_337 : memref<1x16x768xf32, #tpu.memory_space<vmem>> -> memref<16x768xf32, #tpu.memory_space<vmem>>
    %dma_start3A_339 = arith.constant 0 : i32
    %dma_start3A_340 = tpu.memref_slice %arg4[%add3A_332, %dma_start3A_339] : memref<16384x768xf32, #tpu.memory_space<hbm>> -> memref<16x768xf32, #tpu.memory_space<hbm>>
    %dma_start3A_341 = tpu.memref_slice %arg8[%dma_start3A_334] : memref<8x!tpu.dma_semaphore, #tpu.memory_space<semaphore_mem>> -> memref<1x!tpu.dma_semaphore, #tpu.memory_space<semaphore_mem>>
    %dma_start3A_342 = tpu.memref_squeeze %dma_start3A_341 : memref<1x!tpu.dma_semaphore, #tpu.memory_space<semaphore_mem>> -> memref<!tpu.dma_semaphore, #tpu.memory_space<semaphore_mem>>
    %dma_start3A_343 = arith.constant 0 : i32
    %dma_start3A_344 = tpu.memref_slice %arg4[%add3A_332, %dma_start3A_343] : memref<16384x768xf32, #tpu.memory_space<hbm>> -> memref<16x768xf32, #tpu.memory_space<hbm>>
    %dma_start3A_345 = arith.constant 0 : i32
    %dma_start3A_346 = arith.constant 0 : i32
    %dma_start3A_347 = tpu.memref_slice %arg6[%dma_start3A_333, %dma_start3A_345, %dma_start3A_346] : memref<8x16x768xf32, #tpu.memory_space<vmem>> -> memref<1x16x768xf32, #tpu.memory_space<vmem>>
    %dma_start3A_348 = tpu.memref_squeeze %dma_start3A_347 : memref<1x16x768xf32, #tpu.memory_space<vmem>> -> memref<16x768xf32, #tpu.memory_space<vmem>>
    tpu.enqueue_dma source(%dma_start3A_348 : memref<16x768xf32, #tpu.memory_space<vmem>>) target(%dma_start3A_344 : memref<16x768xf32, #tpu.memory_space<hbm>>) target_semaphore(%dma_start3A_342 : memref<!tpu.dma_semaphore, #tpu.memory_space<semaphore_mem>>)
    %dma_wait3A_349 = arith.constant 2 : i32
    %dma_wait3A_350 = arith.constant 2 : i32
    %dma_wait3A_351 = arith.constant 0 : i32
    %dma_wait3A_352 = arith.constant 0 : i32
    %dma_wait3A_353 = tpu.memref_slice %arg6[%dma_wait3A_349, %dma_wait3A_351, %dma_wait3A_352] : memref<8x16x768xf32, #tpu.memory_space<vmem>> -> memref<1x16x768xf32, #tpu.memory_space<vmem>>
    %dma_wait3A_354 = tpu.memref_squeeze %dma_wait3A_353 : memref<1x16x768xf32, #tpu.memory_space<vmem>> -> memref<16x768xf32, #tpu.memory_space<vmem>>
    %dma_wait3A_355 = arith.constant 0 : i32
    %dma_wait3A_356 = tpu.memref_slice %arg4[%add3A_168, %dma_wait3A_355] : memref<16384x768xf32, #tpu.memory_space<hbm>> -> memref<16x768xf32, #tpu.memory_space<hbm>>
    %dma_wait3A_357 = tpu.memref_slice %arg8[%dma_wait3A_350] : memref<8x!tpu.dma_semaphore, #tpu.memory_space<semaphore_mem>> -> memref<1x!tpu.dma_semaphore, #tpu.memory_space<semaphore_mem>>
    %dma_wait3A_358 = tpu.memref_squeeze %dma_wait3A_357 : memref<1x!tpu.dma_semaphore, #tpu.memory_space<semaphore_mem>> -> memref<!tpu.dma_semaphore, #tpu.memory_space<semaphore_mem>>
    %dma_wait3A_359 = arith.constant 0 : i32
    %dma_wait3A_360 = tpu.memref_slice %arg4[%add3A_168, %dma_wait3A_359] : memref<16384x768xf32, #tpu.memory_space<hbm>> -> memref<16x768xf32, #tpu.memory_space<hbm>>
    %dma_wait3A_361 = arith.constant 0 : i32
    %dma_wait3A_362 = arith.constant 0 : i32
    %dma_wait3A_363 = tpu.memref_slice %arg6[%dma_wait3A_349, %dma_wait3A_361, %dma_wait3A_362] : memref<8x16x768xf32, #tpu.memory_space<vmem>> -> memref<1x16x768xf32, #tpu.memory_space<vmem>>
    %dma_wait3A_364 = tpu.memref_squeeze %dma_wait3A_363 : memref<1x16x768xf32, #tpu.memory_space<vmem>> -> memref<16x768xf32, #tpu.memory_space<vmem>>
    tpu.wait_dma2 semaphore(%dma_wait3A_358 : memref<!tpu.dma_semaphore, #tpu.memory_space<semaphore_mem>>) src(%dma_wait3A_364 : memref<16x768xf32, #tpu.memory_space<vmem>>) dst(%dma_wait3A_360 : memref<16x768xf32, #tpu.memory_space<hbm>>)
    %dma_start3A_365 = arith.constant 2 : i32
    %dma_start3A_366 = arith.constant 2 : i32
    %dma_start3A_367 = arith.constant 0 : i32
    %dma_start3A_368 = arith.constant 0 : i32
    %dma_start3A_369 = tpu.memref_slice %arg6[%dma_start3A_365, %dma_start3A_367, %dma_start3A_368] : memref<8x16x768xf32, #tpu.memory_space<vmem>> -> memref<1x16x768xf32, #tpu.memory_space<vmem>>
    %dma_start3A_370 = tpu.memref_squeeze %dma_start3A_369 : memref<1x16x768xf32, #tpu.memory_space<vmem>> -> memref<16x768xf32, #tpu.memory_space<vmem>>
    %dma_start3A_371 = arith.constant 160 : i32
    %dma_start3A_372 = tpu.memref_slice %arg5[%dma_start3A_371] : memref<512xi32, #tpu.memory_space<vmem>> -> memref<16xi32, #tpu.memory_space<vmem>>
    %dma_start3A_373 = arith.constant 0 : i32
    %dma_start3A_374 = arith.constant 0 : i32
    %dma_start3A_375 = tpu.memref_slice %arg2[%dma_start3A_373, %dma_start3A_374] : memref<1024x768xf32, #tpu.memory_space<hbm>> -> memref<1024x768xf32, #tpu.memory_space<hbm>>
    %dma_start3A_376 = tpu.memref_slice %arg7[%dma_start3A_366] : memref<8x!tpu.dma_semaphore, #tpu.memory_space<semaphore_mem>> -> memref<1x!tpu.dma_semaphore, #tpu.memory_space<semaphore_mem>>
    %dma_start3A_377 = tpu.memref_squeeze %dma_start3A_376 : memref<1x!tpu.dma_semaphore, #tpu.memory_space<semaphore_mem>> -> memref<!tpu.dma_semaphore, #tpu.memory_space<semaphore_mem>>
    tpu.enqueue_indirect_dma source(%dma_start3A_375 : memref<1024x768xf32, #tpu.memory_space<hbm>>) target(%dma_start3A_370 : memref<16x768xf32, #tpu.memory_space<vmem>>) offsets(%dma_start3A_372 : memref<16xi32, #tpu.memory_space<vmem>>) semaphore(%dma_start3A_377 : memref<!tpu.dma_semaphore, #tpu.memory_space<semaphore_mem>>)
    %dma_wait3A_378 = arith.constant 6 : i32
    %dma_wait3A_379 = arith.constant 6 : i32
    %dma_wait3A_380 = arith.constant 0 : i32
    %dma_wait3A_381 = arith.constant 0 : i32
    %dma_wait3A_382 = tpu.memref_slice %arg6[%dma_wait3A_378, %dma_wait3A_380, %dma_wait3A_381] : memref<8x16x768xf32, #tpu.memory_space<vmem>> -> memref<1x16x768xf32, #tpu.memory_space<vmem>>
    %dma_wait3A_383 = tpu.memref_squeeze %dma_wait3A_382 : memref<1x16x768xf32, #tpu.memory_space<vmem>> -> memref<16x768xf32, #tpu.memory_space<vmem>>
    %dma_wait3A_384 = arith.constant 96 : i32
    %dma_wait3A_385 = tpu.memref_slice %arg5[%dma_wait3A_384] : memref<512xi32, #tpu.memory_space<vmem>> -> memref<16xi32, #tpu.memory_space<vmem>>
    %dma_wait3A_386 = arith.constant 0 : i32
    %dma_wait3A_387 = arith.constant 0 : i32
    %dma_wait3A_388 = tpu.memref_slice %arg2[%dma_wait3A_386, %dma_wait3A_387] : memref<1024x768xf32, #tpu.memory_space<hbm>> -> memref<1024x768xf32, #tpu.memory_space<hbm>>
    %dma_wait3A_389 = tpu.memref_slice %arg7[%dma_wait3A_379] : memref<8x!tpu.dma_semaphore, #tpu.memory_space<semaphore_mem>> -> memref<1x!tpu.dma_semaphore, #tpu.memory_space<semaphore_mem>>
    %dma_wait3A_390 = tpu.memref_squeeze %dma_wait3A_389 : memref<1x!tpu.dma_semaphore, #tpu.memory_space<semaphore_mem>> -> memref<!tpu.dma_semaphore, #tpu.memory_space<semaphore_mem>>
    tpu.wait_indirect_dma semaphore(%dma_wait3A_390 : memref<!tpu.dma_semaphore, #tpu.memory_space<semaphore_mem>>) src(%dma_wait3A_388 : memref<1024x768xf32, #tpu.memory_space<hbm>>) dst(%dma_wait3A_383 : memref<16x768xf32, #tpu.memory_space<vmem>>)
    %add3A_391 = arith.constant 96 : i32
    %add3A_392 = arith.addi %mul3A_2, %add3A_391 : i32
    %dma_start3A_393 = arith.constant 6 : i32
    %dma_start3A_394 = arith.constant 6 : i32
    %dma_start3A_395 = arith.constant 0 : i32
    %dma_start3A_396 = arith.constant 0 : i32
    %dma_start3A_397 = tpu.memref_slice %arg6[%dma_start3A_393, %dma_start3A_395, %dma_start3A_396] : memref<8x16x768xf32, #tpu.memory_space<vmem>> -> memref<1x16x768xf32, #tpu.memory_space<vmem>>
    %dma_start3A_398 = tpu.memref_squeeze %dma_start3A_397 : memref<1x16x768xf32, #tpu.memory_space<vmem>> -> memref<16x768xf32, #tpu.memory_space<vmem>>
    %dma_start3A_399 = arith.constant 0 : i32
    %dma_start3A_400 = tpu.memref_slice %arg4[%add3A_392, %dma_start3A_399] : memref<16384x768xf32, #tpu.memory_space<hbm>> -> memref<16x768xf32, #tpu.memory_space<hbm>>
    %dma_start3A_401 = tpu.memref_slice %arg8[%dma_start3A_394] : memref<8x!tpu.dma_semaphore, #tpu.memory_space<semaphore_mem>> -> memref<1x!tpu.dma_semaphore, #tpu.memory_space<semaphore_mem>>
    %dma_start3A_402 = tpu.memref_squeeze %dma_start3A_401 : memref<1x!tpu.dma_semaphore, #tpu.memory_space<semaphore_mem>> -> memref<!tpu.dma_semaphore, #tpu.memory_space<semaphore_mem>>
    %dma_start3A_403 = arith.constant 0 : i32
    %dma_start3A_404 = tpu.memref_slice %arg4[%add3A_392, %dma_start3A_403] : memref<16384x768xf32, #tpu.memory_space<hbm>> -> memref<16x768xf32, #tpu.memory_space<hbm>>
    %dma_start3A_405 = arith.constant 0 : i32
    %dma_start3A_406 = arith.constant 0 : i32
    %dma_start3A_407 = tpu.memref_slice %arg6[%dma_start3A_393, %dma_start3A_405, %dma_start3A_406] : memref<8x16x768xf32, #tpu.memory_space<vmem>> -> memref<1x16x768xf32, #tpu.memory_space<vmem>>
    %dma_start3A_408 = tpu.memref_squeeze %dma_start3A_407 : memref<1x16x768xf32, #tpu.memory_space<vmem>> -> memref<16x768xf32, #tpu.memory_space<vmem>>
    tpu.enqueue_dma source(%dma_start3A_408 : memref<16x768xf32, #tpu.memory_space<vmem>>) target(%dma_start3A_404 : memref<16x768xf32, #tpu.memory_space<hbm>>) target_semaphore(%dma_start3A_402 : memref<!tpu.dma_semaphore, #tpu.memory_space<semaphore_mem>>)
    %dma_wait3A_409 = arith.constant 3 : i32
    %dma_wait3A_410 = arith.constant 3 : i32
    %dma_wait3A_411 = arith.constant 0 : i32
    %dma_wait3A_412 = arith.constant 0 : i32
    %dma_wait3A_413 = tpu.memref_slice %arg6[%dma_wait3A_409, %dma_wait3A_411, %dma_wait3A_412] : memref<8x16x768xf32, #tpu.memory_space<vmem>> -> memref<1x16x768xf32, #tpu.memory_space<vmem>>
    %dma_wait3A_414 = tpu.memref_squeeze %dma_wait3A_413 : memref<1x16x768xf32, #tpu.memory_space<vmem>> -> memref<16x768xf32, #tpu.memory_space<vmem>>
    %dma_wait3A_415 = arith.constant 0 : i32
    %dma_wait3A_416 = tpu.memref_slice %arg4[%add3A_212, %dma_wait3A_415] : memref<16384x768xf32, #tpu.memory_space<hbm>> -> memref<16x768xf32, #tpu.memory_space<hbm>>
    %dma_wait3A_417 = tpu.memref_slice %arg8[%dma_wait3A_410] : memref<8x!tpu.dma_semaphore, #tpu.memory_space<semaphore_mem>> -> memref<1x!tpu.dma_semaphore, #tpu.memory_space<semaphore_mem>>
    %dma_wait3A_418 = tpu.memref_squeeze %dma_wait3A_417 : memref<1x!tpu.dma_semaphore, #tpu.memory_space<semaphore_mem>> -> memref<!tpu.dma_semaphore, #tpu.memory_space<semaphore_mem>>
    %dma_wait3A_419 = arith.constant 0 : i32
    %dma_wait3A_420 = tpu.memref_slice %arg4[%add3A_212, %dma_wait3A_419] : memref<16384x768xf32, #tpu.memory_space<hbm>> -> memref<16x768xf32, #tpu.memory_space<hbm>>
    %dma_wait3A_421 = arith.constant 0 : i32
    %dma_wait3A_422 = arith.constant 0 : i32
    %dma_wait3A_423 = tpu.memref_slice %arg6[%dma_wait3A_409, %dma_wait3A_421, %dma_wait3A_422] : memref<8x16x768xf32, #tpu.memory_space<vmem>> -> memref<1x16x768xf32, #tpu.memory_space<vmem>>
    %dma_wait3A_424 = tpu.memref_squeeze %dma_wait3A_423 : memref<1x16x768xf32, #tpu.memory_space<vmem>> -> memref<16x768xf32, #tpu.memory_space<vmem>>
    tpu.wait_dma2 semaphore(%dma_wait3A_418 : memref<!tpu.dma_semaphore, #tpu.memory_space<semaphore_mem>>) src(%dma_wait3A_424 : memref<16x768xf32, #tpu.memory_space<vmem>>) dst(%dma_wait3A_420 : memref<16x768xf32, #tpu.memory_space<hbm>>)
    %dma_start3A_425 = arith.constant 3 : i32
    %dma_start3A_426 = arith.constant 3 : i32
    %dma_start3A_427 = arith.constant 0 : i32
    %dma_start3A_428 = arith.constant 0 : i32
    %dma_start3A_429 = tpu.memref_slice %arg6[%dma_start3A_425, %dma_start3A_427, %dma_start3A_428] : memref<8x16x768xf32, #tpu.memory_space<vmem>> -> memref<1x16x768xf32, #tpu.memory_space<vmem>>
    %dma_start3A_430 = tpu.memref_squeeze %dma_start3A_429 : memref<1x16x768xf32, #tpu.memory_space<vmem>> -> memref<16x768xf32, #tpu.memory_space<vmem>>
    %dma_start3A_431 = arith.constant 176 : i32
    %dma_start3A_432 = tpu.memref_slice %arg5[%dma_start3A_431] : memref<512xi32, #tpu.memory_space<vmem>> -> memref<16xi32, #tpu.memory_space<vmem>>
    %dma_start3A_433 = arith.constant 0 : i32
    %dma_start3A_434 = arith.constant 0 : i32
    %dma_start3A_435 = tpu.memref_slice %arg2[%dma_start3A_433, %dma_start3A_434] : memref<1024x768xf32, #tpu.memory_space<hbm>> -> memref<1024x768xf32, #tpu.memory_space<hbm>>
    %dma_start3A_436 = tpu.memref_slice %arg7[%dma_start3A_426] : memref<8x!tpu.dma_semaphore, #tpu.memory_space<semaphore_mem>> -> memref<1x!tpu.dma_semaphore, #tpu.memory_space<semaphore_mem>>
    %dma_start3A_437 = tpu.memref_squeeze %dma_start3A_436 : memref<1x!tpu.dma_semaphore, #tpu.memory_space<semaphore_mem>> -> memref<!tpu.dma_semaphore, #tpu.memory_space<semaphore_mem>>
    tpu.enqueue_indirect_dma source(%dma_start3A_435 : memref<1024x768xf32, #tpu.memory_space<hbm>>) target(%dma_start3A_430 : memref<16x768xf32, #tpu.memory_space<vmem>>) offsets(%dma_start3A_432 : memref<16xi32, #tpu.memory_space<vmem>>) semaphore(%dma_start3A_437 : memref<!tpu.dma_semaphore, #tpu.memory_space<semaphore_mem>>)
    %dma_wait3A_438 = arith.constant 7 : i32
    %dma_wait3A_439 = arith.constant 7 : i32
    %dma_wait3A_440 = arith.constant 0 : i32
    %dma_wait3A_441 = arith.constant 0 : i32
    %dma_wait3A_442 = tpu.memref_slice %arg6[%dma_wait3A_438, %dma_wait3A_440, %dma_wait3A_441] : memref<8x16x768xf32, #tpu.memory_space<vmem>> -> memref<1x16x768xf32, #tpu.memory_space<vmem>>
    %dma_wait3A_443 = tpu.memref_squeeze %dma_wait3A_442 : memref<1x16x768xf32, #tpu.memory_space<vmem>> -> memref<16x768xf32, #tpu.memory_space<vmem>>
    %dma_wait3A_444 = arith.constant 112 : i32
    %dma_wait3A_445 = tpu.memref_slice %arg5[%dma_wait3A_444] : memref<512xi32, #tpu.memory_space<vmem>> -> memref<16xi32, #tpu.memory_space<vmem>>
    %dma_wait3A_446 = arith.constant 0 : i32
    %dma_wait3A_447 = arith.constant 0 : i32
    %dma_wait3A_448 = tpu.memref_slice %arg2[%dma_wait3A_446, %dma_wait3A_447] : memref<1024x768xf32, #tpu.memory_space<hbm>> -> memref<1024x768xf32, #tpu.memory_space<hbm>>
    %dma_wait3A_449 = tpu.memref_slice %arg7[%dma_wait3A_439] : memref<8x!tpu.dma_semaphore, #tpu.memory_space<semaphore_mem>> -> memref<1x!tpu.dma_semaphore, #tpu.memory_space<semaphore_mem>>
    %dma_wait3A_450 = tpu.memref_squeeze %dma_wait3A_449 : memref<1x!tpu.dma_semaphore, #tpu.memory_space<semaphore_mem>> -> memref<!tpu.dma_semaphore, #tpu.memory_space<semaphore_mem>>
    tpu.wait_indirect_dma semaphore(%dma_wait3A_450 : memref<!tpu.dma_semaphore, #tpu.memory_space<semaphore_mem>>) src(%dma_wait3A_448 : memref<1024x768xf32, #tpu.memory_space<hbm>>) dst(%dma_wait3A_443 : memref<16x768xf32, #tpu.memory_space<vmem>>)
    %add3A_451 = arith.constant 112 : i32
    %add3A_452 = arith.addi %mul3A_2, %add3A_451 : i32
    %dma_start3A_453 = arith.constant 7 : i32
    %dma_start3A_454 = arith.constant 7 : i32
    %dma_start3A_455 = arith.constant 0 : i32
    %dma_start3A_456 = arith.constant 0 : i32
    %dma_start3A_457 = tpu.memref_slice %arg6[%dma_start3A_453, %dma_start3A_455, %dma_start3A_456] : memref<8x16x768xf32, #tpu.memory_space<vmem>> -> memref<1x16x768xf32, #tpu.memory_space<vmem>>
    %dma_start3A_458 = tpu.memref_squeeze %dma_start3A_457 : memref<1x16x768xf32, #tpu.memory_space<vmem>> -> memref<16x768xf32, #tpu.memory_space<vmem>>
    %dma_start3A_459 = arith.constant 0 : i32
    %dma_start3A_460 = tpu.memref_slice %arg4[%add3A_452, %dma_start3A_459] : memref<16384x768xf32, #tpu.memory_space<hbm>> -> memref<16x768xf32, #tpu.memory_space<hbm>>
    %dma_start3A_461 = tpu.memref_slice %arg8[%dma_start3A_454] : memref<8x!tpu.dma_semaphore, #tpu.memory_space<semaphore_mem>> -> memref<1x!tpu.dma_semaphore, #tpu.memory_space<semaphore_mem>>
    %dma_start3A_462 = tpu.memref_squeeze %dma_start3A_461 : memref<1x!tpu.dma_semaphore, #tpu.memory_space<semaphore_mem>> -> memref<!tpu.dma_semaphore, #tpu.memory_space<semaphore_mem>>
    %dma_start3A_463 = arith.constant 0 : i32
    %dma_start3A_464 = tpu.memref_slice %arg4[%add3A_452, %dma_start3A_463] : memref<16384x768xf32, #tpu.memory_space<hbm>> -> memref<16x768xf32, #tpu.memory_space<hbm>>
    %dma_start3A_465 = arith.constant 0 : i32
    %dma_start3A_466 = arith.constant 0 : i32
    %dma_start3A_467 = tpu.memref_slice %arg6[%dma_start3A_453, %dma_start3A_465, %dma_start3A_466] : memref<8x16x768xf32, #tpu.memory_space<vmem>> -> memref<1x16x768xf32, #tpu.memory_space<vmem>>
    %dma_start3A_468 = tpu.memref_squeeze %dma_start3A_467 : memref<1x16x768xf32, #tpu.memory_space<vmem>> -> memref<16x768xf32, #tpu.memory_space<vmem>>
    tpu.enqueue_dma source(%dma_start3A_468 : memref<16x768xf32, #tpu.memory_space<vmem>>) target(%dma_start3A_464 : memref<16x768xf32, #tpu.memory_space<hbm>>) target_semaphore(%dma_start3A_462 : memref<!tpu.dma_semaphore, #tpu.memory_space<semaphore_mem>>)
    %dma_wait3A_469 = arith.constant 4 : i32
    %dma_wait3A_470 = arith.constant 4 : i32
    %dma_wait3A_471 = arith.constant 0 : i32
    %dma_wait3A_472 = arith.constant 0 : i32
    %dma_wait3A_473 = tpu.memref_slice %arg6[%dma_wait3A_469, %dma_wait3A_471, %dma_wait3A_472] : memref<8x16x768xf32, #tpu.memory_space<vmem>> -> memref<1x16x768xf32, #tpu.memory_space<vmem>>
    %dma_wait3A_474 = tpu.memref_squeeze %dma_wait3A_473 : memref<1x16x768xf32, #tpu.memory_space<vmem>> -> memref<16x768xf32, #tpu.memory_space<vmem>>
    %dma_wait3A_475 = arith.constant 0 : i32
    %dma_wait3A_476 = tpu.memref_slice %arg4[%add3A_272, %dma_wait3A_475] : memref<16384x768xf32, #tpu.memory_space<hbm>> -> memref<16x768xf32, #tpu.memory_space<hbm>>
    %dma_wait3A_477 = tpu.memref_slice %arg8[%dma_wait3A_470] : memref<8x!tpu.dma_semaphore, #tpu.memory_space<semaphore_mem>> -> memref<1x!tpu.dma_semaphore, #tpu.memory_space<semaphore_mem>>
    %dma_wait3A_478 = tpu.memref_squeeze %dma_wait3A_477 : memref<1x!tpu.dma_semaphore, #tpu.memory_space<semaphore_mem>> -> memref<!tpu.dma_semaphore, #tpu.memory_space<semaphore_mem>>
    %dma_wait3A_479 = arith.constant 0 : i32
    %dma_wait3A_480 = tpu.memref_slice %arg4[%add3A_272, %dma_wait3A_479] : memref<16384x768xf32, #tpu.memory_space<hbm>> -> memref<16x768xf32, #tpu.memory_space<hbm>>
    %dma_wait3A_481 = arith.constant 0 : i32
    %dma_wait3A_482 = arith.constant 0 : i32
    %dma_wait3A_483 = tpu.memref_slice %arg6[%dma_wait3A_469, %dma_wait3A_481, %dma_wait3A_482] : memref<8x16x768xf32, #tpu.memory_space<vmem>> -> memref<1x16x768xf32, #tpu.memory_space<vmem>>
    %dma_wait3A_484 = tpu.memref_squeeze %dma_wait3A_483 : memref<1x16x768xf32, #tpu.memory_space<vmem>> -> memref<16x768xf32, #tpu.memory_space<vmem>>
    tpu.wait_dma2 semaphore(%dma_wait3A_478 : memref<!tpu.dma_semaphore, #tpu.memory_space<semaphore_mem>>) src(%dma_wait3A_484 : memref<16x768xf32, #tpu.memory_space<vmem>>) dst(%dma_wait3A_480 : memref<16x768xf32, #tpu.memory_space<hbm>>)
    %dma_start3A_485 = arith.constant 4 : i32
    %dma_start3A_486 = arith.constant 4 : i32
    %dma_start3A_487 = arith.constant 0 : i32
    %dma_start3A_488 = arith.constant 0 : i32
    %dma_start3A_489 = tpu.memref_slice %arg6[%dma_start3A_485, %dma_start3A_487, %dma_start3A_488] : memref<8x16x768xf32, #tpu.memory_space<vmem>> -> memref<1x16x768xf32, #tpu.memory_space<vmem>>
    %dma_start3A_490 = tpu.memref_squeeze %dma_start3A_489 : memref<1x16x768xf32, #tpu.memory_space<vmem>> -> memref<16x768xf32, #tpu.memory_space<vmem>>
    %dma_start3A_491 = arith.constant 192 : i32
    %dma_start3A_492 = tpu.memref_slice %arg5[%dma_start3A_491] : memref<512xi32, #tpu.memory_space<vmem>> -> memref<16xi32, #tpu.memory_space<vmem>>
    %dma_start3A_493 = arith.constant 0 : i32
    %dma_start3A_494 = arith.constant 0 : i32
    %dma_start3A_495 = tpu.memref_slice %arg2[%dma_start3A_493, %dma_start3A_494] : memref<1024x768xf32, #tpu.memory_space<hbm>> -> memref<1024x768xf32, #tpu.memory_space<hbm>>
    %dma_start3A_496 = tpu.memref_slice %arg7[%dma_start3A_486] : memref<8x!tpu.dma_semaphore, #tpu.memory_space<semaphore_mem>> -> memref<1x!tpu.dma_semaphore, #tpu.memory_space<semaphore_mem>>
    %dma_start3A_497 = tpu.memref_squeeze %dma_start3A_496 : memref<1x!tpu.dma_semaphore, #tpu.memory_space<semaphore_mem>> -> memref<!tpu.dma_semaphore, #tpu.memory_space<semaphore_mem>>
    tpu.enqueue_indirect_dma source(%dma_start3A_495 : memref<1024x768xf32, #tpu.memory_space<hbm>>) target(%dma_start3A_490 : memref<16x768xf32, #tpu.memory_space<vmem>>) offsets(%dma_start3A_492 : memref<16xi32, #tpu.memory_space<vmem>>) semaphore(%dma_start3A_497 : memref<!tpu.dma_semaphore, #tpu.memory_space<semaphore_mem>>)
    %dma_wait3A_498 = arith.constant 0 : i32
    %dma_wait3A_499 = arith.constant 0 : i32
    %dma_wait3A_500 = arith.constant 0 : i32
    %dma_wait3A_501 = arith.constant 0 : i32
    %dma_wait3A_502 = tpu.memref_slice %arg6[%dma_wait3A_498, %dma_wait3A_500, %dma_wait3A_501] : memref<8x16x768xf32, #tpu.memory_space<vmem>> -> memref<1x16x768xf32, #tpu.memory_space<vmem>>
    %dma_wait3A_503 = tpu.memref_squeeze %dma_wait3A_502 : memref<1x16x768xf32, #tpu.memory_space<vmem>> -> memref<16x768xf32, #tpu.memory_space<vmem>>
    %dma_wait3A_504 = arith.constant 128 : i32
    %dma_wait3A_505 = tpu.memref_slice %arg5[%dma_wait3A_504] : memref<512xi32, #tpu.memory_space<vmem>> -> memref<16xi32, #tpu.memory_space<vmem>>
    %dma_wait3A_506 = arith.constant 0 : i32
    %dma_wait3A_507 = arith.constant 0 : i32
    %dma_wait3A_508 = tpu.memref_slice %arg2[%dma_wait3A_506, %dma_wait3A_507] : memref<1024x768xf32, #tpu.memory_space<hbm>> -> memref<1024x768xf32, #tpu.memory_space<hbm>>
    %dma_wait3A_509 = tpu.memref_slice %arg7[%dma_wait3A_499] : memref<8x!tpu.dma_semaphore, #tpu.memory_space<semaphore_mem>> -> memref<1x!tpu.dma_semaphore, #tpu.memory_space<semaphore_mem>>
    %dma_wait3A_510 = tpu.memref_squeeze %dma_wait3A_509 : memref<1x!tpu.dma_semaphore, #tpu.memory_space<semaphore_mem>> -> memref<!tpu.dma_semaphore, #tpu.memory_space<semaphore_mem>>
    tpu.wait_indirect_dma semaphore(%dma_wait3A_510 : memref<!tpu.dma_semaphore, #tpu.memory_space<semaphore_mem>>) src(%dma_wait3A_508 : memref<1024x768xf32, #tpu.memory_space<hbm>>) dst(%dma_wait3A_503 : memref<16x768xf32, #tpu.memory_space<vmem>>)
    %add3A_511 = arith.constant 128 : i32
    %add3A_512 = arith.addi %mul3A_2, %add3A_511 : i32
    %dma_start3A_513 = arith.constant 0 : i32
    %dma_start3A_514 = arith.constant 0 : i32
    %dma_start3A_515 = arith.constant 0 : i32
    %dma_start3A_516 = arith.constant 0 : i32
    %dma_start3A_517 = tpu.memref_slice %arg6[%dma_start3A_513, %dma_start3A_515, %dma_start3A_516] : memref<8x16x768xf32, #tpu.memory_space<vmem>> -> memref<1x16x768xf32, #tpu.memory_space<vmem>>
    %dma_start3A_518 = tpu.memref_squeeze %dma_start3A_517 : memref<1x16x768xf32, #tpu.memory_space<vmem>> -> memref<16x768xf32, #tpu.memory_space<vmem>>
    %dma_start3A_519 = arith.constant 0 : i32
    %dma_start3A_520 = tpu.memref_slice %arg4[%add3A_512, %dma_start3A_519] : memref<16384x768xf32, #tpu.memory_space<hbm>> -> memref<16x768xf32, #tpu.memory_space<hbm>>
    %dma_start3A_521 = tpu.memref_slice %arg8[%dma_start3A_514] : memref<8x!tpu.dma_semaphore, #tpu.memory_space<semaphore_mem>> -> memref<1x!tpu.dma_semaphore, #tpu.memory_space<semaphore_mem>>
    %dma_start3A_522 = tpu.memref_squeeze %dma_start3A_521 : memref<1x!tpu.dma_semaphore, #tpu.memory_space<semaphore_mem>> -> memref<!tpu.dma_semaphore, #tpu.memory_space<semaphore_mem>>
    %dma_start3A_523 = arith.constant 0 : i32
    %dma_start3A_524 = tpu.memref_slice %arg4[%add3A_512, %dma_start3A_523] : memref<16384x768xf32, #tpu.memory_space<hbm>> -> memref<16x768xf32, #tpu.memory_space<hbm>>
    %dma_start3A_525 = arith.constant 0 : i32
    %dma_start3A_526 = arith.constant 0 : i32
    %dma_start3A_527 = tpu.memref_slice %arg6[%dma_start3A_513, %dma_start3A_525, %dma_start3A_526] : memref<8x16x768xf32, #tpu.memory_space<vmem>> -> memref<1x16x768xf32, #tpu.memory_space<vmem>>
    %dma_start3A_528 = tpu.memref_squeeze %dma_start3A_527 : memref<1x16x768xf32, #tpu.memory_space<vmem>> -> memref<16x768xf32, #tpu.memory_space<vmem>>
    tpu.enqueue_dma source(%dma_start3A_528 : memref<16x768xf32, #tpu.memory_space<vmem>>) target(%dma_start3A_524 : memref<16x768xf32, #tpu.memory_space<hbm>>) target_semaphore(%dma_start3A_522 : memref<!tpu.dma_semaphore, #tpu.memory_space<semaphore_mem>>)
    %dma_wait3A_529 = arith.constant 5 : i32
    %dma_wait3A_530 = arith.constant 5 : i32
    %dma_wait3A_531 = arith.constant 0 : i32
    %dma_wait3A_532 = arith.constant 0 : i32
    %dma_wait3A_533 = tpu.memref_slice %arg6[%dma_wait3A_529, %dma_wait3A_531, %dma_wait3A_532] : memref<8x16x768xf32, #tpu.memory_space<vmem>> -> memref<1x16x768xf32, #tpu.memory_space<vmem>>
    %dma_wait3A_534 = tpu.memref_squeeze %dma_wait3A_533 : memref<1x16x768xf32, #tpu.memory_space<vmem>> -> memref<16x768xf32, #tpu.memory_space<vmem>>
    %dma_wait3A_535 = arith.constant 0 : i32
    %dma_wait3A_536 = tpu.memref_slice %arg4[%add3A_332, %dma_wait3A_535] : memref<16384x768xf32, #tpu.memory_space<hbm>> -> memref<16x768xf32, #tpu.memory_space<hbm>>
    %dma_wait3A_537 = tpu.memref_slice %arg8[%dma_wait3A_530] : memref<8x!tpu.dma_semaphore, #tpu.memory_space<semaphore_mem>> -> memref<1x!tpu.dma_semaphore, #tpu.memory_space<semaphore_mem>>
    %dma_wait3A_538 = tpu.memref_squeeze %dma_wait3A_537 : memref<1x!tpu.dma_semaphore, #tpu.memory_space<semaphore_mem>> -> memref<!tpu.dma_semaphore, #tpu.memory_space<semaphore_mem>>
    %dma_wait3A_539 = arith.constant 0 : i32
    %dma_wait3A_540 = tpu.memref_slice %arg4[%add3A_332, %dma_wait3A_539] : memref<16384x768xf32, #tpu.memory_space<hbm>> -> memref<16x768xf32, #tpu.memory_space<hbm>>
    %dma_wait3A_541 = arith.constant 0 : i32
    %dma_wait3A_542 = arith.constant 0 : i32
    %dma_wait3A_543 = tpu.memref_slice %arg6[%dma_wait3A_529, %dma_wait3A_541, %dma_wait3A_542] : memref<8x16x768xf32, #tpu.memory_space<vmem>> -> memref<1x16x768xf32, #tpu.memory_space<vmem>>
    %dma_wait3A_544 = tpu.memref_squeeze %dma_wait3A_543 : memref<1x16x768xf32, #tpu.memory_space<vmem>> -> memref<16x768xf32, #tpu.memory_space<vmem>>
    tpu.wait_dma2 semaphore(%dma_wait3A_538 : memref<!tpu.dma_semaphore, #tpu.memory_space<semaphore_mem>>) src(%dma_wait3A_544 : memref<16x768xf32, #tpu.memory_space<vmem>>) dst(%dma_wait3A_540 : memref<16x768xf32, #tpu.memory_space<hbm>>)
    %dma_start3A_545 = arith.constant 5 : i32
    %dma_start3A_546 = arith.constant 5 : i32
    %dma_start3A_547 = arith.constant 0 : i32
    %dma_start3A_548 = arith.constant 0 : i32
    %dma_start3A_549 = tpu.memref_slice %arg6[%dma_start3A_545, %dma_start3A_547, %dma_start3A_548] : memref<8x16x768xf32, #tpu.memory_space<vmem>> -> memref<1x16x768xf32, #tpu.memory_space<vmem>>
    %dma_start3A_550 = tpu.memref_squeeze %dma_start3A_549 : memref<1x16x768xf32, #tpu.memory_space<vmem>> -> memref<16x768xf32, #tpu.memory_space<vmem>>
    %dma_start3A_551 = arith.constant 208 : i32
    %dma_start3A_552 = tpu.memref_slice %arg5[%dma_start3A_551] : memref<512xi32, #tpu.memory_space<vmem>> -> memref<16xi32, #tpu.memory_space<vmem>>
    %dma_start3A_553 = arith.constant 0 : i32
    %dma_start3A_554 = arith.constant 0 : i32
    %dma_start3A_555 = tpu.memref_slice %arg2[%dma_start3A_553, %dma_start3A_554] : memref<1024x768xf32, #tpu.memory_space<hbm>> -> memref<1024x768xf32, #tpu.memory_space<hbm>>
    %dma_start3A_556 = tpu.memref_slice %arg7[%dma_start3A_546] : memref<8x!tpu.dma_semaphore, #tpu.memory_space<semaphore_mem>> -> memref<1x!tpu.dma_semaphore, #tpu.memory_space<semaphore_mem>>
    %dma_start3A_557 = tpu.memref_squeeze %dma_start3A_556 : memref<1x!tpu.dma_semaphore, #tpu.memory_space<semaphore_mem>> -> memref<!tpu.dma_semaphore, #tpu.memory_space<semaphore_mem>>
    tpu.enqueue_indirect_dma source(%dma_start3A_555 : memref<1024x768xf32, #tpu.memory_space<hbm>>) target(%dma_start3A_550 : memref<16x768xf32, #tpu.memory_space<vmem>>) offsets(%dma_start3A_552 : memref<16xi32, #tpu.memory_space<vmem>>) semaphore(%dma_start3A_557 : memref<!tpu.dma_semaphore, #tpu.memory_space<semaphore_mem>>)
    %dma_wait3A_558 = arith.constant 1 : i32
    %dma_wait3A_559 = arith.constant 1 : i32
    %dma_wait3A_560 = arith.constant 0 : i32
    %dma_wait3A_561 = arith.constant 0 : i32
    %dma_wait3A_562 = tpu.memref_slice %arg6[%dma_wait3A_558, %dma_wait3A_560, %dma_wait3A_561] : memref<8x16x768xf32, #tpu.memory_space<vmem>> -> memref<1x16x768xf32, #tpu.memory_space<vmem>>
    %dma_wait3A_563 = tpu.memref_squeeze %dma_wait3A_562 : memref<1x16x768xf32, #tpu.memory_space<vmem>> -> memref<16x768xf32, #tpu.memory_space<vmem>>
    %dma_wait3A_564 = arith.constant 144 : i32
    %dma_wait3A_565 = tpu.memref_slice %arg5[%dma_wait3A_564] : memref<512xi32, #tpu.memory_space<vmem>> -> memref<16xi32, #tpu.memory_space<vmem>>
    %dma_wait3A_566 = arith.constant 0 : i32
    %dma_wait3A_567 = arith.constant 0 : i32
    %dma_wait3A_568 = tpu.memref_slice %arg2[%dma_wait3A_566, %dma_wait3A_567] : memref<1024x768xf32, #tpu.memory_space<hbm>> -> memref<1024x768xf32, #tpu.memory_space<hbm>>
    %dma_wait3A_569 = tpu.memref_slice %arg7[%dma_wait3A_559] : memref<8x!tpu.dma_semaphore, #tpu.memory_space<semaphore_mem>> -> memref<1x!tpu.dma_semaphore, #tpu.memory_space<semaphore_mem>>
    %dma_wait3A_570 = tpu.memref_squeeze %dma_wait3A_569 : memref<1x!tpu.dma_semaphore, #tpu.memory_space<semaphore_mem>> -> memref<!tpu.dma_semaphore, #tpu.memory_space<semaphore_mem>>
    tpu.wait_indirect_dma semaphore(%dma_wait3A_570 : memref<!tpu.dma_semaphore, #tpu.memory_space<semaphore_mem>>) src(%dma_wait3A_568 : memref<1024x768xf32, #tpu.memory_space<hbm>>) dst(%dma_wait3A_563 : memref<16x768xf32, #tpu.memory_space<vmem>>)
    %add3A_571 = arith.constant 144 : i32
    %add3A_572 = arith.addi %mul3A_2, %add3A_571 : i32
    %dma_start3A_573 = arith.constant 1 : i32
    %dma_start3A_574 = arith.constant 1 : i32
    %dma_start3A_575 = arith.constant 0 : i32
    %dma_start3A_576 = arith.constant 0 : i32
    %dma_start3A_577 = tpu.memref_slice %arg6[%dma_start3A_573, %dma_start3A_575, %dma_start3A_576] : memref<8x16x768xf32, #tpu.memory_space<vmem>> -> memref<1x16x768xf32, #tpu.memory_space<vmem>>
    %dma_start3A_578 = tpu.memref_squeeze %dma_start3A_577 : memref<1x16x768xf32, #tpu.memory_space<vmem>> -> memref<16x768xf32, #tpu.memory_space<vmem>>
    %dma_start3A_579 = arith.constant 0 : i32
    %dma_start3A_580 = tpu.memref_slice %arg4[%add3A_572, %dma_start3A_579] : memref<16384x768xf32, #tpu.memory_space<hbm>> -> memref<16x768xf32, #tpu.memory_space<hbm>>
    %dma_start3A_581 = tpu.memref_slice %arg8[%dma_start3A_574] : memref<8x!tpu.dma_semaphore, #tpu.memory_space<semaphore_mem>> -> memref<1x!tpu.dma_semaphore, #tpu.memory_space<semaphore_mem>>
    %dma_start3A_582 = tpu.memref_squeeze %dma_start3A_581 : memref<1x!tpu.dma_semaphore, #tpu.memory_space<semaphore_mem>> -> memref<!tpu.dma_semaphore, #tpu.memory_space<semaphore_mem>>
    %dma_start3A_583 = arith.constant 0 : i32
    %dma_start3A_584 = tpu.memref_slice %arg4[%add3A_572, %dma_start3A_583] : memref<16384x768xf32, #tpu.memory_space<hbm>> -> memref<16x768xf32, #tpu.memory_space<hbm>>
    %dma_start3A_585 = arith.constant 0 : i32
    %dma_start3A_586 = arith.constant 0 : i32
    %dma_start3A_587 = tpu.memref_slice %arg6[%dma_start3A_573, %dma_start3A_585, %dma_start3A_586] : memref<8x16x768xf32, #tpu.memory_space<vmem>> -> memref<1x16x768xf32, #tpu.memory_space<vmem>>
    %dma_start3A_588 = tpu.memref_squeeze %dma_start3A_587 : memref<1x16x768xf32, #tpu.memory_space<vmem>> -> memref<16x768xf32, #tpu.memory_space<vmem>>
    tpu.enqueue_dma source(%dma_start3A_588 : memref<16x768xf32, #tpu.memory_space<vmem>>) target(%dma_start3A_584 : memref<16x768xf32, #tpu.memory_space<hbm>>) target_semaphore(%dma_start3A_582 : memref<!tpu.dma_semaphore, #tpu.memory_space<semaphore_mem>>)
    %dma_wait3A_589 = arith.constant 6 : i32
    %dma_wait3A_590 = arith.constant 6 : i32
    %dma_wait3A_591 = arith.constant 0 : i32
    %dma_wait3A_592 = arith.constant 0 : i32
    %dma_wait3A_593 = tpu.memref_slice %arg6[%dma_wait3A_589, %dma_wait3A_591, %dma_wait3A_592] : memref<8x16x768xf32, #tpu.memory_space<vmem>> -> memref<1x16x768xf32, #tpu.memory_space<vmem>>
    %dma_wait3A_594 = tpu.memref_squeeze %dma_wait3A_593 : memref<1x16x768xf32, #tpu.memory_space<vmem>> -> memref<16x768xf32, #tpu.memory_space<vmem>>
    %dma_wait3A_595 = arith.constant 0 : i32
    %dma_wait3A_596 = tpu.memref_slice %arg4[%add3A_392, %dma_wait3A_595] : memref<16384x768xf32, #tpu.memory_space<hbm>> -> memref<16x768xf32, #tpu.memory_space<hbm>>
    %dma_wait3A_597 = tpu.memref_slice %arg8[%dma_wait3A_590] : memref<8x!tpu.dma_semaphore, #tpu.memory_space<semaphore_mem>> -> memref<1x!tpu.dma_semaphore, #tpu.memory_space<semaphore_mem>>
    %dma_wait3A_598 = tpu.memref_squeeze %dma_wait3A_597 : memref<1x!tpu.dma_semaphore, #tpu.memory_space<semaphore_mem>> -> memref<!tpu.dma_semaphore, #tpu.memory_space<semaphore_mem>>
    %dma_wait3A_599 = arith.constant 0 : i32
    %dma_wait3A_600 = tpu.memref_slice %arg4[%add3A_392, %dma_wait3A_599] : memref<16384x768xf32, #tpu.memory_space<hbm>> -> memref<16x768xf32, #tpu.memory_space<hbm>>
    %dma_wait3A_601 = arith.constant 0 : i32
    %dma_wait3A_602 = arith.constant 0 : i32
    %dma_wait3A_603 = tpu.memref_slice %arg6[%dma_wait3A_589, %dma_wait3A_601, %dma_wait3A_602] : memref<8x16x768xf32, #tpu.memory_space<vmem>> -> memref<1x16x768xf32, #tpu.memory_space<vmem>>
    %dma_wait3A_604 = tpu.memref_squeeze %dma_wait3A_603 : memref<1x16x768xf32, #tpu.memory_space<vmem>> -> memref<16x768xf32, #tpu.memory_space<vmem>>
    tpu.wait_dma2 semaphore(%dma_wait3A_598 : memref<!tpu.dma_semaphore, #tpu.memory_space<semaphore_mem>>) src(%dma_wait3A_604 : memref<16x768xf32, #tpu.memory_space<vmem>>) dst(%dma_wait3A_600 : memref<16x768xf32, #tpu.memory_space<hbm>>)
    %dma_start3A_605 = arith.constant 6 : i32
    %dma_start3A_606 = arith.constant 6 : i32
    %dma_start3A_607 = arith.constant 0 : i32
    %dma_start3A_608 = arith.constant 0 : i32
    %dma_start3A_609 = tpu.memref_slice %arg6[%dma_start3A_605, %dma_start3A_607, %dma_start3A_608] : memref<8x16x768xf32, #tpu.memory_space<vmem>> -> memref<1x16x768xf32, #tpu.memory_space<vmem>>
    %dma_start3A_610 = tpu.memref_squeeze %dma_start3A_609 : memref<1x16x768xf32, #tpu.memory_space<vmem>> -> memref<16x768xf32, #tpu.memory_space<vmem>>
    %dma_start3A_611 = arith.constant 224 : i32
    %dma_start3A_612 = tpu.memref_slice %arg5[%dma_start3A_611] : memref<512xi32, #tpu.memory_space<vmem>> -> memref<16xi32, #tpu.memory_space<vmem>>
    %dma_start3A_613 = arith.constant 0 : i32
    %dma_start3A_614 = arith.constant 0 : i32
    %dma_start3A_615 = tpu.memref_slice %arg2[%dma_start3A_613, %dma_start3A_614] : memref<1024x768xf32, #tpu.memory_space<hbm>> -> memref<1024x768xf32, #tpu.memory_space<hbm>>
    %dma_start3A_616 = tpu.memref_slice %arg7[%dma_start3A_606] : memref<8x!tpu.dma_semaphore, #tpu.memory_space<semaphore_mem>> -> memref<1x!tpu.dma_semaphore, #tpu.memory_space<semaphore_mem>>
    %dma_start3A_617 = tpu.memref_squeeze %dma_start3A_616 : memref<1x!tpu.dma_semaphore, #tpu.memory_space<semaphore_mem>> -> memref<!tpu.dma_semaphore, #tpu.memory_space<semaphore_mem>>
    tpu.enqueue_indirect_dma source(%dma_start3A_615 : memref<1024x768xf32, #tpu.memory_space<hbm>>) target(%dma_start3A_610 : memref<16x768xf32, #tpu.memory_space<vmem>>) offsets(%dma_start3A_612 : memref<16xi32, #tpu.memory_space<vmem>>) semaphore(%dma_start3A_617 : memref<!tpu.dma_semaphore, #tpu.memory_space<semaphore_mem>>)
    %dma_wait3A_618 = arith.constant 2 : i32
    %dma_wait3A_619 = arith.constant 2 : i32
    %dma_wait3A_620 = arith.constant 0 : i32
    %dma_wait3A_621 = arith.constant 0 : i32
    %dma_wait3A_622 = tpu.memref_slice %arg6[%dma_wait3A_618, %dma_wait3A_620, %dma_wait3A_621] : memref<8x16x768xf32, #tpu.memory_space<vmem>> -> memref<1x16x768xf32, #tpu.memory_space<vmem>>
    %dma_wait3A_623 = tpu.memref_squeeze %dma_wait3A_622 : memref<1x16x768xf32, #tpu.memory_space<vmem>> -> memref<16x768xf32, #tpu.memory_space<vmem>>
    %dma_wait3A_624 = arith.constant 160 : i32
    %dma_wait3A_625 = tpu.memref_slice %arg5[%dma_wait3A_624] : memref<512xi32, #tpu.memory_space<vmem>> -> memref<16xi32, #tpu.memory_space<vmem>>
    %dma_wait3A_626 = arith.constant 0 : i32
    %dma_wait3A_627 = arith.constant 0 : i32
    %dma_wait3A_628 = tpu.memref_slice %arg2[%dma_wait3A_626, %dma_wait3A_627] : memref<1024x768xf32, #tpu.memory_space<hbm>> -> memref<1024x768xf32, #tpu.memory_space<hbm>>
    %dma_wait3A_629 = tpu.memref_slice %arg7[%dma_wait3A_619] : memref<8x!tpu.dma_semaphore, #tpu.memory_space<semaphore_mem>> -> memref<1x!tpu.dma_semaphore, #tpu.memory_space<semaphore_mem>>
    %dma_wait3A_630 = tpu.memref_squeeze %dma_wait3A_629 : memref<1x!tpu.dma_semaphore, #tpu.memory_space<semaphore_mem>> -> memref<!tpu.dma_semaphore, #tpu.memory_space<semaphore_mem>>
    tpu.wait_indirect_dma semaphore(%dma_wait3A_630 : memref<!tpu.dma_semaphore, #tpu.memory_space<semaphore_mem>>) src(%dma_wait3A_628 : memref<1024x768xf32, #tpu.memory_space<hbm>>) dst(%dma_wait3A_623 : memref<16x768xf32, #tpu.memory_space<vmem>>)
    %add3A_631 = arith.constant 160 : i32
    %add3A_632 = arith.addi %mul3A_2, %add3A_631 : i32
    %dma_start3A_633 = arith.constant 2 : i32
    %dma_start3A_634 = arith.constant 2 : i32
    %dma_start3A_635 = arith.constant 0 : i32
    %dma_start3A_636 = arith.constant 0 : i32
    %dma_start3A_637 = tpu.memref_slice %arg6[%dma_start3A_633, %dma_start3A_635, %dma_start3A_636] : memref<8x16x768xf32, #tpu.memory_space<vmem>> -> memref<1x16x768xf32, #tpu.memory_space<vmem>>
    %dma_start3A_638 = tpu.memref_squeeze %dma_start3A_637 : memref<1x16x768xf32, #tpu.memory_space<vmem>> -> memref<16x768xf32, #tpu.memory_space<vmem>>
    %dma_start3A_639 = arith.constant 0 : i32
    %dma_start3A_640 = tpu.memref_slice %arg4[%add3A_632, %dma_start3A_639] : memref<16384x768xf32, #tpu.memory_space<hbm>> -> memref<16x768xf32, #tpu.memory_space<hbm>>
    %dma_start3A_641 = tpu.memref_slice %arg8[%dma_start3A_634] : memref<8x!tpu.dma_semaphore, #tpu.memory_space<semaphore_mem>> -> memref<1x!tpu.dma_semaphore, #tpu.memory_space<semaphore_mem>>
    %dma_start3A_642 = tpu.memref_squeeze %dma_start3A_641 : memref<1x!tpu.dma_semaphore, #tpu.memory_space<semaphore_mem>> -> memref<!tpu.dma_semaphore, #tpu.memory_space<semaphore_mem>>
    %dma_start3A_643 = arith.constant 0 : i32
    %dma_start3A_644 = tpu.memref_slice %arg4[%add3A_632, %dma_start3A_643] : memref<16384x768xf32, #tpu.memory_space<hbm>> -> memref<16x768xf32, #tpu.memory_space<hbm>>
    %dma_start3A_645 = arith.constant 0 : i32
    %dma_start3A_646 = arith.constant 0 : i32
    %dma_start3A_647 = tpu.memref_slice %arg6[%dma_start3A_633, %dma_start3A_645, %dma_start3A_646] : memref<8x16x768xf32, #tpu.memory_space<vmem>> -> memref<1x16x768xf32, #tpu.memory_space<vmem>>
    %dma_start3A_648 = tpu.memref_squeeze %dma_start3A_647 : memref<1x16x768xf32, #tpu.memory_space<vmem>> -> memref<16x768xf32, #tpu.memory_space<vmem>>
    tpu.enqueue_dma source(%dma_start3A_648 : memref<16x768xf32, #tpu.memory_space<vmem>>) target(%dma_start3A_644 : memref<16x768xf32, #tpu.memory_space<hbm>>) target_semaphore(%dma_start3A_642 : memref<!tpu.dma_semaphore, #tpu.memory_space<semaphore_mem>>)
    %dma_wait3A_649 = arith.constant 7 : i32
    %dma_wait3A_650 = arith.constant 7 : i32
    %dma_wait3A_651 = arith.constant 0 : i32
    %dma_wait3A_652 = arith.constant 0 : i32
    %dma_wait3A_653 = tpu.memref_slice %arg6[%dma_wait3A_649, %dma_wait3A_651, %dma_wait3A_652] : memref<8x16x768xf32, #tpu.memory_space<vmem>> -> memref<1x16x768xf32, #tpu.memory_space<vmem>>
    %dma_wait3A_654 = tpu.memref_squeeze %dma_wait3A_653 : memref<1x16x768xf32, #tpu.memory_space<vmem>> -> memref<16x768xf32, #tpu.memory_space<vmem>>
    %dma_wait3A_655 = arith.constant 0 : i32
    %dma_wait3A_656 = tpu.memref_slice %arg4[%add3A_452, %dma_wait3A_655] : memref<16384x768xf32, #tpu.memory_space<hbm>> -> memref<16x768xf32, #tpu.memory_space<hbm>>
    %dma_wait3A_657 = tpu.memref_slice %arg8[%dma_wait3A_650] : memref<8x!tpu.dma_semaphore, #tpu.memory_space<semaphore_mem>> -> memref<1x!tpu.dma_semaphore, #tpu.memory_space<semaphore_mem>>
    %dma_wait3A_658 = tpu.memref_squeeze %dma_wait3A_657 : memref<1x!tpu.dma_semaphore, #tpu.memory_space<semaphore_mem>> -> memref<!tpu.dma_semaphore, #tpu.memory_space<semaphore_mem>>
    %dma_wait3A_659 = arith.constant 0 : i32
    %dma_wait3A_660 = tpu.memref_slice %arg4[%add3A_452, %dma_wait3A_659] : memref<16384x768xf32, #tpu.memory_space<hbm>> -> memref<16x768xf32, #tpu.memory_space<hbm>>
    %dma_wait3A_661 = arith.constant 0 : i32
    %dma_wait3A_662 = arith.constant 0 : i32
    %dma_wait3A_663 = tpu.memref_slice %arg6[%dma_wait3A_649, %dma_wait3A_661, %dma_wait3A_662] : memref<8x16x768xf32, #tpu.memory_space<vmem>> -> memref<1x16x768xf32, #tpu.memory_space<vmem>>
    %dma_wait3A_664 = tpu.memref_squeeze %dma_wait3A_663 : memref<1x16x768xf32, #tpu.memory_space<vmem>> -> memref<16x768xf32, #tpu.memory_space<vmem>>
    tpu.wait_dma2 semaphore(%dma_wait3A_658 : memref<!tpu.dma_semaphore, #tpu.memory_space<semaphore_mem>>) src(%dma_wait3A_664 : memref<16x768xf32, #tpu.memory_space<vmem>>) dst(%dma_wait3A_660 : memref<16x768xf32, #tpu.memory_space<hbm>>)
    %dma_start3A_665 = arith.constant 7 : i32
    %dma_start3A_666 = arith.constant 7 : i32
    %dma_start3A_667 = arith.constant 0 : i32
    %dma_start3A_668 = arith.constant 0 : i32
    %dma_start3A_669 = tpu.memref_slice %arg6[%dma_start3A_665, %dma_start3A_667, %dma_start3A_668] : memref<8x16x768xf32, #tpu.memory_space<vmem>> -> memref<1x16x768xf32, #tpu.memory_space<vmem>>
    %dma_start3A_670 = tpu.memref_squeeze %dma_start3A_669 : memref<1x16x768xf32, #tpu.memory_space<vmem>> -> memref<16x768xf32, #tpu.memory_space<vmem>>
    %dma_start3A_671 = arith.constant 240 : i32
    %dma_start3A_672 = tpu.memref_slice %arg5[%dma_start3A_671] : memref<512xi32, #tpu.memory_space<vmem>> -> memref<16xi32, #tpu.memory_space<vmem>>
    %dma_start3A_673 = arith.constant 0 : i32
    %dma_start3A_674 = arith.constant 0 : i32
    %dma_start3A_675 = tpu.memref_slice %arg2[%dma_start3A_673, %dma_start3A_674] : memref<1024x768xf32, #tpu.memory_space<hbm>> -> memref<1024x768xf32, #tpu.memory_space<hbm>>
    %dma_start3A_676 = tpu.memref_slice %arg7[%dma_start3A_666] : memref<8x!tpu.dma_semaphore, #tpu.memory_space<semaphore_mem>> -> memref<1x!tpu.dma_semaphore, #tpu.memory_space<semaphore_mem>>
    %dma_start3A_677 = tpu.memref_squeeze %dma_start3A_676 : memref<1x!tpu.dma_semaphore, #tpu.memory_space<semaphore_mem>> -> memref<!tpu.dma_semaphore, #tpu.memory_space<semaphore_mem>>
    tpu.enqueue_indirect_dma source(%dma_start3A_675 : memref<1024x768xf32, #tpu.memory_space<hbm>>) target(%dma_start3A_670 : memref<16x768xf32, #tpu.memory_space<vmem>>) offsets(%dma_start3A_672 : memref<16xi32, #tpu.memory_space<vmem>>) semaphore(%dma_start3A_677 : memref<!tpu.dma_semaphore, #tpu.memory_space<semaphore_mem>>)
    %dma_wait3A_678 = arith.constant 3 : i32
    %dma_wait3A_679 = arith.constant 3 : i32
    %dma_wait3A_680 = arith.constant 0 : i32
    %dma_wait3A_681 = arith.constant 0 : i32
    %dma_wait3A_682 = tpu.memref_slice %arg6[%dma_wait3A_678, %dma_wait3A_680, %dma_wait3A_681] : memref<8x16x768xf32, #tpu.memory_space<vmem>> -> memref<1x16x768xf32, #tpu.memory_space<vmem>>
    %dma_wait3A_683 = tpu.memref_squeeze %dma_wait3A_682 : memref<1x16x768xf32, #tpu.memory_space<vmem>> -> memref<16x768xf32, #tpu.memory_space<vmem>>
    %dma_wait3A_684 = arith.constant 176 : i32
    %dma_wait3A_685 = tpu.memref_slice %arg5[%dma_wait3A_684] : memref<512xi32, #tpu.memory_space<vmem>> -> memref<16xi32, #tpu.memory_space<vmem>>
    %dma_wait3A_686 = arith.constant 0 : i32
    %dma_wait3A_687 = arith.constant 0 : i32
    %dma_wait3A_688 = tpu.memref_slice %arg2[%dma_wait3A_686, %dma_wait3A_687] : memref<1024x768xf32, #tpu.memory_space<hbm>> -> memref<1024x768xf32, #tpu.memory_space<hbm>>
    %dma_wait3A_689 = tpu.memref_slice %arg7[%dma_wait3A_679] : memref<8x!tpu.dma_semaphore, #tpu.memory_space<semaphore_mem>> -> memref<1x!tpu.dma_semaphore, #tpu.memory_space<semaphore_mem>>
    %dma_wait3A_690 = tpu.memref_squeeze %dma_wait3A_689 : memref<1x!tpu.dma_semaphore, #tpu.memory_space<semaphore_mem>> -> memref<!tpu.dma_semaphore, #tpu.memory_space<semaphore_mem>>
    tpu.wait_indirect_dma semaphore(%dma_wait3A_690 : memref<!tpu.dma_semaphore, #tpu.memory_space<semaphore_mem>>) src(%dma_wait3A_688 : memref<1024x768xf32, #tpu.memory_space<hbm>>) dst(%dma_wait3A_683 : memref<16x768xf32, #tpu.memory_space<vmem>>)
    %add3A_691 = arith.constant 176 : i32
    %add3A_692 = arith.addi %mul3A_2, %add3A_691 : i32
    %dma_start3A_693 = arith.constant 3 : i32
    %dma_start3A_694 = arith.constant 3 : i32
    %dma_start3A_695 = arith.constant 0 : i32
    %dma_start3A_696 = arith.constant 0 : i32
    %dma_start3A_697 = tpu.memref_slice %arg6[%dma_start3A_693, %dma_start3A_695, %dma_start3A_696] : memref<8x16x768xf32, #tpu.memory_space<vmem>> -> memref<1x16x768xf32, #tpu.memory_space<vmem>>
    %dma_start3A_698 = tpu.memref_squeeze %dma_start3A_697 : memref<1x16x768xf32, #tpu.memory_space<vmem>> -> memref<16x768xf32, #tpu.memory_space<vmem>>
    %dma_start3A_699 = arith.constant 0 : i32
    %dma_start3A_700 = tpu.memref_slice %arg4[%add3A_692, %dma_start3A_699] : memref<16384x768xf32, #tpu.memory_space<hbm>> -> memref<16x768xf32, #tpu.memory_space<hbm>>
    %dma_start3A_701 = tpu.memref_slice %arg8[%dma_start3A_694] : memref<8x!tpu.dma_semaphore, #tpu.memory_space<semaphore_mem>> -> memref<1x!tpu.dma_semaphore, #tpu.memory_space<semaphore_mem>>
    %dma_start3A_702 = tpu.memref_squeeze %dma_start3A_701 : memref<1x!tpu.dma_semaphore, #tpu.memory_space<semaphore_mem>> -> memref<!tpu.dma_semaphore, #tpu.memory_space<semaphore_mem>>
    %dma_start3A_703 = arith.constant 0 : i32
    %dma_start3A_704 = tpu.memref_slice %arg4[%add3A_692, %dma_start3A_703] : memref<16384x768xf32, #tpu.memory_space<hbm>> -> memref<16x768xf32, #tpu.memory_space<hbm>>
    %dma_start3A_705 = arith.constant 0 : i32
    %dma_start3A_706 = arith.constant 0 : i32
    %dma_start3A_707 = tpu.memref_slice %arg6[%dma_start3A_693, %dma_start3A_705, %dma_start3A_706] : memref<8x16x768xf32, #tpu.memory_space<vmem>> -> memref<1x16x768xf32, #tpu.memory_space<vmem>>
    %dma_start3A_708 = tpu.memref_squeeze %dma_start3A_707 : memref<1x16x768xf32, #tpu.memory_space<vmem>> -> memref<16x768xf32, #tpu.memory_space<vmem>>
    tpu.enqueue_dma source(%dma_start3A_708 : memref<16x768xf32, #tpu.memory_space<vmem>>) target(%dma_start3A_704 : memref<16x768xf32, #tpu.memory_space<hbm>>) target_semaphore(%dma_start3A_702 : memref<!tpu.dma_semaphore, #tpu.memory_space<semaphore_mem>>)
    %dma_wait3A_709 = arith.constant 0 : i32
    %dma_wait3A_710 = arith.constant 0 : i32
    %dma_wait3A_711 = arith.constant 0 : i32
    %dma_wait3A_712 = arith.constant 0 : i32
    %dma_wait3A_713 = tpu.memref_slice %arg6[%dma_wait3A_709, %dma_wait3A_711, %dma_wait3A_712] : memref<8x16x768xf32, #tpu.memory_space<vmem>> -> memref<1x16x768xf32, #tpu.memory_space<vmem>>
    %dma_wait3A_714 = tpu.memref_squeeze %dma_wait3A_713 : memref<1x16x768xf32, #tpu.memory_space<vmem>> -> memref<16x768xf32, #tpu.memory_space<vmem>>
    %dma_wait3A_715 = arith.constant 0 : i32
    %dma_wait3A_716 = tpu.memref_slice %arg4[%add3A_512, %dma_wait3A_715] : memref<16384x768xf32, #tpu.memory_space<hbm>> -> memref<16x768xf32, #tpu.memory_space<hbm>>
    %dma_wait3A_717 = tpu.memref_slice %arg8[%dma_wait3A_710] : memref<8x!tpu.dma_semaphore, #tpu.memory_space<semaphore_mem>> -> memref<1x!tpu.dma_semaphore, #tpu.memory_space<semaphore_mem>>
    %dma_wait3A_718 = tpu.memref_squeeze %dma_wait3A_717 : memref<1x!tpu.dma_semaphore, #tpu.memory_space<semaphore_mem>> -> memref<!tpu.dma_semaphore, #tpu.memory_space<semaphore_mem>>
    %dma_wait3A_719 = arith.constant 0 : i32
    %dma_wait3A_720 = tpu.memref_slice %arg4[%add3A_512, %dma_wait3A_719] : memref<16384x768xf32, #tpu.memory_space<hbm>> -> memref<16x768xf32, #tpu.memory_space<hbm>>
    %dma_wait3A_721 = arith.constant 0 : i32
    %dma_wait3A_722 = arith.constant 0 : i32
    %dma_wait3A_723 = tpu.memref_slice %arg6[%dma_wait3A_709, %dma_wait3A_721, %dma_wait3A_722] : memref<8x16x768xf32, #tpu.memory_space<vmem>> -> memref<1x16x768xf32, #tpu.memory_space<vmem>>
    %dma_wait3A_724 = tpu.memref_squeeze %dma_wait3A_723 : memref<1x16x768xf32, #tpu.memory_space<vmem>> -> memref<16x768xf32, #tpu.memory_space<vmem>>
    tpu.wait_dma2 semaphore(%dma_wait3A_718 : memref<!tpu.dma_semaphore, #tpu.memory_space<semaphore_mem>>) src(%dma_wait3A_724 : memref<16x768xf32, #tpu.memory_space<vmem>>) dst(%dma_wait3A_720 : memref<16x768xf32, #tpu.memory_space<hbm>>)
    %dma_start3A_725 = arith.constant 0 : i32
    %dma_start3A_726 = arith.constant 0 : i32
    %dma_start3A_727 = arith.constant 0 : i32
    %dma_start3A_728 = arith.constant 0 : i32
    %dma_start3A_729 = tpu.memref_slice %arg6[%dma_start3A_725, %dma_start3A_727, %dma_start3A_728] : memref<8x16x768xf32, #tpu.memory_space<vmem>> -> memref<1x16x768xf32, #tpu.memory_space<vmem>>
    %dma_start3A_730 = tpu.memref_squeeze %dma_start3A_729 : memref<1x16x768xf32, #tpu.memory_space<vmem>> -> memref<16x768xf32, #tpu.memory_space<vmem>>
    %dma_start3A_731 = arith.constant 256 : i32
    %dma_start3A_732 = tpu.memref_slice %arg5[%dma_start3A_731] : memref<512xi32, #tpu.memory_space<vmem>> -> memref<16xi32, #tpu.memory_space<vmem>>
    %dma_start3A_733 = arith.constant 0 : i32
    %dma_start3A_734 = arith.constant 0 : i32
    %dma_start3A_735 = tpu.memref_slice %arg2[%dma_start3A_733, %dma_start3A_734] : memref<1024x768xf32, #tpu.memory_space<hbm>> -> memref<1024x768xf32, #tpu.memory_space<hbm>>
    %dma_start3A_736 = tpu.memref_slice %arg7[%dma_start3A_726] : memref<8x!tpu.dma_semaphore, #tpu.memory_space<semaphore_mem>> -> memref<1x!tpu.dma_semaphore, #tpu.memory_space<semaphore_mem>>
    %dma_start3A_737 = tpu.memref_squeeze %dma_start3A_736 : memref<1x!tpu.dma_semaphore, #tpu.memory_space<semaphore_mem>> -> memref<!tpu.dma_semaphore, #tpu.memory_space<semaphore_mem>>
    tpu.enqueue_indirect_dma source(%dma_start3A_735 : memref<1024x768xf32, #tpu.memory_space<hbm>>) target(%dma_start3A_730 : memref<16x768xf32, #tpu.memory_space<vmem>>) offsets(%dma_start3A_732 : memref<16xi32, #tpu.memory_space<vmem>>) semaphore(%dma_start3A_737 : memref<!tpu.dma_semaphore, #tpu.memory_space<semaphore_mem>>)
    %dma_wait3A_738 = arith.constant 4 : i32
    %dma_wait3A_739 = arith.constant 4 : i32
    %dma_wait3A_740 = arith.constant 0 : i32
    %dma_wait3A_741 = arith.constant 0 : i32
    %dma_wait3A_742 = tpu.memref_slice %arg6[%dma_wait3A_738, %dma_wait3A_740, %dma_wait3A_741] : memref<8x16x768xf32, #tpu.memory_space<vmem>> -> memref<1x16x768xf32, #tpu.memory_space<vmem>>
    %dma_wait3A_743 = tpu.memref_squeeze %dma_wait3A_742 : memref<1x16x768xf32, #tpu.memory_space<vmem>> -> memref<16x768xf32, #tpu.memory_space<vmem>>
    %dma_wait3A_744 = arith.constant 192 : i32
    %dma_wait3A_745 = tpu.memref_slice %arg5[%dma_wait3A_744] : memref<512xi32, #tpu.memory_space<vmem>> -> memref<16xi32, #tpu.memory_space<vmem>>
    %dma_wait3A_746 = arith.constant 0 : i32
    %dma_wait3A_747 = arith.constant 0 : i32
    %dma_wait3A_748 = tpu.memref_slice %arg2[%dma_wait3A_746, %dma_wait3A_747] : memref<1024x768xf32, #tpu.memory_space<hbm>> -> memref<1024x768xf32, #tpu.memory_space<hbm>>
    %dma_wait3A_749 = tpu.memref_slice %arg7[%dma_wait3A_739] : memref<8x!tpu.dma_semaphore, #tpu.memory_space<semaphore_mem>> -> memref<1x!tpu.dma_semaphore, #tpu.memory_space<semaphore_mem>>
    %dma_wait3A_750 = tpu.memref_squeeze %dma_wait3A_749 : memref<1x!tpu.dma_semaphore, #tpu.memory_space<semaphore_mem>> -> memref<!tpu.dma_semaphore, #tpu.memory_space<semaphore_mem>>
    tpu.wait_indirect_dma semaphore(%dma_wait3A_750 : memref<!tpu.dma_semaphore, #tpu.memory_space<semaphore_mem>>) src(%dma_wait3A_748 : memref<1024x768xf32, #tpu.memory_space<hbm>>) dst(%dma_wait3A_743 : memref<16x768xf32, #tpu.memory_space<vmem>>)
    %add3A_751 = arith.constant 192 : i32
    %add3A_752 = arith.addi %mul3A_2, %add3A_751 : i32
    %dma_start3A_753 = arith.constant 4 : i32
    %dma_start3A_754 = arith.constant 4 : i32
    %dma_start3A_755 = arith.constant 0 : i32
    %dma_start3A_756 = arith.constant 0 : i32
    %dma_start3A_757 = tpu.memref_slice %arg6[%dma_start3A_753, %dma_start3A_755, %dma_start3A_756] : memref<8x16x768xf32, #tpu.memory_space<vmem>> -> memref<1x16x768xf32, #tpu.memory_space<vmem>>
    %dma_start3A_758 = tpu.memref_squeeze %dma_start3A_757 : memref<1x16x768xf32, #tpu.memory_space<vmem>> -> memref<16x768xf32, #tpu.memory_space<vmem>>
    %dma_start3A_759 = arith.constant 0 : i32
    %dma_start3A_760 = tpu.memref_slice %arg4[%add3A_752, %dma_start3A_759] : memref<16384x768xf32, #tpu.memory_space<hbm>> -> memref<16x768xf32, #tpu.memory_space<hbm>>
    %dma_start3A_761 = tpu.memref_slice %arg8[%dma_start3A_754] : memref<8x!tpu.dma_semaphore, #tpu.memory_space<semaphore_mem>> -> memref<1x!tpu.dma_semaphore, #tpu.memory_space<semaphore_mem>>
    %dma_start3A_762 = tpu.memref_squeeze %dma_start3A_761 : memref<1x!tpu.dma_semaphore, #tpu.memory_space<semaphore_mem>> -> memref<!tpu.dma_semaphore, #tpu.memory_space<semaphore_mem>>
    %dma_start3A_763 = arith.constant 0 : i32
    %dma_start3A_764 = tpu.memref_slice %arg4[%add3A_752, %dma_start3A_763] : memref<16384x768xf32, #tpu.memory_space<hbm>> -> memref<16x768xf32, #tpu.memory_space<hbm>>
    %dma_start3A_765 = arith.constant 0 : i32
    %dma_start3A_766 = arith.constant 0 : i32
    %dma_start3A_767 = tpu.memref_slice %arg6[%dma_start3A_753, %dma_start3A_765, %dma_start3A_766] : memref<8x16x768xf32, #tpu.memory_space<vmem>> -> memref<1x16x768xf32, #tpu.memory_space<vmem>>
    %dma_start3A_768 = tpu.memref_squeeze %dma_start3A_767 : memref<1x16x768xf32, #tpu.memory_space<vmem>> -> memref<16x768xf32, #tpu.memory_space<vmem>>
    tpu.enqueue_dma source(%dma_start3A_768 : memref<16x768xf32, #tpu.memory_space<vmem>>) target(%dma_start3A_764 : memref<16x768xf32, #tpu.memory_space<hbm>>) target_semaphore(%dma_start3A_762 : memref<!tpu.dma_semaphore, #tpu.memory_space<semaphore_mem>>)
    %dma_wait3A_769 = arith.constant 1 : i32
    %dma_wait3A_770 = arith.constant 1 : i32
    %dma_wait3A_771 = arith.constant 0 : i32
    %dma_wait3A_772 = arith.constant 0 : i32
    %dma_wait3A_773 = tpu.memref_slice %arg6[%dma_wait3A_769, %dma_wait3A_771, %dma_wait3A_772] : memref<8x16x768xf32, #tpu.memory_space<vmem>> -> memref<1x16x768xf32, #tpu.memory_space<vmem>>
    %dma_wait3A_774 = tpu.memref_squeeze %dma_wait3A_773 : memref<1x16x768xf32, #tpu.memory_space<vmem>> -> memref<16x768xf32, #tpu.memory_space<vmem>>
    %dma_wait3A_775 = arith.constant 0 : i32
    %dma_wait3A_776 = tpu.memref_slice %arg4[%add3A_572, %dma_wait3A_775] : memref<16384x768xf32, #tpu.memory_space<hbm>> -> memref<16x768xf32, #tpu.memory_space<hbm>>
    %dma_wait3A_777 = tpu.memref_slice %arg8[%dma_wait3A_770] : memref<8x!tpu.dma_semaphore, #tpu.memory_space<semaphore_mem>> -> memref<1x!tpu.dma_semaphore, #tpu.memory_space<semaphore_mem>>
    %dma_wait3A_778 = tpu.memref_squeeze %dma_wait3A_777 : memref<1x!tpu.dma_semaphore, #tpu.memory_space<semaphore_mem>> -> memref<!tpu.dma_semaphore, #tpu.memory_space<semaphore_mem>>
    %dma_wait3A_779 = arith.constant 0 : i32
    %dma_wait3A_780 = tpu.memref_slice %arg4[%add3A_572, %dma_wait3A_779] : memref<16384x768xf32, #tpu.memory_space<hbm>> -> memref<16x768xf32, #tpu.memory_space<hbm>>
    %dma_wait3A_781 = arith.constant 0 : i32
    %dma_wait3A_782 = arith.constant 0 : i32
    %dma_wait3A_783 = tpu.memref_slice %arg6[%dma_wait3A_769, %dma_wait3A_781, %dma_wait3A_782] : memref<8x16x768xf32, #tpu.memory_space<vmem>> -> memref<1x16x768xf32, #tpu.memory_space<vmem>>
    %dma_wait3A_784 = tpu.memref_squeeze %dma_wait3A_783 : memref<1x16x768xf32, #tpu.memory_space<vmem>> -> memref<16x768xf32, #tpu.memory_space<vmem>>
    tpu.wait_dma2 semaphore(%dma_wait3A_778 : memref<!tpu.dma_semaphore, #tpu.memory_space<semaphore_mem>>) src(%dma_wait3A_784 : memref<16x768xf32, #tpu.memory_space<vmem>>) dst(%dma_wait3A_780 : memref<16x768xf32, #tpu.memory_space<hbm>>)
    %dma_start3A_785 = arith.constant 1 : i32
    %dma_start3A_786 = arith.constant 1 : i32
    %dma_start3A_787 = arith.constant 0 : i32
    %dma_start3A_788 = arith.constant 0 : i32
    %dma_start3A_789 = tpu.memref_slice %arg6[%dma_start3A_785, %dma_start3A_787, %dma_start3A_788] : memref<8x16x768xf32, #tpu.memory_space<vmem>> -> memref<1x16x768xf32, #tpu.memory_space<vmem>>
    %dma_start3A_790 = tpu.memref_squeeze %dma_start3A_789 : memref<1x16x768xf32, #tpu.memory_space<vmem>> -> memref<16x768xf32, #tpu.memory_space<vmem>>
    %dma_start3A_791 = arith.constant 272 : i32
    %dma_start3A_792 = tpu.memref_slice %arg5[%dma_start3A_791] : memref<512xi32, #tpu.memory_space<vmem>> -> memref<16xi32, #tpu.memory_space<vmem>>
    %dma_start3A_793 = arith.constant 0 : i32
    %dma_start3A_794 = arith.constant 0 : i32
    %dma_start3A_795 = tpu.memref_slice %arg2[%dma_start3A_793, %dma_start3A_794] : memref<1024x768xf32, #tpu.memory_space<hbm>> -> memref<1024x768xf32, #tpu.memory_space<hbm>>
    %dma_start3A_796 = tpu.memref_slice %arg7[%dma_start3A_786] : memref<8x!tpu.dma_semaphore, #tpu.memory_space<semaphore_mem>> -> memref<1x!tpu.dma_semaphore, #tpu.memory_space<semaphore_mem>>
    %dma_start3A_797 = tpu.memref_squeeze %dma_start3A_796 : memref<1x!tpu.dma_semaphore, #tpu.memory_space<semaphore_mem>> -> memref<!tpu.dma_semaphore, #tpu.memory_space<semaphore_mem>>
    tpu.enqueue_indirect_dma source(%dma_start3A_795 : memref<1024x768xf32, #tpu.memory_space<hbm>>) target(%dma_start3A_790 : memref<16x768xf32, #tpu.memory_space<vmem>>) offsets(%dma_start3A_792 : memref<16xi32, #tpu.memory_space<vmem>>) semaphore(%dma_start3A_797 : memref<!tpu.dma_semaphore, #tpu.memory_space<semaphore_mem>>)
    %dma_wait3A_798 = arith.constant 5 : i32
    %dma_wait3A_799 = arith.constant 5 : i32
    %dma_wait3A_800 = arith.constant 0 : i32
    %dma_wait3A_801 = arith.constant 0 : i32
    %dma_wait3A_802 = tpu.memref_slice %arg6[%dma_wait3A_798, %dma_wait3A_800, %dma_wait3A_801] : memref<8x16x768xf32, #tpu.memory_space<vmem>> -> memref<1x16x768xf32, #tpu.memory_space<vmem>>
    %dma_wait3A_803 = tpu.memref_squeeze %dma_wait3A_802 : memref<1x16x768xf32, #tpu.memory_space<vmem>> -> memref<16x768xf32, #tpu.memory_space<vmem>>
    %dma_wait3A_804 = arith.constant 208 : i32
    %dma_wait3A_805 = tpu.memref_slice %arg5[%dma_wait3A_804] : memref<512xi32, #tpu.memory_space<vmem>> -> memref<16xi32, #tpu.memory_space<vmem>>
    %dma_wait3A_806 = arith.constant 0 : i32
    %dma_wait3A_807 = arith.constant 0 : i32
    %dma_wait3A_808 = tpu.memref_slice %arg2[%dma_wait3A_806, %dma_wait3A_807] : memref<1024x768xf32, #tpu.memory_space<hbm>> -> memref<1024x768xf32, #tpu.memory_space<hbm>>
    %dma_wait3A_809 = tpu.memref_slice %arg7[%dma_wait3A_799] : memref<8x!tpu.dma_semaphore, #tpu.memory_space<semaphore_mem>> -> memref<1x!tpu.dma_semaphore, #tpu.memory_space<semaphore_mem>>
    %dma_wait3A_810 = tpu.memref_squeeze %dma_wait3A_809 : memref<1x!tpu.dma_semaphore, #tpu.memory_space<semaphore_mem>> -> memref<!tpu.dma_semaphore, #tpu.memory_space<semaphore_mem>>
    tpu.wait_indirect_dma semaphore(%dma_wait3A_810 : memref<!tpu.dma_semaphore, #tpu.memory_space<semaphore_mem>>) src(%dma_wait3A_808 : memref<1024x768xf32, #tpu.memory_space<hbm>>) dst(%dma_wait3A_803 : memref<16x768xf32, #tpu.memory_space<vmem>>)
    %add3A_811 = arith.constant 208 : i32
    %add3A_812 = arith.addi %mul3A_2, %add3A_811 : i32
    %dma_start3A_813 = arith.constant 5 : i32
    %dma_start3A_814 = arith.constant 5 : i32
    %dma_start3A_815 = arith.constant 0 : i32
    %dma_start3A_816 = arith.constant 0 : i32
    %dma_start3A_817 = tpu.memref_slice %arg6[%dma_start3A_813, %dma_start3A_815, %dma_start3A_816] : memref<8x16x768xf32, #tpu.memory_space<vmem>> -> memref<1x16x768xf32, #tpu.memory_space<vmem>>
    %dma_start3A_818 = tpu.memref_squeeze %dma_start3A_817 : memref<1x16x768xf32, #tpu.memory_space<vmem>> -> memref<16x768xf32, #tpu.memory_space<vmem>>
    %dma_start3A_819 = arith.constant 0 : i32
    %dma_start3A_820 = tpu.memref_slice %arg4[%add3A_812, %dma_start3A_819] : memref<16384x768xf32, #tpu.memory_space<hbm>> -> memref<16x768xf32, #tpu.memory_space<hbm>>
    %dma_start3A_821 = tpu.memref_slice %arg8[%dma_start3A_814] : memref<8x!tpu.dma_semaphore, #tpu.memory_space<semaphore_mem>> -> memref<1x!tpu.dma_semaphore, #tpu.memory_space<semaphore_mem>>
    %dma_start3A_822 = tpu.memref_squeeze %dma_start3A_821 : memref<1x!tpu.dma_semaphore, #tpu.memory_space<semaphore_mem>> -> memref<!tpu.dma_semaphore, #tpu.memory_space<semaphore_mem>>
    %dma_start3A_823 = arith.constant 0 : i32
    %dma_start3A_824 = tpu.memref_slice %arg4[%add3A_812, %dma_start3A_823] : memref<16384x768xf32, #tpu.memory_space<hbm>> -> memref<16x768xf32, #tpu.memory_space<hbm>>
    %dma_start3A_825 = arith.constant 0 : i32
    %dma_start3A_826 = arith.constant 0 : i32
    %dma_start3A_827 = tpu.memref_slice %arg6[%dma_start3A_813, %dma_start3A_825, %dma_start3A_826] : memref<8x16x768xf32, #tpu.memory_space<vmem>> -> memref<1x16x768xf32, #tpu.memory_space<vmem>>
    %dma_start3A_828 = tpu.memref_squeeze %dma_start3A_827 : memref<1x16x768xf32, #tpu.memory_space<vmem>> -> memref<16x768xf32, #tpu.memory_space<vmem>>
    tpu.enqueue_dma source(%dma_start3A_828 : memref<16x768xf32, #tpu.memory_space<vmem>>) target(%dma_start3A_824 : memref<16x768xf32, #tpu.memory_space<hbm>>) target_semaphore(%dma_start3A_822 : memref<!tpu.dma_semaphore, #tpu.memory_space<semaphore_mem>>)
    %dma_wait3A_829 = arith.constant 2 : i32
    %dma_wait3A_830 = arith.constant 2 : i32
    %dma_wait3A_831 = arith.constant 0 : i32
    %dma_wait3A_832 = arith.constant 0 : i32
    %dma_wait3A_833 = tpu.memref_slice %arg6[%dma_wait3A_829, %dma_wait3A_831, %dma_wait3A_832] : memref<8x16x768xf32, #tpu.memory_space<vmem>> -> memref<1x16x768xf32, #tpu.memory_space<vmem>>
    %dma_wait3A_834 = tpu.memref_squeeze %dma_wait3A_833 : memref<1x16x768xf32, #tpu.memory_space<vmem>> -> memref<16x768xf32, #tpu.memory_space<vmem>>
    %dma_wait3A_835 = arith.constant 0 : i32
    %dma_wait3A_836 = tpu.memref_slice %arg4[%add3A_632, %dma_wait3A_835] : memref<16384x768xf32, #tpu.memory_space<hbm>> -> memref<16x768xf32, #tpu.memory_space<hbm>>
    %dma_wait3A_837 = tpu.memref_slice %arg8[%dma_wait3A_830] : memref<8x!tpu.dma_semaphore, #tpu.memory_space<semaphore_mem>> -> memref<1x!tpu.dma_semaphore, #tpu.memory_space<semaphore_mem>>
    %dma_wait3A_838 = tpu.memref_squeeze %dma_wait3A_837 : memref<1x!tpu.dma_semaphore, #tpu.memory_space<semaphore_mem>> -> memref<!tpu.dma_semaphore, #tpu.memory_space<semaphore_mem>>
    %dma_wait3A_839 = arith.constant 0 : i32
    %dma_wait3A_840 = tpu.memref_slice %arg4[%add3A_632, %dma_wait3A_839] : memref<16384x768xf32, #tpu.memory_space<hbm>> -> memref<16x768xf32, #tpu.memory_space<hbm>>
    %dma_wait3A_841 = arith.constant 0 : i32
    %dma_wait3A_842 = arith.constant 0 : i32
    %dma_wait3A_843 = tpu.memref_slice %arg6[%dma_wait3A_829, %dma_wait3A_841, %dma_wait3A_842] : memref<8x16x768xf32, #tpu.memory_space<vmem>> -> memref<1x16x768xf32, #tpu.memory_space<vmem>>
    %dma_wait3A_844 = tpu.memref_squeeze %dma_wait3A_843 : memref<1x16x768xf32, #tpu.memory_space<vmem>> -> memref<16x768xf32, #tpu.memory_space<vmem>>
    tpu.wait_dma2 semaphore(%dma_wait3A_838 : memref<!tpu.dma_semaphore, #tpu.memory_space<semaphore_mem>>) src(%dma_wait3A_844 : memref<16x768xf32, #tpu.memory_space<vmem>>) dst(%dma_wait3A_840 : memref<16x768xf32, #tpu.memory_space<hbm>>)
    %dma_start3A_845 = arith.constant 2 : i32
    %dma_start3A_846 = arith.constant 2 : i32
    %dma_start3A_847 = arith.constant 0 : i32
    %dma_start3A_848 = arith.constant 0 : i32
    %dma_start3A_849 = tpu.memref_slice %arg6[%dma_start3A_845, %dma_start3A_847, %dma_start3A_848] : memref<8x16x768xf32, #tpu.memory_space<vmem>> -> memref<1x16x768xf32, #tpu.memory_space<vmem>>
    %dma_start3A_850 = tpu.memref_squeeze %dma_start3A_849 : memref<1x16x768xf32, #tpu.memory_space<vmem>> -> memref<16x768xf32, #tpu.memory_space<vmem>>
    %dma_start3A_851 = arith.constant 288 : i32
    %dma_start3A_852 = tpu.memref_slice %arg5[%dma_start3A_851] : memref<512xi32, #tpu.memory_space<vmem>> -> memref<16xi32, #tpu.memory_space<vmem>>
    %dma_start3A_853 = arith.constant 0 : i32
    %dma_start3A_854 = arith.constant 0 : i32
    %dma_start3A_855 = tpu.memref_slice %arg2[%dma_start3A_853, %dma_start3A_854] : memref<1024x768xf32, #tpu.memory_space<hbm>> -> memref<1024x768xf32, #tpu.memory_space<hbm>>
    %dma_start3A_856 = tpu.memref_slice %arg7[%dma_start3A_846] : memref<8x!tpu.dma_semaphore, #tpu.memory_space<semaphore_mem>> -> memref<1x!tpu.dma_semaphore, #tpu.memory_space<semaphore_mem>>
    %dma_start3A_857 = tpu.memref_squeeze %dma_start3A_856 : memref<1x!tpu.dma_semaphore, #tpu.memory_space<semaphore_mem>> -> memref<!tpu.dma_semaphore, #tpu.memory_space<semaphore_mem>>
    tpu.enqueue_indirect_dma source(%dma_start3A_855 : memref<1024x768xf32, #tpu.memory_space<hbm>>) target(%dma_start3A_850 : memref<16x768xf32, #tpu.memory_space<vmem>>) offsets(%dma_start3A_852 : memref<16xi32, #tpu.memory_space<vmem>>) semaphore(%dma_start3A_857 : memref<!tpu.dma_semaphore, #tpu.memory_space<semaphore_mem>>)
    %dma_wait3A_858 = arith.constant 6 : i32
    %dma_wait3A_859 = arith.constant 6 : i32
    %dma_wait3A_860 = arith.constant 0 : i32
    %dma_wait3A_861 = arith.constant 0 : i32
    %dma_wait3A_862 = tpu.memref_slice %arg6[%dma_wait3A_858, %dma_wait3A_860, %dma_wait3A_861] : memref<8x16x768xf32, #tpu.memory_space<vmem>> -> memref<1x16x768xf32, #tpu.memory_space<vmem>>
    %dma_wait3A_863 = tpu.memref_squeeze %dma_wait3A_862 : memref<1x16x768xf32, #tpu.memory_space<vmem>> -> memref<16x768xf32, #tpu.memory_space<vmem>>
    %dma_wait3A_864 = arith.constant 224 : i32
    %dma_wait3A_865 = tpu.memref_slice %arg5[%dma_wait3A_864] : memref<512xi32, #tpu.memory_space<vmem>> -> memref<16xi32, #tpu.memory_space<vmem>>
    %dma_wait3A_866 = arith.constant 0 : i32
    %dma_wait3A_867 = arith.constant 0 : i32
    %dma_wait3A_868 = tpu.memref_slice %arg2[%dma_wait3A_866, %dma_wait3A_867] : memref<1024x768xf32, #tpu.memory_space<hbm>> -> memref<1024x768xf32, #tpu.memory_space<hbm>>
    %dma_wait3A_869 = tpu.memref_slice %arg7[%dma_wait3A_859] : memref<8x!tpu.dma_semaphore, #tpu.memory_space<semaphore_mem>> -> memref<1x!tpu.dma_semaphore, #tpu.memory_space<semaphore_mem>>
    %dma_wait3A_870 = tpu.memref_squeeze %dma_wait3A_869 : memref<1x!tpu.dma_semaphore, #tpu.memory_space<semaphore_mem>> -> memref<!tpu.dma_semaphore, #tpu.memory_space<semaphore_mem>>
    tpu.wait_indirect_dma semaphore(%dma_wait3A_870 : memref<!tpu.dma_semaphore, #tpu.memory_space<semaphore_mem>>) src(%dma_wait3A_868 : memref<1024x768xf32, #tpu.memory_space<hbm>>) dst(%dma_wait3A_863 : memref<16x768xf32, #tpu.memory_space<vmem>>)
    %add3A_871 = arith.constant 224 : i32
    %add3A_872 = arith.addi %mul3A_2, %add3A_871 : i32
    %dma_start3A_873 = arith.constant 6 : i32
    %dma_start3A_874 = arith.constant 6 : i32
    %dma_start3A_875 = arith.constant 0 : i32
    %dma_start3A_876 = arith.constant 0 : i32
    %dma_start3A_877 = tpu.memref_slice %arg6[%dma_start3A_873, %dma_start3A_875, %dma_start3A_876] : memref<8x16x768xf32, #tpu.memory_space<vmem>> -> memref<1x16x768xf32, #tpu.memory_space<vmem>>
    %dma_start3A_878 = tpu.memref_squeeze %dma_start3A_877 : memref<1x16x768xf32, #tpu.memory_space<vmem>> -> memref<16x768xf32, #tpu.memory_space<vmem>>
    %dma_start3A_879 = arith.constant 0 : i32
    %dma_start3A_880 = tpu.memref_slice %arg4[%add3A_872, %dma_start3A_879] : memref<16384x768xf32, #tpu.memory_space<hbm>> -> memref<16x768xf32, #tpu.memory_space<hbm>>
    %dma_start3A_881 = tpu.memref_slice %arg8[%dma_start3A_874] : memref<8x!tpu.dma_semaphore, #tpu.memory_space<semaphore_mem>> -> memref<1x!tpu.dma_semaphore, #tpu.memory_space<semaphore_mem>>
    %dma_start3A_882 = tpu.memref_squeeze %dma_start3A_881 : memref<1x!tpu.dma_semaphore, #tpu.memory_space<semaphore_mem>> -> memref<!tpu.dma_semaphore, #tpu.memory_space<semaphore_mem>>
    %dma_start3A_883 = arith.constant 0 : i32
    %dma_start3A_884 = tpu.memref_slice %arg4[%add3A_872, %dma_start3A_883] : memref<16384x768xf32, #tpu.memory_space<hbm>> -> memref<16x768xf32, #tpu.memory_space<hbm>>
    %dma_start3A_885 = arith.constant 0 : i32
    %dma_start3A_886 = arith.constant 0 : i32
    %dma_start3A_887 = tpu.memref_slice %arg6[%dma_start3A_873, %dma_start3A_885, %dma_start3A_886] : memref<8x16x768xf32, #tpu.memory_space<vmem>> -> memref<1x16x768xf32, #tpu.memory_space<vmem>>
    %dma_start3A_888 = tpu.memref_squeeze %dma_start3A_887 : memref<1x16x768xf32, #tpu.memory_space<vmem>> -> memref<16x768xf32, #tpu.memory_space<vmem>>
    tpu.enqueue_dma source(%dma_start3A_888 : memref<16x768xf32, #tpu.memory_space<vmem>>) target(%dma_start3A_884 : memref<16x768xf32, #tpu.memory_space<hbm>>) target_semaphore(%dma_start3A_882 : memref<!tpu.dma_semaphore, #tpu.memory_space<semaphore_mem>>)
    %dma_wait3A_889 = arith.constant 3 : i32
    %dma_wait3A_890 = arith.constant 3 : i32
    %dma_wait3A_891 = arith.constant 0 : i32
    %dma_wait3A_892 = arith.constant 0 : i32
    %dma_wait3A_893 = tpu.memref_slice %arg6[%dma_wait3A_889, %dma_wait3A_891, %dma_wait3A_892] : memref<8x16x768xf32, #tpu.memory_space<vmem>> -> memref<1x16x768xf32, #tpu.memory_space<vmem>>
    %dma_wait3A_894 = tpu.memref_squeeze %dma_wait3A_893 : memref<1x16x768xf32, #tpu.memory_space<vmem>> -> memref<16x768xf32, #tpu.memory_space<vmem>>
    %dma_wait3A_895 = arith.constant 0 : i32
    %dma_wait3A_896 = tpu.memref_slice %arg4[%add3A_692, %dma_wait3A_895] : memref<16384x768xf32, #tpu.memory_space<hbm>> -> memref<16x768xf32, #tpu.memory_space<hbm>>
    %dma_wait3A_897 = tpu.memref_slice %arg8[%dma_wait3A_890] : memref<8x!tpu.dma_semaphore, #tpu.memory_space<semaphore_mem>> -> memref<1x!tpu.dma_semaphore, #tpu.memory_space<semaphore_mem>>
    %dma_wait3A_898 = tpu.memref_squeeze %dma_wait3A_897 : memref<1x!tpu.dma_semaphore, #tpu.memory_space<semaphore_mem>> -> memref<!tpu.dma_semaphore, #tpu.memory_space<semaphore_mem>>
    %dma_wait3A_899 = arith.constant 0 : i32
    %dma_wait3A_900 = tpu.memref_slice %arg4[%add3A_692, %dma_wait3A_899] : memref<16384x768xf32, #tpu.memory_space<hbm>> -> memref<16x768xf32, #tpu.memory_space<hbm>>
    %dma_wait3A_901 = arith.constant 0 : i32
    %dma_wait3A_902 = arith.constant 0 : i32
    %dma_wait3A_903 = tpu.memref_slice %arg6[%dma_wait3A_889, %dma_wait3A_901, %dma_wait3A_902] : memref<8x16x768xf32, #tpu.memory_space<vmem>> -> memref<1x16x768xf32, #tpu.memory_space<vmem>>
    %dma_wait3A_904 = tpu.memref_squeeze %dma_wait3A_903 : memref<1x16x768xf32, #tpu.memory_space<vmem>> -> memref<16x768xf32, #tpu.memory_space<vmem>>
    tpu.wait_dma2 semaphore(%dma_wait3A_898 : memref<!tpu.dma_semaphore, #tpu.memory_space<semaphore_mem>>) src(%dma_wait3A_904 : memref<16x768xf32, #tpu.memory_space<vmem>>) dst(%dma_wait3A_900 : memref<16x768xf32, #tpu.memory_space<hbm>>)
    %dma_start3A_905 = arith.constant 3 : i32
    %dma_start3A_906 = arith.constant 3 : i32
    %dma_start3A_907 = arith.constant 0 : i32
    %dma_start3A_908 = arith.constant 0 : i32
    %dma_start3A_909 = tpu.memref_slice %arg6[%dma_start3A_905, %dma_start3A_907, %dma_start3A_908] : memref<8x16x768xf32, #tpu.memory_space<vmem>> -> memref<1x16x768xf32, #tpu.memory_space<vmem>>
    %dma_start3A_910 = tpu.memref_squeeze %dma_start3A_909 : memref<1x16x768xf32, #tpu.memory_space<vmem>> -> memref<16x768xf32, #tpu.memory_space<vmem>>
    %dma_start3A_911 = arith.constant 304 : i32
    %dma_start3A_912 = tpu.memref_slice %arg5[%dma_start3A_911] : memref<512xi32, #tpu.memory_space<vmem>> -> memref<16xi32, #tpu.memory_space<vmem>>
    %dma_start3A_913 = arith.constant 0 : i32
    %dma_start3A_914 = arith.constant 0 : i32
    %dma_start3A_915 = tpu.memref_slice %arg2[%dma_start3A_913, %dma_start3A_914] : memref<1024x768xf32, #tpu.memory_space<hbm>> -> memref<1024x768xf32, #tpu.memory_space<hbm>>
    %dma_start3A_916 = tpu.memref_slice %arg7[%dma_start3A_906] : memref<8x!tpu.dma_semaphore, #tpu.memory_space<semaphore_mem>> -> memref<1x!tpu.dma_semaphore, #tpu.memory_space<semaphore_mem>>
    %dma_start3A_917 = tpu.memref_squeeze %dma_start3A_916 : memref<1x!tpu.dma_semaphore, #tpu.memory_space<semaphore_mem>> -> memref<!tpu.dma_semaphore, #tpu.memory_space<semaphore_mem>>
    tpu.enqueue_indirect_dma source(%dma_start3A_915 : memref<1024x768xf32, #tpu.memory_space<hbm>>) target(%dma_start3A_910 : memref<16x768xf32, #tpu.memory_space<vmem>>) offsets(%dma_start3A_912 : memref<16xi32, #tpu.memory_space<vmem>>) semaphore(%dma_start3A_917 : memref<!tpu.dma_semaphore, #tpu.memory_space<semaphore_mem>>)
    %dma_wait3A_918 = arith.constant 7 : i32
    %dma_wait3A_919 = arith.constant 7 : i32
    %dma_wait3A_920 = arith.constant 0 : i32
    %dma_wait3A_921 = arith.constant 0 : i32
    %dma_wait3A_922 = tpu.memref_slice %arg6[%dma_wait3A_918, %dma_wait3A_920, %dma_wait3A_921] : memref<8x16x768xf32, #tpu.memory_space<vmem>> -> memref<1x16x768xf32, #tpu.memory_space<vmem>>
    %dma_wait3A_923 = tpu.memref_squeeze %dma_wait3A_922 : memref<1x16x768xf32, #tpu.memory_space<vmem>> -> memref<16x768xf32, #tpu.memory_space<vmem>>
    %dma_wait3A_924 = arith.constant 240 : i32
    %dma_wait3A_925 = tpu.memref_slice %arg5[%dma_wait3A_924] : memref<512xi32, #tpu.memory_space<vmem>> -> memref<16xi32, #tpu.memory_space<vmem>>
    %dma_wait3A_926 = arith.constant 0 : i32
    %dma_wait3A_927 = arith.constant 0 : i32
    %dma_wait3A_928 = tpu.memref_slice %arg2[%dma_wait3A_926, %dma_wait3A_927] : memref<1024x768xf32, #tpu.memory_space<hbm>> -> memref<1024x768xf32, #tpu.memory_space<hbm>>
    %dma_wait3A_929 = tpu.memref_slice %arg7[%dma_wait3A_919] : memref<8x!tpu.dma_semaphore, #tpu.memory_space<semaphore_mem>> -> memref<1x!tpu.dma_semaphore, #tpu.memory_space<semaphore_mem>>
    %dma_wait3A_930 = tpu.memref_squeeze %dma_wait3A_929 : memref<1x!tpu.dma_semaphore, #tpu.memory_space<semaphore_mem>> -> memref<!tpu.dma_semaphore, #tpu.memory_space<semaphore_mem>>
    tpu.wait_indirect_dma semaphore(%dma_wait3A_930 : memref<!tpu.dma_semaphore, #tpu.memory_space<semaphore_mem>>) src(%dma_wait3A_928 : memref<1024x768xf32, #tpu.memory_space<hbm>>) dst(%dma_wait3A_923 : memref<16x768xf32, #tpu.memory_space<vmem>>)
    %add3A_931 = arith.constant 240 : i32
    %add3A_932 = arith.addi %mul3A_2, %add3A_931 : i32
    %dma_start3A_933 = arith.constant 7 : i32
    %dma_start3A_934 = arith.constant 7 : i32
    %dma_start3A_935 = arith.constant 0 : i32
    %dma_start3A_936 = arith.constant 0 : i32
    %dma_start3A_937 = tpu.memref_slice %arg6[%dma_start3A_933, %dma_start3A_935, %dma_start3A_936] : memref<8x16x768xf32, #tpu.memory_space<vmem>> -> memref<1x16x768xf32, #tpu.memory_space<vmem>>
    %dma_start3A_938 = tpu.memref_squeeze %dma_start3A_937 : memref<1x16x768xf32, #tpu.memory_space<vmem>> -> memref<16x768xf32, #tpu.memory_space<vmem>>
    %dma_start3A_939 = arith.constant 0 : i32
    %dma_start3A_940 = tpu.memref_slice %arg4[%add3A_932, %dma_start3A_939] : memref<16384x768xf32, #tpu.memory_space<hbm>> -> memref<16x768xf32, #tpu.memory_space<hbm>>
    %dma_start3A_941 = tpu.memref_slice %arg8[%dma_start3A_934] : memref<8x!tpu.dma_semaphore, #tpu.memory_space<semaphore_mem>> -> memref<1x!tpu.dma_semaphore, #tpu.memory_space<semaphore_mem>>
    %dma_start3A_942 = tpu.memref_squeeze %dma_start3A_941 : memref<1x!tpu.dma_semaphore, #tpu.memory_space<semaphore_mem>> -> memref<!tpu.dma_semaphore, #tpu.memory_space<semaphore_mem>>
    %dma_start3A_943 = arith.constant 0 : i32
    %dma_start3A_944 = tpu.memref_slice %arg4[%add3A_932, %dma_start3A_943] : memref<16384x768xf32, #tpu.memory_space<hbm>> -> memref<16x768xf32, #tpu.memory_space<hbm>>
    %dma_start3A_945 = arith.constant 0 : i32
    %dma_start3A_946 = arith.constant 0 : i32
    %dma_start3A_947 = tpu.memref_slice %arg6[%dma_start3A_933, %dma_start3A_945, %dma_start3A_946] : memref<8x16x768xf32, #tpu.memory_space<vmem>> -> memref<1x16x768xf32, #tpu.memory_space<vmem>>
    %dma_start3A_948 = tpu.memref_squeeze %dma_start3A_947 : memref<1x16x768xf32, #tpu.memory_space<vmem>> -> memref<16x768xf32, #tpu.memory_space<vmem>>
    tpu.enqueue_dma source(%dma_start3A_948 : memref<16x768xf32, #tpu.memory_space<vmem>>) target(%dma_start3A_944 : memref<16x768xf32, #tpu.memory_space<hbm>>) target_semaphore(%dma_start3A_942 : memref<!tpu.dma_semaphore, #tpu.memory_space<semaphore_mem>>)
    %dma_wait3A_949 = arith.constant 4 : i32
    %dma_wait3A_950 = arith.constant 4 : i32
    %dma_wait3A_951 = arith.constant 0 : i32
    %dma_wait3A_952 = arith.constant 0 : i32
    %dma_wait3A_953 = tpu.memref_slice %arg6[%dma_wait3A_949, %dma_wait3A_951, %dma_wait3A_952] : memref<8x16x768xf32, #tpu.memory_space<vmem>> -> memref<1x16x768xf32, #tpu.memory_space<vmem>>
    %dma_wait3A_954 = tpu.memref_squeeze %dma_wait3A_953 : memref<1x16x768xf32, #tpu.memory_space<vmem>> -> memref<16x768xf32, #tpu.memory_space<vmem>>
    %dma_wait3A_955 = arith.constant 0 : i32
    %dma_wait3A_956 = tpu.memref_slice %arg4[%add3A_752, %dma_wait3A_955] : memref<16384x768xf32, #tpu.memory_space<hbm>> -> memref<16x768xf32, #tpu.memory_space<hbm>>
    %dma_wait3A_957 = tpu.memref_slice %arg8[%dma_wait3A_950] : memref<8x!tpu.dma_semaphore, #tpu.memory_space<semaphore_mem>> -> memref<1x!tpu.dma_semaphore, #tpu.memory_space<semaphore_mem>>
    %dma_wait3A_958 = tpu.memref_squeeze %dma_wait3A_957 : memref<1x!tpu.dma_semaphore, #tpu.memory_space<semaphore_mem>> -> memref<!tpu.dma_semaphore, #tpu.memory_space<semaphore_mem>>
    %dma_wait3A_959 = arith.constant 0 : i32
    %dma_wait3A_960 = tpu.memref_slice %arg4[%add3A_752, %dma_wait3A_959] : memref<16384x768xf32, #tpu.memory_space<hbm>> -> memref<16x768xf32, #tpu.memory_space<hbm>>
    %dma_wait3A_961 = arith.constant 0 : i32
    %dma_wait3A_962 = arith.constant 0 : i32
    %dma_wait3A_963 = tpu.memref_slice %arg6[%dma_wait3A_949, %dma_wait3A_961, %dma_wait3A_962] : memref<8x16x768xf32, #tpu.memory_space<vmem>> -> memref<1x16x768xf32, #tpu.memory_space<vmem>>
    %dma_wait3A_964 = tpu.memref_squeeze %dma_wait3A_963 : memref<1x16x768xf32, #tpu.memory_space<vmem>> -> memref<16x768xf32, #tpu.memory_space<vmem>>
    tpu.wait_dma2 semaphore(%dma_wait3A_958 : memref<!tpu.dma_semaphore, #tpu.memory_space<semaphore_mem>>) src(%dma_wait3A_964 : memref<16x768xf32, #tpu.memory_space<vmem>>) dst(%dma_wait3A_960 : memref<16x768xf32, #tpu.memory_space<hbm>>)
    %dma_start3A_965 = arith.constant 4 : i32
    %dma_start3A_966 = arith.constant 4 : i32
    %dma_start3A_967 = arith.constant 0 : i32
    %dma_start3A_968 = arith.constant 0 : i32
    %dma_start3A_969 = tpu.memref_slice %arg6[%dma_start3A_965, %dma_start3A_967, %dma_start3A_968] : memref<8x16x768xf32, #tpu.memory_space<vmem>> -> memref<1x16x768xf32, #tpu.memory_space<vmem>>
    %dma_start3A_970 = tpu.memref_squeeze %dma_start3A_969 : memref<1x16x768xf32, #tpu.memory_space<vmem>> -> memref<16x768xf32, #tpu.memory_space<vmem>>
    %dma_start3A_971 = arith.constant 320 : i32
    %dma_start3A_972 = tpu.memref_slice %arg5[%dma_start3A_971] : memref<512xi32, #tpu.memory_space<vmem>> -> memref<16xi32, #tpu.memory_space<vmem>>
    %dma_start3A_973 = arith.constant 0 : i32
    %dma_start3A_974 = arith.constant 0 : i32
    %dma_start3A_975 = tpu.memref_slice %arg2[%dma_start3A_973, %dma_start3A_974] : memref<1024x768xf32, #tpu.memory_space<hbm>> -> memref<1024x768xf32, #tpu.memory_space<hbm>>
    %dma_start3A_976 = tpu.memref_slice %arg7[%dma_start3A_966] : memref<8x!tpu.dma_semaphore, #tpu.memory_space<semaphore_mem>> -> memref<1x!tpu.dma_semaphore, #tpu.memory_space<semaphore_mem>>
    %dma_start3A_977 = tpu.memref_squeeze %dma_start3A_976 : memref<1x!tpu.dma_semaphore, #tpu.memory_space<semaphore_mem>> -> memref<!tpu.dma_semaphore, #tpu.memory_space<semaphore_mem>>
    tpu.enqueue_indirect_dma source(%dma_start3A_975 : memref<1024x768xf32, #tpu.memory_space<hbm>>) target(%dma_start3A_970 : memref<16x768xf32, #tpu.memory_space<vmem>>) offsets(%dma_start3A_972 : memref<16xi32, #tpu.memory_space<vmem>>) semaphore(%dma_start3A_977 : memref<!tpu.dma_semaphore, #tpu.memory_space<semaphore_mem>>)
    %dma_wait3A_978 = arith.constant 0 : i32
    %dma_wait3A_979 = arith.constant 0 : i32
    %dma_wait3A_980 = arith.constant 0 : i32
    %dma_wait3A_981 = arith.constant 0 : i32
    %dma_wait3A_982 = tpu.memref_slice %arg6[%dma_wait3A_978, %dma_wait3A_980, %dma_wait3A_981] : memref<8x16x768xf32, #tpu.memory_space<vmem>> -> memref<1x16x768xf32, #tpu.memory_space<vmem>>
    %dma_wait3A_983 = tpu.memref_squeeze %dma_wait3A_982 : memref<1x16x768xf32, #tpu.memory_space<vmem>> -> memref<16x768xf32, #tpu.memory_space<vmem>>
    %dma_wait3A_984 = arith.constant 256 : i32
    %dma_wait3A_985 = tpu.memref_slice %arg5[%dma_wait3A_984] : memref<512xi32, #tpu.memory_space<vmem>> -> memref<16xi32, #tpu.memory_space<vmem>>
    %dma_wait3A_986 = arith.constant 0 : i32
    %dma_wait3A_987 = arith.constant 0 : i32
    %dma_wait3A_988 = tpu.memref_slice %arg2[%dma_wait3A_986, %dma_wait3A_987] : memref<1024x768xf32, #tpu.memory_space<hbm>> -> memref<1024x768xf32, #tpu.memory_space<hbm>>
    %dma_wait3A_989 = tpu.memref_slice %arg7[%dma_wait3A_979] : memref<8x!tpu.dma_semaphore, #tpu.memory_space<semaphore_mem>> -> memref<1x!tpu.dma_semaphore, #tpu.memory_space<semaphore_mem>>
    %dma_wait3A_990 = tpu.memref_squeeze %dma_wait3A_989 : memref<1x!tpu.dma_semaphore, #tpu.memory_space<semaphore_mem>> -> memref<!tpu.dma_semaphore, #tpu.memory_space<semaphore_mem>>
    tpu.wait_indirect_dma semaphore(%dma_wait3A_990 : memref<!tpu.dma_semaphore, #tpu.memory_space<semaphore_mem>>) src(%dma_wait3A_988 : memref<1024x768xf32, #tpu.memory_space<hbm>>) dst(%dma_wait3A_983 : memref<16x768xf32, #tpu.memory_space<vmem>>)
    %add3A_991 = arith.constant 256 : i32
    %add3A_992 = arith.addi %mul3A_2, %add3A_991 : i32
    %dma_start3A_993 = arith.constant 0 : i32
    %dma_start3A_994 = arith.constant 0 : i32
    %dma_start3A_995 = arith.constant 0 : i32
    %dma_start3A_996 = arith.constant 0 : i32
    %dma_start3A_997 = tpu.memref_slice %arg6[%dma_start3A_993, %dma_start3A_995, %dma_start3A_996] : memref<8x16x768xf32, #tpu.memory_space<vmem>> -> memref<1x16x768xf32, #tpu.memory_space<vmem>>
    %dma_start3A_998 = tpu.memref_squeeze %dma_start3A_997 : memref<1x16x768xf32, #tpu.memory_space<vmem>> -> memref<16x768xf32, #tpu.memory_space<vmem>>
    %dma_start3A_999 = arith.constant 0 : i32
    %dma_start3A_1000 = tpu.memref_slice %arg4[%add3A_992, %dma_start3A_999] : memref<16384x768xf32, #tpu.memory_space<hbm>> -> memref<16x768xf32, #tpu.memory_space<hbm>>
    %dma_start3A_1001 = tpu.memref_slice %arg8[%dma_start3A_994] : memref<8x!tpu.dma_semaphore, #tpu.memory_space<semaphore_mem>> -> memref<1x!tpu.dma_semaphore, #tpu.memory_space<semaphore_mem>>
    %dma_start3A_1002 = tpu.memref_squeeze %dma_start3A_1001 : memref<1x!tpu.dma_semaphore, #tpu.memory_space<semaphore_mem>> -> memref<!tpu.dma_semaphore, #tpu.memory_space<semaphore_mem>>
    %dma_start3A_1003 = arith.constant 0 : i32
    %dma_start3A_1004 = tpu.memref_slice %arg4[%add3A_992, %dma_start3A_1003] : memref<16384x768xf32, #tpu.memory_space<hbm>> -> memref<16x768xf32, #tpu.memory_space<hbm>>
    %dma_start3A_1005 = arith.constant 0 : i32
    %dma_start3A_1006 = arith.constant 0 : i32
    %dma_start3A_1007 = tpu.memref_slice %arg6[%dma_start3A_993, %dma_start3A_1005, %dma_start3A_1006] : memref<8x16x768xf32, #tpu.memory_space<vmem>> -> memref<1x16x768xf32, #tpu.memory_space<vmem>>
    %dma_start3A_1008 = tpu.memref_squeeze %dma_start3A_1007 : memref<1x16x768xf32, #tpu.memory_space<vmem>> -> memref<16x768xf32, #tpu.memory_space<vmem>>
    tpu.enqueue_dma source(%dma_start3A_1008 : memref<16x768xf32, #tpu.memory_space<vmem>>) target(%dma_start3A_1004 : memref<16x768xf32, #tpu.memory_space<hbm>>) target_semaphore(%dma_start3A_1002 : memref<!tpu.dma_semaphore, #tpu.memory_space<semaphore_mem>>)
    %dma_wait3A_1009 = arith.constant 5 : i32
    %dma_wait3A_1010 = arith.constant 5 : i32
    %dma_wait3A_1011 = arith.constant 0 : i32
    %dma_wait3A_1012 = arith.constant 0 : i32
    %dma_wait3A_1013 = tpu.memref_slice %arg6[%dma_wait3A_1009, %dma_wait3A_1011, %dma_wait3A_1012] : memref<8x16x768xf32, #tpu.memory_space<vmem>> -> memref<1x16x768xf32, #tpu.memory_space<vmem>>
    %dma_wait3A_1014 = tpu.memref_squeeze %dma_wait3A_1013 : memref<1x16x768xf32, #tpu.memory_space<vmem>> -> memref<16x768xf32, #tpu.memory_space<vmem>>
    %dma_wait3A_1015 = arith.constant 0 : i32
    %dma_wait3A_1016 = tpu.memref_slice %arg4[%add3A_812, %dma_wait3A_1015] : memref<16384x768xf32, #tpu.memory_space<hbm>> -> memref<16x768xf32, #tpu.memory_space<hbm>>
    %dma_wait3A_1017 = tpu.memref_slice %arg8[%dma_wait3A_1010] : memref<8x!tpu.dma_semaphore, #tpu.memory_space<semaphore_mem>> -> memref<1x!tpu.dma_semaphore, #tpu.memory_space<semaphore_mem>>
    %dma_wait3A_1018 = tpu.memref_squeeze %dma_wait3A_1017 : memref<1x!tpu.dma_semaphore, #tpu.memory_space<semaphore_mem>> -> memref<!tpu.dma_semaphore, #tpu.memory_space<semaphore_mem>>
    %dma_wait3A_1019 = arith.constant 0 : i32
    %dma_wait3A_1020 = tpu.memref_slice %arg4[%add3A_812, %dma_wait3A_1019] : memref<16384x768xf32, #tpu.memory_space<hbm>> -> memref<16x768xf32, #tpu.memory_space<hbm>>
    %dma_wait3A_1021 = arith.constant 0 : i32
    %dma_wait3A_1022 = arith.constant 0 : i32
    %dma_wait3A_1023 = tpu.memref_slice %arg6[%dma_wait3A_1009, %dma_wait3A_1021, %dma_wait3A_1022] : memref<8x16x768xf32, #tpu.memory_space<vmem>> -> memref<1x16x768xf32, #tpu.memory_space<vmem>>
    %dma_wait3A_1024 = tpu.memref_squeeze %dma_wait3A_1023 : memref<1x16x768xf32, #tpu.memory_space<vmem>> -> memref<16x768xf32, #tpu.memory_space<vmem>>
    tpu.wait_dma2 semaphore(%dma_wait3A_1018 : memref<!tpu.dma_semaphore, #tpu.memory_space<semaphore_mem>>) src(%dma_wait3A_1024 : memref<16x768xf32, #tpu.memory_space<vmem>>) dst(%dma_wait3A_1020 : memref<16x768xf32, #tpu.memory_space<hbm>>)
    %dma_start3A_1025 = arith.constant 5 : i32
    %dma_start3A_1026 = arith.constant 5 : i32
    %dma_start3A_1027 = arith.constant 0 : i32
    %dma_start3A_1028 = arith.constant 0 : i32
    %dma_start3A_1029 = tpu.memref_slice %arg6[%dma_start3A_1025, %dma_start3A_1027, %dma_start3A_1028] : memref<8x16x768xf32, #tpu.memory_space<vmem>> -> memref<1x16x768xf32, #tpu.memory_space<vmem>>
    %dma_start3A_1030 = tpu.memref_squeeze %dma_start3A_1029 : memref<1x16x768xf32, #tpu.memory_space<vmem>> -> memref<16x768xf32, #tpu.memory_space<vmem>>
    %dma_start3A_1031 = arith.constant 336 : i32
    %dma_start3A_1032 = tpu.memref_slice %arg5[%dma_start3A_1031] : memref<512xi32, #tpu.memory_space<vmem>> -> memref<16xi32, #tpu.memory_space<vmem>>
    %dma_start3A_1033 = arith.constant 0 : i32
    %dma_start3A_1034 = arith.constant 0 : i32
    %dma_start3A_1035 = tpu.memref_slice %arg2[%dma_start3A_1033, %dma_start3A_1034] : memref<1024x768xf32, #tpu.memory_space<hbm>> -> memref<1024x768xf32, #tpu.memory_space<hbm>>
    %dma_start3A_1036 = tpu.memref_slice %arg7[%dma_start3A_1026] : memref<8x!tpu.dma_semaphore, #tpu.memory_space<semaphore_mem>> -> memref<1x!tpu.dma_semaphore, #tpu.memory_space<semaphore_mem>>
    %dma_start3A_1037 = tpu.memref_squeeze %dma_start3A_1036 : memref<1x!tpu.dma_semaphore, #tpu.memory_space<semaphore_mem>> -> memref<!tpu.dma_semaphore, #tpu.memory_space<semaphore_mem>>
    tpu.enqueue_indirect_dma source(%dma_start3A_1035 : memref<1024x768xf32, #tpu.memory_space<hbm>>) target(%dma_start3A_1030 : memref<16x768xf32, #tpu.memory_space<vmem>>) offsets(%dma_start3A_1032 : memref<16xi32, #tpu.memory_space<vmem>>) semaphore(%dma_start3A_1037 : memref<!tpu.dma_semaphore, #tpu.memory_space<semaphore_mem>>)
    %dma_wait3A_1038 = arith.constant 1 : i32
    %dma_wait3A_1039 = arith.constant 1 : i32
    %dma_wait3A_1040 = arith.constant 0 : i32
    %dma_wait3A_1041 = arith.constant 0 : i32
    %dma_wait3A_1042 = tpu.memref_slice %arg6[%dma_wait3A_1038, %dma_wait3A_1040, %dma_wait3A_1041] : memref<8x16x768xf32, #tpu.memory_space<vmem>> -> memref<1x16x768xf32, #tpu.memory_space<vmem>>
    %dma_wait3A_1043 = tpu.memref_squeeze %dma_wait3A_1042 : memref<1x16x768xf32, #tpu.memory_space<vmem>> -> memref<16x768xf32, #tpu.memory_space<vmem>>
    %dma_wait3A_1044 = arith.constant 272 : i32
    %dma_wait3A_1045 = tpu.memref_slice %arg5[%dma_wait3A_1044] : memref<512xi32, #tpu.memory_space<vmem>> -> memref<16xi32, #tpu.memory_space<vmem>>
    %dma_wait3A_1046 = arith.constant 0 : i32
    %dma_wait3A_1047 = arith.constant 0 : i32
    %dma_wait3A_1048 = tpu.memref_slice %arg2[%dma_wait3A_1046, %dma_wait3A_1047] : memref<1024x768xf32, #tpu.memory_space<hbm>> -> memref<1024x768xf32, #tpu.memory_space<hbm>>
    %dma_wait3A_1049 = tpu.memref_slice %arg7[%dma_wait3A_1039] : memref<8x!tpu.dma_semaphore, #tpu.memory_space<semaphore_mem>> -> memref<1x!tpu.dma_semaphore, #tpu.memory_space<semaphore_mem>>
    %dma_wait3A_1050 = tpu.memref_squeeze %dma_wait3A_1049 : memref<1x!tpu.dma_semaphore, #tpu.memory_space<semaphore_mem>> -> memref<!tpu.dma_semaphore, #tpu.memory_space<semaphore_mem>>
    tpu.wait_indirect_dma semaphore(%dma_wait3A_1050 : memref<!tpu.dma_semaphore, #tpu.memory_space<semaphore_mem>>) src(%dma_wait3A_1048 : memref<1024x768xf32, #tpu.memory_space<hbm>>) dst(%dma_wait3A_1043 : memref<16x768xf32, #tpu.memory_space<vmem>>)
    %add3A_1051 = arith.constant 272 : i32
    %add3A_1052 = arith.addi %mul3A_2, %add3A_1051 : i32
    %dma_start3A_1053 = arith.constant 1 : i32
    %dma_start3A_1054 = arith.constant 1 : i32
    %dma_start3A_1055 = arith.constant 0 : i32
    %dma_start3A_1056 = arith.constant 0 : i32
    %dma_start3A_1057 = tpu.memref_slice %arg6[%dma_start3A_1053, %dma_start3A_1055, %dma_start3A_1056] : memref<8x16x768xf32, #tpu.memory_space<vmem>> -> memref<1x16x768xf32, #tpu.memory_space<vmem>>
    %dma_start3A_1058 = tpu.memref_squeeze %dma_start3A_1057 : memref<1x16x768xf32, #tpu.memory_space<vmem>> -> memref<16x768xf32, #tpu.memory_space<vmem>>
    %dma_start3A_1059 = arith.constant 0 : i32
    %dma_start3A_1060 = tpu.memref_slice %arg4[%add3A_1052, %dma_start3A_1059] : memref<16384x768xf32, #tpu.memory_space<hbm>> -> memref<16x768xf32, #tpu.memory_space<hbm>>
    %dma_start3A_1061 = tpu.memref_slice %arg8[%dma_start3A_1054] : memref<8x!tpu.dma_semaphore, #tpu.memory_space<semaphore_mem>> -> memref<1x!tpu.dma_semaphore, #tpu.memory_space<semaphore_mem>>
    %dma_start3A_1062 = tpu.memref_squeeze %dma_start3A_1061 : memref<1x!tpu.dma_semaphore, #tpu.memory_space<semaphore_mem>> -> memref<!tpu.dma_semaphore, #tpu.memory_space<semaphore_mem>>
    %dma_start3A_1063 = arith.constant 0 : i32
    %dma_start3A_1064 = tpu.memref_slice %arg4[%add3A_1052, %dma_start3A_1063] : memref<16384x768xf32, #tpu.memory_space<hbm>> -> memref<16x768xf32, #tpu.memory_space<hbm>>
    %dma_start3A_1065 = arith.constant 0 : i32
    %dma_start3A_1066 = arith.constant 0 : i32
    %dma_start3A_1067 = tpu.memref_slice %arg6[%dma_start3A_1053, %dma_start3A_1065, %dma_start3A_1066] : memref<8x16x768xf32, #tpu.memory_space<vmem>> -> memref<1x16x768xf32, #tpu.memory_space<vmem>>
    %dma_start3A_1068 = tpu.memref_squeeze %dma_start3A_1067 : memref<1x16x768xf32, #tpu.memory_space<vmem>> -> memref<16x768xf32, #tpu.memory_space<vmem>>
    tpu.enqueue_dma source(%dma_start3A_1068 : memref<16x768xf32, #tpu.memory_space<vmem>>) target(%dma_start3A_1064 : memref<16x768xf32, #tpu.memory_space<hbm>>) target_semaphore(%dma_start3A_1062 : memref<!tpu.dma_semaphore, #tpu.memory_space<semaphore_mem>>)
    %dma_wait3A_1069 = arith.constant 6 : i32
    %dma_wait3A_1070 = arith.constant 6 : i32
    %dma_wait3A_1071 = arith.constant 0 : i32
    %dma_wait3A_1072 = arith.constant 0 : i32
    %dma_wait3A_1073 = tpu.memref_slice %arg6[%dma_wait3A_1069, %dma_wait3A_1071, %dma_wait3A_1072] : memref<8x16x768xf32, #tpu.memory_space<vmem>> -> memref<1x16x768xf32, #tpu.memory_space<vmem>>
    %dma_wait3A_1074 = tpu.memref_squeeze %dma_wait3A_1073 : memref<1x16x768xf32, #tpu.memory_space<vmem>> -> memref<16x768xf32, #tpu.memory_space<vmem>>
    %dma_wait3A_1075 = arith.constant 0 : i32
    %dma_wait3A_1076 = tpu.memref_slice %arg4[%add3A_872, %dma_wait3A_1075] : memref<16384x768xf32, #tpu.memory_space<hbm>> -> memref<16x768xf32, #tpu.memory_space<hbm>>
    %dma_wait3A_1077 = tpu.memref_slice %arg8[%dma_wait3A_1070] : memref<8x!tpu.dma_semaphore, #tpu.memory_space<semaphore_mem>> -> memref<1x!tpu.dma_semaphore, #tpu.memory_space<semaphore_mem>>
    %dma_wait3A_1078 = tpu.memref_squeeze %dma_wait3A_1077 : memref<1x!tpu.dma_semaphore, #tpu.memory_space<semaphore_mem>> -> memref<!tpu.dma_semaphore, #tpu.memory_space<semaphore_mem>>
    %dma_wait3A_1079 = arith.constant 0 : i32
    %dma_wait3A_1080 = tpu.memref_slice %arg4[%add3A_872, %dma_wait3A_1079] : memref<16384x768xf32, #tpu.memory_space<hbm>> -> memref<16x768xf32, #tpu.memory_space<hbm>>
    %dma_wait3A_1081 = arith.constant 0 : i32
    %dma_wait3A_1082 = arith.constant 0 : i32
    %dma_wait3A_1083 = tpu.memref_slice %arg6[%dma_wait3A_1069, %dma_wait3A_1081, %dma_wait3A_1082] : memref<8x16x768xf32, #tpu.memory_space<vmem>> -> memref<1x16x768xf32, #tpu.memory_space<vmem>>
    %dma_wait3A_1084 = tpu.memref_squeeze %dma_wait3A_1083 : memref<1x16x768xf32, #tpu.memory_space<vmem>> -> memref<16x768xf32, #tpu.memory_space<vmem>>
    tpu.wait_dma2 semaphore(%dma_wait3A_1078 : memref<!tpu.dma_semaphore, #tpu.memory_space<semaphore_mem>>) src(%dma_wait3A_1084 : memref<16x768xf32, #tpu.memory_space<vmem>>) dst(%dma_wait3A_1080 : memref<16x768xf32, #tpu.memory_space<hbm>>)
    %dma_start3A_1085 = arith.constant 6 : i32
    %dma_start3A_1086 = arith.constant 6 : i32
    %dma_start3A_1087 = arith.constant 0 : i32
    %dma_start3A_1088 = arith.constant 0 : i32
    %dma_start3A_1089 = tpu.memref_slice %arg6[%dma_start3A_1085, %dma_start3A_1087, %dma_start3A_1088] : memref<8x16x768xf32, #tpu.memory_space<vmem>> -> memref<1x16x768xf32, #tpu.memory_space<vmem>>
    %dma_start3A_1090 = tpu.memref_squeeze %dma_start3A_1089 : memref<1x16x768xf32, #tpu.memory_space<vmem>> -> memref<16x768xf32, #tpu.memory_space<vmem>>
    %dma_start3A_1091 = arith.constant 352 : i32
    %dma_start3A_1092 = tpu.memref_slice %arg5[%dma_start3A_1091] : memref<512xi32, #tpu.memory_space<vmem>> -> memref<16xi32, #tpu.memory_space<vmem>>
    %dma_start3A_1093 = arith.constant 0 : i32
    %dma_start3A_1094 = arith.constant 0 : i32
    %dma_start3A_1095 = tpu.memref_slice %arg2[%dma_start3A_1093, %dma_start3A_1094] : memref<1024x768xf32, #tpu.memory_space<hbm>> -> memref<1024x768xf32, #tpu.memory_space<hbm>>
    %dma_start3A_1096 = tpu.memref_slice %arg7[%dma_start3A_1086] : memref<8x!tpu.dma_semaphore, #tpu.memory_space<semaphore_mem>> -> memref<1x!tpu.dma_semaphore, #tpu.memory_space<semaphore_mem>>
    %dma_start3A_1097 = tpu.memref_squeeze %dma_start3A_1096 : memref<1x!tpu.dma_semaphore, #tpu.memory_space<semaphore_mem>> -> memref<!tpu.dma_semaphore, #tpu.memory_space<semaphore_mem>>
    tpu.enqueue_indirect_dma source(%dma_start3A_1095 : memref<1024x768xf32, #tpu.memory_space<hbm>>) target(%dma_start3A_1090 : memref<16x768xf32, #tpu.memory_space<vmem>>) offsets(%dma_start3A_1092 : memref<16xi32, #tpu.memory_space<vmem>>) semaphore(%dma_start3A_1097 : memref<!tpu.dma_semaphore, #tpu.memory_space<semaphore_mem>>)
    %dma_wait3A_1098 = arith.constant 2 : i32
    %dma_wait3A_1099 = arith.constant 2 : i32
    %dma_wait3A_1100 = arith.constant 0 : i32
    %dma_wait3A_1101 = arith.constant 0 : i32
    %dma_wait3A_1102 = tpu.memref_slice %arg6[%dma_wait3A_1098, %dma_wait3A_1100, %dma_wait3A_1101] : memref<8x16x768xf32, #tpu.memory_space<vmem>> -> memref<1x16x768xf32, #tpu.memory_space<vmem>>
    %dma_wait3A_1103 = tpu.memref_squeeze %dma_wait3A_1102 : memref<1x16x768xf32, #tpu.memory_space<vmem>> -> memref<16x768xf32, #tpu.memory_space<vmem>>
    %dma_wait3A_1104 = arith.constant 288 : i32
    %dma_wait3A_1105 = tpu.memref_slice %arg5[%dma_wait3A_1104] : memref<512xi32, #tpu.memory_space<vmem>> -> memref<16xi32, #tpu.memory_space<vmem>>
    %dma_wait3A_1106 = arith.constant 0 : i32
    %dma_wait3A_1107 = arith.constant 0 : i32
    %dma_wait3A_1108 = tpu.memref_slice %arg2[%dma_wait3A_1106, %dma_wait3A_1107] : memref<1024x768xf32, #tpu.memory_space<hbm>> -> memref<1024x768xf32, #tpu.memory_space<hbm>>
    %dma_wait3A_1109 = tpu.memref_slice %arg7[%dma_wait3A_1099] : memref<8x!tpu.dma_semaphore, #tpu.memory_space<semaphore_mem>> -> memref<1x!tpu.dma_semaphore, #tpu.memory_space<semaphore_mem>>
    %dma_wait3A_1110 = tpu.memref_squeeze %dma_wait3A_1109 : memref<1x!tpu.dma_semaphore, #tpu.memory_space<semaphore_mem>> -> memref<!tpu.dma_semaphore, #tpu.memory_space<semaphore_mem>>
    tpu.wait_indirect_dma semaphore(%dma_wait3A_1110 : memref<!tpu.dma_semaphore, #tpu.memory_space<semaphore_mem>>) src(%dma_wait3A_1108 : memref<1024x768xf32, #tpu.memory_space<hbm>>) dst(%dma_wait3A_1103 : memref<16x768xf32, #tpu.memory_space<vmem>>)
    %add3A_1111 = arith.constant 288 : i32
    %add3A_1112 = arith.addi %mul3A_2, %add3A_1111 : i32
    %dma_start3A_1113 = arith.constant 2 : i32
    %dma_start3A_1114 = arith.constant 2 : i32
    %dma_start3A_1115 = arith.constant 0 : i32
    %dma_start3A_1116 = arith.constant 0 : i32
    %dma_start3A_1117 = tpu.memref_slice %arg6[%dma_start3A_1113, %dma_start3A_1115, %dma_start3A_1116] : memref<8x16x768xf32, #tpu.memory_space<vmem>> -> memref<1x16x768xf32, #tpu.memory_space<vmem>>
    %dma_start3A_1118 = tpu.memref_squeeze %dma_start3A_1117 : memref<1x16x768xf32, #tpu.memory_space<vmem>> -> memref<16x768xf32, #tpu.memory_space<vmem>>
    %dma_start3A_1119 = arith.constant 0 : i32
    %dma_start3A_1120 = tpu.memref_slice %arg4[%add3A_1112, %dma_start3A_1119] : memref<16384x768xf32, #tpu.memory_space<hbm>> -> memref<16x768xf32, #tpu.memory_space<hbm>>
    %dma_start3A_1121 = tpu.memref_slice %arg8[%dma_start3A_1114] : memref<8x!tpu.dma_semaphore, #tpu.memory_space<semaphore_mem>> -> memref<1x!tpu.dma_semaphore, #tpu.memory_space<semaphore_mem>>
    %dma_start3A_1122 = tpu.memref_squeeze %dma_start3A_1121 : memref<1x!tpu.dma_semaphore, #tpu.memory_space<semaphore_mem>> -> memref<!tpu.dma_semaphore, #tpu.memory_space<semaphore_mem>>
    %dma_start3A_1123 = arith.constant 0 : i32
    %dma_start3A_1124 = tpu.memref_slice %arg4[%add3A_1112, %dma_start3A_1123] : memref<16384x768xf32, #tpu.memory_space<hbm>> -> memref<16x768xf32, #tpu.memory_space<hbm>>
    %dma_start3A_1125 = arith.constant 0 : i32
    %dma_start3A_1126 = arith.constant 0 : i32
    %dma_start3A_1127 = tpu.memref_slice %arg6[%dma_start3A_1113, %dma_start3A_1125, %dma_start3A_1126] : memref<8x16x768xf32, #tpu.memory_space<vmem>> -> memref<1x16x768xf32, #tpu.memory_space<vmem>>
    %dma_start3A_1128 = tpu.memref_squeeze %dma_start3A_1127 : memref<1x16x768xf32, #tpu.memory_space<vmem>> -> memref<16x768xf32, #tpu.memory_space<vmem>>
    tpu.enqueue_dma source(%dma_start3A_1128 : memref<16x768xf32, #tpu.memory_space<vmem>>) target(%dma_start3A_1124 : memref<16x768xf32, #tpu.memory_space<hbm>>) target_semaphore(%dma_start3A_1122 : memref<!tpu.dma_semaphore, #tpu.memory_space<semaphore_mem>>)
    %dma_wait3A_1129 = arith.constant 7 : i32
    %dma_wait3A_1130 = arith.constant 7 : i32
    %dma_wait3A_1131 = arith.constant 0 : i32
    %dma_wait3A_1132 = arith.constant 0 : i32
    %dma_wait3A_1133 = tpu.memref_slice %arg6[%dma_wait3A_1129, %dma_wait3A_1131, %dma_wait3A_1132] : memref<8x16x768xf32, #tpu.memory_space<vmem>> -> memref<1x16x768xf32, #tpu.memory_space<vmem>>
    %dma_wait3A_1134 = tpu.memref_squeeze %dma_wait3A_1133 : memref<1x16x768xf32, #tpu.memory_space<vmem>> -> memref<16x768xf32, #tpu.memory_space<vmem>>
    %dma_wait3A_1135 = arith.constant 0 : i32
    %dma_wait3A_1136 = tpu.memref_slice %arg4[%add3A_932, %dma_wait3A_1135] : memref<16384x768xf32, #tpu.memory_space<hbm>> -> memref<16x768xf32, #tpu.memory_space<hbm>>
    %dma_wait3A_1137 = tpu.memref_slice %arg8[%dma_wait3A_1130] : memref<8x!tpu.dma_semaphore, #tpu.memory_space<semaphore_mem>> -> memref<1x!tpu.dma_semaphore, #tpu.memory_space<semaphore_mem>>
    %dma_wait3A_1138 = tpu.memref_squeeze %dma_wait3A_1137 : memref<1x!tpu.dma_semaphore, #tpu.memory_space<semaphore_mem>> -> memref<!tpu.dma_semaphore, #tpu.memory_space<semaphore_mem>>
    %dma_wait3A_1139 = arith.constant 0 : i32
    %dma_wait3A_1140 = tpu.memref_slice %arg4[%add3A_932, %dma_wait3A_1139] : memref<16384x768xf32, #tpu.memory_space<hbm>> -> memref<16x768xf32, #tpu.memory_space<hbm>>
    %dma_wait3A_1141 = arith.constant 0 : i32
    %dma_wait3A_1142 = arith.constant 0 : i32
    %dma_wait3A_1143 = tpu.memref_slice %arg6[%dma_wait3A_1129, %dma_wait3A_1141, %dma_wait3A_1142] : memref<8x16x768xf32, #tpu.memory_space<vmem>> -> memref<1x16x768xf32, #tpu.memory_space<vmem>>
    %dma_wait3A_1144 = tpu.memref_squeeze %dma_wait3A_1143 : memref<1x16x768xf32, #tpu.memory_space<vmem>> -> memref<16x768xf32, #tpu.memory_space<vmem>>
    tpu.wait_dma2 semaphore(%dma_wait3A_1138 : memref<!tpu.dma_semaphore, #tpu.memory_space<semaphore_mem>>) src(%dma_wait3A_1144 : memref<16x768xf32, #tpu.memory_space<vmem>>) dst(%dma_wait3A_1140 : memref<16x768xf32, #tpu.memory_space<hbm>>)
    %dma_start3A_1145 = arith.constant 7 : i32
    %dma_start3A_1146 = arith.constant 7 : i32
    %dma_start3A_1147 = arith.constant 0 : i32
    %dma_start3A_1148 = arith.constant 0 : i32
    %dma_start3A_1149 = tpu.memref_slice %arg6[%dma_start3A_1145, %dma_start3A_1147, %dma_start3A_1148] : memref<8x16x768xf32, #tpu.memory_space<vmem>> -> memref<1x16x768xf32, #tpu.memory_space<vmem>>
    %dma_start3A_1150 = tpu.memref_squeeze %dma_start3A_1149 : memref<1x16x768xf32, #tpu.memory_space<vmem>> -> memref<16x768xf32, #tpu.memory_space<vmem>>
    %dma_start3A_1151 = arith.constant 368 : i32
    %dma_start3A_1152 = tpu.memref_slice %arg5[%dma_start3A_1151] : memref<512xi32, #tpu.memory_space<vmem>> -> memref<16xi32, #tpu.memory_space<vmem>>
    %dma_start3A_1153 = arith.constant 0 : i32
    %dma_start3A_1154 = arith.constant 0 : i32
    %dma_start3A_1155 = tpu.memref_slice %arg2[%dma_start3A_1153, %dma_start3A_1154] : memref<1024x768xf32, #tpu.memory_space<hbm>> -> memref<1024x768xf32, #tpu.memory_space<hbm>>
    %dma_start3A_1156 = tpu.memref_slice %arg7[%dma_start3A_1146] : memref<8x!tpu.dma_semaphore, #tpu.memory_space<semaphore_mem>> -> memref<1x!tpu.dma_semaphore, #tpu.memory_space<semaphore_mem>>
    %dma_start3A_1157 = tpu.memref_squeeze %dma_start3A_1156 : memref<1x!tpu.dma_semaphore, #tpu.memory_space<semaphore_mem>> -> memref<!tpu.dma_semaphore, #tpu.memory_space<semaphore_mem>>
    tpu.enqueue_indirect_dma source(%dma_start3A_1155 : memref<1024x768xf32, #tpu.memory_space<hbm>>) target(%dma_start3A_1150 : memref<16x768xf32, #tpu.memory_space<vmem>>) offsets(%dma_start3A_1152 : memref<16xi32, #tpu.memory_space<vmem>>) semaphore(%dma_start3A_1157 : memref<!tpu.dma_semaphore, #tpu.memory_space<semaphore_mem>>)
    %dma_wait3A_1158 = arith.constant 3 : i32
    %dma_wait3A_1159 = arith.constant 3 : i32
    %dma_wait3A_1160 = arith.constant 0 : i32
    %dma_wait3A_1161 = arith.constant 0 : i32
    %dma_wait3A_1162 = tpu.memref_slice %arg6[%dma_wait3A_1158, %dma_wait3A_1160, %dma_wait3A_1161] : memref<8x16x768xf32, #tpu.memory_space<vmem>> -> memref<1x16x768xf32, #tpu.memory_space<vmem>>
    %dma_wait3A_1163 = tpu.memref_squeeze %dma_wait3A_1162 : memref<1x16x768xf32, #tpu.memory_space<vmem>> -> memref<16x768xf32, #tpu.memory_space<vmem>>
    %dma_wait3A_1164 = arith.constant 304 : i32
    %dma_wait3A_1165 = tpu.memref_slice %arg5[%dma_wait3A_1164] : memref<512xi32, #tpu.memory_space<vmem>> -> memref<16xi32, #tpu.memory_space<vmem>>
    %dma_wait3A_1166 = arith.constant 0 : i32
    %dma_wait3A_1167 = arith.constant 0 : i32
    %dma_wait3A_1168 = tpu.memref_slice %arg2[%dma_wait3A_1166, %dma_wait3A_1167] : memref<1024x768xf32, #tpu.memory_space<hbm>> -> memref<1024x768xf32, #tpu.memory_space<hbm>>
    %dma_wait3A_1169 = tpu.memref_slice %arg7[%dma_wait3A_1159] : memref<8x!tpu.dma_semaphore, #tpu.memory_space<semaphore_mem>> -> memref<1x!tpu.dma_semaphore, #tpu.memory_space<semaphore_mem>>
    %dma_wait3A_1170 = tpu.memref_squeeze %dma_wait3A_1169 : memref<1x!tpu.dma_semaphore, #tpu.memory_space<semaphore_mem>> -> memref<!tpu.dma_semaphore, #tpu.memory_space<semaphore_mem>>
    tpu.wait_indirect_dma semaphore(%dma_wait3A_1170 : memref<!tpu.dma_semaphore, #tpu.memory_space<semaphore_mem>>) src(%dma_wait3A_1168 : memref<1024x768xf32, #tpu.memory_space<hbm>>) dst(%dma_wait3A_1163 : memref<16x768xf32, #tpu.memory_space<vmem>>)
    %add3A_1171 = arith.constant 304 : i32
    %add3A_1172 = arith.addi %mul3A_2, %add3A_1171 : i32
    %dma_start3A_1173 = arith.constant 3 : i32
    %dma_start3A_1174 = arith.constant 3 : i32
    %dma_start3A_1175 = arith.constant 0 : i32
    %dma_start3A_1176 = arith.constant 0 : i32
    %dma_start3A_1177 = tpu.memref_slice %arg6[%dma_start3A_1173, %dma_start3A_1175, %dma_start3A_1176] : memref<8x16x768xf32, #tpu.memory_space<vmem>> -> memref<1x16x768xf32, #tpu.memory_space<vmem>>
    %dma_start3A_1178 = tpu.memref_squeeze %dma_start3A_1177 : memref<1x16x768xf32, #tpu.memory_space<vmem>> -> memref<16x768xf32, #tpu.memory_space<vmem>>
    %dma_start3A_1179 = arith.constant 0 : i32
    %dma_start3A_1180 = tpu.memref_slice %arg4[%add3A_1172, %dma_start3A_1179] : memref<16384x768xf32, #tpu.memory_space<hbm>> -> memref<16x768xf32, #tpu.memory_space<hbm>>
    %dma_start3A_1181 = tpu.memref_slice %arg8[%dma_start3A_1174] : memref<8x!tpu.dma_semaphore, #tpu.memory_space<semaphore_mem>> -> memref<1x!tpu.dma_semaphore, #tpu.memory_space<semaphore_mem>>
    %dma_start3A_1182 = tpu.memref_squeeze %dma_start3A_1181 : memref<1x!tpu.dma_semaphore, #tpu.memory_space<semaphore_mem>> -> memref<!tpu.dma_semaphore, #tpu.memory_space<semaphore_mem>>
    %dma_start3A_1183 = arith.constant 0 : i32
    %dma_start3A_1184 = tpu.memref_slice %arg4[%add3A_1172, %dma_start3A_1183] : memref<16384x768xf32, #tpu.memory_space<hbm>> -> memref<16x768xf32, #tpu.memory_space<hbm>>
    %dma_start3A_1185 = arith.constant 0 : i32
    %dma_start3A_1186 = arith.constant 0 : i32
    %dma_start3A_1187 = tpu.memref_slice %arg6[%dma_start3A_1173, %dma_start3A_1185, %dma_start3A_1186] : memref<8x16x768xf32, #tpu.memory_space<vmem>> -> memref<1x16x768xf32, #tpu.memory_space<vmem>>
    %dma_start3A_1188 = tpu.memref_squeeze %dma_start3A_1187 : memref<1x16x768xf32, #tpu.memory_space<vmem>> -> memref<16x768xf32, #tpu.memory_space<vmem>>
    tpu.enqueue_dma source(%dma_start3A_1188 : memref<16x768xf32, #tpu.memory_space<vmem>>) target(%dma_start3A_1184 : memref<16x768xf32, #tpu.memory_space<hbm>>) target_semaphore(%dma_start3A_1182 : memref<!tpu.dma_semaphore, #tpu.memory_space<semaphore_mem>>)
    %dma_wait3A_1189 = arith.constant 0 : i32
    %dma_wait3A_1190 = arith.constant 0 : i32
    %dma_wait3A_1191 = arith.constant 0 : i32
    %dma_wait3A_1192 = arith.constant 0 : i32
    %dma_wait3A_1193 = tpu.memref_slice %arg6[%dma_wait3A_1189, %dma_wait3A_1191, %dma_wait3A_1192] : memref<8x16x768xf32, #tpu.memory_space<vmem>> -> memref<1x16x768xf32, #tpu.memory_space<vmem>>
    %dma_wait3A_1194 = tpu.memref_squeeze %dma_wait3A_1193 : memref<1x16x768xf32, #tpu.memory_space<vmem>> -> memref<16x768xf32, #tpu.memory_space<vmem>>
    %dma_wait3A_1195 = arith.constant 0 : i32
    %dma_wait3A_1196 = tpu.memref_slice %arg4[%add3A_992, %dma_wait3A_1195] : memref<16384x768xf32, #tpu.memory_space<hbm>> -> memref<16x768xf32, #tpu.memory_space<hbm>>
    %dma_wait3A_1197 = tpu.memref_slice %arg8[%dma_wait3A_1190] : memref<8x!tpu.dma_semaphore, #tpu.memory_space<semaphore_mem>> -> memref<1x!tpu.dma_semaphore, #tpu.memory_space<semaphore_mem>>
    %dma_wait3A_1198 = tpu.memref_squeeze %dma_wait3A_1197 : memref<1x!tpu.dma_semaphore, #tpu.memory_space<semaphore_mem>> -> memref<!tpu.dma_semaphore, #tpu.memory_space<semaphore_mem>>
    %dma_wait3A_1199 = arith.constant 0 : i32
    %dma_wait3A_1200 = tpu.memref_slice %arg4[%add3A_992, %dma_wait3A_1199] : memref<16384x768xf32, #tpu.memory_space<hbm>> -> memref<16x768xf32, #tpu.memory_space<hbm>>
    %dma_wait3A_1201 = arith.constant 0 : i32
    %dma_wait3A_1202 = arith.constant 0 : i32
    %dma_wait3A_1203 = tpu.memref_slice %arg6[%dma_wait3A_1189, %dma_wait3A_1201, %dma_wait3A_1202] : memref<8x16x768xf32, #tpu.memory_space<vmem>> -> memref<1x16x768xf32, #tpu.memory_space<vmem>>
    %dma_wait3A_1204 = tpu.memref_squeeze %dma_wait3A_1203 : memref<1x16x768xf32, #tpu.memory_space<vmem>> -> memref<16x768xf32, #tpu.memory_space<vmem>>
    tpu.wait_dma2 semaphore(%dma_wait3A_1198 : memref<!tpu.dma_semaphore, #tpu.memory_space<semaphore_mem>>) src(%dma_wait3A_1204 : memref<16x768xf32, #tpu.memory_space<vmem>>) dst(%dma_wait3A_1200 : memref<16x768xf32, #tpu.memory_space<hbm>>)
    %dma_start3A_1205 = arith.constant 0 : i32
    %dma_start3A_1206 = arith.constant 0 : i32
    %dma_start3A_1207 = arith.constant 0 : i32
    %dma_start3A_1208 = arith.constant 0 : i32
    %dma_start3A_1209 = tpu.memref_slice %arg6[%dma_start3A_1205, %dma_start3A_1207, %dma_start3A_1208] : memref<8x16x768xf32, #tpu.memory_space<vmem>> -> memref<1x16x768xf32, #tpu.memory_space<vmem>>
    %dma_start3A_1210 = tpu.memref_squeeze %dma_start3A_1209 : memref<1x16x768xf32, #tpu.memory_space<vmem>> -> memref<16x768xf32, #tpu.memory_space<vmem>>
    %dma_start3A_1211 = arith.constant 384 : i32
    %dma_start3A_1212 = tpu.memref_slice %arg5[%dma_start3A_1211] : memref<512xi32, #tpu.memory_space<vmem>> -> memref<16xi32, #tpu.memory_space<vmem>>
    %dma_start3A_1213 = arith.constant 0 : i32
    %dma_start3A_1214 = arith.constant 0 : i32
    %dma_start3A_1215 = tpu.memref_slice %arg2[%dma_start3A_1213, %dma_start3A_1214] : memref<1024x768xf32, #tpu.memory_space<hbm>> -> memref<1024x768xf32, #tpu.memory_space<hbm>>
    %dma_start3A_1216 = tpu.memref_slice %arg7[%dma_start3A_1206] : memref<8x!tpu.dma_semaphore, #tpu.memory_space<semaphore_mem>> -> memref<1x!tpu.dma_semaphore, #tpu.memory_space<semaphore_mem>>
    %dma_start3A_1217 = tpu.memref_squeeze %dma_start3A_1216 : memref<1x!tpu.dma_semaphore, #tpu.memory_space<semaphore_mem>> -> memref<!tpu.dma_semaphore, #tpu.memory_space<semaphore_mem>>
    tpu.enqueue_indirect_dma source(%dma_start3A_1215 : memref<1024x768xf32, #tpu.memory_space<hbm>>) target(%dma_start3A_1210 : memref<16x768xf32, #tpu.memory_space<vmem>>) offsets(%dma_start3A_1212 : memref<16xi32, #tpu.memory_space<vmem>>) semaphore(%dma_start3A_1217 : memref<!tpu.dma_semaphore, #tpu.memory_space<semaphore_mem>>)
    %dma_wait3A_1218 = arith.constant 4 : i32
    %dma_wait3A_1219 = arith.constant 4 : i32
    %dma_wait3A_1220 = arith.constant 0 : i32
    %dma_wait3A_1221 = arith.constant 0 : i32
    %dma_wait3A_1222 = tpu.memref_slice %arg6[%dma_wait3A_1218, %dma_wait3A_1220, %dma_wait3A_1221] : memref<8x16x768xf32, #tpu.memory_space<vmem>> -> memref<1x16x768xf32, #tpu.memory_space<vmem>>
    %dma_wait3A_1223 = tpu.memref_squeeze %dma_wait3A_1222 : memref<1x16x768xf32, #tpu.memory_space<vmem>> -> memref<16x768xf32, #tpu.memory_space<vmem>>
    %dma_wait3A_1224 = arith.constant 320 : i32
    %dma_wait3A_1225 = tpu.memref_slice %arg5[%dma_wait3A_1224] : memref<512xi32, #tpu.memory_space<vmem>> -> memref<16xi32, #tpu.memory_space<vmem>>
    %dma_wait3A_1226 = arith.constant 0 : i32
    %dma_wait3A_1227 = arith.constant 0 : i32
    %dma_wait3A_1228 = tpu.memref_slice %arg2[%dma_wait3A_1226, %dma_wait3A_1227] : memref<1024x768xf32, #tpu.memory_space<hbm>> -> memref<1024x768xf32, #tpu.memory_space<hbm>>
    %dma_wait3A_1229 = tpu.memref_slice %arg7[%dma_wait3A_1219] : memref<8x!tpu.dma_semaphore, #tpu.memory_space<semaphore_mem>> -> memref<1x!tpu.dma_semaphore, #tpu.memory_space<semaphore_mem>>
    %dma_wait3A_1230 = tpu.memref_squeeze %dma_wait3A_1229 : memref<1x!tpu.dma_semaphore, #tpu.memory_space<semaphore_mem>> -> memref<!tpu.dma_semaphore, #tpu.memory_space<semaphore_mem>>
    tpu.wait_indirect_dma semaphore(%dma_wait3A_1230 : memref<!tpu.dma_semaphore, #tpu.memory_space<semaphore_mem>>) src(%dma_wait3A_1228 : memref<1024x768xf32, #tpu.memory_space<hbm>>) dst(%dma_wait3A_1223 : memref<16x768xf32, #tpu.memory_space<vmem>>)
    %add3A_1231 = arith.constant 320 : i32
    %add3A_1232 = arith.addi %mul3A_2, %add3A_1231 : i32
    %dma_start3A_1233 = arith.constant 4 : i32
    %dma_start3A_1234 = arith.constant 4 : i32
    %dma_start3A_1235 = arith.constant 0 : i32
    %dma_start3A_1236 = arith.constant 0 : i32
    %dma_start3A_1237 = tpu.memref_slice %arg6[%dma_start3A_1233, %dma_start3A_1235, %dma_start3A_1236] : memref<8x16x768xf32, #tpu.memory_space<vmem>> -> memref<1x16x768xf32, #tpu.memory_space<vmem>>
    %dma_start3A_1238 = tpu.memref_squeeze %dma_start3A_1237 : memref<1x16x768xf32, #tpu.memory_space<vmem>> -> memref<16x768xf32, #tpu.memory_space<vmem>>
    %dma_start3A_1239 = arith.constant 0 : i32
    %dma_start3A_1240 = tpu.memref_slice %arg4[%add3A_1232, %dma_start3A_1239] : memref<16384x768xf32, #tpu.memory_space<hbm>> -> memref<16x768xf32, #tpu.memory_space<hbm>>
    %dma_start3A_1241 = tpu.memref_slice %arg8[%dma_start3A_1234] : memref<8x!tpu.dma_semaphore, #tpu.memory_space<semaphore_mem>> -> memref<1x!tpu.dma_semaphore, #tpu.memory_space<semaphore_mem>>
    %dma_start3A_1242 = tpu.memref_squeeze %dma_start3A_1241 : memref<1x!tpu.dma_semaphore, #tpu.memory_space<semaphore_mem>> -> memref<!tpu.dma_semaphore, #tpu.memory_space<semaphore_mem>>
    %dma_start3A_1243 = arith.constant 0 : i32
    %dma_start3A_1244 = tpu.memref_slice %arg4[%add3A_1232, %dma_start3A_1243] : memref<16384x768xf32, #tpu.memory_space<hbm>> -> memref<16x768xf32, #tpu.memory_space<hbm>>
    %dma_start3A_1245 = arith.constant 0 : i32
    %dma_start3A_1246 = arith.constant 0 : i32
    %dma_start3A_1247 = tpu.memref_slice %arg6[%dma_start3A_1233, %dma_start3A_1245, %dma_start3A_1246] : memref<8x16x768xf32, #tpu.memory_space<vmem>> -> memref<1x16x768xf32, #tpu.memory_space<vmem>>
    %dma_start3A_1248 = tpu.memref_squeeze %dma_start3A_1247 : memref<1x16x768xf32, #tpu.memory_space<vmem>> -> memref<16x768xf32, #tpu.memory_space<vmem>>
    tpu.enqueue_dma source(%dma_start3A_1248 : memref<16x768xf32, #tpu.memory_space<vmem>>) target(%dma_start3A_1244 : memref<16x768xf32, #tpu.memory_space<hbm>>) target_semaphore(%dma_start3A_1242 : memref<!tpu.dma_semaphore, #tpu.memory_space<semaphore_mem>>)
    %dma_wait3A_1249 = arith.constant 1 : i32
    %dma_wait3A_1250 = arith.constant 1 : i32
    %dma_wait3A_1251 = arith.constant 0 : i32
    %dma_wait3A_1252 = arith.constant 0 : i32
    %dma_wait3A_1253 = tpu.memref_slice %arg6[%dma_wait3A_1249, %dma_wait3A_1251, %dma_wait3A_1252] : memref<8x16x768xf32, #tpu.memory_space<vmem>> -> memref<1x16x768xf32, #tpu.memory_space<vmem>>
    %dma_wait3A_1254 = tpu.memref_squeeze %dma_wait3A_1253 : memref<1x16x768xf32, #tpu.memory_space<vmem>> -> memref<16x768xf32, #tpu.memory_space<vmem>>
    %dma_wait3A_1255 = arith.constant 0 : i32
    %dma_wait3A_1256 = tpu.memref_slice %arg4[%add3A_1052, %dma_wait3A_1255] : memref<16384x768xf32, #tpu.memory_space<hbm>> -> memref<16x768xf32, #tpu.memory_space<hbm>>
    %dma_wait3A_1257 = tpu.memref_slice %arg8[%dma_wait3A_1250] : memref<8x!tpu.dma_semaphore, #tpu.memory_space<semaphore_mem>> -> memref<1x!tpu.dma_semaphore, #tpu.memory_space<semaphore_mem>>
    %dma_wait3A_1258 = tpu.memref_squeeze %dma_wait3A_1257 : memref<1x!tpu.dma_semaphore, #tpu.memory_space<semaphore_mem>> -> memref<!tpu.dma_semaphore, #tpu.memory_space<semaphore_mem>>
    %dma_wait3A_1259 = arith.constant 0 : i32
    %dma_wait3A_1260 = tpu.memref_slice %arg4[%add3A_1052, %dma_wait3A_1259] : memref<16384x768xf32, #tpu.memory_space<hbm>> -> memref<16x768xf32, #tpu.memory_space<hbm>>
    %dma_wait3A_1261 = arith.constant 0 : i32
    %dma_wait3A_1262 = arith.constant 0 : i32
    %dma_wait3A_1263 = tpu.memref_slice %arg6[%dma_wait3A_1249, %dma_wait3A_1261, %dma_wait3A_1262] : memref<8x16x768xf32, #tpu.memory_space<vmem>> -> memref<1x16x768xf32, #tpu.memory_space<vmem>>
    %dma_wait3A_1264 = tpu.memref_squeeze %dma_wait3A_1263 : memref<1x16x768xf32, #tpu.memory_space<vmem>> -> memref<16x768xf32, #tpu.memory_space<vmem>>
    tpu.wait_dma2 semaphore(%dma_wait3A_1258 : memref<!tpu.dma_semaphore, #tpu.memory_space<semaphore_mem>>) src(%dma_wait3A_1264 : memref<16x768xf32, #tpu.memory_space<vmem>>) dst(%dma_wait3A_1260 : memref<16x768xf32, #tpu.memory_space<hbm>>)
    %dma_start3A_1265 = arith.constant 1 : i32
    %dma_start3A_1266 = arith.constant 1 : i32
    %dma_start3A_1267 = arith.constant 0 : i32
    %dma_start3A_1268 = arith.constant 0 : i32
    %dma_start3A_1269 = tpu.memref_slice %arg6[%dma_start3A_1265, %dma_start3A_1267, %dma_start3A_1268] : memref<8x16x768xf32, #tpu.memory_space<vmem>> -> memref<1x16x768xf32, #tpu.memory_space<vmem>>
    %dma_start3A_1270 = tpu.memref_squeeze %dma_start3A_1269 : memref<1x16x768xf32, #tpu.memory_space<vmem>> -> memref<16x768xf32, #tpu.memory_space<vmem>>
    %dma_start3A_1271 = arith.constant 400 : i32
    %dma_start3A_1272 = tpu.memref_slice %arg5[%dma_start3A_1271] : memref<512xi32, #tpu.memory_space<vmem>> -> memref<16xi32, #tpu.memory_space<vmem>>
    %dma_start3A_1273 = arith.constant 0 : i32
    %dma_start3A_1274 = arith.constant 0 : i32
    %dma_start3A_1275 = tpu.memref_slice %arg2[%dma_start3A_1273, %dma_start3A_1274] : memref<1024x768xf32, #tpu.memory_space<hbm>> -> memref<1024x768xf32, #tpu.memory_space<hbm>>
    %dma_start3A_1276 = tpu.memref_slice %arg7[%dma_start3A_1266] : memref<8x!tpu.dma_semaphore, #tpu.memory_space<semaphore_mem>> -> memref<1x!tpu.dma_semaphore, #tpu.memory_space<semaphore_mem>>
    %dma_start3A_1277 = tpu.memref_squeeze %dma_start3A_1276 : memref<1x!tpu.dma_semaphore, #tpu.memory_space<semaphore_mem>> -> memref<!tpu.dma_semaphore, #tpu.memory_space<semaphore_mem>>
    tpu.enqueue_indirect_dma source(%dma_start3A_1275 : memref<1024x768xf32, #tpu.memory_space<hbm>>) target(%dma_start3A_1270 : memref<16x768xf32, #tpu.memory_space<vmem>>) offsets(%dma_start3A_1272 : memref<16xi32, #tpu.memory_space<vmem>>) semaphore(%dma_start3A_1277 : memref<!tpu.dma_semaphore, #tpu.memory_space<semaphore_mem>>)
    %dma_wait3A_1278 = arith.constant 5 : i32
    %dma_wait3A_1279 = arith.constant 5 : i32
    %dma_wait3A_1280 = arith.constant 0 : i32
    %dma_wait3A_1281 = arith.constant 0 : i32
    %dma_wait3A_1282 = tpu.memref_slice %arg6[%dma_wait3A_1278, %dma_wait3A_1280, %dma_wait3A_1281] : memref<8x16x768xf32, #tpu.memory_space<vmem>> -> memref<1x16x768xf32, #tpu.memory_space<vmem>>
    %dma_wait3A_1283 = tpu.memref_squeeze %dma_wait3A_1282 : memref<1x16x768xf32, #tpu.memory_space<vmem>> -> memref<16x768xf32, #tpu.memory_space<vmem>>
    %dma_wait3A_1284 = arith.constant 336 : i32
    %dma_wait3A_1285 = tpu.memref_slice %arg5[%dma_wait3A_1284] : memref<512xi32, #tpu.memory_space<vmem>> -> memref<16xi32, #tpu.memory_space<vmem>>
    %dma_wait3A_1286 = arith.constant 0 : i32
    %dma_wait3A_1287 = arith.constant 0 : i32
    %dma_wait3A_1288 = tpu.memref_slice %arg2[%dma_wait3A_1286, %dma_wait3A_1287] : memref<1024x768xf32, #tpu.memory_space<hbm>> -> memref<1024x768xf32, #tpu.memory_space<hbm>>
    %dma_wait3A_1289 = tpu.memref_slice %arg7[%dma_wait3A_1279] : memref<8x!tpu.dma_semaphore, #tpu.memory_space<semaphore_mem>> -> memref<1x!tpu.dma_semaphore, #tpu.memory_space<semaphore_mem>>
    %dma_wait3A_1290 = tpu.memref_squeeze %dma_wait3A_1289 : memref<1x!tpu.dma_semaphore, #tpu.memory_space<semaphore_mem>> -> memref<!tpu.dma_semaphore, #tpu.memory_space<semaphore_mem>>
    tpu.wait_indirect_dma semaphore(%dma_wait3A_1290 : memref<!tpu.dma_semaphore, #tpu.memory_space<semaphore_mem>>) src(%dma_wait3A_1288 : memref<1024x768xf32, #tpu.memory_space<hbm>>) dst(%dma_wait3A_1283 : memref<16x768xf32, #tpu.memory_space<vmem>>)
    %add3A_1291 = arith.constant 336 : i32
    %add3A_1292 = arith.addi %mul3A_2, %add3A_1291 : i32
    %dma_start3A_1293 = arith.constant 5 : i32
    %dma_start3A_1294 = arith.constant 5 : i32
    %dma_start3A_1295 = arith.constant 0 : i32
    %dma_start3A_1296 = arith.constant 0 : i32
    %dma_start3A_1297 = tpu.memref_slice %arg6[%dma_start3A_1293, %dma_start3A_1295, %dma_start3A_1296] : memref<8x16x768xf32, #tpu.memory_space<vmem>> -> memref<1x16x768xf32, #tpu.memory_space<vmem>>
    %dma_start3A_1298 = tpu.memref_squeeze %dma_start3A_1297 : memref<1x16x768xf32, #tpu.memory_space<vmem>> -> memref<16x768xf32, #tpu.memory_space<vmem>>
    %dma_start3A_1299 = arith.constant 0 : i32
    %dma_start3A_1300 = tpu.memref_slice %arg4[%add3A_1292, %dma_start3A_1299] : memref<16384x768xf32, #tpu.memory_space<hbm>> -> memref<16x768xf32, #tpu.memory_space<hbm>>
    %dma_start3A_1301 = tpu.memref_slice %arg8[%dma_start3A_1294] : memref<8x!tpu.dma_semaphore, #tpu.memory_space<semaphore_mem>> -> memref<1x!tpu.dma_semaphore, #tpu.memory_space<semaphore_mem>>
    %dma_start3A_1302 = tpu.memref_squeeze %dma_start3A_1301 : memref<1x!tpu.dma_semaphore, #tpu.memory_space<semaphore_mem>> -> memref<!tpu.dma_semaphore, #tpu.memory_space<semaphore_mem>>
    %dma_start3A_1303 = arith.constant 0 : i32
    %dma_start3A_1304 = tpu.memref_slice %arg4[%add3A_1292, %dma_start3A_1303] : memref<16384x768xf32, #tpu.memory_space<hbm>> -> memref<16x768xf32, #tpu.memory_space<hbm>>
    %dma_start3A_1305 = arith.constant 0 : i32
    %dma_start3A_1306 = arith.constant 0 : i32
    %dma_start3A_1307 = tpu.memref_slice %arg6[%dma_start3A_1293, %dma_start3A_1305, %dma_start3A_1306] : memref<8x16x768xf32, #tpu.memory_space<vmem>> -> memref<1x16x768xf32, #tpu.memory_space<vmem>>
    %dma_start3A_1308 = tpu.memref_squeeze %dma_start3A_1307 : memref<1x16x768xf32, #tpu.memory_space<vmem>> -> memref<16x768xf32, #tpu.memory_space<vmem>>
    tpu.enqueue_dma source(%dma_start3A_1308 : memref<16x768xf32, #tpu.memory_space<vmem>>) target(%dma_start3A_1304 : memref<16x768xf32, #tpu.memory_space<hbm>>) target_semaphore(%dma_start3A_1302 : memref<!tpu.dma_semaphore, #tpu.memory_space<semaphore_mem>>)
    %dma_wait3A_1309 = arith.constant 2 : i32
    %dma_wait3A_1310 = arith.constant 2 : i32
    %dma_wait3A_1311 = arith.constant 0 : i32
    %dma_wait3A_1312 = arith.constant 0 : i32
    %dma_wait3A_1313 = tpu.memref_slice %arg6[%dma_wait3A_1309, %dma_wait3A_1311, %dma_wait3A_1312] : memref<8x16x768xf32, #tpu.memory_space<vmem>> -> memref<1x16x768xf32, #tpu.memory_space<vmem>>
    %dma_wait3A_1314 = tpu.memref_squeeze %dma_wait3A_1313 : memref<1x16x768xf32, #tpu.memory_space<vmem>> -> memref<16x768xf32, #tpu.memory_space<vmem>>
    %dma_wait3A_1315 = arith.constant 0 : i32
    %dma_wait3A_1316 = tpu.memref_slice %arg4[%add3A_1112, %dma_wait3A_1315] : memref<16384x768xf32, #tpu.memory_space<hbm>> -> memref<16x768xf32, #tpu.memory_space<hbm>>
    %dma_wait3A_1317 = tpu.memref_slice %arg8[%dma_wait3A_1310] : memref<8x!tpu.dma_semaphore, #tpu.memory_space<semaphore_mem>> -> memref<1x!tpu.dma_semaphore, #tpu.memory_space<semaphore_mem>>
    %dma_wait3A_1318 = tpu.memref_squeeze %dma_wait3A_1317 : memref<1x!tpu.dma_semaphore, #tpu.memory_space<semaphore_mem>> -> memref<!tpu.dma_semaphore, #tpu.memory_space<semaphore_mem>>
    %dma_wait3A_1319 = arith.constant 0 : i32
    %dma_wait3A_1320 = tpu.memref_slice %arg4[%add3A_1112, %dma_wait3A_1319] : memref<16384x768xf32, #tpu.memory_space<hbm>> -> memref<16x768xf32, #tpu.memory_space<hbm>>
    %dma_wait3A_1321 = arith.constant 0 : i32
    %dma_wait3A_1322 = arith.constant 0 : i32
    %dma_wait3A_1323 = tpu.memref_slice %arg6[%dma_wait3A_1309, %dma_wait3A_1321, %dma_wait3A_1322] : memref<8x16x768xf32, #tpu.memory_space<vmem>> -> memref<1x16x768xf32, #tpu.memory_space<vmem>>
    %dma_wait3A_1324 = tpu.memref_squeeze %dma_wait3A_1323 : memref<1x16x768xf32, #tpu.memory_space<vmem>> -> memref<16x768xf32, #tpu.memory_space<vmem>>
    tpu.wait_dma2 semaphore(%dma_wait3A_1318 : memref<!tpu.dma_semaphore, #tpu.memory_space<semaphore_mem>>) src(%dma_wait3A_1324 : memref<16x768xf32, #tpu.memory_space<vmem>>) dst(%dma_wait3A_1320 : memref<16x768xf32, #tpu.memory_space<hbm>>)
    %dma_start3A_1325 = arith.constant 2 : i32
    %dma_start3A_1326 = arith.constant 2 : i32
    %dma_start3A_1327 = arith.constant 0 : i32
    %dma_start3A_1328 = arith.constant 0 : i32
    %dma_start3A_1329 = tpu.memref_slice %arg6[%dma_start3A_1325, %dma_start3A_1327, %dma_start3A_1328] : memref<8x16x768xf32, #tpu.memory_space<vmem>> -> memref<1x16x768xf32, #tpu.memory_space<vmem>>
    %dma_start3A_1330 = tpu.memref_squeeze %dma_start3A_1329 : memref<1x16x768xf32, #tpu.memory_space<vmem>> -> memref<16x768xf32, #tpu.memory_space<vmem>>
    %dma_start3A_1331 = arith.constant 416 : i32
    %dma_start3A_1332 = tpu.memref_slice %arg5[%dma_start3A_1331] : memref<512xi32, #tpu.memory_space<vmem>> -> memref<16xi32, #tpu.memory_space<vmem>>
    %dma_start3A_1333 = arith.constant 0 : i32
    %dma_start3A_1334 = arith.constant 0 : i32
    %dma_start3A_1335 = tpu.memref_slice %arg2[%dma_start3A_1333, %dma_start3A_1334] : memref<1024x768xf32, #tpu.memory_space<hbm>> -> memref<1024x768xf32, #tpu.memory_space<hbm>>
    %dma_start3A_1336 = tpu.memref_slice %arg7[%dma_start3A_1326] : memref<8x!tpu.dma_semaphore, #tpu.memory_space<semaphore_mem>> -> memref<1x!tpu.dma_semaphore, #tpu.memory_space<semaphore_mem>>
    %dma_start3A_1337 = tpu.memref_squeeze %dma_start3A_1336 : memref<1x!tpu.dma_semaphore, #tpu.memory_space<semaphore_mem>> -> memref<!tpu.dma_semaphore, #tpu.memory_space<semaphore_mem>>
    tpu.enqueue_indirect_dma source(%dma_start3A_1335 : memref<1024x768xf32, #tpu.memory_space<hbm>>) target(%dma_start3A_1330 : memref<16x768xf32, #tpu.memory_space<vmem>>) offsets(%dma_start3A_1332 : memref<16xi32, #tpu.memory_space<vmem>>) semaphore(%dma_start3A_1337 : memref<!tpu.dma_semaphore, #tpu.memory_space<semaphore_mem>>)
    %dma_wait3A_1338 = arith.constant 6 : i32
    %dma_wait3A_1339 = arith.constant 6 : i32
    %dma_wait3A_1340 = arith.constant 0 : i32
    %dma_wait3A_1341 = arith.constant 0 : i32
    %dma_wait3A_1342 = tpu.memref_slice %arg6[%dma_wait3A_1338, %dma_wait3A_1340, %dma_wait3A_1341] : memref<8x16x768xf32, #tpu.memory_space<vmem>> -> memref<1x16x768xf32, #tpu.memory_space<vmem>>
    %dma_wait3A_1343 = tpu.memref_squeeze %dma_wait3A_1342 : memref<1x16x768xf32, #tpu.memory_space<vmem>> -> memref<16x768xf32, #tpu.memory_space<vmem>>
    %dma_wait3A_1344 = arith.constant 352 : i32
    %dma_wait3A_1345 = tpu.memref_slice %arg5[%dma_wait3A_1344] : memref<512xi32, #tpu.memory_space<vmem>> -> memref<16xi32, #tpu.memory_space<vmem>>
    %dma_wait3A_1346 = arith.constant 0 : i32
    %dma_wait3A_1347 = arith.constant 0 : i32
    %dma_wait3A_1348 = tpu.memref_slice %arg2[%dma_wait3A_1346, %dma_wait3A_1347] : memref<1024x768xf32, #tpu.memory_space<hbm>> -> memref<1024x768xf32, #tpu.memory_space<hbm>>
    %dma_wait3A_1349 = tpu.memref_slice %arg7[%dma_wait3A_1339] : memref<8x!tpu.dma_semaphore, #tpu.memory_space<semaphore_mem>> -> memref<1x!tpu.dma_semaphore, #tpu.memory_space<semaphore_mem>>
    %dma_wait3A_1350 = tpu.memref_squeeze %dma_wait3A_1349 : memref<1x!tpu.dma_semaphore, #tpu.memory_space<semaphore_mem>> -> memref<!tpu.dma_semaphore, #tpu.memory_space<semaphore_mem>>
    tpu.wait_indirect_dma semaphore(%dma_wait3A_1350 : memref<!tpu.dma_semaphore, #tpu.memory_space<semaphore_mem>>) src(%dma_wait3A_1348 : memref<1024x768xf32, #tpu.memory_space<hbm>>) dst(%dma_wait3A_1343 : memref<16x768xf32, #tpu.memory_space<vmem>>)
    %add3A_1351 = arith.constant 352 : i32
    %add3A_1352 = arith.addi %mul3A_2, %add3A_1351 : i32
    %dma_start3A_1353 = arith.constant 6 : i32
    %dma_start3A_1354 = arith.constant 6 : i32
    %dma_start3A_1355 = arith.constant 0 : i32
    %dma_start3A_1356 = arith.constant 0 : i32
    %dma_start3A_1357 = tpu.memref_slice %arg6[%dma_start3A_1353, %dma_start3A_1355, %dma_start3A_1356] : memref<8x16x768xf32, #tpu.memory_space<vmem>> -> memref<1x16x768xf32, #tpu.memory_space<vmem>>
    %dma_start3A_1358 = tpu.memref_squeeze %dma_start3A_1357 : memref<1x16x768xf32, #tpu.memory_space<vmem>> -> memref<16x768xf32, #tpu.memory_space<vmem>>
    %dma_start3A_1359 = arith.constant 0 : i32
    %dma_start3A_1360 = tpu.memref_slice %arg4[%add3A_1352, %dma_start3A_1359] : memref<16384x768xf32, #tpu.memory_space<hbm>> -> memref<16x768xf32, #tpu.memory_space<hbm>>
    %dma_start3A_1361 = tpu.memref_slice %arg8[%dma_start3A_1354] : memref<8x!tpu.dma_semaphore, #tpu.memory_space<semaphore_mem>> -> memref<1x!tpu.dma_semaphore, #tpu.memory_space<semaphore_mem>>
    %dma_start3A_1362 = tpu.memref_squeeze %dma_start3A_1361 : memref<1x!tpu.dma_semaphore, #tpu.memory_space<semaphore_mem>> -> memref<!tpu.dma_semaphore, #tpu.memory_space<semaphore_mem>>
    %dma_start3A_1363 = arith.constant 0 : i32
    %dma_start3A_1364 = tpu.memref_slice %arg4[%add3A_1352, %dma_start3A_1363] : memref<16384x768xf32, #tpu.memory_space<hbm>> -> memref<16x768xf32, #tpu.memory_space<hbm>>
    %dma_start3A_1365 = arith.constant 0 : i32
    %dma_start3A_1366 = arith.constant 0 : i32
    %dma_start3A_1367 = tpu.memref_slice %arg6[%dma_start3A_1353, %dma_start3A_1365, %dma_start3A_1366] : memref<8x16x768xf32, #tpu.memory_space<vmem>> -> memref<1x16x768xf32, #tpu.memory_space<vmem>>
    %dma_start3A_1368 = tpu.memref_squeeze %dma_start3A_1367 : memref<1x16x768xf32, #tpu.memory_space<vmem>> -> memref<16x768xf32, #tpu.memory_space<vmem>>
    tpu.enqueue_dma source(%dma_start3A_1368 : memref<16x768xf32, #tpu.memory_space<vmem>>) target(%dma_start3A_1364 : memref<16x768xf32, #tpu.memory_space<hbm>>) target_semaphore(%dma_start3A_1362 : memref<!tpu.dma_semaphore, #tpu.memory_space<semaphore_mem>>)
    %dma_wait3A_1369 = arith.constant 3 : i32
    %dma_wait3A_1370 = arith.constant 3 : i32
    %dma_wait3A_1371 = arith.constant 0 : i32
    %dma_wait3A_1372 = arith.constant 0 : i32
    %dma_wait3A_1373 = tpu.memref_slice %arg6[%dma_wait3A_1369, %dma_wait3A_1371, %dma_wait3A_1372] : memref<8x16x768xf32, #tpu.memory_space<vmem>> -> memref<1x16x768xf32, #tpu.memory_space<vmem>>
    %dma_wait3A_1374 = tpu.memref_squeeze %dma_wait3A_1373 : memref<1x16x768xf32, #tpu.memory_space<vmem>> -> memref<16x768xf32, #tpu.memory_space<vmem>>
    %dma_wait3A_1375 = arith.constant 0 : i32
    %dma_wait3A_1376 = tpu.memref_slice %arg4[%add3A_1172, %dma_wait3A_1375] : memref<16384x768xf32, #tpu.memory_space<hbm>> -> memref<16x768xf32, #tpu.memory_space<hbm>>
    %dma_wait3A_1377 = tpu.memref_slice %arg8[%dma_wait3A_1370] : memref<8x!tpu.dma_semaphore, #tpu.memory_space<semaphore_mem>> -> memref<1x!tpu.dma_semaphore, #tpu.memory_space<semaphore_mem>>
    %dma_wait3A_1378 = tpu.memref_squeeze %dma_wait3A_1377 : memref<1x!tpu.dma_semaphore, #tpu.memory_space<semaphore_mem>> -> memref<!tpu.dma_semaphore, #tpu.memory_space<semaphore_mem>>
    %dma_wait3A_1379 = arith.constant 0 : i32
    %dma_wait3A_1380 = tpu.memref_slice %arg4[%add3A_1172, %dma_wait3A_1379] : memref<16384x768xf32, #tpu.memory_space<hbm>> -> memref<16x768xf32, #tpu.memory_space<hbm>>
    %dma_wait3A_1381 = arith.constant 0 : i32
    %dma_wait3A_1382 = arith.constant 0 : i32
    %dma_wait3A_1383 = tpu.memref_slice %arg6[%dma_wait3A_1369, %dma_wait3A_1381, %dma_wait3A_1382] : memref<8x16x768xf32, #tpu.memory_space<vmem>> -> memref<1x16x768xf32, #tpu.memory_space<vmem>>
    %dma_wait3A_1384 = tpu.memref_squeeze %dma_wait3A_1383 : memref<1x16x768xf32, #tpu.memory_space<vmem>> -> memref<16x768xf32, #tpu.memory_space<vmem>>
    tpu.wait_dma2 semaphore(%dma_wait3A_1378 : memref<!tpu.dma_semaphore, #tpu.memory_space<semaphore_mem>>) src(%dma_wait3A_1384 : memref<16x768xf32, #tpu.memory_space<vmem>>) dst(%dma_wait3A_1380 : memref<16x768xf32, #tpu.memory_space<hbm>>)
    %dma_start3A_1385 = arith.constant 3 : i32
    %dma_start3A_1386 = arith.constant 3 : i32
    %dma_start3A_1387 = arith.constant 0 : i32
    %dma_start3A_1388 = arith.constant 0 : i32
    %dma_start3A_1389 = tpu.memref_slice %arg6[%dma_start3A_1385, %dma_start3A_1387, %dma_start3A_1388] : memref<8x16x768xf32, #tpu.memory_space<vmem>> -> memref<1x16x768xf32, #tpu.memory_space<vmem>>
    %dma_start3A_1390 = tpu.memref_squeeze %dma_start3A_1389 : memref<1x16x768xf32, #tpu.memory_space<vmem>> -> memref<16x768xf32, #tpu.memory_space<vmem>>
    %dma_start3A_1391 = arith.constant 432 : i32
    %dma_start3A_1392 = tpu.memref_slice %arg5[%dma_start3A_1391] : memref<512xi32, #tpu.memory_space<vmem>> -> memref<16xi32, #tpu.memory_space<vmem>>
    %dma_start3A_1393 = arith.constant 0 : i32
    %dma_start3A_1394 = arith.constant 0 : i32
    %dma_start3A_1395 = tpu.memref_slice %arg2[%dma_start3A_1393, %dma_start3A_1394] : memref<1024x768xf32, #tpu.memory_space<hbm>> -> memref<1024x768xf32, #tpu.memory_space<hbm>>
    %dma_start3A_1396 = tpu.memref_slice %arg7[%dma_start3A_1386] : memref<8x!tpu.dma_semaphore, #tpu.memory_space<semaphore_mem>> -> memref<1x!tpu.dma_semaphore, #tpu.memory_space<semaphore_mem>>
    %dma_start3A_1397 = tpu.memref_squeeze %dma_start3A_1396 : memref<1x!tpu.dma_semaphore, #tpu.memory_space<semaphore_mem>> -> memref<!tpu.dma_semaphore, #tpu.memory_space<semaphore_mem>>
    tpu.enqueue_indirect_dma source(%dma_start3A_1395 : memref<1024x768xf32, #tpu.memory_space<hbm>>) target(%dma_start3A_1390 : memref<16x768xf32, #tpu.memory_space<vmem>>) offsets(%dma_start3A_1392 : memref<16xi32, #tpu.memory_space<vmem>>) semaphore(%dma_start3A_1397 : memref<!tpu.dma_semaphore, #tpu.memory_space<semaphore_mem>>)
    %dma_wait3A_1398 = arith.constant 7 : i32
    %dma_wait3A_1399 = arith.constant 7 : i32
    %dma_wait3A_1400 = arith.constant 0 : i32
    %dma_wait3A_1401 = arith.constant 0 : i32
    %dma_wait3A_1402 = tpu.memref_slice %arg6[%dma_wait3A_1398, %dma_wait3A_1400, %dma_wait3A_1401] : memref<8x16x768xf32, #tpu.memory_space<vmem>> -> memref<1x16x768xf32, #tpu.memory_space<vmem>>
    %dma_wait3A_1403 = tpu.memref_squeeze %dma_wait3A_1402 : memref<1x16x768xf32, #tpu.memory_space<vmem>> -> memref<16x768xf32, #tpu.memory_space<vmem>>
    %dma_wait3A_1404 = arith.constant 368 : i32
    %dma_wait3A_1405 = tpu.memref_slice %arg5[%dma_wait3A_1404] : memref<512xi32, #tpu.memory_space<vmem>> -> memref<16xi32, #tpu.memory_space<vmem>>
    %dma_wait3A_1406 = arith.constant 0 : i32
    %dma_wait3A_1407 = arith.constant 0 : i32
    %dma_wait3A_1408 = tpu.memref_slice %arg2[%dma_wait3A_1406, %dma_wait3A_1407] : memref<1024x768xf32, #tpu.memory_space<hbm>> -> memref<1024x768xf32, #tpu.memory_space<hbm>>
    %dma_wait3A_1409 = tpu.memref_slice %arg7[%dma_wait3A_1399] : memref<8x!tpu.dma_semaphore, #tpu.memory_space<semaphore_mem>> -> memref<1x!tpu.dma_semaphore, #tpu.memory_space<semaphore_mem>>
    %dma_wait3A_1410 = tpu.memref_squeeze %dma_wait3A_1409 : memref<1x!tpu.dma_semaphore, #tpu.memory_space<semaphore_mem>> -> memref<!tpu.dma_semaphore, #tpu.memory_space<semaphore_mem>>
    tpu.wait_indirect_dma semaphore(%dma_wait3A_1410 : memref<!tpu.dma_semaphore, #tpu.memory_space<semaphore_mem>>) src(%dma_wait3A_1408 : memref<1024x768xf32, #tpu.memory_space<hbm>>) dst(%dma_wait3A_1403 : memref<16x768xf32, #tpu.memory_space<vmem>>)
    %add3A_1411 = arith.constant 368 : i32
    %add3A_1412 = arith.addi %mul3A_2, %add3A_1411 : i32
    %dma_start3A_1413 = arith.constant 7 : i32
    %dma_start3A_1414 = arith.constant 7 : i32
    %dma_start3A_1415 = arith.constant 0 : i32
    %dma_start3A_1416 = arith.constant 0 : i32
    %dma_start3A_1417 = tpu.memref_slice %arg6[%dma_start3A_1413, %dma_start3A_1415, %dma_start3A_1416] : memref<8x16x768xf32, #tpu.memory_space<vmem>> -> memref<1x16x768xf32, #tpu.memory_space<vmem>>
    %dma_start3A_1418 = tpu.memref_squeeze %dma_start3A_1417 : memref<1x16x768xf32, #tpu.memory_space<vmem>> -> memref<16x768xf32, #tpu.memory_space<vmem>>
    %dma_start3A_1419 = arith.constant 0 : i32
    %dma_start3A_1420 = tpu.memref_slice %arg4[%add3A_1412, %dma_start3A_1419] : memref<16384x768xf32, #tpu.memory_space<hbm>> -> memref<16x768xf32, #tpu.memory_space<hbm>>
    %dma_start3A_1421 = tpu.memref_slice %arg8[%dma_start3A_1414] : memref<8x!tpu.dma_semaphore, #tpu.memory_space<semaphore_mem>> -> memref<1x!tpu.dma_semaphore, #tpu.memory_space<semaphore_mem>>
    %dma_start3A_1422 = tpu.memref_squeeze %dma_start3A_1421 : memref<1x!tpu.dma_semaphore, #tpu.memory_space<semaphore_mem>> -> memref<!tpu.dma_semaphore, #tpu.memory_space<semaphore_mem>>
    %dma_start3A_1423 = arith.constant 0 : i32
    %dma_start3A_1424 = tpu.memref_slice %arg4[%add3A_1412, %dma_start3A_1423] : memref<16384x768xf32, #tpu.memory_space<hbm>> -> memref<16x768xf32, #tpu.memory_space<hbm>>
    %dma_start3A_1425 = arith.constant 0 : i32
    %dma_start3A_1426 = arith.constant 0 : i32
    %dma_start3A_1427 = tpu.memref_slice %arg6[%dma_start3A_1413, %dma_start3A_1425, %dma_start3A_1426] : memref<8x16x768xf32, #tpu.memory_space<vmem>> -> memref<1x16x768xf32, #tpu.memory_space<vmem>>
    %dma_start3A_1428 = tpu.memref_squeeze %dma_start3A_1427 : memref<1x16x768xf32, #tpu.memory_space<vmem>> -> memref<16x768xf32, #tpu.memory_space<vmem>>
    tpu.enqueue_dma source(%dma_start3A_1428 : memref<16x768xf32, #tpu.memory_space<vmem>>) target(%dma_start3A_1424 : memref<16x768xf32, #tpu.memory_space<hbm>>) target_semaphore(%dma_start3A_1422 : memref<!tpu.dma_semaphore, #tpu.memory_space<semaphore_mem>>)
    %dma_wait3A_1429 = arith.constant 4 : i32
    %dma_wait3A_1430 = arith.constant 4 : i32
    %dma_wait3A_1431 = arith.constant 0 : i32
    %dma_wait3A_1432 = arith.constant 0 : i32
    %dma_wait3A_1433 = tpu.memref_slice %arg6[%dma_wait3A_1429, %dma_wait3A_1431, %dma_wait3A_1432] : memref<8x16x768xf32, #tpu.memory_space<vmem>> -> memref<1x16x768xf32, #tpu.memory_space<vmem>>
    %dma_wait3A_1434 = tpu.memref_squeeze %dma_wait3A_1433 : memref<1x16x768xf32, #tpu.memory_space<vmem>> -> memref<16x768xf32, #tpu.memory_space<vmem>>
    %dma_wait3A_1435 = arith.constant 0 : i32
    %dma_wait3A_1436 = tpu.memref_slice %arg4[%add3A_1232, %dma_wait3A_1435] : memref<16384x768xf32, #tpu.memory_space<hbm>> -> memref<16x768xf32, #tpu.memory_space<hbm>>
    %dma_wait3A_1437 = tpu.memref_slice %arg8[%dma_wait3A_1430] : memref<8x!tpu.dma_semaphore, #tpu.memory_space<semaphore_mem>> -> memref<1x!tpu.dma_semaphore, #tpu.memory_space<semaphore_mem>>
    %dma_wait3A_1438 = tpu.memref_squeeze %dma_wait3A_1437 : memref<1x!tpu.dma_semaphore, #tpu.memory_space<semaphore_mem>> -> memref<!tpu.dma_semaphore, #tpu.memory_space<semaphore_mem>>
    %dma_wait3A_1439 = arith.constant 0 : i32
    %dma_wait3A_1440 = tpu.memref_slice %arg4[%add3A_1232, %dma_wait3A_1439] : memref<16384x768xf32, #tpu.memory_space<hbm>> -> memref<16x768xf32, #tpu.memory_space<hbm>>
    %dma_wait3A_1441 = arith.constant 0 : i32
    %dma_wait3A_1442 = arith.constant 0 : i32
    %dma_wait3A_1443 = tpu.memref_slice %arg6[%dma_wait3A_1429, %dma_wait3A_1441, %dma_wait3A_1442] : memref<8x16x768xf32, #tpu.memory_space<vmem>> -> memref<1x16x768xf32, #tpu.memory_space<vmem>>
    %dma_wait3A_1444 = tpu.memref_squeeze %dma_wait3A_1443 : memref<1x16x768xf32, #tpu.memory_space<vmem>> -> memref<16x768xf32, #tpu.memory_space<vmem>>
    tpu.wait_dma2 semaphore(%dma_wait3A_1438 : memref<!tpu.dma_semaphore, #tpu.memory_space<semaphore_mem>>) src(%dma_wait3A_1444 : memref<16x768xf32, #tpu.memory_space<vmem>>) dst(%dma_wait3A_1440 : memref<16x768xf32, #tpu.memory_space<hbm>>)
    %dma_start3A_1445 = arith.constant 4 : i32
    %dma_start3A_1446 = arith.constant 4 : i32
    %dma_start3A_1447 = arith.constant 0 : i32
    %dma_start3A_1448 = arith.constant 0 : i32
    %dma_start3A_1449 = tpu.memref_slice %arg6[%dma_start3A_1445, %dma_start3A_1447, %dma_start3A_1448] : memref<8x16x768xf32, #tpu.memory_space<vmem>> -> memref<1x16x768xf32, #tpu.memory_space<vmem>>
    %dma_start3A_1450 = tpu.memref_squeeze %dma_start3A_1449 : memref<1x16x768xf32, #tpu.memory_space<vmem>> -> memref<16x768xf32, #tpu.memory_space<vmem>>
    %dma_start3A_1451 = arith.constant 448 : i32
    %dma_start3A_1452 = tpu.memref_slice %arg5[%dma_start3A_1451] : memref<512xi32, #tpu.memory_space<vmem>> -> memref<16xi32, #tpu.memory_space<vmem>>
    %dma_start3A_1453 = arith.constant 0 : i32
    %dma_start3A_1454 = arith.constant 0 : i32
    %dma_start3A_1455 = tpu.memref_slice %arg2[%dma_start3A_1453, %dma_start3A_1454] : memref<1024x768xf32, #tpu.memory_space<hbm>> -> memref<1024x768xf32, #tpu.memory_space<hbm>>
    %dma_start3A_1456 = tpu.memref_slice %arg7[%dma_start3A_1446] : memref<8x!tpu.dma_semaphore, #tpu.memory_space<semaphore_mem>> -> memref<1x!tpu.dma_semaphore, #tpu.memory_space<semaphore_mem>>
    %dma_start3A_1457 = tpu.memref_squeeze %dma_start3A_1456 : memref<1x!tpu.dma_semaphore, #tpu.memory_space<semaphore_mem>> -> memref<!tpu.dma_semaphore, #tpu.memory_space<semaphore_mem>>
    tpu.enqueue_indirect_dma source(%dma_start3A_1455 : memref<1024x768xf32, #tpu.memory_space<hbm>>) target(%dma_start3A_1450 : memref<16x768xf32, #tpu.memory_space<vmem>>) offsets(%dma_start3A_1452 : memref<16xi32, #tpu.memory_space<vmem>>) semaphore(%dma_start3A_1457 : memref<!tpu.dma_semaphore, #tpu.memory_space<semaphore_mem>>)
    %dma_wait3A_1458 = arith.constant 0 : i32
    %dma_wait3A_1459 = arith.constant 0 : i32
    %dma_wait3A_1460 = arith.constant 0 : i32
    %dma_wait3A_1461 = arith.constant 0 : i32
    %dma_wait3A_1462 = tpu.memref_slice %arg6[%dma_wait3A_1458, %dma_wait3A_1460, %dma_wait3A_1461] : memref<8x16x768xf32, #tpu.memory_space<vmem>> -> memref<1x16x768xf32, #tpu.memory_space<vmem>>
    %dma_wait3A_1463 = tpu.memref_squeeze %dma_wait3A_1462 : memref<1x16x768xf32, #tpu.memory_space<vmem>> -> memref<16x768xf32, #tpu.memory_space<vmem>>
    %dma_wait3A_1464 = arith.constant 384 : i32
    %dma_wait3A_1465 = tpu.memref_slice %arg5[%dma_wait3A_1464] : memref<512xi32, #tpu.memory_space<vmem>> -> memref<16xi32, #tpu.memory_space<vmem>>
    %dma_wait3A_1466 = arith.constant 0 : i32
    %dma_wait3A_1467 = arith.constant 0 : i32
    %dma_wait3A_1468 = tpu.memref_slice %arg2[%dma_wait3A_1466, %dma_wait3A_1467] : memref<1024x768xf32, #tpu.memory_space<hbm>> -> memref<1024x768xf32, #tpu.memory_space<hbm>>
    %dma_wait3A_1469 = tpu.memref_slice %arg7[%dma_wait3A_1459] : memref<8x!tpu.dma_semaphore, #tpu.memory_space<semaphore_mem>> -> memref<1x!tpu.dma_semaphore, #tpu.memory_space<semaphore_mem>>
    %dma_wait3A_1470 = tpu.memref_squeeze %dma_wait3A_1469 : memref<1x!tpu.dma_semaphore, #tpu.memory_space<semaphore_mem>> -> memref<!tpu.dma_semaphore, #tpu.memory_space<semaphore_mem>>
    tpu.wait_indirect_dma semaphore(%dma_wait3A_1470 : memref<!tpu.dma_semaphore, #tpu.memory_space<semaphore_mem>>) src(%dma_wait3A_1468 : memref<1024x768xf32, #tpu.memory_space<hbm>>) dst(%dma_wait3A_1463 : memref<16x768xf32, #tpu.memory_space<vmem>>)
    %add3A_1471 = arith.constant 384 : i32
    %add3A_1472 = arith.addi %mul3A_2, %add3A_1471 : i32
    %dma_start3A_1473 = arith.constant 0 : i32
    %dma_start3A_1474 = arith.constant 0 : i32
    %dma_start3A_1475 = arith.constant 0 : i32
    %dma_start3A_1476 = arith.constant 0 : i32
    %dma_start3A_1477 = tpu.memref_slice %arg6[%dma_start3A_1473, %dma_start3A_1475, %dma_start3A_1476] : memref<8x16x768xf32, #tpu.memory_space<vmem>> -> memref<1x16x768xf32, #tpu.memory_space<vmem>>
    %dma_start3A_1478 = tpu.memref_squeeze %dma_start3A_1477 : memref<1x16x768xf32, #tpu.memory_space<vmem>> -> memref<16x768xf32, #tpu.memory_space<vmem>>
    %dma_start3A_1479 = arith.constant 0 : i32
    %dma_start3A_1480 = tpu.memref_slice %arg4[%add3A_1472, %dma_start3A_1479] : memref<16384x768xf32, #tpu.memory_space<hbm>> -> memref<16x768xf32, #tpu.memory_space<hbm>>
    %dma_start3A_1481 = tpu.memref_slice %arg8[%dma_start3A_1474] : memref<8x!tpu.dma_semaphore, #tpu.memory_space<semaphore_mem>> -> memref<1x!tpu.dma_semaphore, #tpu.memory_space<semaphore_mem>>
    %dma_start3A_1482 = tpu.memref_squeeze %dma_start3A_1481 : memref<1x!tpu.dma_semaphore, #tpu.memory_space<semaphore_mem>> -> memref<!tpu.dma_semaphore, #tpu.memory_space<semaphore_mem>>
    %dma_start3A_1483 = arith.constant 0 : i32
    %dma_start3A_1484 = tpu.memref_slice %arg4[%add3A_1472, %dma_start3A_1483] : memref<16384x768xf32, #tpu.memory_space<hbm>> -> memref<16x768xf32, #tpu.memory_space<hbm>>
    %dma_start3A_1485 = arith.constant 0 : i32
    %dma_start3A_1486 = arith.constant 0 : i32
    %dma_start3A_1487 = tpu.memref_slice %arg6[%dma_start3A_1473, %dma_start3A_1485, %dma_start3A_1486] : memref<8x16x768xf32, #tpu.memory_space<vmem>> -> memref<1x16x768xf32, #tpu.memory_space<vmem>>
    %dma_start3A_1488 = tpu.memref_squeeze %dma_start3A_1487 : memref<1x16x768xf32, #tpu.memory_space<vmem>> -> memref<16x768xf32, #tpu.memory_space<vmem>>
    tpu.enqueue_dma source(%dma_start3A_1488 : memref<16x768xf32, #tpu.memory_space<vmem>>) target(%dma_start3A_1484 : memref<16x768xf32, #tpu.memory_space<hbm>>) target_semaphore(%dma_start3A_1482 : memref<!tpu.dma_semaphore, #tpu.memory_space<semaphore_mem>>)
    %dma_wait3A_1489 = arith.constant 5 : i32
    %dma_wait3A_1490 = arith.constant 5 : i32
    %dma_wait3A_1491 = arith.constant 0 : i32
    %dma_wait3A_1492 = arith.constant 0 : i32
    %dma_wait3A_1493 = tpu.memref_slice %arg6[%dma_wait3A_1489, %dma_wait3A_1491, %dma_wait3A_1492] : memref<8x16x768xf32, #tpu.memory_space<vmem>> -> memref<1x16x768xf32, #tpu.memory_space<vmem>>
    %dma_wait3A_1494 = tpu.memref_squeeze %dma_wait3A_1493 : memref<1x16x768xf32, #tpu.memory_space<vmem>> -> memref<16x768xf32, #tpu.memory_space<vmem>>
    %dma_wait3A_1495 = arith.constant 0 : i32
    %dma_wait3A_1496 = tpu.memref_slice %arg4[%add3A_1292, %dma_wait3A_1495] : memref<16384x768xf32, #tpu.memory_space<hbm>> -> memref<16x768xf32, #tpu.memory_space<hbm>>
    %dma_wait3A_1497 = tpu.memref_slice %arg8[%dma_wait3A_1490] : memref<8x!tpu.dma_semaphore, #tpu.memory_space<semaphore_mem>> -> memref<1x!tpu.dma_semaphore, #tpu.memory_space<semaphore_mem>>
    %dma_wait3A_1498 = tpu.memref_squeeze %dma_wait3A_1497 : memref<1x!tpu.dma_semaphore, #tpu.memory_space<semaphore_mem>> -> memref<!tpu.dma_semaphore, #tpu.memory_space<semaphore_mem>>
    %dma_wait3A_1499 = arith.constant 0 : i32
    %dma_wait3A_1500 = tpu.memref_slice %arg4[%add3A_1292, %dma_wait3A_1499] : memref<16384x768xf32, #tpu.memory_space<hbm>> -> memref<16x768xf32, #tpu.memory_space<hbm>>
    %dma_wait3A_1501 = arith.constant 0 : i32
    %dma_wait3A_1502 = arith.constant 0 : i32
    %dma_wait3A_1503 = tpu.memref_slice %arg6[%dma_wait3A_1489, %dma_wait3A_1501, %dma_wait3A_1502] : memref<8x16x768xf32, #tpu.memory_space<vmem>> -> memref<1x16x768xf32, #tpu.memory_space<vmem>>
    %dma_wait3A_1504 = tpu.memref_squeeze %dma_wait3A_1503 : memref<1x16x768xf32, #tpu.memory_space<vmem>> -> memref<16x768xf32, #tpu.memory_space<vmem>>
    tpu.wait_dma2 semaphore(%dma_wait3A_1498 : memref<!tpu.dma_semaphore, #tpu.memory_space<semaphore_mem>>) src(%dma_wait3A_1504 : memref<16x768xf32, #tpu.memory_space<vmem>>) dst(%dma_wait3A_1500 : memref<16x768xf32, #tpu.memory_space<hbm>>)
    %dma_start3A_1505 = arith.constant 5 : i32
    %dma_start3A_1506 = arith.constant 5 : i32
    %dma_start3A_1507 = arith.constant 0 : i32
    %dma_start3A_1508 = arith.constant 0 : i32
    %dma_start3A_1509 = tpu.memref_slice %arg6[%dma_start3A_1505, %dma_start3A_1507, %dma_start3A_1508] : memref<8x16x768xf32, #tpu.memory_space<vmem>> -> memref<1x16x768xf32, #tpu.memory_space<vmem>>
    %dma_start3A_1510 = tpu.memref_squeeze %dma_start3A_1509 : memref<1x16x768xf32, #tpu.memory_space<vmem>> -> memref<16x768xf32, #tpu.memory_space<vmem>>
    %dma_start3A_1511 = arith.constant 464 : i32
    %dma_start3A_1512 = tpu.memref_slice %arg5[%dma_start3A_1511] : memref<512xi32, #tpu.memory_space<vmem>> -> memref<16xi32, #tpu.memory_space<vmem>>
    %dma_start3A_1513 = arith.constant 0 : i32
    %dma_start3A_1514 = arith.constant 0 : i32
    %dma_start3A_1515 = tpu.memref_slice %arg2[%dma_start3A_1513, %dma_start3A_1514] : memref<1024x768xf32, #tpu.memory_space<hbm>> -> memref<1024x768xf32, #tpu.memory_space<hbm>>
    %dma_start3A_1516 = tpu.memref_slice %arg7[%dma_start3A_1506] : memref<8x!tpu.dma_semaphore, #tpu.memory_space<semaphore_mem>> -> memref<1x!tpu.dma_semaphore, #tpu.memory_space<semaphore_mem>>
    %dma_start3A_1517 = tpu.memref_squeeze %dma_start3A_1516 : memref<1x!tpu.dma_semaphore, #tpu.memory_space<semaphore_mem>> -> memref<!tpu.dma_semaphore, #tpu.memory_space<semaphore_mem>>
    tpu.enqueue_indirect_dma source(%dma_start3A_1515 : memref<1024x768xf32, #tpu.memory_space<hbm>>) target(%dma_start3A_1510 : memref<16x768xf32, #tpu.memory_space<vmem>>) offsets(%dma_start3A_1512 : memref<16xi32, #tpu.memory_space<vmem>>) semaphore(%dma_start3A_1517 : memref<!tpu.dma_semaphore, #tpu.memory_space<semaphore_mem>>)
    %dma_wait3A_1518 = arith.constant 1 : i32
    %dma_wait3A_1519 = arith.constant 1 : i32
    %dma_wait3A_1520 = arith.constant 0 : i32
    %dma_wait3A_1521 = arith.constant 0 : i32
    %dma_wait3A_1522 = tpu.memref_slice %arg6[%dma_wait3A_1518, %dma_wait3A_1520, %dma_wait3A_1521] : memref<8x16x768xf32, #tpu.memory_space<vmem>> -> memref<1x16x768xf32, #tpu.memory_space<vmem>>
    %dma_wait3A_1523 = tpu.memref_squeeze %dma_wait3A_1522 : memref<1x16x768xf32, #tpu.memory_space<vmem>> -> memref<16x768xf32, #tpu.memory_space<vmem>>
    %dma_wait3A_1524 = arith.constant 400 : i32
    %dma_wait3A_1525 = tpu.memref_slice %arg5[%dma_wait3A_1524] : memref<512xi32, #tpu.memory_space<vmem>> -> memref<16xi32, #tpu.memory_space<vmem>>
    %dma_wait3A_1526 = arith.constant 0 : i32
    %dma_wait3A_1527 = arith.constant 0 : i32
    %dma_wait3A_1528 = tpu.memref_slice %arg2[%dma_wait3A_1526, %dma_wait3A_1527] : memref<1024x768xf32, #tpu.memory_space<hbm>> -> memref<1024x768xf32, #tpu.memory_space<hbm>>
    %dma_wait3A_1529 = tpu.memref_slice %arg7[%dma_wait3A_1519] : memref<8x!tpu.dma_semaphore, #tpu.memory_space<semaphore_mem>> -> memref<1x!tpu.dma_semaphore, #tpu.memory_space<semaphore_mem>>
    %dma_wait3A_1530 = tpu.memref_squeeze %dma_wait3A_1529 : memref<1x!tpu.dma_semaphore, #tpu.memory_space<semaphore_mem>> -> memref<!tpu.dma_semaphore, #tpu.memory_space<semaphore_mem>>
    tpu.wait_indirect_dma semaphore(%dma_wait3A_1530 : memref<!tpu.dma_semaphore, #tpu.memory_space<semaphore_mem>>) src(%dma_wait3A_1528 : memref<1024x768xf32, #tpu.memory_space<hbm>>) dst(%dma_wait3A_1523 : memref<16x768xf32, #tpu.memory_space<vmem>>)
    %add3A_1531 = arith.constant 400 : i32
    %add3A_1532 = arith.addi %mul3A_2, %add3A_1531 : i32
    %dma_start3A_1533 = arith.constant 1 : i32
    %dma_start3A_1534 = arith.constant 1 : i32
    %dma_start3A_1535 = arith.constant 0 : i32
    %dma_start3A_1536 = arith.constant 0 : i32
    %dma_start3A_1537 = tpu.memref_slice %arg6[%dma_start3A_1533, %dma_start3A_1535, %dma_start3A_1536] : memref<8x16x768xf32, #tpu.memory_space<vmem>> -> memref<1x16x768xf32, #tpu.memory_space<vmem>>
    %dma_start3A_1538 = tpu.memref_squeeze %dma_start3A_1537 : memref<1x16x768xf32, #tpu.memory_space<vmem>> -> memref<16x768xf32, #tpu.memory_space<vmem>>
    %dma_start3A_1539 = arith.constant 0 : i32
    %dma_start3A_1540 = tpu.memref_slice %arg4[%add3A_1532, %dma_start3A_1539] : memref<16384x768xf32, #tpu.memory_space<hbm>> -> memref<16x768xf32, #tpu.memory_space<hbm>>
    %dma_start3A_1541 = tpu.memref_slice %arg8[%dma_start3A_1534] : memref<8x!tpu.dma_semaphore, #tpu.memory_space<semaphore_mem>> -> memref<1x!tpu.dma_semaphore, #tpu.memory_space<semaphore_mem>>
    %dma_start3A_1542 = tpu.memref_squeeze %dma_start3A_1541 : memref<1x!tpu.dma_semaphore, #tpu.memory_space<semaphore_mem>> -> memref<!tpu.dma_semaphore, #tpu.memory_space<semaphore_mem>>
    %dma_start3A_1543 = arith.constant 0 : i32
    %dma_start3A_1544 = tpu.memref_slice %arg4[%add3A_1532, %dma_start3A_1543] : memref<16384x768xf32, #tpu.memory_space<hbm>> -> memref<16x768xf32, #tpu.memory_space<hbm>>
    %dma_start3A_1545 = arith.constant 0 : i32
    %dma_start3A_1546 = arith.constant 0 : i32
    %dma_start3A_1547 = tpu.memref_slice %arg6[%dma_start3A_1533, %dma_start3A_1545, %dma_start3A_1546] : memref<8x16x768xf32, #tpu.memory_space<vmem>> -> memref<1x16x768xf32, #tpu.memory_space<vmem>>
    %dma_start3A_1548 = tpu.memref_squeeze %dma_start3A_1547 : memref<1x16x768xf32, #tpu.memory_space<vmem>> -> memref<16x768xf32, #tpu.memory_space<vmem>>
    tpu.enqueue_dma source(%dma_start3A_1548 : memref<16x768xf32, #tpu.memory_space<vmem>>) target(%dma_start3A_1544 : memref<16x768xf32, #tpu.memory_space<hbm>>) target_semaphore(%dma_start3A_1542 : memref<!tpu.dma_semaphore, #tpu.memory_space<semaphore_mem>>)
    %dma_wait3A_1549 = arith.constant 6 : i32
    %dma_wait3A_1550 = arith.constant 6 : i32
    %dma_wait3A_1551 = arith.constant 0 : i32
    %dma_wait3A_1552 = arith.constant 0 : i32
    %dma_wait3A_1553 = tpu.memref_slice %arg6[%dma_wait3A_1549, %dma_wait3A_1551, %dma_wait3A_1552] : memref<8x16x768xf32, #tpu.memory_space<vmem>> -> memref<1x16x768xf32, #tpu.memory_space<vmem>>
    %dma_wait3A_1554 = tpu.memref_squeeze %dma_wait3A_1553 : memref<1x16x768xf32, #tpu.memory_space<vmem>> -> memref<16x768xf32, #tpu.memory_space<vmem>>
    %dma_wait3A_1555 = arith.constant 0 : i32
    %dma_wait3A_1556 = tpu.memref_slice %arg4[%add3A_1352, %dma_wait3A_1555] : memref<16384x768xf32, #tpu.memory_space<hbm>> -> memref<16x768xf32, #tpu.memory_space<hbm>>
    %dma_wait3A_1557 = tpu.memref_slice %arg8[%dma_wait3A_1550] : memref<8x!tpu.dma_semaphore, #tpu.memory_space<semaphore_mem>> -> memref<1x!tpu.dma_semaphore, #tpu.memory_space<semaphore_mem>>
    %dma_wait3A_1558 = tpu.memref_squeeze %dma_wait3A_1557 : memref<1x!tpu.dma_semaphore, #tpu.memory_space<semaphore_mem>> -> memref<!tpu.dma_semaphore, #tpu.memory_space<semaphore_mem>>
    %dma_wait3A_1559 = arith.constant 0 : i32
    %dma_wait3A_1560 = tpu.memref_slice %arg4[%add3A_1352, %dma_wait3A_1559] : memref<16384x768xf32, #tpu.memory_space<hbm>> -> memref<16x768xf32, #tpu.memory_space<hbm>>
    %dma_wait3A_1561 = arith.constant 0 : i32
    %dma_wait3A_1562 = arith.constant 0 : i32
    %dma_wait3A_1563 = tpu.memref_slice %arg6[%dma_wait3A_1549, %dma_wait3A_1561, %dma_wait3A_1562] : memref<8x16x768xf32, #tpu.memory_space<vmem>> -> memref<1x16x768xf32, #tpu.memory_space<vmem>>
    %dma_wait3A_1564 = tpu.memref_squeeze %dma_wait3A_1563 : memref<1x16x768xf32, #tpu.memory_space<vmem>> -> memref<16x768xf32, #tpu.memory_space<vmem>>
    tpu.wait_dma2 semaphore(%dma_wait3A_1558 : memref<!tpu.dma_semaphore, #tpu.memory_space<semaphore_mem>>) src(%dma_wait3A_1564 : memref<16x768xf32, #tpu.memory_space<vmem>>) dst(%dma_wait3A_1560 : memref<16x768xf32, #tpu.memory_space<hbm>>)
    %dma_start3A_1565 = arith.constant 6 : i32
    %dma_start3A_1566 = arith.constant 6 : i32
    %dma_start3A_1567 = arith.constant 0 : i32
    %dma_start3A_1568 = arith.constant 0 : i32
    %dma_start3A_1569 = tpu.memref_slice %arg6[%dma_start3A_1565, %dma_start3A_1567, %dma_start3A_1568] : memref<8x16x768xf32, #tpu.memory_space<vmem>> -> memref<1x16x768xf32, #tpu.memory_space<vmem>>
    %dma_start3A_1570 = tpu.memref_squeeze %dma_start3A_1569 : memref<1x16x768xf32, #tpu.memory_space<vmem>> -> memref<16x768xf32, #tpu.memory_space<vmem>>
    %dma_start3A_1571 = arith.constant 480 : i32
    %dma_start3A_1572 = tpu.memref_slice %arg5[%dma_start3A_1571] : memref<512xi32, #tpu.memory_space<vmem>> -> memref<16xi32, #tpu.memory_space<vmem>>
    %dma_start3A_1573 = arith.constant 0 : i32
    %dma_start3A_1574 = arith.constant 0 : i32
    %dma_start3A_1575 = tpu.memref_slice %arg2[%dma_start3A_1573, %dma_start3A_1574] : memref<1024x768xf32, #tpu.memory_space<hbm>> -> memref<1024x768xf32, #tpu.memory_space<hbm>>
    %dma_start3A_1576 = tpu.memref_slice %arg7[%dma_start3A_1566] : memref<8x!tpu.dma_semaphore, #tpu.memory_space<semaphore_mem>> -> memref<1x!tpu.dma_semaphore, #tpu.memory_space<semaphore_mem>>
    %dma_start3A_1577 = tpu.memref_squeeze %dma_start3A_1576 : memref<1x!tpu.dma_semaphore, #tpu.memory_space<semaphore_mem>> -> memref<!tpu.dma_semaphore, #tpu.memory_space<semaphore_mem>>
    tpu.enqueue_indirect_dma source(%dma_start3A_1575 : memref<1024x768xf32, #tpu.memory_space<hbm>>) target(%dma_start3A_1570 : memref<16x768xf32, #tpu.memory_space<vmem>>) offsets(%dma_start3A_1572 : memref<16xi32, #tpu.memory_space<vmem>>) semaphore(%dma_start3A_1577 : memref<!tpu.dma_semaphore, #tpu.memory_space<semaphore_mem>>)
    %dma_wait3A_1578 = arith.constant 2 : i32
    %dma_wait3A_1579 = arith.constant 2 : i32
    %dma_wait3A_1580 = arith.constant 0 : i32
    %dma_wait3A_1581 = arith.constant 0 : i32
    %dma_wait3A_1582 = tpu.memref_slice %arg6[%dma_wait3A_1578, %dma_wait3A_1580, %dma_wait3A_1581] : memref<8x16x768xf32, #tpu.memory_space<vmem>> -> memref<1x16x768xf32, #tpu.memory_space<vmem>>
    %dma_wait3A_1583 = tpu.memref_squeeze %dma_wait3A_1582 : memref<1x16x768xf32, #tpu.memory_space<vmem>> -> memref<16x768xf32, #tpu.memory_space<vmem>>
    %dma_wait3A_1584 = arith.constant 416 : i32
    %dma_wait3A_1585 = tpu.memref_slice %arg5[%dma_wait3A_1584] : memref<512xi32, #tpu.memory_space<vmem>> -> memref<16xi32, #tpu.memory_space<vmem>>
    %dma_wait3A_1586 = arith.constant 0 : i32
    %dma_wait3A_1587 = arith.constant 0 : i32
    %dma_wait3A_1588 = tpu.memref_slice %arg2[%dma_wait3A_1586, %dma_wait3A_1587] : memref<1024x768xf32, #tpu.memory_space<hbm>> -> memref<1024x768xf32, #tpu.memory_space<hbm>>
    %dma_wait3A_1589 = tpu.memref_slice %arg7[%dma_wait3A_1579] : memref<8x!tpu.dma_semaphore, #tpu.memory_space<semaphore_mem>> -> memref<1x!tpu.dma_semaphore, #tpu.memory_space<semaphore_mem>>
    %dma_wait3A_1590 = tpu.memref_squeeze %dma_wait3A_1589 : memref<1x!tpu.dma_semaphore, #tpu.memory_space<semaphore_mem>> -> memref<!tpu.dma_semaphore, #tpu.memory_space<semaphore_mem>>
    tpu.wait_indirect_dma semaphore(%dma_wait3A_1590 : memref<!tpu.dma_semaphore, #tpu.memory_space<semaphore_mem>>) src(%dma_wait3A_1588 : memref<1024x768xf32, #tpu.memory_space<hbm>>) dst(%dma_wait3A_1583 : memref<16x768xf32, #tpu.memory_space<vmem>>)
    %add3A_1591 = arith.constant 416 : i32
    %add3A_1592 = arith.addi %mul3A_2, %add3A_1591 : i32
    %dma_start3A_1593 = arith.constant 2 : i32
    %dma_start3A_1594 = arith.constant 2 : i32
    %dma_start3A_1595 = arith.constant 0 : i32
    %dma_start3A_1596 = arith.constant 0 : i32
    %dma_start3A_1597 = tpu.memref_slice %arg6[%dma_start3A_1593, %dma_start3A_1595, %dma_start3A_1596] : memref<8x16x768xf32, #tpu.memory_space<vmem>> -> memref<1x16x768xf32, #tpu.memory_space<vmem>>
    %dma_start3A_1598 = tpu.memref_squeeze %dma_start3A_1597 : memref<1x16x768xf32, #tpu.memory_space<vmem>> -> memref<16x768xf32, #tpu.memory_space<vmem>>
    %dma_start3A_1599 = arith.constant 0 : i32
    %dma_start3A_1600 = tpu.memref_slice %arg4[%add3A_1592, %dma_start3A_1599] : memref<16384x768xf32, #tpu.memory_space<hbm>> -> memref<16x768xf32, #tpu.memory_space<hbm>>
    %dma_start3A_1601 = tpu.memref_slice %arg8[%dma_start3A_1594] : memref<8x!tpu.dma_semaphore, #tpu.memory_space<semaphore_mem>> -> memref<1x!tpu.dma_semaphore, #tpu.memory_space<semaphore_mem>>
    %dma_start3A_1602 = tpu.memref_squeeze %dma_start3A_1601 : memref<1x!tpu.dma_semaphore, #tpu.memory_space<semaphore_mem>> -> memref<!tpu.dma_semaphore, #tpu.memory_space<semaphore_mem>>
    %dma_start3A_1603 = arith.constant 0 : i32
    %dma_start3A_1604 = tpu.memref_slice %arg4[%add3A_1592, %dma_start3A_1603] : memref<16384x768xf32, #tpu.memory_space<hbm>> -> memref<16x768xf32, #tpu.memory_space<hbm>>
    %dma_start3A_1605 = arith.constant 0 : i32
    %dma_start3A_1606 = arith.constant 0 : i32
    %dma_start3A_1607 = tpu.memref_slice %arg6[%dma_start3A_1593, %dma_start3A_1605, %dma_start3A_1606] : memref<8x16x768xf32, #tpu.memory_space<vmem>> -> memref<1x16x768xf32, #tpu.memory_space<vmem>>
    %dma_start3A_1608 = tpu.memref_squeeze %dma_start3A_1607 : memref<1x16x768xf32, #tpu.memory_space<vmem>> -> memref<16x768xf32, #tpu.memory_space<vmem>>
    tpu.enqueue_dma source(%dma_start3A_1608 : memref<16x768xf32, #tpu.memory_space<vmem>>) target(%dma_start3A_1604 : memref<16x768xf32, #tpu.memory_space<hbm>>) target_semaphore(%dma_start3A_1602 : memref<!tpu.dma_semaphore, #tpu.memory_space<semaphore_mem>>)
    %dma_wait3A_1609 = arith.constant 7 : i32
    %dma_wait3A_1610 = arith.constant 7 : i32
    %dma_wait3A_1611 = arith.constant 0 : i32
    %dma_wait3A_1612 = arith.constant 0 : i32
    %dma_wait3A_1613 = tpu.memref_slice %arg6[%dma_wait3A_1609, %dma_wait3A_1611, %dma_wait3A_1612] : memref<8x16x768xf32, #tpu.memory_space<vmem>> -> memref<1x16x768xf32, #tpu.memory_space<vmem>>
    %dma_wait3A_1614 = tpu.memref_squeeze %dma_wait3A_1613 : memref<1x16x768xf32, #tpu.memory_space<vmem>> -> memref<16x768xf32, #tpu.memory_space<vmem>>
    %dma_wait3A_1615 = arith.constant 0 : i32
    %dma_wait3A_1616 = tpu.memref_slice %arg4[%add3A_1412, %dma_wait3A_1615] : memref<16384x768xf32, #tpu.memory_space<hbm>> -> memref<16x768xf32, #tpu.memory_space<hbm>>
    %dma_wait3A_1617 = tpu.memref_slice %arg8[%dma_wait3A_1610] : memref<8x!tpu.dma_semaphore, #tpu.memory_space<semaphore_mem>> -> memref<1x!tpu.dma_semaphore, #tpu.memory_space<semaphore_mem>>
    %dma_wait3A_1618 = tpu.memref_squeeze %dma_wait3A_1617 : memref<1x!tpu.dma_semaphore, #tpu.memory_space<semaphore_mem>> -> memref<!tpu.dma_semaphore, #tpu.memory_space<semaphore_mem>>
    %dma_wait3A_1619 = arith.constant 0 : i32
    %dma_wait3A_1620 = tpu.memref_slice %arg4[%add3A_1412, %dma_wait3A_1619] : memref<16384x768xf32, #tpu.memory_space<hbm>> -> memref<16x768xf32, #tpu.memory_space<hbm>>
    %dma_wait3A_1621 = arith.constant 0 : i32
    %dma_wait3A_1622 = arith.constant 0 : i32
    %dma_wait3A_1623 = tpu.memref_slice %arg6[%dma_wait3A_1609, %dma_wait3A_1621, %dma_wait3A_1622] : memref<8x16x768xf32, #tpu.memory_space<vmem>> -> memref<1x16x768xf32, #tpu.memory_space<vmem>>
    %dma_wait3A_1624 = tpu.memref_squeeze %dma_wait3A_1623 : memref<1x16x768xf32, #tpu.memory_space<vmem>> -> memref<16x768xf32, #tpu.memory_space<vmem>>
    tpu.wait_dma2 semaphore(%dma_wait3A_1618 : memref<!tpu.dma_semaphore, #tpu.memory_space<semaphore_mem>>) src(%dma_wait3A_1624 : memref<16x768xf32, #tpu.memory_space<vmem>>) dst(%dma_wait3A_1620 : memref<16x768xf32, #tpu.memory_space<hbm>>)
    %dma_start3A_1625 = arith.constant 7 : i32
    %dma_start3A_1626 = arith.constant 7 : i32
    %dma_start3A_1627 = arith.constant 0 : i32
    %dma_start3A_1628 = arith.constant 0 : i32
    %dma_start3A_1629 = tpu.memref_slice %arg6[%dma_start3A_1625, %dma_start3A_1627, %dma_start3A_1628] : memref<8x16x768xf32, #tpu.memory_space<vmem>> -> memref<1x16x768xf32, #tpu.memory_space<vmem>>
    %dma_start3A_1630 = tpu.memref_squeeze %dma_start3A_1629 : memref<1x16x768xf32, #tpu.memory_space<vmem>> -> memref<16x768xf32, #tpu.memory_space<vmem>>
    %dma_start3A_1631 = arith.constant 496 : i32
    %dma_start3A_1632 = tpu.memref_slice %arg5[%dma_start3A_1631] : memref<512xi32, #tpu.memory_space<vmem>> -> memref<16xi32, #tpu.memory_space<vmem>>
    %dma_start3A_1633 = arith.constant 0 : i32
    %dma_start3A_1634 = arith.constant 0 : i32
    %dma_start3A_1635 = tpu.memref_slice %arg2[%dma_start3A_1633, %dma_start3A_1634] : memref<1024x768xf32, #tpu.memory_space<hbm>> -> memref<1024x768xf32, #tpu.memory_space<hbm>>
    %dma_start3A_1636 = tpu.memref_slice %arg7[%dma_start3A_1626] : memref<8x!tpu.dma_semaphore, #tpu.memory_space<semaphore_mem>> -> memref<1x!tpu.dma_semaphore, #tpu.memory_space<semaphore_mem>>
    %dma_start3A_1637 = tpu.memref_squeeze %dma_start3A_1636 : memref<1x!tpu.dma_semaphore, #tpu.memory_space<semaphore_mem>> -> memref<!tpu.dma_semaphore, #tpu.memory_space<semaphore_mem>>
    tpu.enqueue_indirect_dma source(%dma_start3A_1635 : memref<1024x768xf32, #tpu.memory_space<hbm>>) target(%dma_start3A_1630 : memref<16x768xf32, #tpu.memory_space<vmem>>) offsets(%dma_start3A_1632 : memref<16xi32, #tpu.memory_space<vmem>>) semaphore(%dma_start3A_1637 : memref<!tpu.dma_semaphore, #tpu.memory_space<semaphore_mem>>)
    %dma_wait3A_1638 = arith.constant 3 : i32
    %dma_wait3A_1639 = arith.constant 3 : i32
    %dma_wait3A_1640 = arith.constant 0 : i32
    %dma_wait3A_1641 = arith.constant 0 : i32
    %dma_wait3A_1642 = tpu.memref_slice %arg6[%dma_wait3A_1638, %dma_wait3A_1640, %dma_wait3A_1641] : memref<8x16x768xf32, #tpu.memory_space<vmem>> -> memref<1x16x768xf32, #tpu.memory_space<vmem>>
    %dma_wait3A_1643 = tpu.memref_squeeze %dma_wait3A_1642 : memref<1x16x768xf32, #tpu.memory_space<vmem>> -> memref<16x768xf32, #tpu.memory_space<vmem>>
    %dma_wait3A_1644 = arith.constant 432 : i32
    %dma_wait3A_1645 = tpu.memref_slice %arg5[%dma_wait3A_1644] : memref<512xi32, #tpu.memory_space<vmem>> -> memref<16xi32, #tpu.memory_space<vmem>>
    %dma_wait3A_1646 = arith.constant 0 : i32
    %dma_wait3A_1647 = arith.constant 0 : i32
    %dma_wait3A_1648 = tpu.memref_slice %arg2[%dma_wait3A_1646, %dma_wait3A_1647] : memref<1024x768xf32, #tpu.memory_space<hbm>> -> memref<1024x768xf32, #tpu.memory_space<hbm>>
    %dma_wait3A_1649 = tpu.memref_slice %arg7[%dma_wait3A_1639] : memref<8x!tpu.dma_semaphore, #tpu.memory_space<semaphore_mem>> -> memref<1x!tpu.dma_semaphore, #tpu.memory_space<semaphore_mem>>
    %dma_wait3A_1650 = tpu.memref_squeeze %dma_wait3A_1649 : memref<1x!tpu.dma_semaphore, #tpu.memory_space<semaphore_mem>> -> memref<!tpu.dma_semaphore, #tpu.memory_space<semaphore_mem>>
    tpu.wait_indirect_dma semaphore(%dma_wait3A_1650 : memref<!tpu.dma_semaphore, #tpu.memory_space<semaphore_mem>>) src(%dma_wait3A_1648 : memref<1024x768xf32, #tpu.memory_space<hbm>>) dst(%dma_wait3A_1643 : memref<16x768xf32, #tpu.memory_space<vmem>>)
    %add3A_1651 = arith.constant 432 : i32
    %add3A_1652 = arith.addi %mul3A_2, %add3A_1651 : i32
    %dma_start3A_1653 = arith.constant 3 : i32
    %dma_start3A_1654 = arith.constant 3 : i32
    %dma_start3A_1655 = arith.constant 0 : i32
    %dma_start3A_1656 = arith.constant 0 : i32
    %dma_start3A_1657 = tpu.memref_slice %arg6[%dma_start3A_1653, %dma_start3A_1655, %dma_start3A_1656] : memref<8x16x768xf32, #tpu.memory_space<vmem>> -> memref<1x16x768xf32, #tpu.memory_space<vmem>>
    %dma_start3A_1658 = tpu.memref_squeeze %dma_start3A_1657 : memref<1x16x768xf32, #tpu.memory_space<vmem>> -> memref<16x768xf32, #tpu.memory_space<vmem>>
    %dma_start3A_1659 = arith.constant 0 : i32
    %dma_start3A_1660 = tpu.memref_slice %arg4[%add3A_1652, %dma_start3A_1659] : memref<16384x768xf32, #tpu.memory_space<hbm>> -> memref<16x768xf32, #tpu.memory_space<hbm>>
    %dma_start3A_1661 = tpu.memref_slice %arg8[%dma_start3A_1654] : memref<8x!tpu.dma_semaphore, #tpu.memory_space<semaphore_mem>> -> memref<1x!tpu.dma_semaphore, #tpu.memory_space<semaphore_mem>>
    %dma_start3A_1662 = tpu.memref_squeeze %dma_start3A_1661 : memref<1x!tpu.dma_semaphore, #tpu.memory_space<semaphore_mem>> -> memref<!tpu.dma_semaphore, #tpu.memory_space<semaphore_mem>>
    %dma_start3A_1663 = arith.constant 0 : i32
    %dma_start3A_1664 = tpu.memref_slice %arg4[%add3A_1652, %dma_start3A_1663] : memref<16384x768xf32, #tpu.memory_space<hbm>> -> memref<16x768xf32, #tpu.memory_space<hbm>>
    %dma_start3A_1665 = arith.constant 0 : i32
    %dma_start3A_1666 = arith.constant 0 : i32
    %dma_start3A_1667 = tpu.memref_slice %arg6[%dma_start3A_1653, %dma_start3A_1665, %dma_start3A_1666] : memref<8x16x768xf32, #tpu.memory_space<vmem>> -> memref<1x16x768xf32, #tpu.memory_space<vmem>>
    %dma_start3A_1668 = tpu.memref_squeeze %dma_start3A_1667 : memref<1x16x768xf32, #tpu.memory_space<vmem>> -> memref<16x768xf32, #tpu.memory_space<vmem>>
    tpu.enqueue_dma source(%dma_start3A_1668 : memref<16x768xf32, #tpu.memory_space<vmem>>) target(%dma_start3A_1664 : memref<16x768xf32, #tpu.memory_space<hbm>>) target_semaphore(%dma_start3A_1662 : memref<!tpu.dma_semaphore, #tpu.memory_space<semaphore_mem>>)
    %dma_wait3A_1669 = arith.constant 0 : i32
    %dma_wait3A_1670 = arith.constant 0 : i32
    %dma_wait3A_1671 = arith.constant 0 : i32
    %dma_wait3A_1672 = arith.constant 0 : i32
    %dma_wait3A_1673 = tpu.memref_slice %arg6[%dma_wait3A_1669, %dma_wait3A_1671, %dma_wait3A_1672] : memref<8x16x768xf32, #tpu.memory_space<vmem>> -> memref<1x16x768xf32, #tpu.memory_space<vmem>>
    %dma_wait3A_1674 = tpu.memref_squeeze %dma_wait3A_1673 : memref<1x16x768xf32, #tpu.memory_space<vmem>> -> memref<16x768xf32, #tpu.memory_space<vmem>>
    %dma_wait3A_1675 = arith.constant 0 : i32
    %dma_wait3A_1676 = tpu.memref_slice %arg4[%add3A_1472, %dma_wait3A_1675] : memref<16384x768xf32, #tpu.memory_space<hbm>> -> memref<16x768xf32, #tpu.memory_space<hbm>>
    %dma_wait3A_1677 = tpu.memref_slice %arg8[%dma_wait3A_1670] : memref<8x!tpu.dma_semaphore, #tpu.memory_space<semaphore_mem>> -> memref<1x!tpu.dma_semaphore, #tpu.memory_space<semaphore_mem>>
    %dma_wait3A_1678 = tpu.memref_squeeze %dma_wait3A_1677 : memref<1x!tpu.dma_semaphore, #tpu.memory_space<semaphore_mem>> -> memref<!tpu.dma_semaphore, #tpu.memory_space<semaphore_mem>>
    %dma_wait3A_1679 = arith.constant 0 : i32
    %dma_wait3A_1680 = tpu.memref_slice %arg4[%add3A_1472, %dma_wait3A_1679] : memref<16384x768xf32, #tpu.memory_space<hbm>> -> memref<16x768xf32, #tpu.memory_space<hbm>>
    %dma_wait3A_1681 = arith.constant 0 : i32
    %dma_wait3A_1682 = arith.constant 0 : i32
    %dma_wait3A_1683 = tpu.memref_slice %arg6[%dma_wait3A_1669, %dma_wait3A_1681, %dma_wait3A_1682] : memref<8x16x768xf32, #tpu.memory_space<vmem>> -> memref<1x16x768xf32, #tpu.memory_space<vmem>>
    %dma_wait3A_1684 = tpu.memref_squeeze %dma_wait3A_1683 : memref<1x16x768xf32, #tpu.memory_space<vmem>> -> memref<16x768xf32, #tpu.memory_space<vmem>>
    tpu.wait_dma2 semaphore(%dma_wait3A_1678 : memref<!tpu.dma_semaphore, #tpu.memory_space<semaphore_mem>>) src(%dma_wait3A_1684 : memref<16x768xf32, #tpu.memory_space<vmem>>) dst(%dma_wait3A_1680 : memref<16x768xf32, #tpu.memory_space<hbm>>)
    %dma_wait3A_1685 = arith.constant 4 : i32
    %dma_wait3A_1686 = arith.constant 4 : i32
    %dma_wait3A_1687 = arith.constant 0 : i32
    %dma_wait3A_1688 = arith.constant 0 : i32
    %dma_wait3A_1689 = tpu.memref_slice %arg6[%dma_wait3A_1685, %dma_wait3A_1687, %dma_wait3A_1688] : memref<8x16x768xf32, #tpu.memory_space<vmem>> -> memref<1x16x768xf32, #tpu.memory_space<vmem>>
    %dma_wait3A_1690 = tpu.memref_squeeze %dma_wait3A_1689 : memref<1x16x768xf32, #tpu.memory_space<vmem>> -> memref<16x768xf32, #tpu.memory_space<vmem>>
    %dma_wait3A_1691 = arith.constant 448 : i32
    %dma_wait3A_1692 = tpu.memref_slice %arg5[%dma_wait3A_1691] : memref<512xi32, #tpu.memory_space<vmem>> -> memref<16xi32, #tpu.memory_space<vmem>>
    %dma_wait3A_1693 = arith.constant 0 : i32
    %dma_wait3A_1694 = arith.constant 0 : i32
    %dma_wait3A_1695 = tpu.memref_slice %arg2[%dma_wait3A_1693, %dma_wait3A_1694] : memref<1024x768xf32, #tpu.memory_space<hbm>> -> memref<1024x768xf32, #tpu.memory_space<hbm>>
    %dma_wait3A_1696 = tpu.memref_slice %arg7[%dma_wait3A_1686] : memref<8x!tpu.dma_semaphore, #tpu.memory_space<semaphore_mem>> -> memref<1x!tpu.dma_semaphore, #tpu.memory_space<semaphore_mem>>
    %dma_wait3A_1697 = tpu.memref_squeeze %dma_wait3A_1696 : memref<1x!tpu.dma_semaphore, #tpu.memory_space<semaphore_mem>> -> memref<!tpu.dma_semaphore, #tpu.memory_space<semaphore_mem>>
    tpu.wait_indirect_dma semaphore(%dma_wait3A_1697 : memref<!tpu.dma_semaphore, #tpu.memory_space<semaphore_mem>>) src(%dma_wait3A_1695 : memref<1024x768xf32, #tpu.memory_space<hbm>>) dst(%dma_wait3A_1690 : memref<16x768xf32, #tpu.memory_space<vmem>>)
    %add3A_1698 = arith.constant 448 : i32
    %add3A_1699 = arith.addi %mul3A_2, %add3A_1698 : i32
    %dma_start3A_1700 = arith.constant 4 : i32
    %dma_start3A_1701 = arith.constant 4 : i32
    %dma_start3A_1702 = arith.constant 0 : i32
    %dma_start3A_1703 = arith.constant 0 : i32
    %dma_start3A_1704 = tpu.memref_slice %arg6[%dma_start3A_1700, %dma_start3A_1702, %dma_start3A_1703] : memref<8x16x768xf32, #tpu.memory_space<vmem>> -> memref<1x16x768xf32, #tpu.memory_space<vmem>>
    %dma_start3A_1705 = tpu.memref_squeeze %dma_start3A_1704 : memref<1x16x768xf32, #tpu.memory_space<vmem>> -> memref<16x768xf32, #tpu.memory_space<vmem>>
    %dma_start3A_1706 = arith.constant 0 : i32
    %dma_start3A_1707 = tpu.memref_slice %arg4[%add3A_1699, %dma_start3A_1706] : memref<16384x768xf32, #tpu.memory_space<hbm>> -> memref<16x768xf32, #tpu.memory_space<hbm>>
    %dma_start3A_1708 = tpu.memref_slice %arg8[%dma_start3A_1701] : memref<8x!tpu.dma_semaphore, #tpu.memory_space<semaphore_mem>> -> memref<1x!tpu.dma_semaphore, #tpu.memory_space<semaphore_mem>>
    %dma_start3A_1709 = tpu.memref_squeeze %dma_start3A_1708 : memref<1x!tpu.dma_semaphore, #tpu.memory_space<semaphore_mem>> -> memref<!tpu.dma_semaphore, #tpu.memory_space<semaphore_mem>>
    %dma_start3A_1710 = arith.constant 0 : i32
    %dma_start3A_1711 = tpu.memref_slice %arg4[%add3A_1699, %dma_start3A_1710] : memref<16384x768xf32, #tpu.memory_space<hbm>> -> memref<16x768xf32, #tpu.memory_space<hbm>>
    %dma_start3A_1712 = arith.constant 0 : i32
    %dma_start3A_1713 = arith.constant 0 : i32
    %dma_start3A_1714 = tpu.memref_slice %arg6[%dma_start3A_1700, %dma_start3A_1712, %dma_start3A_1713] : memref<8x16x768xf32, #tpu.memory_space<vmem>> -> memref<1x16x768xf32, #tpu.memory_space<vmem>>
    %dma_start3A_1715 = tpu.memref_squeeze %dma_start3A_1714 : memref<1x16x768xf32, #tpu.memory_space<vmem>> -> memref<16x768xf32, #tpu.memory_space<vmem>>
    tpu.enqueue_dma source(%dma_start3A_1715 : memref<16x768xf32, #tpu.memory_space<vmem>>) target(%dma_start3A_1711 : memref<16x768xf32, #tpu.memory_space<hbm>>) target_semaphore(%dma_start3A_1709 : memref<!tpu.dma_semaphore, #tpu.memory_space<semaphore_mem>>)
    %dma_wait3A_1716 = arith.constant 1 : i32
    %dma_wait3A_1717 = arith.constant 1 : i32
    %dma_wait3A_1718 = arith.constant 0 : i32
    %dma_wait3A_1719 = arith.constant 0 : i32
    %dma_wait3A_1720 = tpu.memref_slice %arg6[%dma_wait3A_1716, %dma_wait3A_1718, %dma_wait3A_1719] : memref<8x16x768xf32, #tpu.memory_space<vmem>> -> memref<1x16x768xf32, #tpu.memory_space<vmem>>
    %dma_wait3A_1721 = tpu.memref_squeeze %dma_wait3A_1720 : memref<1x16x768xf32, #tpu.memory_space<vmem>> -> memref<16x768xf32, #tpu.memory_space<vmem>>
    %dma_wait3A_1722 = arith.constant 0 : i32
    %dma_wait3A_1723 = tpu.memref_slice %arg4[%add3A_1532, %dma_wait3A_1722] : memref<16384x768xf32, #tpu.memory_space<hbm>> -> memref<16x768xf32, #tpu.memory_space<hbm>>
    %dma_wait3A_1724 = tpu.memref_slice %arg8[%dma_wait3A_1717] : memref<8x!tpu.dma_semaphore, #tpu.memory_space<semaphore_mem>> -> memref<1x!tpu.dma_semaphore, #tpu.memory_space<semaphore_mem>>
    %dma_wait3A_1725 = tpu.memref_squeeze %dma_wait3A_1724 : memref<1x!tpu.dma_semaphore, #tpu.memory_space<semaphore_mem>> -> memref<!tpu.dma_semaphore, #tpu.memory_space<semaphore_mem>>
    %dma_wait3A_1726 = arith.constant 0 : i32
    %dma_wait3A_1727 = tpu.memref_slice %arg4[%add3A_1532, %dma_wait3A_1726] : memref<16384x768xf32, #tpu.memory_space<hbm>> -> memref<16x768xf32, #tpu.memory_space<hbm>>
    %dma_wait3A_1728 = arith.constant 0 : i32
    %dma_wait3A_1729 = arith.constant 0 : i32
    %dma_wait3A_1730 = tpu.memref_slice %arg6[%dma_wait3A_1716, %dma_wait3A_1728, %dma_wait3A_1729] : memref<8x16x768xf32, #tpu.memory_space<vmem>> -> memref<1x16x768xf32, #tpu.memory_space<vmem>>
    %dma_wait3A_1731 = tpu.memref_squeeze %dma_wait3A_1730 : memref<1x16x768xf32, #tpu.memory_space<vmem>> -> memref<16x768xf32, #tpu.memory_space<vmem>>
    tpu.wait_dma2 semaphore(%dma_wait3A_1725 : memref<!tpu.dma_semaphore, #tpu.memory_space<semaphore_mem>>) src(%dma_wait3A_1731 : memref<16x768xf32, #tpu.memory_space<vmem>>) dst(%dma_wait3A_1727 : memref<16x768xf32, #tpu.memory_space<hbm>>)
    %dma_wait3A_1732 = arith.constant 5 : i32
    %dma_wait3A_1733 = arith.constant 5 : i32
    %dma_wait3A_1734 = arith.constant 0 : i32
    %dma_wait3A_1735 = arith.constant 0 : i32
    %dma_wait3A_1736 = tpu.memref_slice %arg6[%dma_wait3A_1732, %dma_wait3A_1734, %dma_wait3A_1735] : memref<8x16x768xf32, #tpu.memory_space<vmem>> -> memref<1x16x768xf32, #tpu.memory_space<vmem>>
    %dma_wait3A_1737 = tpu.memref_squeeze %dma_wait3A_1736 : memref<1x16x768xf32, #tpu.memory_space<vmem>> -> memref<16x768xf32, #tpu.memory_space<vmem>>
    %dma_wait3A_1738 = arith.constant 464 : i32
    %dma_wait3A_1739 = tpu.memref_slice %arg5[%dma_wait3A_1738] : memref<512xi32, #tpu.memory_space<vmem>> -> memref<16xi32, #tpu.memory_space<vmem>>
    %dma_wait3A_1740 = arith.constant 0 : i32
    %dma_wait3A_1741 = arith.constant 0 : i32
    %dma_wait3A_1742 = tpu.memref_slice %arg2[%dma_wait3A_1740, %dma_wait3A_1741] : memref<1024x768xf32, #tpu.memory_space<hbm>> -> memref<1024x768xf32, #tpu.memory_space<hbm>>
    %dma_wait3A_1743 = tpu.memref_slice %arg7[%dma_wait3A_1733] : memref<8x!tpu.dma_semaphore, #tpu.memory_space<semaphore_mem>> -> memref<1x!tpu.dma_semaphore, #tpu.memory_space<semaphore_mem>>
    %dma_wait3A_1744 = tpu.memref_squeeze %dma_wait3A_1743 : memref<1x!tpu.dma_semaphore, #tpu.memory_space<semaphore_mem>> -> memref<!tpu.dma_semaphore, #tpu.memory_space<semaphore_mem>>
    tpu.wait_indirect_dma semaphore(%dma_wait3A_1744 : memref<!tpu.dma_semaphore, #tpu.memory_space<semaphore_mem>>) src(%dma_wait3A_1742 : memref<1024x768xf32, #tpu.memory_space<hbm>>) dst(%dma_wait3A_1737 : memref<16x768xf32, #tpu.memory_space<vmem>>)
    %add3A_1745 = arith.constant 464 : i32
    %add3A_1746 = arith.addi %mul3A_2, %add3A_1745 : i32
    %dma_start3A_1747 = arith.constant 5 : i32
    %dma_start3A_1748 = arith.constant 5 : i32
    %dma_start3A_1749 = arith.constant 0 : i32
    %dma_start3A_1750 = arith.constant 0 : i32
    %dma_start3A_1751 = tpu.memref_slice %arg6[%dma_start3A_1747, %dma_start3A_1749, %dma_start3A_1750] : memref<8x16x768xf32, #tpu.memory_space<vmem>> -> memref<1x16x768xf32, #tpu.memory_space<vmem>>
    %dma_start3A_1752 = tpu.memref_squeeze %dma_start3A_1751 : memref<1x16x768xf32, #tpu.memory_space<vmem>> -> memref<16x768xf32, #tpu.memory_space<vmem>>
    %dma_start3A_1753 = arith.constant 0 : i32
    %dma_start3A_1754 = tpu.memref_slice %arg4[%add3A_1746, %dma_start3A_1753] : memref<16384x768xf32, #tpu.memory_space<hbm>> -> memref<16x768xf32, #tpu.memory_space<hbm>>
    %dma_start3A_1755 = tpu.memref_slice %arg8[%dma_start3A_1748] : memref<8x!tpu.dma_semaphore, #tpu.memory_space<semaphore_mem>> -> memref<1x!tpu.dma_semaphore, #tpu.memory_space<semaphore_mem>>
    %dma_start3A_1756 = tpu.memref_squeeze %dma_start3A_1755 : memref<1x!tpu.dma_semaphore, #tpu.memory_space<semaphore_mem>> -> memref<!tpu.dma_semaphore, #tpu.memory_space<semaphore_mem>>
    %dma_start3A_1757 = arith.constant 0 : i32
    %dma_start3A_1758 = tpu.memref_slice %arg4[%add3A_1746, %dma_start3A_1757] : memref<16384x768xf32, #tpu.memory_space<hbm>> -> memref<16x768xf32, #tpu.memory_space<hbm>>
    %dma_start3A_1759 = arith.constant 0 : i32
    %dma_start3A_1760 = arith.constant 0 : i32
    %dma_start3A_1761 = tpu.memref_slice %arg6[%dma_start3A_1747, %dma_start3A_1759, %dma_start3A_1760] : memref<8x16x768xf32, #tpu.memory_space<vmem>> -> memref<1x16x768xf32, #tpu.memory_space<vmem>>
    %dma_start3A_1762 = tpu.memref_squeeze %dma_start3A_1761 : memref<1x16x768xf32, #tpu.memory_space<vmem>> -> memref<16x768xf32, #tpu.memory_space<vmem>>
    tpu.enqueue_dma source(%dma_start3A_1762 : memref<16x768xf32, #tpu.memory_space<vmem>>) target(%dma_start3A_1758 : memref<16x768xf32, #tpu.memory_space<hbm>>) target_semaphore(%dma_start3A_1756 : memref<!tpu.dma_semaphore, #tpu.memory_space<semaphore_mem>>)
    %dma_wait3A_1763 = arith.constant 2 : i32
    %dma_wait3A_1764 = arith.constant 2 : i32
    %dma_wait3A_1765 = arith.constant 0 : i32
    %dma_wait3A_1766 = arith.constant 0 : i32
    %dma_wait3A_1767 = tpu.memref_slice %arg6[%dma_wait3A_1763, %dma_wait3A_1765, %dma_wait3A_1766] : memref<8x16x768xf32, #tpu.memory_space<vmem>> -> memref<1x16x768xf32, #tpu.memory_space<vmem>>
    %dma_wait3A_1768 = tpu.memref_squeeze %dma_wait3A_1767 : memref<1x16x768xf32, #tpu.memory_space<vmem>> -> memref<16x768xf32, #tpu.memory_space<vmem>>
    %dma_wait3A_1769 = arith.constant 0 : i32
    %dma_wait3A_1770 = tpu.memref_slice %arg4[%add3A_1592, %dma_wait3A_1769] : memref<16384x768xf32, #tpu.memory_space<hbm>> -> memref<16x768xf32, #tpu.memory_space<hbm>>
    %dma_wait3A_1771 = tpu.memref_slice %arg8[%dma_wait3A_1764] : memref<8x!tpu.dma_semaphore, #tpu.memory_space<semaphore_mem>> -> memref<1x!tpu.dma_semaphore, #tpu.memory_space<semaphore_mem>>
    %dma_wait3A_1772 = tpu.memref_squeeze %dma_wait3A_1771 : memref<1x!tpu.dma_semaphore, #tpu.memory_space<semaphore_mem>> -> memref<!tpu.dma_semaphore, #tpu.memory_space<semaphore_mem>>
    %dma_wait3A_1773 = arith.constant 0 : i32
    %dma_wait3A_1774 = tpu.memref_slice %arg4[%add3A_1592, %dma_wait3A_1773] : memref<16384x768xf32, #tpu.memory_space<hbm>> -> memref<16x768xf32, #tpu.memory_space<hbm>>
    %dma_wait3A_1775 = arith.constant 0 : i32
    %dma_wait3A_1776 = arith.constant 0 : i32
    %dma_wait3A_1777 = tpu.memref_slice %arg6[%dma_wait3A_1763, %dma_wait3A_1775, %dma_wait3A_1776] : memref<8x16x768xf32, #tpu.memory_space<vmem>> -> memref<1x16x768xf32, #tpu.memory_space<vmem>>
    %dma_wait3A_1778 = tpu.memref_squeeze %dma_wait3A_1777 : memref<1x16x768xf32, #tpu.memory_space<vmem>> -> memref<16x768xf32, #tpu.memory_space<vmem>>
    tpu.wait_dma2 semaphore(%dma_wait3A_1772 : memref<!tpu.dma_semaphore, #tpu.memory_space<semaphore_mem>>) src(%dma_wait3A_1778 : memref<16x768xf32, #tpu.memory_space<vmem>>) dst(%dma_wait3A_1774 : memref<16x768xf32, #tpu.memory_space<hbm>>)
    %dma_wait3A_1779 = arith.constant 6 : i32
    %dma_wait3A_1780 = arith.constant 6 : i32
    %dma_wait3A_1781 = arith.constant 0 : i32
    %dma_wait3A_1782 = arith.constant 0 : i32
    %dma_wait3A_1783 = tpu.memref_slice %arg6[%dma_wait3A_1779, %dma_wait3A_1781, %dma_wait3A_1782] : memref<8x16x768xf32, #tpu.memory_space<vmem>> -> memref<1x16x768xf32, #tpu.memory_space<vmem>>
    %dma_wait3A_1784 = tpu.memref_squeeze %dma_wait3A_1783 : memref<1x16x768xf32, #tpu.memory_space<vmem>> -> memref<16x768xf32, #tpu.memory_space<vmem>>
    %dma_wait3A_1785 = arith.constant 480 : i32
    %dma_wait3A_1786 = tpu.memref_slice %arg5[%dma_wait3A_1785] : memref<512xi32, #tpu.memory_space<vmem>> -> memref<16xi32, #tpu.memory_space<vmem>>
    %dma_wait3A_1787 = arith.constant 0 : i32
    %dma_wait3A_1788 = arith.constant 0 : i32
    %dma_wait3A_1789 = tpu.memref_slice %arg2[%dma_wait3A_1787, %dma_wait3A_1788] : memref<1024x768xf32, #tpu.memory_space<hbm>> -> memref<1024x768xf32, #tpu.memory_space<hbm>>
    %dma_wait3A_1790 = tpu.memref_slice %arg7[%dma_wait3A_1780] : memref<8x!tpu.dma_semaphore, #tpu.memory_space<semaphore_mem>> -> memref<1x!tpu.dma_semaphore, #tpu.memory_space<semaphore_mem>>
    %dma_wait3A_1791 = tpu.memref_squeeze %dma_wait3A_1790 : memref<1x!tpu.dma_semaphore, #tpu.memory_space<semaphore_mem>> -> memref<!tpu.dma_semaphore, #tpu.memory_space<semaphore_mem>>
    tpu.wait_indirect_dma semaphore(%dma_wait3A_1791 : memref<!tpu.dma_semaphore, #tpu.memory_space<semaphore_mem>>) src(%dma_wait3A_1789 : memref<1024x768xf32, #tpu.memory_space<hbm>>) dst(%dma_wait3A_1784 : memref<16x768xf32, #tpu.memory_space<vmem>>)
    %add3A_1792 = arith.constant 480 : i32
    %add3A_1793 = arith.addi %mul3A_2, %add3A_1792 : i32
    %dma_start3A_1794 = arith.constant 6 : i32
    %dma_start3A_1795 = arith.constant 6 : i32
    %dma_start3A_1796 = arith.constant 0 : i32
    %dma_start3A_1797 = arith.constant 0 : i32
    %dma_start3A_1798 = tpu.memref_slice %arg6[%dma_start3A_1794, %dma_start3A_1796, %dma_start3A_1797] : memref<8x16x768xf32, #tpu.memory_space<vmem>> -> memref<1x16x768xf32, #tpu.memory_space<vmem>>
    %dma_start3A_1799 = tpu.memref_squeeze %dma_start3A_1798 : memref<1x16x768xf32, #tpu.memory_space<vmem>> -> memref<16x768xf32, #tpu.memory_space<vmem>>
    %dma_start3A_1800 = arith.constant 0 : i32
    %dma_start3A_1801 = tpu.memref_slice %arg4[%add3A_1793, %dma_start3A_1800] : memref<16384x768xf32, #tpu.memory_space<hbm>> -> memref<16x768xf32, #tpu.memory_space<hbm>>
    %dma_start3A_1802 = tpu.memref_slice %arg8[%dma_start3A_1795] : memref<8x!tpu.dma_semaphore, #tpu.memory_space<semaphore_mem>> -> memref<1x!tpu.dma_semaphore, #tpu.memory_space<semaphore_mem>>
    %dma_start3A_1803 = tpu.memref_squeeze %dma_start3A_1802 : memref<1x!tpu.dma_semaphore, #tpu.memory_space<semaphore_mem>> -> memref<!tpu.dma_semaphore, #tpu.memory_space<semaphore_mem>>
    %dma_start3A_1804 = arith.constant 0 : i32
    %dma_start3A_1805 = tpu.memref_slice %arg4[%add3A_1793, %dma_start3A_1804] : memref<16384x768xf32, #tpu.memory_space<hbm>> -> memref<16x768xf32, #tpu.memory_space<hbm>>
    %dma_start3A_1806 = arith.constant 0 : i32
    %dma_start3A_1807 = arith.constant 0 : i32
    %dma_start3A_1808 = tpu.memref_slice %arg6[%dma_start3A_1794, %dma_start3A_1806, %dma_start3A_1807] : memref<8x16x768xf32, #tpu.memory_space<vmem>> -> memref<1x16x768xf32, #tpu.memory_space<vmem>>
    %dma_start3A_1809 = tpu.memref_squeeze %dma_start3A_1808 : memref<1x16x768xf32, #tpu.memory_space<vmem>> -> memref<16x768xf32, #tpu.memory_space<vmem>>
    tpu.enqueue_dma source(%dma_start3A_1809 : memref<16x768xf32, #tpu.memory_space<vmem>>) target(%dma_start3A_1805 : memref<16x768xf32, #tpu.memory_space<hbm>>) target_semaphore(%dma_start3A_1803 : memref<!tpu.dma_semaphore, #tpu.memory_space<semaphore_mem>>)
    %dma_wait3A_1810 = arith.constant 3 : i32
    %dma_wait3A_1811 = arith.constant 3 : i32
    %dma_wait3A_1812 = arith.constant 0 : i32
    %dma_wait3A_1813 = arith.constant 0 : i32
    %dma_wait3A_1814 = tpu.memref_slice %arg6[%dma_wait3A_1810, %dma_wait3A_1812, %dma_wait3A_1813] : memref<8x16x768xf32, #tpu.memory_space<vmem>> -> memref<1x16x768xf32, #tpu.memory_space<vmem>>
    %dma_wait3A_1815 = tpu.memref_squeeze %dma_wait3A_1814 : memref<1x16x768xf32, #tpu.memory_space<vmem>> -> memref<16x768xf32, #tpu.memory_space<vmem>>
    %dma_wait3A_1816 = arith.constant 0 : i32
    %dma_wait3A_1817 = tpu.memref_slice %arg4[%add3A_1652, %dma_wait3A_1816] : memref<16384x768xf32, #tpu.memory_space<hbm>> -> memref<16x768xf32, #tpu.memory_space<hbm>>
    %dma_wait3A_1818 = tpu.memref_slice %arg8[%dma_wait3A_1811] : memref<8x!tpu.dma_semaphore, #tpu.memory_space<semaphore_mem>> -> memref<1x!tpu.dma_semaphore, #tpu.memory_space<semaphore_mem>>
    %dma_wait3A_1819 = tpu.memref_squeeze %dma_wait3A_1818 : memref<1x!tpu.dma_semaphore, #tpu.memory_space<semaphore_mem>> -> memref<!tpu.dma_semaphore, #tpu.memory_space<semaphore_mem>>
    %dma_wait3A_1820 = arith.constant 0 : i32
    %dma_wait3A_1821 = tpu.memref_slice %arg4[%add3A_1652, %dma_wait3A_1820] : memref<16384x768xf32, #tpu.memory_space<hbm>> -> memref<16x768xf32, #tpu.memory_space<hbm>>
    %dma_wait3A_1822 = arith.constant 0 : i32
    %dma_wait3A_1823 = arith.constant 0 : i32
    %dma_wait3A_1824 = tpu.memref_slice %arg6[%dma_wait3A_1810, %dma_wait3A_1822, %dma_wait3A_1823] : memref<8x16x768xf32, #tpu.memory_space<vmem>> -> memref<1x16x768xf32, #tpu.memory_space<vmem>>
    %dma_wait3A_1825 = tpu.memref_squeeze %dma_wait3A_1824 : memref<1x16x768xf32, #tpu.memory_space<vmem>> -> memref<16x768xf32, #tpu.memory_space<vmem>>
    tpu.wait_dma2 semaphore(%dma_wait3A_1819 : memref<!tpu.dma_semaphore, #tpu.memory_space<semaphore_mem>>) src(%dma_wait3A_1825 : memref<16x768xf32, #tpu.memory_space<vmem>>) dst(%dma_wait3A_1821 : memref<16x768xf32, #tpu.memory_space<hbm>>)
    %dma_wait3A_1826 = arith.constant 7 : i32
    %dma_wait3A_1827 = arith.constant 7 : i32
    %dma_wait3A_1828 = arith.constant 0 : i32
    %dma_wait3A_1829 = arith.constant 0 : i32
    %dma_wait3A_1830 = tpu.memref_slice %arg6[%dma_wait3A_1826, %dma_wait3A_1828, %dma_wait3A_1829] : memref<8x16x768xf32, #tpu.memory_space<vmem>> -> memref<1x16x768xf32, #tpu.memory_space<vmem>>
    %dma_wait3A_1831 = tpu.memref_squeeze %dma_wait3A_1830 : memref<1x16x768xf32, #tpu.memory_space<vmem>> -> memref<16x768xf32, #tpu.memory_space<vmem>>
    %dma_wait3A_1832 = arith.constant 496 : i32
    %dma_wait3A_1833 = tpu.memref_slice %arg5[%dma_wait3A_1832] : memref<512xi32, #tpu.memory_space<vmem>> -> memref<16xi32, #tpu.memory_space<vmem>>
    %dma_wait3A_1834 = arith.constant 0 : i32
    %dma_wait3A_1835 = arith.constant 0 : i32
    %dma_wait3A_1836 = tpu.memref_slice %arg2[%dma_wait3A_1834, %dma_wait3A_1835] : memref<1024x768xf32, #tpu.memory_space<hbm>> -> memref<1024x768xf32, #tpu.memory_space<hbm>>
    %dma_wait3A_1837 = tpu.memref_slice %arg7[%dma_wait3A_1827] : memref<8x!tpu.dma_semaphore, #tpu.memory_space<semaphore_mem>> -> memref<1x!tpu.dma_semaphore, #tpu.memory_space<semaphore_mem>>
    %dma_wait3A_1838 = tpu.memref_squeeze %dma_wait3A_1837 : memref<1x!tpu.dma_semaphore, #tpu.memory_space<semaphore_mem>> -> memref<!tpu.dma_semaphore, #tpu.memory_space<semaphore_mem>>
    tpu.wait_indirect_dma semaphore(%dma_wait3A_1838 : memref<!tpu.dma_semaphore, #tpu.memory_space<semaphore_mem>>) src(%dma_wait3A_1836 : memref<1024x768xf32, #tpu.memory_space<hbm>>) dst(%dma_wait3A_1831 : memref<16x768xf32, #tpu.memory_space<vmem>>)
    %add3A_1839 = arith.constant 496 : i32
    %add3A_1840 = arith.addi %mul3A_2, %add3A_1839 : i32
    %dma_start3A_1841 = arith.constant 7 : i32
    %dma_start3A_1842 = arith.constant 7 : i32
    %dma_start3A_1843 = arith.constant 0 : i32
    %dma_start3A_1844 = arith.constant 0 : i32
    %dma_start3A_1845 = tpu.memref_slice %arg6[%dma_start3A_1841, %dma_start3A_1843, %dma_start3A_1844] : memref<8x16x768xf32, #tpu.memory_space<vmem>> -> memref<1x16x768xf32, #tpu.memory_space<vmem>>
    %dma_start3A_1846 = tpu.memref_squeeze %dma_start3A_1845 : memref<1x16x768xf32, #tpu.memory_space<vmem>> -> memref<16x768xf32, #tpu.memory_space<vmem>>
    %dma_start3A_1847 = arith.constant 0 : i32
    %dma_start3A_1848 = tpu.memref_slice %arg4[%add3A_1840, %dma_start3A_1847] : memref<16384x768xf32, #tpu.memory_space<hbm>> -> memref<16x768xf32, #tpu.memory_space<hbm>>
    %dma_start3A_1849 = tpu.memref_slice %arg8[%dma_start3A_1842] : memref<8x!tpu.dma_semaphore, #tpu.memory_space<semaphore_mem>> -> memref<1x!tpu.dma_semaphore, #tpu.memory_space<semaphore_mem>>
    %dma_start3A_1850 = tpu.memref_squeeze %dma_start3A_1849 : memref<1x!tpu.dma_semaphore, #tpu.memory_space<semaphore_mem>> -> memref<!tpu.dma_semaphore, #tpu.memory_space<semaphore_mem>>
    %dma_start3A_1851 = arith.constant 0 : i32
    %dma_start3A_1852 = tpu.memref_slice %arg4[%add3A_1840, %dma_start3A_1851] : memref<16384x768xf32, #tpu.memory_space<hbm>> -> memref<16x768xf32, #tpu.memory_space<hbm>>
    %dma_start3A_1853 = arith.constant 0 : i32
    %dma_start3A_1854 = arith.constant 0 : i32
    %dma_start3A_1855 = tpu.memref_slice %arg6[%dma_start3A_1841, %dma_start3A_1853, %dma_start3A_1854] : memref<8x16x768xf32, #tpu.memory_space<vmem>> -> memref<1x16x768xf32, #tpu.memory_space<vmem>>
    %dma_start3A_1856 = tpu.memref_squeeze %dma_start3A_1855 : memref<1x16x768xf32, #tpu.memory_space<vmem>> -> memref<16x768xf32, #tpu.memory_space<vmem>>
    tpu.enqueue_dma source(%dma_start3A_1856 : memref<16x768xf32, #tpu.memory_space<vmem>>) target(%dma_start3A_1852 : memref<16x768xf32, #tpu.memory_space<hbm>>) target_semaphore(%dma_start3A_1850 : memref<!tpu.dma_semaphore, #tpu.memory_space<semaphore_mem>>)
    %dma_wait3A_1857 = arith.constant 4 : i32
    %dma_wait3A_1858 = arith.constant 4 : i32
    %dma_wait3A_1859 = arith.constant 0 : i32
    %dma_wait3A_1860 = arith.constant 0 : i32
    %dma_wait3A_1861 = tpu.memref_slice %arg6[%dma_wait3A_1857, %dma_wait3A_1859, %dma_wait3A_1860] : memref<8x16x768xf32, #tpu.memory_space<vmem>> -> memref<1x16x768xf32, #tpu.memory_space<vmem>>
    %dma_wait3A_1862 = tpu.memref_squeeze %dma_wait3A_1861 : memref<1x16x768xf32, #tpu.memory_space<vmem>> -> memref<16x768xf32, #tpu.memory_space<vmem>>
    %dma_wait3A_1863 = arith.constant 0 : i32
    %dma_wait3A_1864 = tpu.memref_slice %arg4[%add3A_1699, %dma_wait3A_1863] : memref<16384x768xf32, #tpu.memory_space<hbm>> -> memref<16x768xf32, #tpu.memory_space<hbm>>
    %dma_wait3A_1865 = tpu.memref_slice %arg8[%dma_wait3A_1858] : memref<8x!tpu.dma_semaphore, #tpu.memory_space<semaphore_mem>> -> memref<1x!tpu.dma_semaphore, #tpu.memory_space<semaphore_mem>>
    %dma_wait3A_1866 = tpu.memref_squeeze %dma_wait3A_1865 : memref<1x!tpu.dma_semaphore, #tpu.memory_space<semaphore_mem>> -> memref<!tpu.dma_semaphore, #tpu.memory_space<semaphore_mem>>
    %dma_wait3A_1867 = arith.constant 0 : i32
    %dma_wait3A_1868 = tpu.memref_slice %arg4[%add3A_1699, %dma_wait3A_1867] : memref<16384x768xf32, #tpu.memory_space<hbm>> -> memref<16x768xf32, #tpu.memory_space<hbm>>
    %dma_wait3A_1869 = arith.constant 0 : i32
    %dma_wait3A_1870 = arith.constant 0 : i32
    %dma_wait3A_1871 = tpu.memref_slice %arg6[%dma_wait3A_1857, %dma_wait3A_1869, %dma_wait3A_1870] : memref<8x16x768xf32, #tpu.memory_space<vmem>> -> memref<1x16x768xf32, #tpu.memory_space<vmem>>
    %dma_wait3A_1872 = tpu.memref_squeeze %dma_wait3A_1871 : memref<1x16x768xf32, #tpu.memory_space<vmem>> -> memref<16x768xf32, #tpu.memory_space<vmem>>
    tpu.wait_dma2 semaphore(%dma_wait3A_1866 : memref<!tpu.dma_semaphore, #tpu.memory_space<semaphore_mem>>) src(%dma_wait3A_1872 : memref<16x768xf32, #tpu.memory_space<vmem>>) dst(%dma_wait3A_1868 : memref<16x768xf32, #tpu.memory_space<hbm>>)
    %dma_wait3A_1873 = arith.constant 5 : i32
    %dma_wait3A_1874 = arith.constant 5 : i32
    %dma_wait3A_1875 = arith.constant 0 : i32
    %dma_wait3A_1876 = arith.constant 0 : i32
    %dma_wait3A_1877 = tpu.memref_slice %arg6[%dma_wait3A_1873, %dma_wait3A_1875, %dma_wait3A_1876] : memref<8x16x768xf32, #tpu.memory_space<vmem>> -> memref<1x16x768xf32, #tpu.memory_space<vmem>>
    %dma_wait3A_1878 = tpu.memref_squeeze %dma_wait3A_1877 : memref<1x16x768xf32, #tpu.memory_space<vmem>> -> memref<16x768xf32, #tpu.memory_space<vmem>>
    %dma_wait3A_1879 = arith.constant 0 : i32
    %dma_wait3A_1880 = tpu.memref_slice %arg4[%add3A_1746, %dma_wait3A_1879] : memref<16384x768xf32, #tpu.memory_space<hbm>> -> memref<16x768xf32, #tpu.memory_space<hbm>>
    %dma_wait3A_1881 = tpu.memref_slice %arg8[%dma_wait3A_1874] : memref<8x!tpu.dma_semaphore, #tpu.memory_space<semaphore_mem>> -> memref<1x!tpu.dma_semaphore, #tpu.memory_space<semaphore_mem>>
    %dma_wait3A_1882 = tpu.memref_squeeze %dma_wait3A_1881 : memref<1x!tpu.dma_semaphore, #tpu.memory_space<semaphore_mem>> -> memref<!tpu.dma_semaphore, #tpu.memory_space<semaphore_mem>>
    %dma_wait3A_1883 = arith.constant 0 : i32
    %dma_wait3A_1884 = tpu.memref_slice %arg4[%add3A_1746, %dma_wait3A_1883] : memref<16384x768xf32, #tpu.memory_space<hbm>> -> memref<16x768xf32, #tpu.memory_space<hbm>>
    %dma_wait3A_1885 = arith.constant 0 : i32
    %dma_wait3A_1886 = arith.constant 0 : i32
    %dma_wait3A_1887 = tpu.memref_slice %arg6[%dma_wait3A_1873, %dma_wait3A_1885, %dma_wait3A_1886] : memref<8x16x768xf32, #tpu.memory_space<vmem>> -> memref<1x16x768xf32, #tpu.memory_space<vmem>>
    %dma_wait3A_1888 = tpu.memref_squeeze %dma_wait3A_1887 : memref<1x16x768xf32, #tpu.memory_space<vmem>> -> memref<16x768xf32, #tpu.memory_space<vmem>>
    tpu.wait_dma2 semaphore(%dma_wait3A_1882 : memref<!tpu.dma_semaphore, #tpu.memory_space<semaphore_mem>>) src(%dma_wait3A_1888 : memref<16x768xf32, #tpu.memory_space<vmem>>) dst(%dma_wait3A_1884 : memref<16x768xf32, #tpu.memory_space<hbm>>)
    %dma_wait3A_1889 = arith.constant 6 : i32
    %dma_wait3A_1890 = arith.constant 6 : i32
    %dma_wait3A_1891 = arith.constant 0 : i32
    %dma_wait3A_1892 = arith.constant 0 : i32
    %dma_wait3A_1893 = tpu.memref_slice %arg6[%dma_wait3A_1889, %dma_wait3A_1891, %dma_wait3A_1892] : memref<8x16x768xf32, #tpu.memory_space<vmem>> -> memref<1x16x768xf32, #tpu.memory_space<vmem>>
    %dma_wait3A_1894 = tpu.memref_squeeze %dma_wait3A_1893 : memref<1x16x768xf32, #tpu.memory_space<vmem>> -> memref<16x768xf32, #tpu.memory_space<vmem>>
    %dma_wait3A_1895 = arith.constant 0 : i32
    %dma_wait3A_1896 = tpu.memref_slice %arg4[%add3A_1793, %dma_wait3A_1895] : memref<16384x768xf32, #tpu.memory_space<hbm>> -> memref<16x768xf32, #tpu.memory_space<hbm>>
    %dma_wait3A_1897 = tpu.memref_slice %arg8[%dma_wait3A_1890] : memref<8x!tpu.dma_semaphore, #tpu.memory_space<semaphore_mem>> -> memref<1x!tpu.dma_semaphore, #tpu.memory_space<semaphore_mem>>
    %dma_wait3A_1898 = tpu.memref_squeeze %dma_wait3A_1897 : memref<1x!tpu.dma_semaphore, #tpu.memory_space<semaphore_mem>> -> memref<!tpu.dma_semaphore, #tpu.memory_space<semaphore_mem>>
    %dma_wait3A_1899 = arith.constant 0 : i32
    %dma_wait3A_1900 = tpu.memref_slice %arg4[%add3A_1793, %dma_wait3A_1899] : memref<16384x768xf32, #tpu.memory_space<hbm>> -> memref<16x768xf32, #tpu.memory_space<hbm>>
    %dma_wait3A_1901 = arith.constant 0 : i32
    %dma_wait3A_1902 = arith.constant 0 : i32
    %dma_wait3A_1903 = tpu.memref_slice %arg6[%dma_wait3A_1889, %dma_wait3A_1901, %dma_wait3A_1902] : memref<8x16x768xf32, #tpu.memory_space<vmem>> -> memref<1x16x768xf32, #tpu.memory_space<vmem>>
    %dma_wait3A_1904 = tpu.memref_squeeze %dma_wait3A_1903 : memref<1x16x768xf32, #tpu.memory_space<vmem>> -> memref<16x768xf32, #tpu.memory_space<vmem>>
    tpu.wait_dma2 semaphore(%dma_wait3A_1898 : memref<!tpu.dma_semaphore, #tpu.memory_space<semaphore_mem>>) src(%dma_wait3A_1904 : memref<16x768xf32, #tpu.memory_space<vmem>>) dst(%dma_wait3A_1900 : memref<16x768xf32, #tpu.memory_space<hbm>>)
    %dma_wait3A_1905 = arith.constant 7 : i32
    %dma_wait3A_1906 = arith.constant 7 : i32
    %dma_wait3A_1907 = arith.constant 0 : i32
    %dma_wait3A_1908 = arith.constant 0 : i32
    %dma_wait3A_1909 = tpu.memref_slice %arg6[%dma_wait3A_1905, %dma_wait3A_1907, %dma_wait3A_1908] : memref<8x16x768xf32, #tpu.memory_space<vmem>> -> memref<1x16x768xf32, #tpu.memory_space<vmem>>
    %dma_wait3A_1910 = tpu.memref_squeeze %dma_wait3A_1909 : memref<1x16x768xf32, #tpu.memory_space<vmem>> -> memref<16x768xf32, #tpu.memory_space<vmem>>
    %dma_wait3A_1911 = arith.constant 0 : i32
    %dma_wait3A_1912 = tpu.memref_slice %arg4[%add3A_1840, %dma_wait3A_1911] : memref<16384x768xf32, #tpu.memory_space<hbm>> -> memref<16x768xf32, #tpu.memory_space<hbm>>
    %dma_wait3A_1913 = tpu.memref_slice %arg8[%dma_wait3A_1906] : memref<8x!tpu.dma_semaphore, #tpu.memory_space<semaphore_mem>> -> memref<1x!tpu.dma_semaphore, #tpu.memory_space<semaphore_mem>>
    %dma_wait3A_1914 = tpu.memref_squeeze %dma_wait3A_1913 : memref<1x!tpu.dma_semaphore, #tpu.memory_space<semaphore_mem>> -> memref<!tpu.dma_semaphore, #tpu.memory_space<semaphore_mem>>
    %dma_wait3A_1915 = arith.constant 0 : i32
    %dma_wait3A_1916 = tpu.memref_slice %arg4[%add3A_1840, %dma_wait3A_1915] : memref<16384x768xf32, #tpu.memory_space<hbm>> -> memref<16x768xf32, #tpu.memory_space<hbm>>
    %dma_wait3A_1917 = arith.constant 0 : i32
    %dma_wait3A_1918 = arith.constant 0 : i32
    %dma_wait3A_1919 = tpu.memref_slice %arg6[%dma_wait3A_1905, %dma_wait3A_1917, %dma_wait3A_1918] : memref<8x16x768xf32, #tpu.memory_space<vmem>> -> memref<1x16x768xf32, #tpu.memory_space<vmem>>
    %dma_wait3A_1920 = tpu.memref_squeeze %dma_wait3A_1919 : memref<1x16x768xf32, #tpu.memory_space<vmem>> -> memref<16x768xf32, #tpu.memory_space<vmem>>
    tpu.wait_dma2 semaphore(%dma_wait3A_1914 : memref<!tpu.dma_semaphore, #tpu.memory_space<semaphore_mem>>) src(%dma_wait3A_1920 : memref<16x768xf32, #tpu.memory_space<vmem>>) dst(%dma_wait3A_1916 : memref<16x768xf32, #tpu.memory_space<hbm>>)
    return
  }
}

</mosaic_0001>

<sc_bundles>
// kernel: _gather.3.cloned.1.call-start
scs
__scs_entry_jumppad:
0x0: {  	(pc) =	sbr.rel $0x88, $3  }
0x1: {  	(tag) =	ssettag $0x0;
	lr =	simm.s32 $0x1  }
0x2: {  	[smem:$0x3F9F] =	sst lr;
	_ =	strace $0xD0000000  }
0x3: {  	_ = 	snop  }
0x4: {  	_ = 	snop  }
0x5: {  	_ = 	snop  }
0x6: {  	_ = 	snop  }
0x7: {  	_ = 	snop  }
__scs_overlays_trampoline_lowered:
0x8: {  	[smem:$0x3FAE] =	sst s0  }
0x9: {  	[smem:$0x3FAF] =	sst s1  }
0xa: {  	[smem:$0x3FB0] =	sst s2  }
0xb: {  	[smem:$0x3FB1] =	sst s3  }
0xc: {  	[smem:$0x3FB2] =	sst s4  }
0xd: {  	[smem:$0x3FB3] =	sst s5  }
0xe: {  	[smem:$0x3FB4] =	sst s6  }
0xf: {  	[smem:$0x3FB5] =	sst s7  }
0x10: {  	[smem:$0x3FB6] =	sst s8  }
0x11: {  	[smem:$0x3FB7] =	sst s9;
	s0 =	simm.s32 @!p0 $0x0  }
0x12: {  	s1 =	sld [smem:$0x3F9D];
	s0 =	simm.s32 @p0 $0x1  }
0x13: {  	[smem:$0x3FB8] =	sst s0;
	s0 =	simm.s32 @!p1 $0x0  }
0x14: {  	s2 =	sld [smem:$0x3F9C];
	s0 =	simm.s32 @p1 $0x1  }
0x15: {  	[smem:$0x3FB9] =	sst s0;
	s0 =	simm.s32 @!p2 $0x0  }
0x16: {  	s3 =	sld [smem:$0x3FDB];
	s0 =	simm.s32 @p2 $0x1  }
0x17: {  	s4 =	simm.s32 $0x1BF5;
	[smem:$0x3FBB] =	sst s0  }
0x18: {  	s0 =	sld [smem:$0x3F9E];
	_ =	swait.ge [sflag:s4], $0x0  }
0x19: {  	s7 =	sld [smem:$0x3F9F]  }
0x1a: {  	s8 =	sadd.s32 $0xFFFFE003, lr  }
0x1b: {  	s9 =	sadd.s32 $0xFFFFFEF7, lr;
	s5 =	simm.s32 $0xFFFFFFFF;
	p2 =	slt.u32 s8, $0xFFFFF086  }
0x1c: {  	p1 =	slt.u32 s9, $0xF7A;
	s5 =	simm.s32 @!p2 $0x0  }
0x1d: {  	s5 =	simm.s32 @p1 $0x1;
	p0 =	seq.s32 s7, s2  }
0x1e: {  	s7 =	smul.u32 @!p0 $0xF7A, s2;
	p2 =	seq.s32 @!p0 s5, $0x0  }
0x1f: {  	s9 =	smul.u32 $0xF7A, s1;
	s8 =	simm.s32 @!p0 $0x1BF5;
	p2 =	por !p2, p0  }
0x20: {  	[sflag:s8] =	ssyncset.s32 @!p0 $0xFFFFF086;
	s6 =	sadd.s32 @!p0 s3, s7;
	s7 =	simm.s32 @!p0 $0x108  }
0x21: {  	s3 =	sadd.s32 s3, s9;
	s6 =	sadd.s32 @!p0 $0x88, s6;
	s7 =	simm.s32 @p2 $0x1082  }
0x22: {  	[simem:s7], [sflag:s8] =	dma.local @!p0 [hbm:s6], $0xF7A  }
0x23: {  	s9 =	sor.u32 $0xD0000000, s2;
	s6 =	simm.s32 $0x108;
	_ =	swait.ge @!p0 [sflag:s8], $0x0  }
0x24: {  	s3 =	sadd.s32 $0x88, s3;
	s6 =	simm.s32 @!p1 $0x1082;
	[sflag:s4] =	ssyncset.s32 $0xFFFFF086  }
0x25: {  	[simem:s6], [sflag:s4] =	dma.local [hbm:s3], $0xF7A  }
0x26: {  	[smem:$0x3F9F] =	sst s1;
	(tag) =	ssettag s2;
	_ =	strace s9  }
0x27: {  	s1 =	sld [smem:$0x3FAF]  }
0x28: {  	s2 =	sld [smem:$0x3FB0]  }
0x29: {  	s4 =	sld [smem:$0x3FB2]  }
0x2a: {  	p0 =	seq.s32 s5, $0x0;
	s5 =	sld [smem:$0x3FB3]  }
0x2b: {  	s6 =	sld [smem:$0x3FB4]  }
0x2c: {  	s7 =	sld [smem:$0x3FB5]  }
0x2d: {  	s3 =	simm.s32 $0x108;
	s8 =	sld [smem:$0x3FB6]  }
0x2e: {  	s3 =	simm.s32 @!p0 $0x1082;
	s9 =	sld [smem:$0x3FB7]  }
0x2f: {  	lr =	sadd.s32 s0, s3;
	s0 =	sld [smem:$0x3FAE]  }
0x30: {  	s3 =	sld [smem:$0x3FB1]  }
0x31: {  	[smem:$0x3FBA] =	sst s10  }
0x32: {  	s10 =	sld [smem:$0x3FB8];
	_ =	sdelay $0x3  }
0x33: {  	p0 =	seq.s32 s10, $0x1;
	s10 =	sld [smem:$0x3FBA];
	_ =	sdelay $0x3  }
0x34: {  	[smem:$0x3FBA] =	sst s10  }
0x35: {  	s10 =	sld [smem:$0x3FB9];
	_ =	sdelay $0x3  }
0x36: {  	p1 =	seq.s32 s10, $0x1;
	s10 =	sld [smem:$0x3FBA];
	_ =	sdelay $0x3  }
0x37: {  	[smem:$0x3FBA] =	sst s10  }
0x38: {  	s10 =	sld [smem:$0x3FBB]  }
0x39: {  	_ = 	snop;
	(pc) =	sbr.ind lr, $3  }
0x3a: {  	_ = 	snop  }
0x3b: {  	_ = 	snop  }
0x3c: {  	p2 =	seq.s32 s10, $0x1;
	s10 =	sld [smem:$0x3FBA]  }
0x3d: {  	_ =	shalt  }
0x3e: {  	_ =	shalt  }
0x3f: {  	_ =	shalt  }
0x40: {  	_ =	shalt  }
0x41: {  	_ =	shalt  }
0x42: {  	_ =	shalt  }
0x43: {  	_ =	shalt  }
0x44: {  	_ =	shalt  }
0x45: {  	_ =	shalt  }
0x46: {  	_ =	shalt  }
0x47: {  	_ =	shalt  }
0x48: {  	_ =	shalt  }
0x49: {  	_ =	shalt  }
0x4a: {  	_ =	shalt  }
0x4b: {  	_ =	shalt  }
0x4c: {  	_ =	shalt  }
0x4d: {  	_ =	shalt  }
0x4e: {  	_ =	shalt  }
0x4f: {  	_ =	shalt  }
0x50: {  	_ =	shalt  }
0x51: {  	_ =	shalt  }
0x52: {  	_ =	shalt  }
0x53: {  	_ =	shalt  }
0x54: {  	_ =	shalt  }
0x55: {  	_ =	shalt  }
0x56: {  	_ =	shalt  }
0x57: {  	_ =	shalt  }
0x58: {  	_ =	shalt  }
0x59: {  	_ =	shalt  }
0x5a: {  	_ =	shalt  }
0x5b: {  	_ =	shalt  }
0x5c: {  	_ =	shalt  }
0x5d: {  	_ =	shalt  }
0x5e: {  	_ =	shalt  }
0x5f: {  	_ =	shalt  }
0x60: {  	_ =	shalt  }
0x61: {  	_ =	shalt  }
0x62: {  	_ =	shalt  }
0x63: {  	_ =	shalt  }
0x64: {  	_ =	shalt  }
0x65: {  	_ =	shalt  }
0x66: {  	_ =	shalt  }
0x67: {  	_ =	shalt  }
0x68: {  	_ =	shalt  }
0x69: {  	_ =	shalt  }
0x6a: {  	_ =	shalt  }
0x6b: {  	_ =	shalt  }
0x6c: {  	_ =	shalt  }
0x6d: {  	_ =	shalt  }
0x6e: {  	_ =	shalt  }
0x6f: {  	_ =	shalt  }
0x70: {  	_ =	shalt  }
0x71: {  	_ =	shalt  }
0x72: {  	_ =	shalt  }
0x73: {  	_ =	shalt  }
0x74: {  	_ =	shalt  }
0x75: {  	_ =	shalt  }
0x76: {  	_ =	shalt  }
0x77: {  	_ =	shalt  }
0x78: {  	_ =	shalt  }
0x79: {  	_ =	shalt  }
0x7a: {  	_ =	shalt  }
0x7b: {  	_ =	shalt  }
0x7c: {  	_ =	shalt  }
0x7d: {  	_ =	shalt  }
0x7e: {  	_ =	shalt  }
0x7f: {  	_ =	shalt  }
0x80: {  	_ =	shalt  }
0x81: {  	_ =	shalt  }
0x82: {  	_ =	shalt  }
0x83: {  	_ =	shalt  }
0x84: {  	_ =	shalt  }
0x85: {  	_ =	shalt  }
0x86: {  	_ =	shalt  }
0x87: {  	_ =	shalt  }
.Lfunc_end0:
.L_simem_size_0:
called_computation_lowered:
.L_overlay_start_0:
0x88: {  	s2 =	sld [smem:$0x3FD9]  }
0x89: {  	s3 =	sld [smem:$0x3FFE];
	_ =	sdelay $0x1  }
0x8a: {  	s1 =	srdreg.scid  }
0x8b: {  	s0 =	sand.u32 $0x1, s1  }
0x8c: {  	s18 =	sshll.u32 s0, $0xA;
	s2 =	sadd.s32 s3, s2  }
0x8d: {  	s2 =	sadd.s32 s2, s18  }
0x8e: {  	[smem:$0x3FC6] =	sst s2  }
0x8f: {  	_ = 	snop  }
0x90: {  	s2 =	sld [smem:$0x3FC9]  }
0x91: {  	s19 =	sld [smem:$0x3FC8]  }
0x92: {  	s4 =	sld [smem:$0x3FD0];
	(tm) =	ssettm $0x1  }
0x93: {  	s5 =	sld [smem:$0x3FFB];
	_ =	sdelay $0x3  }
0x94: {  	_ =	strace s5  }
0x95: {  	s5 =	sld [smem:$0x3FFC];
	_ =	sdelay $0x3  }
0x96: {  	_ =	strace s5  }
0x97: {  	s5 =	sld [smem:$0x3FFD];
	_ =	sdelay $0x3  }
0x98: {  	_ =	strace s5  }
0x99: {  	_ =	strace $0x8FFFFFFF  }
0x9a: {  	s20 =	sld [smem:$0x3FDB];
	_ =	sdelay $0x1  }
0x9b: {  	s6 =	simm.s32 $_scs_section_size  }
0x9c: {  	s7 =	simm.s32 $_size__tile_overlayer_lowered;
	s8 =	simm.s32 $_tile_overlayer_lowered  }
0x9d: {  	s23 =	simm.s32 $0x1BFF;
	s22 =	sshll.u32 s8, $0x1;
	s5 =	sadd.s32 s6, s20  }
0x9e: {  	s9 =	simm.s32 $0x0;
	s21 =	sshll.u32 s7, $0x1;
	s7 =	sadd.s32 s22, s5  }
0x9f: {  	[timem:s9], [sflag:s23] =	dma.local [hbm:s7], s21  }
0xa0: {  	_ =	swait.ge [sflag:s23], s21  }
0xa1: {  	s6 =	ssub.s32 $0x0, s21;
	[sflag:s23] =	ssyncset.done $0x0  }
0xa2: {  	[sflag:s23] =	ssyncadd.s32 s6;
	_ =	sdelay $0x1  }
0xa3: {  	s24 =	simm.s32 $0x1B8B  }
0xa4: {  	_ =	swait.ge [sflag:s24], $0x1  }
0xa5: {  	[sflag:s24] =	ssyncset.done $0x0  }
0xa6: {  	s25 =	simm.s32 $0x1B8E;
	[sflag:s24] =	ssyncadd.s32 $0xFFFFFFFF  }
0xa7: {  	s26 =	simm.s32 $execute0_lowered;
	[smem:$0x3FD2] =	sst s25  }
0xa8: {  	s6 =	sshll.u32 s26, $0x1;
	_ =	strace $0x80000046;
	[dreg:$0x1] =	wrdreg $0xFFFFFFFF  }
0xa9: {  	s28 =	simm.s32 $_size_execute0_lowered;
	s5 =	sadd.s32 s5, s6;
	[dreg:$0x0] =	wrdreg $0x0  }
0xaa: {  	s6 =	sshll.u32 s28, $0x1;
	[dreg:$0x2] =	wrdreg s5  }
0xab: {  	[dreg:$0x3] =	wrdreg s6  }
0xac: {  	[dreg:$0x4] =	wrdreg $0xC0  }
0xad: {  	_ =	task [dreg:s9], $0x5FFFF  }
0xae: {  	[dreg:$0x1] =	wrdreg $0xFFFFFFFF  }
0xaf: {  	[dreg:$0x0] =	wrdreg $0x60  }
0xb0: {  	[dreg:$0x2] =	wrdreg s19  }
0xb1: {  	[dreg:$0x3] =	wrdreg s2  }
0xb2: {  	[dreg:$0x4] =	wrdreg s4  }
0xb3: {  	[dreg:$0x5] =	wrdreg $0x9  }
0xb4: {  	_ =	task.clear_ibuf [dreg:s9], $0x6FFFF;
	_ =	strace $0x90000046  }
0xb5: {  	s29 =	simm.s32 $0x9;
	_ =	strace $0x80000048  }
0xb6: {  	_ =	swait.ge [sflag:s29], $0x1  }
0xb7: {  	[sflag:s29] =	ssyncadd.s32 $0xFFFFFFFF  }
0xb8: {  	_ =	strace $0x90000048  }
0xb9: {  	_ =	sfence  }
0xba: {  	s30 =	sld [smem:$0x0];
	_ =	sdelay $0x2  }
0xbb: {  	s31 =	sshll.u32 s1, $0xD;
	s1 =	sshrl.u32 s1, $0x2  }
0xbc: {  	s3 =	sand.u32 $0x4000, s31;
	s1 =	sadd.s32 s1, s30  }
0xbd: {  	s0 =	sor.u32 s3, s0;
	s1 =	sshll.u32 s1, $0x11  }
0xbe: {  	s0 =	sor.u32 s1, s0  }
0xbf: {  	s0 =	sadd.s32 $0x8F2B, s0  }
0xc0: {  	[sflag:s0] =	ssyncadd.remote.s32 $0x1  }
0xc1: {  	_ =	sfence.sel $0xFFFF  }
0xc2: {  	[dreg:$0x0] =	wrdreg $0xFFFFFFFF;
	(pc) =	sbr.abs _section_cstart, $3  }
0xc3: {  	[dreg:$0x1] =	wrdreg $0xFFFFFFFF  }
0xc4: {  	_ =	task.clear_ibuf [dreg:s9], $0x2FFFF;
	_ =	strace $0x9FFFFFFF  }
0xc5: {  	(tm) =	ssettm $0x7FFFFFFF  }
tec
execute0_lowered:
.L_overlay_start_1:
0x0: {  	(tag) =	ssettag $0x1  }
0x1: {  	s0 =	srdreg.scid  }
0x2: {  	s3 =	stileid.u32;
	s0 =	sand.u32 $0x1, s0  }
0x3: {  	s1 =	rddreg [dreg:$0x0];
	s3 =	sshll.u32 s3, $0x7;
	s4 =	sshll.u32 s0, $0x6  }
0x4: {  	s2 =	rddreg [dreg:$0x1];
	s4 =	sor.u32 s4, s3  }
0x5: {  	s5 =	rddreg [dreg:$0x2];
	s3 =	simm.s32 $0x0;
	s6 =	smul.u32 $0x300, s4  }
0x6: {  	[smem:$0x7FF] =	sst s3;
	s2 =	sadd.s32 s2, s4  }
0x7: {  	_ =	strace $0x80000047;
	[dreg:$0x4] =	wrdreg s2;
	s6 =	sadd.s32 s5, s6  }
0x8: {  	s23 =	sadd.s32 $0x600, s6;
	[smem:$0x7F9] =	sst s6  }
0x9: {  	s24 =	sadd.s32 $0xC00, s6;
	[dreg:$0x5] =	wrdreg s23  }
0xa: {  	s25 =	sadd.s32 $0x1200, s6;
	[dreg:$0x6] =	wrdreg s24  }
0xb: {  	s26 =	sadd.s32 $0x1800, s6;
	[dreg:$0x7] =	wrdreg s25  }
0xc: {  	s28 =	sadd.s32 $0x1E00, s6;
	[dreg:$0x8] =	wrdreg s26  }
0xd: {  	s29 =	sadd.s32 $0x2400, s6;
	[dreg:$0x9] =	wrdreg s28  }
0xe: {  	s4 =	smul.u32 $0x1800, s4;
	s30 =	sadd.s32 $0x2A00, s6;
	[dreg:$0xa] =	wrdreg s29  }
0xf: {  	s31 =	sadd.s32 $0x3000, s6;
	[dreg:$0xb] =	wrdreg s30  }
0x10: {  	s4 =	sshrl.u32 s4, $0x3;
	s7 =	sadd.s32 $0x3600, s6;
	[dreg:$0xc] =	wrdreg s31  }
0x11: {  	s8 =	sadd.s32 $0x3C00, s6;
	s4 =	sadd.s32 s5, s4;
	[dreg:$0xd] =	wrdreg s7  }
0x12: {  	[dreg:$0xe] =	wrdreg s8;
	s9 =	sadd.s32 $0x4200, s4  }
0x13: {  	s10 =	sadd.s32 $0x4800, s4;
	[dreg:$0xf] =	wrdreg s9  }
0x14: {  	s11 =	sadd.s32 $0x4E00, s4;
	[dreg:$0x10] =	wrdreg s10  }
0x15: {  	s12 =	sadd.s32 $0x5400, s4;
	[dreg:$0x11] =	wrdreg s11  }
0x16: {  	s13 =	sadd.s32 $0x5A00, s4;
	[dreg:$0x12] =	wrdreg s12  }
0x17: {  	s14 =	sadd.s32 $0x6000, s4;
	[dreg:$0x13] =	wrdreg s13  }
0x18: {  	s15 =	sadd.s32 $0x6600, s4;
	[dreg:$0x14] =	wrdreg s14  }
0x19: {  	s16 =	sadd.s32 $0x6C00, s4;
	[dreg:$0x15] =	wrdreg s15  }
0x1a: {  	s17 =	sadd.s32 $0x7200, s4;
	[dreg:$0x16] =	wrdreg s16  }
0x1b: {  	s18 =	sadd.s32 $0x7800, s4;
	[dreg:$0x17] =	wrdreg s17  }
0x1c: {  	s19 =	sadd.s32 $0x7E00, s4;
	[dreg:$0x18] =	wrdreg s18  }
0x1d: {  	s20 =	sadd.s32 $0x8400, s4;
	[dreg:$0x19] =	wrdreg s19  }
0x1e: {  	s21 =	sadd.s32 $0x8A00, s4;
	[dreg:$0x1a] =	wrdreg s20  }
0x1f: {  	s22 =	sadd.s32 $0x9000, s4;
	[dreg:$0x1b] =	wrdreg s21  }
0x20: {  	s23 =	sadd.s32 $0x9600, s4;
	[dreg:$0x1c] =	wrdreg s22  }
0x21: {  	s24 =	sadd.s32 $0x9C00, s4;
	[dreg:$0x1d] =	wrdreg s23  }
0x22: {  	s0 =	ssub.s32 $0x2, s0;
	s25 =	sadd.s32 $0xA200, s4;
	[dreg:$0x1e] =	wrdreg s24  }
0x23: {  	s5 =	sadd.s32 $0x100, s1;
	s26 =	sadd.s32 $0xA800, s4;
	[dreg:$0x1f] =	wrdreg s25  }
0x24: {  	s6 =	sadd.s32 $0x200, s1;
	s28 =	sadd.s32 $0xAE00, s4;
	[smem:$0x7FA] =	sst s26  }
0x25: {  	s29 =	sshrl.u32 s0, $0x1;
	s30 =	sadd.s32 $0xB400, s4;
	[smem:$0x7FB] =	sst s28  }
0x26: {  	v2 =	vlaneseq.u32;
	s31 =	sadd.s32 $0xBA00, s4;
	s0 =	ssub.s32 s0, s29;
	[smem:$0x7FC] =	sst s30  }
0x27: {  	vm0 =	vmmov $0xffff;
	v1 =	vshrl.u32 v2, $0x3;
	[smem:$0x7FD] =	sst s31;
	s23 =	simm.s32 $0x1;
	s17 =	simm.s32 $0x3  }
0x28: {  	v0 =	vand.u32 $0x7, v2;
	v2 =	vor.u32 $0x8, v2;
	v1 =	vmul.u32 $0x8, v1;
	s18 =	simm.s32 $0x4;
	s19 =	simm.s32 $0x9;
	s0 =	smax.u32 s0, $0x1  }
.LBB2_1:
0x29: {  	[smem:$0x7F8] =	sst s0  }
0x2a: {  	s12 =	rddreg [dreg:$0x4];
	s11 =	simm.s32 $0x11  }
0x2b: {  	[tilespmem:s3], [sflag:$0x11] =	stream.linear.gather [hbm4b:s12+s3], $0x200, $0x38;
	[tilespmem:$0x18200] =	vst v63  }
0x2c: {  	_ =	swait.ge [sflag:s11], $0x200  }
0x2d: {  	[sflag:s11] =	ssyncset.done $0x0  }
0x2e: {  	[sflag:s11] =	ssyncadd.s32 $0xFFFFFE00  }
0x2f: {  	v3 =	vld [tilespmem:$0x0];
	_ =	sdelay $0x4  }
0x30: {  	v4 =	vshrl.u32 v3, $0x3  }
0x31: {  	v4 =	vmul.u32 $0x30, v4  }
0x32: {  	v3 =	vand.u32 $0x7, v3  }
0x33: {  	v3 =	vor.u32 v3, v4  }
0x34: {  	v4 =	vperm.xlane v3, v0;
	_ =	sdelay $0x1  }
0x35: {  	v4 =	vadd.s32 v1, v4;
	_ =	sdelay $0x3  }
0x36: {  	s13 =	simm.s32 $0x200;
	v3 =	vperm.xlane v3, v2  }
0x37: {  	[tilespmem:s13], [sflag:$0x1] =	stream.indirect_vreg.gather [hbm4b:s1+s3], $0x80, v4, vm0, $0xb8;
	[tilespmem:$0x18200] =	vst v63  }
0x38: {  	s14 =	simm.s32 $0xA00;
	v3 =	vadd.s32 v1, v3  }
0x39: {  	[tilespmem:s14], [sflag:$0x1] =	stream.indirect_vreg.gather [hbm4b:s5+s3], $0x80, v4, vm0, $0xb8;
	[tilespmem:$0x18200] =	vst v63  }
0x3a: {  	s16 =	simm.s32 $0x1200  }
0x3b: {  	[tilespmem:s16], [sflag:$0x1] =	stream.indirect_vreg.gather [hbm4b:s6+s3], $0x80, v4, vm0, $0xb8;
	[tilespmem:$0x18200] =	vst v63  }
0x3c: {  	s21 =	simm.s32 $0x1A00  }
0x3d: {  	[tilespmem:s21], [sflag:$0x1] =	stream.indirect_vreg.gather [hbm4b:s1+s3], $0x80, v3, vm0, $0xb8;
	[tilespmem:$0x18200] =	vst v63  }
0x3e: {  	s24 =	simm.s32 $0x2200  }
0x3f: {  	[tilespmem:s24], [sflag:$0x1] =	stream.indirect_vreg.gather [hbm4b:s5+s3], $0x80, v3, vm0, $0xb8;
	[tilespmem:$0x18200] =	vst v63  }
0x40: {  	s25 =	simm.s32 $0x2A00  }
0x41: {  	[tilespmem:s25], [sflag:$0x1] =	stream.indirect_vreg.gather [hbm4b:s6+s3], $0x80, v3, vm0, $0xb8;
	[tilespmem:$0x18200] =	vst v63  }
0x42: {  	v3 =	vld [tilespmem:$0x10];
	_ =	sdelay $0x4  }
0x43: {  	v33 =	vshrl.u32 v3, $0x3  }
0x44: {  	v4 =	vmul.u32 $0x30, v33  }
0x45: {  	v3 =	vand.u32 $0x7, v3  }
0x46: {  	v3 =	vor.u32 v3, v4  }
0x47: {  	v4 =	vperm.xlane v3, v0;
	_ =	sdelay $0x1  }
0x48: {  	v4 =	vadd.s32 v1, v4;
	_ =	sdelay $0x3  }
0x49: {  	s26 =	simm.s32 $0x3200;
	v3 =	vperm.xlane v3, v2  }
0x4a: {  	[tilespmem:s26], [sflag:$0x2] =	stream.indirect_vreg.gather [hbm4b:s1+s3], $0x80, v4, vm0, $0xb8;
	[tilespmem:$0x18200] =	vst v63  }
0x4b: {  	s28 =	simm.s32 $0x3A00;
	v3 =	vadd.s32 v1, v3  }
0x4c: {  	[tilespmem:s28], [sflag:$0x2] =	stream.indirect_vreg.gather [hbm4b:s5+s3], $0x80, v4, vm0, $0xb8;
	[tilespmem:$0x18200] =	vst v63  }
0x4d: {  	s4 =	simm.s32 $0x4200  }
0x4e: {  	[tilespmem:s4], [sflag:$0x2] =	stream.indirect_vreg.gather [hbm4b:s6+s3], $0x80, v4, vm0, $0xb8;
	[tilespmem:$0x18200] =	vst v63  }
0x4f: {  	s7 =	simm.s32 $0x4A00  }
0x50: {  	[tilespmem:s7], [sflag:$0x2] =	stream.indirect_vreg.gather [hbm4b:s1+s3], $0x80, v3, vm0, $0xb8;
	[tilespmem:$0x18200] =	vst v63  }
0x51: {  	s9 =	simm.s32 $0x5200  }
0x52: {  	[tilespmem:s9], [sflag:$0x2] =	stream.indirect_vreg.gather [hbm4b:s5+s3], $0x80, v3, vm0, $0xb8;
	[tilespmem:$0x18200] =	vst v63  }
0x53: {  	s10 =	simm.s32 $0x5A00  }
0x54: {  	[tilespmem:s10], [sflag:$0x2] =	stream.indirect_vreg.gather [hbm4b:s6+s3], $0x80, v3, vm0, $0xb8;
	[tilespmem:$0x18200] =	vst v63  }
0x55: {  	v3 =	vld [tilespmem:$0x20];
	_ =	sdelay $0x4  }
0x56: {  	v34 =	vshrl.u32 v3, $0x3  }
0x57: {  	v4 =	vmul.u32 $0x30, v34  }
0x58: {  	v3 =	vand.u32 $0x7, v3  }
0x59: {  	v3 =	vor.u32 v3, v4  }
0x5a: {  	v4 =	vperm.xlane v3, v0;
	_ =	sdelay $0x1  }
0x5b: {  	v4 =	vadd.s32 v1, v4;
	_ =	sdelay $0x3  }
0x5c: {  	s11 =	simm.s32 $0x6200;
	v3 =	vperm.xlane v3, v2  }
0x5d: {  	[tilespmem:s11], [sflag:$0x3] =	stream.indirect_vreg.gather [hbm4b:s1+s3], $0x80, v4, vm0, $0xb8;
	[tilespmem:$0x18200] =	vst v63  }
0x5e: {  	s12 =	simm.s32 $0x6A00;
	v3 =	vadd.s32 v1, v3  }
0x5f: {  	[tilespmem:s12], [sflag:$0x3] =	stream.indirect_vreg.gather [hbm4b:s5+s3], $0x80, v4, vm0, $0xb8;
	[tilespmem:$0x18200] =	vst v63  }
0x60: {  	s14 =	simm.s32 $0x7200  }
0x61: {  	[tilespmem:s14], [sflag:$0x3] =	stream.indirect_vreg.gather [hbm4b:s6+s3], $0x80, v4, vm0, $0xb8;
	[tilespmem:$0x18200] =	vst v63  }
0x62: {  	s16 =	simm.s32 $0x7A00  }
0x63: {  	[tilespmem:s16], [sflag:$0x3] =	stream.indirect_vreg.gather [hbm4b:s1+s3], $0x80, v3, vm0, $0xb8;
	[tilespmem:$0x18200] =	vst v63  }
0x64: {  	s21 =	simm.s32 $0x8200  }
0x65: {  	[tilespmem:s21], [sflag:$0x3] =	stream.indirect_vreg.gather [hbm4b:s5+s3], $0x80, v3, vm0, $0xb8;
	[tilespmem:$0x18200] =	vst v63  }
0x66: {  	s24 =	simm.s32 $0x8A00  }
0x67: {  	[tilespmem:s24], [sflag:$0x3] =	stream.indirect_vreg.gather [hbm4b:s6+s3], $0x80, v3, vm0, $0xb8;
	[tilespmem:$0x18200] =	vst v63  }
0x68: {  	v3 =	vld [tilespmem:$0x30];
	_ =	sdelay $0x4  }
0x69: {  	v35 =	vshrl.u32 v3, $0x3  }
0x6a: {  	v4 =	vmul.u32 $0x30, v35  }
0x6b: {  	v3 =	vand.u32 $0x7, v3  }
0x6c: {  	v3 =	vor.u32 v3, v4  }
0x6d: {  	v4 =	vperm.xlane v3, v0;
	_ =	sdelay $0x1  }
0x6e: {  	v4 =	vadd.s32 v1, v4;
	_ =	sdelay $0x3  }
0x6f: {  	s4 =	simm.s32 $0x9200;
	v3 =	vperm.xlane v3, v2  }
0x70: {  	[tilespmem:s4], [sflag:$0x4] =	stream.indirect_vreg.gather [hbm4b:s1+s3], $0x80, v4, vm0, $0xb8;
	[tilespmem:$0x18200] =	vst v63  }
0x71: {  	s7 =	simm.s32 $0x9A00;
	v3 =	vadd.s32 v1, v3  }
0x72: {  	[tilespmem:s7], [sflag:$0x4] =	stream.indirect_vreg.gather [hbm4b:s5+s3], $0x80, v4, vm0, $0xb8;
	[tilespmem:$0x18200] =	vst v63  }
0x73: {  	s10 =	simm.s32 $0xA200  }
0x74: {  	[tilespmem:s10], [sflag:$0x4] =	stream.indirect_vreg.gather [hbm4b:s6+s3], $0x80, v4, vm0, $0xb8;
	[tilespmem:$0x18200] =	vst v63  }
0x75: {  	s11 =	simm.s32 $0xAA00  }
0x76: {  	[tilespmem:s11], [sflag:$0x4] =	stream.indirect_vreg.gather [hbm4b:s1+s3], $0x80, v3, vm0, $0xb8;
	[tilespmem:$0x18200] =	vst v63  }
0x77: {  	s12 =	simm.s32 $0xB200  }
0x78: {  	[tilespmem:s12], [sflag:$0x4] =	stream.indirect_vreg.gather [hbm4b:s5+s3], $0x80, v3, vm0, $0xb8;
	[tilespmem:$0x18200] =	vst v63  }
0x79: {  	s14 =	simm.s32 $0xBA00  }
0x7a: {  	[tilespmem:s14], [sflag:$0x4] =	stream.indirect_vreg.gather [hbm4b:s6+s3], $0x80, v3, vm0, $0xb8;
	[tilespmem:$0x18200] =	vst v63  }
0x7b: {  	v3 =	vld [tilespmem:$0x40];
	_ =	sdelay $0x4  }
0x7c: {  	v36 =	vshrl.u32 v3, $0x3  }
0x7d: {  	v4 =	vmul.u32 $0x30, v36  }
0x7e: {  	v3 =	vand.u32 $0x7, v3  }
0x7f: {  	v3 =	vor.u32 v3, v4  }
0x80: {  	v4 =	vperm.xlane v3, v0;
	_ =	sdelay $0x1  }
0x81: {  	v4 =	vadd.s32 v1, v4;
	_ =	sdelay $0x3  }
0x82: {  	s16 =	simm.s32 $0xC200;
	v3 =	vperm.xlane v3, v2  }
0x83: {  	[tilespmem:s16], [sflag:$0x5] =	stream.indirect_vreg.gather [hbm4b:s1+s3], $0x80, v4, vm0, $0xb8;
	[tilespmem:$0x18200] =	vst v63  }
0x84: {  	s21 =	simm.s32 $0xCA00;
	v3 =	vadd.s32 v1, v3  }
0x85: {  	[tilespmem:s21], [sflag:$0x5] =	stream.indirect_vreg.gather [hbm4b:s5+s3], $0x80, v4, vm0, $0xb8;
	[tilespmem:$0x18200] =	vst v63  }
0x86: {  	s24 =	simm.s32 $0xD200  }
0x87: {  	[tilespmem:s24], [sflag:$0x5] =	stream.indirect_vreg.gather [hbm4b:s6+s3], $0x80, v4, vm0, $0xb8;
	[tilespmem:$0x18200] =	vst v63  }
0x88: {  	s0 =	simm.s32 $0xDA00  }
0x89: {  	[tilespmem:s0], [sflag:$0x5] =	stream.indirect_vreg.gather [hbm4b:s1+s3], $0x80, v3, vm0, $0xb8;
	[tilespmem:$0x18200] =	vst v63  }
0x8a: {  	s7 =	simm.s32 $0xE200  }
0x8b: {  	[tilespmem:s7], [sflag:$0x5] =	stream.indirect_vreg.gather [hbm4b:s5+s3], $0x80, v3, vm0, $0xb8;
	[tilespmem:$0x18200] =	vst v63  }
0x8c: {  	s11 =	simm.s32 $0xEA00  }
0x8d: {  	[tilespmem:s11], [sflag:$0x5] =	stream.indirect_vreg.gather [hbm4b:s6+s3], $0x80, v3, vm0, $0xb8;
	[tilespmem:$0x18200] =	vst v63  }
0x8e: {  	_ =	swait.ge [sflag:s23], $0x3000  }
0x8f: {  	s14 =	sld [smem:$0x7F9]  }
0x90: {  	[sflag:s23] =	ssyncset.done $0x0  }
0x91: {  	s15 =	simm.s32 $0x200;
	[sflag:s23] =	ssyncadd.s32 $0xFFFFD000  }
0x92: {  	[hbm4b:s14+s3] =	stream.linear.scatter [tilespmem:s15], [sflag:$0x9], $0x3000, $0x38;
	[tilespmem:$0x18200] =	vst v63  }
0x93: {  	v3 =	vld [tilespmem:$0x50];
	_ =	sdelay $0x4  }
0x94: {  	v37 =	vshrl.u32 v3, $0x3  }
0x95: {  	v4 =	vmul.u32 $0x30, v37  }
0x96: {  	v3 =	vand.u32 $0x7, v3  }
0x97: {  	v3 =	vor.u32 v3, v4  }
0x98: {  	v4 =	vperm.xlane v3, v0;
	_ =	sdelay $0x1  }
0x99: {  	v4 =	vadd.s32 v1, v4;
	_ =	sdelay $0x3  }
0x9a: {  	s16 =	simm.s32 $0xF200;
	v3 =	vperm.xlane v3, v2  }
0x9b: {  	[tilespmem:s16], [sflag:$0x6] =	stream.indirect_vreg.gather [hbm4b:s1+s3], $0x80, v4, vm0, $0xb8;
	[tilespmem:$0x18200] =	vst v63  }
0x9c: {  	s21 =	simm.s32 $0xFA00;
	v3 =	vadd.s32 v1, v3  }
0x9d: {  	[tilespmem:s21], [sflag:$0x6] =	stream.indirect_vreg.gather [hbm4b:s5+s3], $0x80, v4, vm0, $0xb8;
	[tilespmem:$0x18200] =	vst v63  }
0x9e: {  	s0 =	simm.s32 $0x10200  }
0x9f: {  	[tilespmem:s0], [sflag:$0x6] =	stream.indirect_vreg.gather [hbm4b:s6+s3], $0x80, v4, vm0, $0xb8;
	[tilespmem:$0x18200] =	vst v63  }
0xa0: {  	s14 =	simm.s32 $0x10A00  }
0xa1: {  	[tilespmem:s14], [sflag:$0x6] =	stream.indirect_vreg.gather [hbm4b:s1+s3], $0x80, v3, vm0, $0xb8;
	[tilespmem:$0x18200] =	vst v63  }
0xa2: {  	s15 =	simm.s32 $0x11200  }
0xa3: {  	[tilespmem:s15], [sflag:$0x6] =	stream.indirect_vreg.gather [hbm4b:s5+s3], $0x80, v3, vm0, $0xb8;
	[tilespmem:$0x18200] =	vst v63  }
0xa4: {  	s16 =	simm.s32 $0x11A00;
	s15 =	simm.s32 $0x2  }
0xa5: {  	[tilespmem:s16], [sflag:$0x6] =	stream.indirect_vreg.gather [hbm4b:s6+s3], $0x80, v3, vm0, $0xb8;
	[tilespmem:$0x18200] =	vst v63  }
0xa6: {  	_ =	swait.ge [sflag:s15], $0x3000  }
0xa7: {  	[sflag:s15] =	ssyncset.done $0x0  }
0xa8: {  	s2 =	simm.s32 $0x3200;
	s0 =	rddreg [dreg:$0x5];
	[sflag:s15] =	ssyncadd.s32 $0xFFFFD000  }
0xa9: {  	[hbm4b:s0+s3] =	stream.linear.scatter [tilespmem:s2], [sflag:$0xA], $0x3000, $0x38;
	[tilespmem:$0x18200] =	vst v63  }
0xaa: {  	v3 =	vld [tilespmem:$0x60];
	_ =	sdelay $0x4  }
0xab: {  	v38 =	vshrl.u32 v3, $0x3  }
0xac: {  	v4 =	vmul.u32 $0x30, v38  }
0xad: {  	v3 =	vand.u32 $0x7, v3  }
0xae: {  	v3 =	vor.u32 v3, v4  }
0xaf: {  	v4 =	vperm.xlane v3, v0;
	_ =	sdelay $0x1  }
0xb0: {  	v4 =	vadd.s32 v1, v4;
	_ =	sdelay $0x3  }
0xb1: {  	s14 =	simm.s32 $0x12200;
	v3 =	vperm.xlane v3, v2  }
0xb2: {  	[tilespmem:s14], [sflag:$0x7] =	stream.indirect_vreg.gather [hbm4b:s1+s3], $0x80, v4, vm0, $0xb8;
	[tilespmem:$0x18200] =	vst v63  }
0xb3: {  	s0 =	simm.s32 $0x12A00;
	v3 =	vadd.s32 v1, v3  }
0xb4: {  	[tilespmem:s0], [sflag:$0x7] =	stream.indirect_vreg.gather [hbm4b:s5+s3], $0x80, v4, vm0, $0xb8;
	[tilespmem:$0x18200] =	vst v63  }
0xb5: {  	s2 =	simm.s32 $0x13200  }
0xb6: {  	[tilespmem:s2], [sflag:$0x7] =	stream.indirect_vreg.gather [hbm4b:s6+s3], $0x80, v4, vm0, $0xb8;
	[tilespmem:$0x18200] =	vst v63  }
0xb7: {  	s0 =	simm.s32 $0x13A00  }
0xb8: {  	[tilespmem:s0], [sflag:$0x7] =	stream.indirect_vreg.gather [hbm4b:s1+s3], $0x80, v3, vm0, $0xb8;
	[tilespmem:$0x18200] =	vst v63  }
0xb9: {  	s2 =	simm.s32 $0x14200  }
0xba: {  	[tilespmem:s2], [sflag:$0x7] =	stream.indirect_vreg.gather [hbm4b:s5+s3], $0x80, v3, vm0, $0xb8;
	[tilespmem:$0x18200] =	vst v63  }
0xbb: {  	s0 =	simm.s32 $0x14A00  }
0xbc: {  	[tilespmem:s0], [sflag:$0x7] =	stream.indirect_vreg.gather [hbm4b:s6+s3], $0x80, v3, vm0, $0xb8;
	[tilespmem:$0x18200] =	vst v63  }
0xbd: {  	_ =	swait.ge [sflag:s17], $0x3000  }
0xbe: {  	[sflag:s17] =	ssyncset.done $0x0  }
0xbf: {  	s9 =	simm.s32 $0x6200;
	s2 =	rddreg [dreg:$0x6];
	[sflag:s17] =	ssyncadd.s32 $0xFFFFD000  }
0xc0: {  	[hbm4b:s2+s3] =	stream.linear.scatter [tilespmem:s9], [sflag:$0xB], $0x3000, $0x38;
	[tilespmem:$0x18200] =	vst v63  }
0xc1: {  	v3 =	vld [tilespmem:$0x70];
	_ =	sdelay $0x4  }
0xc2: {  	v39 =	vshrl.u32 v3, $0x3  }
0xc3: {  	v4 =	vmul.u32 $0x30, v39  }
0xc4: {  	v3 =	vand.u32 $0x7, v3  }
0xc5: {  	v3 =	vor.u32 v3, v4  }
0xc6: {  	v4 =	vperm.xlane v3, v0;
	_ =	sdelay $0x1  }
0xc7: {  	v4 =	vadd.s32 v1, v4;
	_ =	sdelay $0x3  }
0xc8: {  	s12 =	simm.s32 $0x15200;
	v3 =	vperm.xlane v3, v2  }
0xc9: {  	[tilespmem:s12], [sflag:$0x8] =	stream.indirect_vreg.gather [hbm4b:s1+s3], $0x80, v4, vm0, $0xb8;
	[tilespmem:$0x18200] =	vst v63  }
0xca: {  	s9 =	simm.s32 $0x15A00;
	v3 =	vadd.s32 v1, v3  }
0xcb: {  	[tilespmem:s9], [sflag:$0x8] =	stream.indirect_vreg.gather [hbm4b:s5+s3], $0x80, v4, vm0, $0xb8;
	[tilespmem:$0x18200] =	vst v63  }
0xcc: {  	s0 =	simm.s32 $0x16200  }
0xcd: {  	[tilespmem:s0], [sflag:$0x8] =	stream.indirect_vreg.gather [hbm4b:s6+s3], $0x80, v4, vm0, $0xb8;
	[tilespmem:$0x18200] =	vst v63  }
0xce: {  	s9 =	simm.s32 $0x16A00  }
0xcf: {  	[tilespmem:s9], [sflag:$0x8] =	stream.indirect_vreg.gather [hbm4b:s1+s3], $0x80, v3, vm0, $0xb8;
	[tilespmem:$0x18200] =	vst v63  }
0xd0: {  	s0 =	simm.s32 $0x17200  }
0xd1: {  	[tilespmem:s0], [sflag:$0x8] =	stream.indirect_vreg.gather [hbm4b:s5+s3], $0x80, v3, vm0, $0xb8;
	[tilespmem:$0x18200] =	vst v63  }
0xd2: {  	s9 =	simm.s32 $0x17A00  }
0xd3: {  	[tilespmem:s9], [sflag:$0x8] =	stream.indirect_vreg.gather [hbm4b:s6+s3], $0x80, v3, vm0, $0xb8;
	[tilespmem:$0x18200] =	vst v63  }
0xd4: {  	_ =	swait.ge [sflag:s18], $0x3000  }
0xd5: {  	[sflag:s18] =	ssyncset.done $0x0  }
0xd6: {  	s9 =	simm.s32 $0x9200;
	s0 =	rddreg [dreg:$0x7];
	[sflag:s18] =	ssyncadd.s32 $0xFFFFD000  }
0xd7: {  	[hbm4b:s0+s3] =	stream.linear.scatter [tilespmem:s9], [sflag:$0xC], $0x3000, $0x38;
	[tilespmem:$0x18200] =	vst v63  }
0xd8: {  	_ =	swait.ge [sflag:s19], $0x3000  }
0xd9: {  	[sflag:s19] =	ssyncset.done $0x0  }
0xda: {  	[sflag:s19] =	ssyncadd.s32 $0xFFFFD000  }
0xdb: {  	v3 =	vld [tilespmem:$0x80];
	_ =	sdelay $0x4  }
0xdc: {  	v40 =	vshrl.u32 v3, $0x3  }
0xdd: {  	v4 =	vmul.u32 $0x30, v40  }
0xde: {  	v3 =	vand.u32 $0x7, v3  }
0xdf: {  	v3 =	vor.u32 v3, v4  }
0xe0: {  	v4 =	vperm.xlane v3, v0;
	_ =	sdelay $0x1  }
0xe1: {  	v4 =	vadd.s32 v1, v4;
	_ =	sdelay $0x3  }
0xe2: {  	s24 =	simm.s32 $0x200;
	v3 =	vperm.xlane v3, v2  }
0xe3: {  	[tilespmem:s24], [sflag:$0x1] =	stream.indirect_vreg.gather [hbm4b:s1+s3], $0x80, v4, vm0, $0xb8;
	[tilespmem:$0x18200] =	vst v63  }
0xe4: {  	s20 =	simm.s32 $0xA00;
	v3 =	vadd.s32 v1, v3  }
0xe5: {  	[tilespmem:s20], [sflag:$0x1] =	stream.indirect_vreg.gather [hbm4b:s5+s3], $0x80, v4, vm0, $0xb8;
	[tilespmem:$0x18200] =	vst v63  }
0xe6: {  	s22 =	simm.s32 $0x1200  }
0xe7: {  	[tilespmem:s22], [sflag:$0x1] =	stream.indirect_vreg.gather [hbm4b:s6+s3], $0x80, v4, vm0, $0xb8;
	[tilespmem:$0x18200] =	vst v63  }
0xe8: {  	s29 =	simm.s32 $0x1A00  }
0xe9: {  	[tilespmem:s29], [sflag:$0x1] =	stream.indirect_vreg.gather [hbm4b:s1+s3], $0x80, v3, vm0, $0xb8;
	[tilespmem:$0x18200] =	vst v63  }
0xea: {  	s30 =	simm.s32 $0x2200  }
0xeb: {  	[tilespmem:s30], [sflag:$0x1] =	stream.indirect_vreg.gather [hbm4b:s5+s3], $0x80, v3, vm0, $0xb8;
	[tilespmem:$0x18200] =	vst v63  }
0xec: {  	s31 =	simm.s32 $0x2A00;
	s20 =	simm.s32 $0x5  }
0xed: {  	[tilespmem:s31], [sflag:$0x1] =	stream.indirect_vreg.gather [hbm4b:s6+s3], $0x80, v3, vm0, $0xb8;
	[tilespmem:$0x18200] =	vst v63  }
0xee: {  	_ =	swait.ge [sflag:s20], $0x3000  }
0xef: {  	s4 =	simm.s32 $0xC200;
	[sflag:s20] =	ssyncset.done $0x0  }
0xf0: {  	s22 =	simm.s32 $0xA;
	s30 =	rddreg [dreg:$0x8];
	[sflag:s20] =	ssyncadd.s32 $0xFFFFD000  }
0xf1: {  	[hbm4b:s30+s3] =	stream.linear.scatter [tilespmem:s4], [sflag:$0xD], $0x3000, $0x38;
	[tilespmem:$0x18200] =	vst v63  }
0xf2: {  	_ =	swait.ge [sflag:s22], $0x3000  }
0xf3: {  	[sflag:s22] =	ssyncset.done $0x0  }
0xf4: {  	[sflag:s22] =	ssyncadd.s32 $0xFFFFD000  }
0xf5: {  	v3 =	vld [tilespmem:$0x90];
	_ =	sdelay $0x4  }
0xf6: {  	v41 =	vshrl.u32 v3, $0x3  }
0xf7: {  	v4 =	vmul.u32 $0x30, v41  }
0xf8: {  	v3 =	vand.u32 $0x7, v3  }
0xf9: {  	v3 =	vor.u32 v3, v4  }
0xfa: {  	v4 =	vperm.xlane v3, v0;
	_ =	sdelay $0x1  }
0xfb: {  	v4 =	vadd.s32 v1, v4;
	_ =	sdelay $0x3  }
0xfc: {  	s16 =	simm.s32 $0x3200;
	v3 =	vperm.xlane v3, v2  }
0xfd: {  	[tilespmem:s16], [sflag:$0x2] =	stream.indirect_vreg.gather [hbm4b:s1+s3], $0x80, v4, vm0, $0xb8;
	[tilespmem:$0x18200] =	vst v63  }
0xfe: {  	s8 =	simm.s32 $0x3A00;
	v3 =	vadd.s32 v1, v3  }
0xff: {  	[tilespmem:s8], [sflag:$0x2] =	stream.indirect_vreg.gather [hbm4b:s5+s3], $0x80, v4, vm0, $0xb8;
	[tilespmem:$0x18200] =	vst v63  }
0x100: {  	s13 =	simm.s32 $0x4200  }
0x101: {  	[tilespmem:s13], [sflag:$0x2] =	stream.indirect_vreg.gather [hbm4b:s6+s3], $0x80, v4, vm0, $0xb8;
	[tilespmem:$0x18200] =	vst v63  }
0x102: {  	s25 =	simm.s32 $0x4A00  }
0x103: {  	[tilespmem:s25], [sflag:$0x2] =	stream.indirect_vreg.gather [hbm4b:s1+s3], $0x80, v3, vm0, $0xb8;
	[tilespmem:$0x18200] =	vst v63  }
0x104: {  	s26 =	simm.s32 $0x5200  }
0x105: {  	[tilespmem:s26], [sflag:$0x2] =	stream.indirect_vreg.gather [hbm4b:s5+s3], $0x80, v3, vm0, $0xb8;
	[tilespmem:$0x18200] =	vst v63  }
0x106: {  	s28 =	simm.s32 $0x5A00;
	s25 =	simm.s32 $0x6  }
0x107: {  	[tilespmem:s28], [sflag:$0x2] =	stream.indirect_vreg.gather [hbm4b:s6+s3], $0x80, v3, vm0, $0xb8;
	[tilespmem:$0x18200] =	vst v63  }
0x108: {  	_ =	swait.ge [sflag:s25], $0x3000  }
0x109: {  	s7 =	simm.s32 $0xF200;
	[sflag:s25] =	ssyncset.done $0x0  }
0x10a: {  	s26 =	simm.s32 $0xB;
	s31 =	rddreg [dreg:$0x9];
	[sflag:s25] =	ssyncadd.s32 $0xFFFFD000  }
0x10b: {  	[hbm4b:s31+s3] =	stream.linear.scatter [tilespmem:s7], [sflag:$0xE], $0x3000, $0x38;
	[tilespmem:$0x18200] =	vst v63  }
0x10c: {  	_ =	swait.ge [sflag:s26], $0x3000  }
0x10d: {  	[sflag:s26] =	ssyncset.done $0x0  }
0x10e: {  	[sflag:s26] =	ssyncadd.s32 $0xFFFFD000  }
0x10f: {  	v3 =	vld [tilespmem:$0xA0];
	_ =	sdelay $0x4  }
0x110: {  	v42 =	vshrl.u32 v3, $0x3  }
0x111: {  	v4 =	vmul.u32 $0x30, v42  }
0x112: {  	v3 =	vand.u32 $0x7, v3  }
0x113: {  	v3 =	vor.u32 v3, v4  }
0x114: {  	v4 =	vperm.xlane v3, v0;
	_ =	sdelay $0x1  }
0x115: {  	v4 =	vadd.s32 v1, v4;
	_ =	sdelay $0x3  }
0x116: {  	s2 =	simm.s32 $0x6200;
	v3 =	vperm.xlane v3, v2  }
0x117: {  	[tilespmem:s2], [sflag:$0x3] =	stream.indirect_vreg.gather [hbm4b:s1+s3], $0x80, v4, vm0, $0xb8;
	[tilespmem:$0x18200] =	vst v63  }
0x118: {  	s24 =	simm.s32 $0x6A00;
	v3 =	vadd.s32 v1, v3  }
0x119: {  	[tilespmem:s24], [sflag:$0x3] =	stream.indirect_vreg.gather [hbm4b:s5+s3], $0x80, v4, vm0, $0xb8;
	[tilespmem:$0x18200] =	vst v63  }
0x11a: {  	s2 =	simm.s32 $0x7200  }
0x11b: {  	[tilespmem:s2], [sflag:$0x3] =	stream.indirect_vreg.gather [hbm4b:s6+s3], $0x80, v4, vm0, $0xb8;
	[tilespmem:$0x18200] =	vst v63  }
0x11c: {  	s7 =	simm.s32 $0x7A00  }
0x11d: {  	[tilespmem:s7], [sflag:$0x3] =	stream.indirect_vreg.gather [hbm4b:s1+s3], $0x80, v3, vm0, $0xb8;
	[tilespmem:$0x18200] =	vst v63  }
0x11e: {  	s8 =	simm.s32 $0x8200  }
0x11f: {  	[tilespmem:s8], [sflag:$0x3] =	stream.indirect_vreg.gather [hbm4b:s5+s3], $0x80, v3, vm0, $0xb8;
	[tilespmem:$0x18200] =	vst v63  }
0x120: {  	s12 =	simm.s32 $0x8A00;
	s29 =	simm.s32 $0x7  }
0x121: {  	[tilespmem:s12], [sflag:$0x3] =	stream.indirect_vreg.gather [hbm4b:s6+s3], $0x80, v3, vm0, $0xb8;
	[tilespmem:$0x18200] =	vst v63  }
0x122: {  	_ =	swait.ge [sflag:s29], $0x3000  }
0x123: {  	s14 =	simm.s32 $0x12200;
	[sflag:s29] =	ssyncset.done $0x0  }
0x124: {  	s30 =	simm.s32 $0xC;
	s13 =	rddreg [dreg:$0xa];
	[sflag:s29] =	ssyncadd.s32 $0xFFFFD000  }
0x125: {  	[hbm4b:s13+s3] =	stream.linear.scatter [tilespmem:s14], [sflag:$0xF], $0x3000, $0x38;
	[tilespmem:$0x18200] =	vst v63  }
0x126: {  	_ =	swait.ge [sflag:s30], $0x3000  }
0x127: {  	[sflag:s30] =	ssyncset.done $0x0  }
0x128: {  	[sflag:s30] =	ssyncadd.s32 $0xFFFFD000  }
0x129: {  	v3 =	vld [tilespmem:$0xB0];
	_ =	sdelay $0x4  }
0x12a: {  	v43 =	vshrl.u32 v3, $0x3  }
0x12b: {  	v4 =	vmul.u32 $0x30, v43  }
0x12c: {  	v3 =	vand.u32 $0x7, v3  }
0x12d: {  	v3 =	vor.u32 v3, v4  }
0x12e: {  	v4 =	vperm.xlane v3, v0;
	_ =	sdelay $0x1  }
0x12f: {  	v4 =	vadd.s32 v1, v4;
	_ =	sdelay $0x3  }
0x130: {  	v3 =	vperm.xlane v3, v2  }
0x131: {  	[tilespmem:s9], [sflag:$0x4] =	stream.indirect_vreg.gather [hbm4b:s1+s3], $0x80, v4, vm0, $0xb8;
	[tilespmem:$0x18200] =	vst v63  }
0x132: {  	s14 =	simm.s32 $0x9A00;
	v3 =	vadd.s32 v1, v3  }
0x133: {  	[tilespmem:s14], [sflag:$0x4] =	stream.indirect_vreg.gather [hbm4b:s5+s3], $0x80, v4, vm0, $0xb8;
	[tilespmem:$0x18200] =	vst v63  }
0x134: {  	s13 =	simm.s32 $0xA200  }
0x135: {  	[tilespmem:s13], [sflag:$0x4] =	stream.indirect_vreg.gather [hbm4b:s6+s3], $0x80, v4, vm0, $0xb8;
	[tilespmem:$0x18200] =	vst v63  }
0x136: {  	s31 =	simm.s32 $0xAA00  }
0x137: {  	[tilespmem:s31], [sflag:$0x4] =	stream.indirect_vreg.gather [hbm4b:s1+s3], $0x80, v3, vm0, $0xb8;
	[tilespmem:$0x18200] =	vst v63  }
0x138: {  	s14 =	simm.s32 $0xB200  }
0x139: {  	[tilespmem:s14], [sflag:$0x4] =	stream.indirect_vreg.gather [hbm4b:s5+s3], $0x80, v3, vm0, $0xb8;
	[tilespmem:$0x18200] =	vst v63  }
0x13a: {  	s4 =	simm.s32 $0xBA00;
	s31 =	simm.s32 $0x8  }
0x13b: {  	[tilespmem:s4], [sflag:$0x4] =	stream.indirect_vreg.gather [hbm4b:s6+s3], $0x80, v3, vm0, $0xb8;
	[tilespmem:$0x18200] =	vst v63  }
0x13c: {  	_ =	swait.ge [sflag:s31], $0x3000  }
0x13d: {  	s8 =	simm.s32 $0xD;
	[sflag:s31] =	ssyncset.done $0x0  }
0x13e: {  	s4 =	simm.s32 $0x15200;
	s9 =	rddreg [dreg:$0xb];
	[sflag:s31] =	ssyncadd.s32 $0xFFFFD000  }
0x13f: {  	[hbm4b:s9+s3] =	stream.linear.scatter [tilespmem:s4], [sflag:$0x10], $0x3000, $0x38;
	[tilespmem:$0x18200] =	vst v63  }
0x140: {  	_ =	swait.ge [sflag:s8], $0x3000  }
0x141: {  	[sflag:s8] =	ssyncset.done $0x0  }
0x142: {  	[sflag:s8] =	ssyncadd.s32 $0xFFFFD000  }
0x143: {  	v3 =	vld [tilespmem:$0xC0];
	_ =	sdelay $0x4  }
0x144: {  	v44 =	vshrl.u32 v3, $0x3  }
0x145: {  	v4 =	vmul.u32 $0x30, v44  }
0x146: {  	v3 =	vand.u32 $0x7, v3  }
0x147: {  	v3 =	vor.u32 v3, v4  }
0x148: {  	v4 =	vperm.xlane v3, v0;
	_ =	sdelay $0x1  }
0x149: {  	v4 =	vadd.s32 v1, v4;
	_ =	sdelay $0x3  }
0x14a: {  	s0 =	simm.s32 $0xC200;
	v3 =	vperm.xlane v3, v2  }
0x14b: {  	[tilespmem:s0], [sflag:$0x5] =	stream.indirect_vreg.gather [hbm4b:s1+s3], $0x80, v4, vm0, $0xb8;
	[tilespmem:$0x18200] =	vst v63  }
0x14c: {  	s10 =	simm.s32 $0xCA00;
	v3 =	vadd.s32 v1, v3  }
0x14d: {  	[tilespmem:s10], [sflag:$0x5] =	stream.indirect_vreg.gather [hbm4b:s5+s3], $0x80, v4, vm0, $0xb8;
	[tilespmem:$0x18200] =	vst v63  }
0x14e: {  	s2 =	simm.s32 $0xD200  }
0x14f: {  	[tilespmem:s2], [sflag:$0x5] =	stream.indirect_vreg.gather [hbm4b:s6+s3], $0x80, v4, vm0, $0xb8;
	[tilespmem:$0x18200] =	vst v63  }
0x150: {  	s10 =	simm.s32 $0xDA00  }
0x151: {  	[tilespmem:s10], [sflag:$0x5] =	stream.indirect_vreg.gather [hbm4b:s1+s3], $0x80, v3, vm0, $0xb8;
	[tilespmem:$0x18200] =	vst v63  }
0x152: {  	s12 =	simm.s32 $0xE200  }
0x153: {  	[tilespmem:s12], [sflag:$0x5] =	stream.indirect_vreg.gather [hbm4b:s5+s3], $0x80, v3, vm0, $0xb8;
	[tilespmem:$0x18200] =	vst v63  }
0x154: {  	s2 =	simm.s32 $0xEA00  }
0x155: {  	[tilespmem:s2], [sflag:$0x5] =	stream.indirect_vreg.gather [hbm4b:s6+s3], $0x80, v3, vm0, $0xb8;
	[tilespmem:$0x18200] =	vst v63  }
0x156: {  	_ =	swait.ge [sflag:s23], $0x3000  }
0x157: {  	[sflag:s23] =	ssyncset.done $0x0  }
0x158: {  	s2 =	simm.s32 $0x200;
	s10 =	rddreg [dreg:$0xc];
	[sflag:s23] =	ssyncadd.s32 $0xFFFFD000  }
0x159: {  	[hbm4b:s10+s3] =	stream.linear.scatter [tilespmem:s2], [sflag:$0x9], $0x3000, $0x38;
	[tilespmem:$0x18200] =	vst v63  }
0x15a: {  	s10 =	simm.s32 $0xE  }
0x15b: {  	_ =	swait.ge [sflag:s10], $0x3000  }
0x15c: {  	[sflag:s10] =	ssyncset.done $0x0  }
0x15d: {  	[sflag:s10] =	ssyncadd.s32 $0xFFFFD000  }
0x15e: {  	v3 =	vld [tilespmem:$0xD0];
	_ =	sdelay $0x4  }
0x15f: {  	v45 =	vshrl.u32 v3, $0x3  }
0x160: {  	v4 =	vmul.u32 $0x30, v45  }
0x161: {  	v3 =	vand.u32 $0x7, v3  }
0x162: {  	v3 =	vor.u32 v3, v4  }
0x163: {  	v4 =	vperm.xlane v3, v0;
	_ =	sdelay $0x1  }
0x164: {  	v4 =	vadd.s32 v1, v4;
	_ =	sdelay $0x3  }
0x165: {  	s16 =	simm.s32 $0xF200;
	v3 =	vperm.xlane v3, v2  }
0x166: {  	[tilespmem:s16], [sflag:$0x6] =	stream.indirect_vreg.gather [hbm4b:s1+s3], $0x80, v4, vm0, $0xb8;
	[tilespmem:$0x18200] =	vst v63  }
0x167: {  	s11 =	simm.s32 $0xFA00;
	v3 =	vadd.s32 v1, v3  }
0x168: {  	[tilespmem:s11], [sflag:$0x6] =	stream.indirect_vreg.gather [hbm4b:s5+s3], $0x80, v4, vm0, $0xb8;
	[tilespmem:$0x18200] =	vst v63  }
0x169: {  	s21 =	simm.s32 $0x10200  }
0x16a: {  	[tilespmem:s21], [sflag:$0x6] =	stream.indirect_vreg.gather [hbm4b:s6+s3], $0x80, v4, vm0, $0xb8;
	[tilespmem:$0x18200] =	vst v63  }
0x16b: {  	s11 =	simm.s32 $0x10A00  }
0x16c: {  	[tilespmem:s11], [sflag:$0x6] =	stream.indirect_vreg.gather [hbm4b:s1+s3], $0x80, v3, vm0, $0xb8;
	[tilespmem:$0x18200] =	vst v63  }
0x16d: {  	s12 =	simm.s32 $0x11200  }
0x16e: {  	[tilespmem:s12], [sflag:$0x6] =	stream.indirect_vreg.gather [hbm4b:s5+s3], $0x80, v3, vm0, $0xb8;
	[tilespmem:$0x18200] =	vst v63  }
0x16f: {  	s21 =	simm.s32 $0x11A00  }
0x170: {  	[tilespmem:s21], [sflag:$0x6] =	stream.indirect_vreg.gather [hbm4b:s6+s3], $0x80, v3, vm0, $0xb8;
	[tilespmem:$0x18200] =	vst v63  }
0x171: {  	_ =	swait.ge [sflag:s15], $0x3000  }
0x172: {  	[sflag:s15] =	ssyncset.done $0x0  }
0x173: {  	s21 =	simm.s32 $0x3200;
	s11 =	rddreg [dreg:$0xd];
	[sflag:s15] =	ssyncadd.s32 $0xFFFFD000  }
0x174: {  	[hbm4b:s11+s3] =	stream.linear.scatter [tilespmem:s21], [sflag:$0xA], $0x3000, $0x38;
	[tilespmem:$0x18200] =	vst v63  }
0x175: {  	s11 =	simm.s32 $0xF  }
0x176: {  	_ =	swait.ge [sflag:s11], $0x3000  }
0x177: {  	[sflag:s11] =	ssyncset.done $0x0  }
0x178: {  	[sflag:s11] =	ssyncadd.s32 $0xFFFFD000  }
0x179: {  	v3 =	vld [tilespmem:$0xE0];
	_ =	sdelay $0x4  }
0x17a: {  	v46 =	vshrl.u32 v3, $0x3  }
0x17b: {  	v4 =	vmul.u32 $0x30, v46  }
0x17c: {  	v3 =	vand.u32 $0x7, v3  }
0x17d: {  	v3 =	vor.u32 v3, v4  }
0x17e: {  	v4 =	vperm.xlane v3, v0;
	_ =	sdelay $0x1  }
0x17f: {  	v4 =	vadd.s32 v1, v4;
	_ =	sdelay $0x3  }
0x180: {  	s28 =	simm.s32 $0x12200;
	v3 =	vperm.xlane v3, v2  }
0x181: {  	[tilespmem:s28], [sflag:$0x7] =	stream.indirect_vreg.gather [hbm4b:s1+s3], $0x80, v4, vm0, $0xb8;
	[tilespmem:$0x18200] =	vst v63  }
0x182: {  	s12 =	simm.s32 $0x12A00;
	v3 =	vadd.s32 v1, v3  }
0x183: {  	[tilespmem:s12], [sflag:$0x7] =	stream.indirect_vreg.gather [hbm4b:s5+s3], $0x80, v4, vm0, $0xb8;
	[tilespmem:$0x18200] =	vst v63  }
0x184: {  	s28 =	simm.s32 $0x13200  }
0x185: {  	[tilespmem:s28], [sflag:$0x7] =	stream.indirect_vreg.gather [hbm4b:s6+s3], $0x80, v4, vm0, $0xb8;
	[tilespmem:$0x18200] =	vst v63  }
0x186: {  	s12 =	simm.s32 $0x13A00  }
0x187: {  	[tilespmem:s12], [sflag:$0x7] =	stream.indirect_vreg.gather [hbm4b:s1+s3], $0x80, v3, vm0, $0xb8;
	[tilespmem:$0x18200] =	vst v63  }
0x188: {  	s28 =	simm.s32 $0x14200  }
0x189: {  	[tilespmem:s28], [sflag:$0x7] =	stream.indirect_vreg.gather [hbm4b:s5+s3], $0x80, v3, vm0, $0xb8;
	[tilespmem:$0x18200] =	vst v63  }
0x18a: {  	s12 =	simm.s32 $0x14A00  }
0x18b: {  	[tilespmem:s12], [sflag:$0x7] =	stream.indirect_vreg.gather [hbm4b:s6+s3], $0x80, v3, vm0, $0xb8;
	[tilespmem:$0x18200] =	vst v63  }
0x18c: {  	_ =	swait.ge [sflag:s17], $0x3000  }
0x18d: {  	[sflag:s17] =	ssyncset.done $0x0  }
0x18e: {  	s0 =	simm.s32 $0x6200;
	s28 =	rddreg [dreg:$0xe];
	[sflag:s17] =	ssyncadd.s32 $0xFFFFD000  }
0x18f: {  	[hbm4b:s28+s3] =	stream.linear.scatter [tilespmem:s0], [sflag:$0xB], $0x3000, $0x38;
	[tilespmem:$0x18200] =	vst v63  }
0x190: {  	s28 =	simm.s32 $0x10  }
0x191: {  	_ =	swait.ge [sflag:s28], $0x3000  }
0x192: {  	[sflag:s28] =	ssyncset.done $0x0  }
0x193: {  	[sflag:s28] =	ssyncadd.s32 $0xFFFFD000  }
0x194: {  	v3 =	vld [tilespmem:$0xF0];
	_ =	sdelay $0x4  }
0x195: {  	v47 =	vshrl.u32 v3, $0x3  }
0x196: {  	v4 =	vmul.u32 $0x30, v47  }
0x197: {  	v3 =	vand.u32 $0x7, v3  }
0x198: {  	v3 =	vor.u32 v3, v4  }
0x199: {  	v4 =	vperm.xlane v3, v0;
	_ =	sdelay $0x1  }
0x19a: {  	v4 =	vadd.s32 v1, v4;
	_ =	sdelay $0x3  }
0x19b: {  	v3 =	vperm.xlane v3, v2  }
0x19c: {  	[tilespmem:s4], [sflag:$0x8] =	stream.indirect_vreg.gather [hbm4b:s1+s3], $0x80, v4, vm0, $0xb8;
	[tilespmem:$0x18200] =	vst v63  }
0x19d: {  	s12 =	simm.s32 $0x15A00;
	v3 =	vadd.s32 v1, v3  }
0x19e: {  	[tilespmem:s12], [sflag:$0x8] =	stream.indirect_vreg.gather [hbm4b:s5+s3], $0x80, v4, vm0, $0xb8;
	[tilespmem:$0x18200] =	vst v63  }
0x19f: {  	s12 =	simm.s32 $0x16200  }
0x1a0: {  	[tilespmem:s12], [sflag:$0x8] =	stream.indirect_vreg.gather [hbm4b:s6+s3], $0x80, v4, vm0, $0xb8;
	[tilespmem:$0x18200] =	vst v63  }
0x1a1: {  	s12 =	simm.s32 $0x16A00  }
0x1a2: {  	[tilespmem:s12], [sflag:$0x8] =	stream.indirect_vreg.gather [hbm4b:s1+s3], $0x80, v3, vm0, $0xb8;
	[tilespmem:$0x18200] =	vst v63  }
0x1a3: {  	s12 =	simm.s32 $0x17200  }
0x1a4: {  	[tilespmem:s12], [sflag:$0x8] =	stream.indirect_vreg.gather [hbm4b:s5+s3], $0x80, v3, vm0, $0xb8;
	[tilespmem:$0x18200] =	vst v63  }
0x1a5: {  	s12 =	simm.s32 $0x17A00  }
0x1a6: {  	[tilespmem:s12], [sflag:$0x8] =	stream.indirect_vreg.gather [hbm4b:s6+s3], $0x80, v3, vm0, $0xb8;
	[tilespmem:$0x18200] =	vst v63  }
0x1a7: {  	_ =	swait.ge [sflag:s18], $0x3000  }
0x1a8: {  	[sflag:s18] =	ssyncset.done $0x0  }
0x1a9: {  	s7 =	simm.s32 $0x9200;
	s4 =	rddreg [dreg:$0xf];
	[sflag:s18] =	ssyncadd.s32 $0xFFFFD000  }
0x1aa: {  	[hbm4b:s4+s3] =	stream.linear.scatter [tilespmem:s7], [sflag:$0xC], $0x3000, $0x38;
	[tilespmem:$0x18200] =	vst v63  }
0x1ab: {  	_ =	swait.ge [sflag:s19], $0x3000  }
0x1ac: {  	[sflag:s19] =	ssyncset.done $0x0  }
0x1ad: {  	[sflag:s19] =	ssyncadd.s32 $0xFFFFD000  }
0x1ae: {  	v3 =	vld [tilespmem:$0x100];
	_ =	sdelay $0x4  }
0x1af: {  	v48 =	vshrl.u32 v3, $0x3  }
0x1b0: {  	v4 =	vmul.u32 $0x30, v48  }
0x1b1: {  	v3 =	vand.u32 $0x7, v3  }
0x1b2: {  	v3 =	vor.u32 v3, v4  }
0x1b3: {  	v4 =	vperm.xlane v3, v0;
	_ =	sdelay $0x1  }
0x1b4: {  	v4 =	vadd.s32 v1, v4;
	_ =	sdelay $0x3  }
0x1b5: {  	v3 =	vperm.xlane v3, v2  }
0x1b6: {  	[tilespmem:s2], [sflag:$0x1] =	stream.indirect_vreg.gather [hbm4b:s1+s3], $0x80, v4, vm0, $0xb8;
	[tilespmem:$0x18200] =	vst v63  }
0x1b7: {  	s7 =	simm.s32 $0xA00;
	v3 =	vadd.s32 v1, v3  }
0x1b8: {  	[tilespmem:s7], [sflag:$0x1] =	stream.indirect_vreg.gather [hbm4b:s5+s3], $0x80, v4, vm0, $0xb8;
	[tilespmem:$0x18200] =	vst v63  }
0x1b9: {  	s12 =	simm.s32 $0x1200  }
0x1ba: {  	[tilespmem:s12], [sflag:$0x1] =	stream.indirect_vreg.gather [hbm4b:s6+s3], $0x80, v4, vm0, $0xb8;
	[tilespmem:$0x18200] =	vst v63  }
0x1bb: {  	s4 =	simm.s32 $0x1A00  }
0x1bc: {  	[tilespmem:s4], [sflag:$0x1] =	stream.indirect_vreg.gather [hbm4b:s1+s3], $0x80, v3, vm0, $0xb8;
	[tilespmem:$0x18200] =	vst v63  }
0x1bd: {  	s7 =	simm.s32 $0x2200  }
0x1be: {  	[tilespmem:s7], [sflag:$0x1] =	stream.indirect_vreg.gather [hbm4b:s5+s3], $0x80, v3, vm0, $0xb8;
	[tilespmem:$0x18200] =	vst v63  }
0x1bf: {  	s12 =	simm.s32 $0x2A00  }
0x1c0: {  	[tilespmem:s12], [sflag:$0x1] =	stream.indirect_vreg.gather [hbm4b:s6+s3], $0x80, v3, vm0, $0xb8;
	[tilespmem:$0x18200] =	vst v63  }
0x1c1: {  	_ =	swait.ge [sflag:s20], $0x3000  }
0x1c2: {  	[sflag:s20] =	ssyncset.done $0x0  }
0x1c3: {  	s9 =	simm.s32 $0xC200;
	s2 =	rddreg [dreg:$0x10];
	[sflag:s20] =	ssyncadd.s32 $0xFFFFD000  }
0x1c4: {  	[hbm4b:s2+s3] =	stream.linear.scatter [tilespmem:s9], [sflag:$0xD], $0x3000, $0x38;
	[tilespmem:$0x18200] =	vst v63  }
0x1c5: {  	_ =	swait.ge [sflag:s22], $0x3000  }
0x1c6: {  	[sflag:s22] =	ssyncset.done $0x0  }
0x1c7: {  	[sflag:s22] =	ssyncadd.s32 $0xFFFFD000  }
0x1c8: {  	v3 =	vld [tilespmem:$0x110];
	_ =	sdelay $0x4  }
0x1c9: {  	v49 =	vshrl.u32 v3, $0x3  }
0x1ca: {  	v4 =	vmul.u32 $0x30, v49  }
0x1cb: {  	v3 =	vand.u32 $0x7, v3  }
0x1cc: {  	v3 =	vor.u32 v3, v4  }
0x1cd: {  	v4 =	vperm.xlane v3, v0;
	_ =	sdelay $0x1  }
0x1ce: {  	v4 =	vadd.s32 v1, v4;
	_ =	sdelay $0x3  }
0x1cf: {  	v3 =	vperm.xlane v3, v2  }
0x1d0: {  	[tilespmem:s21], [sflag:$0x2] =	stream.indirect_vreg.gather [hbm4b:s1+s3], $0x80, v4, vm0, $0xb8;
	[tilespmem:$0x18200] =	vst v63  }
0x1d1: {  	s4 =	simm.s32 $0x3A00;
	v3 =	vadd.s32 v1, v3  }
0x1d2: {  	[tilespmem:s4], [sflag:$0x2] =	stream.indirect_vreg.gather [hbm4b:s5+s3], $0x80, v4, vm0, $0xb8;
	[tilespmem:$0x18200] =	vst v63  }
0x1d3: {  	s7 =	simm.s32 $0x4200  }
0x1d4: {  	[tilespmem:s7], [sflag:$0x2] =	stream.indirect_vreg.gather [hbm4b:s6+s3], $0x80, v4, vm0, $0xb8;
	[tilespmem:$0x18200] =	vst v63  }
0x1d5: {  	s9 =	simm.s32 $0x4A00  }
0x1d6: {  	[tilespmem:s9], [sflag:$0x2] =	stream.indirect_vreg.gather [hbm4b:s1+s3], $0x80, v3, vm0, $0xb8;
	[tilespmem:$0x18200] =	vst v63  }
0x1d7: {  	s12 =	simm.s32 $0x5200  }
0x1d8: {  	[tilespmem:s12], [sflag:$0x2] =	stream.indirect_vreg.gather [hbm4b:s5+s3], $0x80, v3, vm0, $0xb8;
	[tilespmem:$0x18200] =	vst v63  }
0x1d9: {  	s21 =	simm.s32 $0x5A00  }
0x1da: {  	[tilespmem:s21], [sflag:$0x2] =	stream.indirect_vreg.gather [hbm4b:s6+s3], $0x80, v3, vm0, $0xb8;
	[tilespmem:$0x18200] =	vst v63  }
0x1db: {  	_ =	swait.ge [sflag:s25], $0x3000  }
0x1dc: {  	[sflag:s25] =	ssyncset.done $0x0  }
0x1dd: {  	s4 =	rddreg [dreg:$0x11];
	[sflag:s25] =	ssyncadd.s32 $0xFFFFD000  }
0x1de: {  	[hbm4b:s4+s3] =	stream.linear.scatter [tilespmem:s16], [sflag:$0xE], $0x3000, $0x38;
	[tilespmem:$0x18200] =	vst v63  }
0x1df: {  	_ =	swait.ge [sflag:s26], $0x3000  }
0x1e0: {  	[sflag:s26] =	ssyncset.done $0x0  }
0x1e1: {  	[sflag:s26] =	ssyncadd.s32 $0xFFFFD000  }
0x1e2: {  	v3 =	vld [tilespmem:$0x120];
	_ =	sdelay $0x4  }
0x1e3: {  	v50 =	vshrl.u32 v3, $0x3  }
0x1e4: {  	v4 =	vmul.u32 $0x30, v50  }
0x1e5: {  	v3 =	vand.u32 $0x7, v3  }
0x1e6: {  	v3 =	vor.u32 v3, v4  }
0x1e7: {  	v4 =	vperm.xlane v3, v0;
	_ =	sdelay $0x1  }
0x1e8: {  	v4 =	vadd.s32 v1, v4;
	_ =	sdelay $0x3  }
0x1e9: {  	v3 =	vperm.xlane v3, v2  }
0x1ea: {  	[tilespmem:s0], [sflag:$0x3] =	stream.indirect_vreg.gather [hbm4b:s1+s3], $0x80, v4, vm0, $0xb8;
	[tilespmem:$0x18200] =	vst v63  }
0x1eb: {  	v3 =	vadd.s32 v1, v3  }
0x1ec: {  	[tilespmem:s24], [sflag:$0x3] =	stream.indirect_vreg.gather [hbm4b:s5+s3], $0x80, v4, vm0, $0xb8;
	[tilespmem:$0x18200] =	vst v63  }
0x1ed: {  	s7 =	simm.s32 $0x7200  }
0x1ee: {  	[tilespmem:s7], [sflag:$0x3] =	stream.indirect_vreg.gather [hbm4b:s6+s3], $0x80, v4, vm0, $0xb8;
	[tilespmem:$0x18200] =	vst v63  }
0x1ef: {  	s9 =	simm.s32 $0x7A00  }
0x1f0: {  	[tilespmem:s9], [sflag:$0x3] =	stream.indirect_vreg.gather [hbm4b:s1+s3], $0x80, v3, vm0, $0xb8;
	[tilespmem:$0x18200] =	vst v63  }
0x1f1: {  	s12 =	simm.s32 $0x8200  }
0x1f2: {  	[tilespmem:s12], [sflag:$0x3] =	stream.indirect_vreg.gather [hbm4b:s5+s3], $0x80, v3, vm0, $0xb8;
	[tilespmem:$0x18200] =	vst v63  }
0x1f3: {  	s16 =	simm.s32 $0x8A00  }
0x1f4: {  	[tilespmem:s16], [sflag:$0x3] =	stream.indirect_vreg.gather [hbm4b:s6+s3], $0x80, v3, vm0, $0xb8;
	[tilespmem:$0x18200] =	vst v63  }
0x1f5: {  	_ =	swait.ge [sflag:s29], $0x3000  }
0x1f6: {  	[sflag:s29] =	ssyncset.done $0x0  }
0x1f7: {  	s0 =	simm.s32 $0x12200;
	s21 =	rddreg [dreg:$0x12];
	[sflag:s29] =	ssyncadd.s32 $0xFFFFD000  }
0x1f8: {  	[hbm4b:s21+s3] =	stream.linear.scatter [tilespmem:s0], [sflag:$0xF], $0x3000, $0x38;
	[tilespmem:$0x18200] =	vst v63  }
0x1f9: {  	_ =	swait.ge [sflag:s30], $0x3000  }
0x1fa: {  	[sflag:s30] =	ssyncset.done $0x0  }
0x1fb: {  	[sflag:s30] =	ssyncadd.s32 $0xFFFFD000  }
0x1fc: {  	v3 =	vld [tilespmem:$0x130];
	_ =	sdelay $0x4  }
0x1fd: {  	v51 =	vshrl.u32 v3, $0x3  }
0x1fe: {  	v4 =	vmul.u32 $0x30, v51  }
0x1ff: {  	v3 =	vand.u32 $0x7, v3  }
0x200: {  	v3 =	vor.u32 v3, v4  }
0x201: {  	v4 =	vperm.xlane v3, v0;
	_ =	sdelay $0x1  }
0x202: {  	v4 =	vadd.s32 v1, v4;
	_ =	sdelay $0x3  }
0x203: {  	s16 =	simm.s32 $0x9200;
	v3 =	vperm.xlane v3, v2  }
0x204: {  	[tilespmem:s16], [sflag:$0x4] =	stream.indirect_vreg.gather [hbm4b:s1+s3], $0x80, v4, vm0, $0xb8;
	[tilespmem:$0x18200] =	vst v63  }
0x205: {  	s24 =	simm.s32 $0x9A00;
	v3 =	vadd.s32 v1, v3  }
0x206: {  	[tilespmem:s24], [sflag:$0x4] =	stream.indirect_vreg.gather [hbm4b:s5+s3], $0x80, v4, vm0, $0xb8;
	[tilespmem:$0x18200] =	vst v63  }
0x207: {  	_ = 	snop  }
0x208: {  	[tilespmem:s13], [sflag:$0x4] =	stream.indirect_vreg.gather [hbm4b:s6+s3], $0x80, v4, vm0, $0xb8;
	[tilespmem:$0x18200] =	vst v63  }
0x209: {  	s4 =	simm.s32 $0xAA00  }
0x20a: {  	[tilespmem:s4], [sflag:$0x4] =	stream.indirect_vreg.gather [hbm4b:s1+s3], $0x80, v3, vm0, $0xb8;
	[tilespmem:$0x18200] =	vst v63  }
0x20b: {  	_ = 	snop  }
0x20c: {  	[tilespmem:s14], [sflag:$0x4] =	stream.indirect_vreg.gather [hbm4b:s5+s3], $0x80, v3, vm0, $0xb8;
	[tilespmem:$0x18200] =	vst v63  }
0x20d: {  	s7 =	simm.s32 $0xBA00  }
0x20e: {  	[tilespmem:s7], [sflag:$0x4] =	stream.indirect_vreg.gather [hbm4b:s6+s3], $0x80, v3, vm0, $0xb8;
	[tilespmem:$0x18200] =	vst v63  }
0x20f: {  	_ =	swait.ge [sflag:s31], $0x3000  }
0x210: {  	[sflag:s31] =	ssyncset.done $0x0  }
0x211: {  	s21 =	simm.s32 $0x15200;
	s9 =	rddreg [dreg:$0x13];
	[sflag:s31] =	ssyncadd.s32 $0xFFFFD000  }
0x212: {  	[hbm4b:s9+s3] =	stream.linear.scatter [tilespmem:s21], [sflag:$0x10], $0x3000, $0x38;
	[tilespmem:$0x18200] =	vst v63  }
0x213: {  	_ =	swait.ge [sflag:s8], $0x3000  }
0x214: {  	[sflag:s8] =	ssyncset.done $0x0  }
0x215: {  	[sflag:s8] =	ssyncadd.s32 $0xFFFFD000  }
0x216: {  	v3 =	vld [tilespmem:$0x140];
	_ =	sdelay $0x4  }
0x217: {  	v52 =	vshrl.u32 v3, $0x3  }
0x218: {  	v4 =	vmul.u32 $0x30, v52  }
0x219: {  	v3 =	vand.u32 $0x7, v3  }
0x21a: {  	v3 =	vor.u32 v3, v4  }
0x21b: {  	v4 =	vperm.xlane v3, v0;
	_ =	sdelay $0x1  }
0x21c: {  	v4 =	vadd.s32 v1, v4;
	_ =	sdelay $0x3  }
0x21d: {  	s13 =	simm.s32 $0xC200;
	v3 =	vperm.xlane v3, v2  }
0x21e: {  	[tilespmem:s13], [sflag:$0x5] =	stream.indirect_vreg.gather [hbm4b:s1+s3], $0x80, v4, vm0, $0xb8;
	[tilespmem:$0x18200] =	vst v63  }
0x21f: {  	s12 =	simm.s32 $0xCA00;
	v3 =	vadd.s32 v1, v3  }
0x220: {  	[tilespmem:s12], [sflag:$0x5] =	stream.indirect_vreg.gather [hbm4b:s5+s3], $0x80, v4, vm0, $0xb8;
	[tilespmem:$0x18200] =	vst v63  }
0x221: {  	s14 =	simm.s32 $0xD200  }
0x222: {  	[tilespmem:s14], [sflag:$0x5] =	stream.indirect_vreg.gather [hbm4b:s6+s3], $0x80, v4, vm0, $0xb8;
	[tilespmem:$0x18200] =	vst v63  }
0x223: {  	s24 =	simm.s32 $0xDA00  }
0x224: {  	[tilespmem:s24], [sflag:$0x5] =	stream.indirect_vreg.gather [hbm4b:s1+s3], $0x80, v3, vm0, $0xb8;
	[tilespmem:$0x18200] =	vst v63  }
0x225: {  	s2 =	simm.s32 $0xE200  }
0x226: {  	[tilespmem:s2], [sflag:$0x5] =	stream.indirect_vreg.gather [hbm4b:s5+s3], $0x80, v3, vm0, $0xb8;
	[tilespmem:$0x18200] =	vst v63  }
0x227: {  	s7 =	simm.s32 $0xEA00  }
0x228: {  	[tilespmem:s7], [sflag:$0x5] =	stream.indirect_vreg.gather [hbm4b:s6+s3], $0x80, v3, vm0, $0xb8;
	[tilespmem:$0x18200] =	vst v63  }
0x229: {  	_ =	swait.ge [sflag:s23], $0x3000  }
0x22a: {  	[sflag:s23] =	ssyncset.done $0x0  }
0x22b: {  	s7 =	simm.s32 $0x200;
	s9 =	rddreg [dreg:$0x14];
	[sflag:s23] =	ssyncadd.s32 $0xFFFFD000  }
0x22c: {  	[hbm4b:s9+s3] =	stream.linear.scatter [tilespmem:s7], [sflag:$0x9], $0x3000, $0x38;
	[tilespmem:$0x18200] =	vst v63  }
0x22d: {  	_ =	swait.ge [sflag:s10], $0x3000  }
0x22e: {  	[sflag:s10] =	ssyncset.done $0x0  }
0x22f: {  	[sflag:s10] =	ssyncadd.s32 $0xFFFFD000  }
0x230: {  	v3 =	vld [tilespmem:$0x150];
	_ =	sdelay $0x4  }
0x231: {  	v53 =	vshrl.u32 v3, $0x3  }
0x232: {  	v4 =	vmul.u32 $0x30, v53  }
0x233: {  	v3 =	vand.u32 $0x7, v3  }
0x234: {  	v3 =	vor.u32 v3, v4  }
0x235: {  	v4 =	vperm.xlane v3, v0;
	_ =	sdelay $0x1  }
0x236: {  	v4 =	vadd.s32 v1, v4;
	_ =	sdelay $0x3  }
0x237: {  	s14 =	simm.s32 $0xF200;
	v3 =	vperm.xlane v3, v2  }
0x238: {  	[tilespmem:s14], [sflag:$0x6] =	stream.indirect_vreg.gather [hbm4b:s1+s3], $0x80, v4, vm0, $0xb8;
	[tilespmem:$0x18200] =	vst v63  }
0x239: {  	s12 =	simm.s32 $0xFA00;
	v3 =	vadd.s32 v1, v3  }
0x23a: {  	[tilespmem:s12], [sflag:$0x6] =	stream.indirect_vreg.gather [hbm4b:s5+s3], $0x80, v4, vm0, $0xb8;
	[tilespmem:$0x18200] =	vst v63  }
0x23b: {  	s24 =	simm.s32 $0x10200  }
0x23c: {  	[tilespmem:s24], [sflag:$0x6] =	stream.indirect_vreg.gather [hbm4b:s6+s3], $0x80, v4, vm0, $0xb8;
	[tilespmem:$0x18200] =	vst v63  }
0x23d: {  	s2 =	simm.s32 $0x10A00  }
0x23e: {  	[tilespmem:s2], [sflag:$0x6] =	stream.indirect_vreg.gather [hbm4b:s1+s3], $0x80, v3, vm0, $0xb8;
	[tilespmem:$0x18200] =	vst v63  }
0x23f: {  	s9 =	simm.s32 $0x11200  }
0x240: {  	[tilespmem:s9], [sflag:$0x6] =	stream.indirect_vreg.gather [hbm4b:s5+s3], $0x80, v3, vm0, $0xb8;
	[tilespmem:$0x18200] =	vst v63  }
0x241: {  	s12 =	simm.s32 $0x11A00  }
0x242: {  	[tilespmem:s12], [sflag:$0x6] =	stream.indirect_vreg.gather [hbm4b:s6+s3], $0x80, v3, vm0, $0xb8;
	[tilespmem:$0x18200] =	vst v63  }
0x243: {  	_ =	swait.ge [sflag:s15], $0x3000  }
0x244: {  	[sflag:s15] =	ssyncset.done $0x0  }
0x245: {  	s2 =	simm.s32 $0x3200;
	s24 =	rddreg [dreg:$0x15];
	[sflag:s15] =	ssyncadd.s32 $0xFFFFD000  }
0x246: {  	[hbm4b:s24+s3] =	stream.linear.scatter [tilespmem:s2], [sflag:$0xA], $0x3000, $0x38;
	[tilespmem:$0x18200] =	vst v63  }
0x247: {  	_ =	swait.ge [sflag:s11], $0x3000  }
0x248: {  	[sflag:s11] =	ssyncset.done $0x0  }
0x249: {  	[sflag:s11] =	ssyncadd.s32 $0xFFFFD000  }
0x24a: {  	v3 =	vld [tilespmem:$0x160];
	_ =	sdelay $0x4  }
0x24b: {  	v54 =	vshrl.u32 v3, $0x3  }
0x24c: {  	v4 =	vmul.u32 $0x30, v54  }
0x24d: {  	v3 =	vand.u32 $0x7, v3  }
0x24e: {  	v3 =	vor.u32 v3, v4  }
0x24f: {  	v4 =	vperm.xlane v3, v0;
	_ =	sdelay $0x1  }
0x250: {  	v4 =	vadd.s32 v1, v4;
	_ =	sdelay $0x3  }
0x251: {  	v3 =	vperm.xlane v3, v2  }
0x252: {  	[tilespmem:s0], [sflag:$0x7] =	stream.indirect_vreg.gather [hbm4b:s1+s3], $0x80, v4, vm0, $0xb8;
	[tilespmem:$0x18200] =	vst v63  }
0x253: {  	s24 =	simm.s32 $0x12A00;
	v3 =	vadd.s32 v1, v3  }
0x254: {  	[tilespmem:s24], [sflag:$0x7] =	stream.indirect_vreg.gather [hbm4b:s5+s3], $0x80, v4, vm0, $0xb8;
	[tilespmem:$0x18200] =	vst v63  }
0x255: {  	s0 =	simm.s32 $0x13200  }
0x256: {  	[tilespmem:s0], [sflag:$0x7] =	stream.indirect_vreg.gather [hbm4b:s6+s3], $0x80, v4, vm0, $0xb8;
	[tilespmem:$0x18200] =	vst v63  }
0x257: {  	s4 =	simm.s32 $0x13A00  }
0x258: {  	[tilespmem:s4], [sflag:$0x7] =	stream.indirect_vreg.gather [hbm4b:s1+s3], $0x80, v3, vm0, $0xb8;
	[tilespmem:$0x18200] =	vst v63  }
0x259: {  	s0 =	simm.s32 $0x14200  }
0x25a: {  	[tilespmem:s0], [sflag:$0x7] =	stream.indirect_vreg.gather [hbm4b:s5+s3], $0x80, v3, vm0, $0xb8;
	[tilespmem:$0x18200] =	vst v63  }
0x25b: {  	s4 =	simm.s32 $0x14A00  }
0x25c: {  	[tilespmem:s4], [sflag:$0x7] =	stream.indirect_vreg.gather [hbm4b:s6+s3], $0x80, v3, vm0, $0xb8;
	[tilespmem:$0x18200] =	vst v63  }
0x25d: {  	_ =	swait.ge [sflag:s17], $0x3000  }
0x25e: {  	[sflag:s17] =	ssyncset.done $0x0  }
0x25f: {  	s4 =	simm.s32 $0x6200;
	s0 =	rddreg [dreg:$0x16];
	[sflag:s17] =	ssyncadd.s32 $0xFFFFD000  }
0x260: {  	[hbm4b:s0+s3] =	stream.linear.scatter [tilespmem:s4], [sflag:$0xB], $0x3000, $0x38;
	[tilespmem:$0x18200] =	vst v63  }
0x261: {  	_ =	swait.ge [sflag:s28], $0x3000  }
0x262: {  	[sflag:s28] =	ssyncset.done $0x0  }
0x263: {  	[sflag:s28] =	ssyncadd.s32 $0xFFFFD000  }
0x264: {  	v3 =	vld [tilespmem:$0x170];
	_ =	sdelay $0x4  }
0x265: {  	v55 =	vshrl.u32 v3, $0x3  }
0x266: {  	v4 =	vmul.u32 $0x30, v55  }
0x267: {  	v3 =	vand.u32 $0x7, v3  }
0x268: {  	v3 =	vor.u32 v3, v4  }
0x269: {  	v4 =	vperm.xlane v3, v0;
	_ =	sdelay $0x1  }
0x26a: {  	v4 =	vadd.s32 v1, v4;
	_ =	sdelay $0x3  }
0x26b: {  	v3 =	vperm.xlane v3, v2  }
0x26c: {  	[tilespmem:s21], [sflag:$0x8] =	stream.indirect_vreg.gather [hbm4b:s1+s3], $0x80, v4, vm0, $0xb8;
	[tilespmem:$0x18200] =	vst v63  }
0x26d: {  	s0 =	simm.s32 $0x15A00;
	v3 =	vadd.s32 v1, v3  }
0x26e: {  	[tilespmem:s0], [sflag:$0x8] =	stream.indirect_vreg.gather [hbm4b:s5+s3], $0x80, v4, vm0, $0xb8;
	[tilespmem:$0x18200] =	vst v63  }
0x26f: {  	s0 =	simm.s32 $0x16200  }
0x270: {  	[tilespmem:s0], [sflag:$0x8] =	stream.indirect_vreg.gather [hbm4b:s6+s3], $0x80, v4, vm0, $0xb8;
	[tilespmem:$0x18200] =	vst v63  }
0x271: {  	s0 =	simm.s32 $0x16A00  }
0x272: {  	[tilespmem:s0], [sflag:$0x8] =	stream.indirect_vreg.gather [hbm4b:s1+s3], $0x80, v3, vm0, $0xb8;
	[tilespmem:$0x18200] =	vst v63  }
0x273: {  	s0 =	simm.s32 $0x17200  }
0x274: {  	[tilespmem:s0], [sflag:$0x8] =	stream.indirect_vreg.gather [hbm4b:s5+s3], $0x80, v3, vm0, $0xb8;
	[tilespmem:$0x18200] =	vst v63  }
0x275: {  	s0 =	simm.s32 $0x17A00  }
0x276: {  	[tilespmem:s0], [sflag:$0x8] =	stream.indirect_vreg.gather [hbm4b:s6+s3], $0x80, v3, vm0, $0xb8;
	[tilespmem:$0x18200] =	vst v63  }
0x277: {  	_ =	swait.ge [sflag:s18], $0x3000  }
0x278: {  	[sflag:s18] =	ssyncset.done $0x0  }
0x279: {  	s0 =	rddreg [dreg:$0x17];
	[sflag:s18] =	ssyncadd.s32 $0xFFFFD000  }
0x27a: {  	[hbm4b:s0+s3] =	stream.linear.scatter [tilespmem:s16], [sflag:$0xC], $0x3000, $0x38;
	[tilespmem:$0x18200] =	vst v63  }
0x27b: {  	_ =	swait.ge [sflag:s19], $0x3000  }
0x27c: {  	[sflag:s19] =	ssyncset.done $0x0  }
0x27d: {  	[sflag:s19] =	ssyncadd.s32 $0xFFFFD000  }
0x27e: {  	v3 =	vld [tilespmem:$0x180];
	_ =	sdelay $0x4  }
0x27f: {  	v56 =	vshrl.u32 v3, $0x3  }
0x280: {  	v4 =	vmul.u32 $0x30, v56  }
0x281: {  	v3 =	vand.u32 $0x7, v3  }
0x282: {  	v3 =	vor.u32 v3, v4  }
0x283: {  	v4 =	vperm.xlane v3, v0;
	_ =	sdelay $0x1  }
0x284: {  	v4 =	vadd.s32 v1, v4;
	_ =	sdelay $0x3  }
0x285: {  	v3 =	vperm.xlane v3, v2  }
0x286: {  	[tilespmem:s7], [sflag:$0x1] =	stream.indirect_vreg.gather [hbm4b:s1+s3], $0x80, v4, vm0, $0xb8;
	[tilespmem:$0x18200] =	vst v63  }
0x287: {  	s12 =	simm.s32 $0xA00;
	v3 =	vadd.s32 v1, v3  }
0x288: {  	[tilespmem:s12], [sflag:$0x1] =	stream.indirect_vreg.gather [hbm4b:s5+s3], $0x80, v4, vm0, $0xb8;
	[tilespmem:$0x18200] =	vst v63  }
0x289: {  	s12 =	simm.s32 $0x1200  }
0x28a: {  	[tilespmem:s12], [sflag:$0x1] =	stream.indirect_vreg.gather [hbm4b:s6+s3], $0x80, v4, vm0, $0xb8;
	[tilespmem:$0x18200] =	vst v63  }
0x28b: {  	s12 =	simm.s32 $0x1A00  }
0x28c: {  	[tilespmem:s12], [sflag:$0x1] =	stream.indirect_vreg.gather [hbm4b:s1+s3], $0x80, v3, vm0, $0xb8;
	[tilespmem:$0x18200] =	vst v63  }
0x28d: {  	s12 =	simm.s32 $0x2200  }
0x28e: {  	[tilespmem:s12], [sflag:$0x1] =	stream.indirect_vreg.gather [hbm4b:s5+s3], $0x80, v3, vm0, $0xb8;
	[tilespmem:$0x18200] =	vst v63  }
0x28f: {  	s12 =	simm.s32 $0x2A00  }
0x290: {  	[tilespmem:s12], [sflag:$0x1] =	stream.indirect_vreg.gather [hbm4b:s6+s3], $0x80, v3, vm0, $0xb8;
	[tilespmem:$0x18200] =	vst v63  }
0x291: {  	_ =	swait.ge [sflag:s20], $0x3000  }
0x292: {  	[sflag:s20] =	ssyncset.done $0x0  }
0x293: {  	s0 =	rddreg [dreg:$0x18];
	[sflag:s20] =	ssyncadd.s32 $0xFFFFD000  }
0x294: {  	[hbm4b:s0+s3] =	stream.linear.scatter [tilespmem:s13], [sflag:$0xD], $0x3000, $0x38;
	[tilespmem:$0x18200] =	vst v63  }
0x295: {  	_ =	swait.ge [sflag:s22], $0x3000  }
0x296: {  	[sflag:s22] =	ssyncset.done $0x0  }
0x297: {  	[sflag:s22] =	ssyncadd.s32 $0xFFFFD000  }
0x298: {  	v3 =	vld [tilespmem:$0x190];
	_ =	sdelay $0x4  }
0x299: {  	v57 =	vshrl.u32 v3, $0x3  }
0x29a: {  	v4 =	vmul.u32 $0x30, v57  }
0x29b: {  	v3 =	vand.u32 $0x7, v3  }
0x29c: {  	v3 =	vor.u32 v3, v4  }
0x29d: {  	v4 =	vperm.xlane v3, v0;
	_ =	sdelay $0x1  }
0x29e: {  	v4 =	vadd.s32 v1, v4;
	_ =	sdelay $0x3  }
0x29f: {  	v3 =	vperm.xlane v3, v2  }
0x2a0: {  	[tilespmem:s2], [sflag:$0x2] =	stream.indirect_vreg.gather [hbm4b:s1+s3], $0x80, v4, vm0, $0xb8;
	[tilespmem:$0x18200] =	vst v63  }
0x2a1: {  	s12 =	simm.s32 $0x3A00;
	v3 =	vadd.s32 v1, v3  }
0x2a2: {  	[tilespmem:s12], [sflag:$0x2] =	stream.indirect_vreg.gather [hbm4b:s5+s3], $0x80, v4, vm0, $0xb8;
	[tilespmem:$0x18200] =	vst v63  }
0x2a3: {  	s12 =	simm.s32 $0x4200  }
0x2a4: {  	[tilespmem:s12], [sflag:$0x2] =	stream.indirect_vreg.gather [hbm4b:s6+s3], $0x80, v4, vm0, $0xb8;
	[tilespmem:$0x18200] =	vst v63  }
0x2a5: {  	s12 =	simm.s32 $0x4A00  }
0x2a6: {  	[tilespmem:s12], [sflag:$0x2] =	stream.indirect_vreg.gather [hbm4b:s1+s3], $0x80, v3, vm0, $0xb8;
	[tilespmem:$0x18200] =	vst v63  }
0x2a7: {  	s12 =	simm.s32 $0x5200  }
0x2a8: {  	[tilespmem:s12], [sflag:$0x2] =	stream.indirect_vreg.gather [hbm4b:s5+s3], $0x80, v3, vm0, $0xb8;
	[tilespmem:$0x18200] =	vst v63  }
0x2a9: {  	s12 =	simm.s32 $0x5A00  }
0x2aa: {  	[tilespmem:s12], [sflag:$0x2] =	stream.indirect_vreg.gather [hbm4b:s6+s3], $0x80, v3, vm0, $0xb8;
	[tilespmem:$0x18200] =	vst v63  }
0x2ab: {  	_ =	swait.ge [sflag:s25], $0x3000  }
0x2ac: {  	[sflag:s25] =	ssyncset.done $0x0  }
0x2ad: {  	s2 =	rddreg [dreg:$0x19];
	[sflag:s25] =	ssyncadd.s32 $0xFFFFD000  }
0x2ae: {  	[hbm4b:s2+s3] =	stream.linear.scatter [tilespmem:s14], [sflag:$0xE], $0x3000, $0x38;
	[tilespmem:$0x18200] =	vst v63  }
0x2af: {  	_ =	swait.ge [sflag:s26], $0x3000  }
0x2b0: {  	[sflag:s26] =	ssyncset.done $0x0  }
0x2b1: {  	[sflag:s26] =	ssyncadd.s32 $0xFFFFD000  }
0x2b2: {  	v3 =	vld [tilespmem:$0x1A0];
	_ =	sdelay $0x4  }
0x2b3: {  	v58 =	vshrl.u32 v3, $0x3  }
0x2b4: {  	v4 =	vmul.u32 $0x30, v58  }
0x2b5: {  	v3 =	vand.u32 $0x7, v3  }
0x2b6: {  	v3 =	vor.u32 v3, v4  }
0x2b7: {  	v4 =	vperm.xlane v3, v0;
	_ =	sdelay $0x1  }
0x2b8: {  	v4 =	vadd.s32 v1, v4;
	_ =	sdelay $0x3  }
0x2b9: {  	v3 =	vperm.xlane v3, v2  }
0x2ba: {  	[tilespmem:s4], [sflag:$0x3] =	stream.indirect_vreg.gather [hbm4b:s1+s3], $0x80, v4, vm0, $0xb8;
	[tilespmem:$0x18200] =	vst v63  }
0x2bb: {  	s12 =	simm.s32 $0x6A00;
	v3 =	vadd.s32 v1, v3  }
0x2bc: {  	[tilespmem:s12], [sflag:$0x3] =	stream.indirect_vreg.gather [hbm4b:s5+s3], $0x80, v4, vm0, $0xb8;
	[tilespmem:$0x18200] =	vst v63  }
0x2bd: {  	s12 =	simm.s32 $0x7200  }
0x2be: {  	[tilespmem:s12], [sflag:$0x3] =	stream.indirect_vreg.gather [hbm4b:s6+s3], $0x80, v4, vm0, $0xb8;
	[tilespmem:$0x18200] =	vst v63  }
0x2bf: {  	s12 =	simm.s32 $0x7A00  }
0x2c0: {  	[tilespmem:s12], [sflag:$0x3] =	stream.indirect_vreg.gather [hbm4b:s1+s3], $0x80, v3, vm0, $0xb8;
	[tilespmem:$0x18200] =	vst v63  }
0x2c1: {  	s12 =	simm.s32 $0x8200  }
0x2c2: {  	[tilespmem:s12], [sflag:$0x3] =	stream.indirect_vreg.gather [hbm4b:s5+s3], $0x80, v3, vm0, $0xb8;
	[tilespmem:$0x18200] =	vst v63  }
0x2c3: {  	s12 =	simm.s32 $0x8A00  }
0x2c4: {  	[tilespmem:s12], [sflag:$0x3] =	stream.indirect_vreg.gather [hbm4b:s6+s3], $0x80, v3, vm0, $0xb8;
	[tilespmem:$0x18200] =	vst v63  }
0x2c5: {  	_ =	swait.ge [sflag:s29], $0x3000  }
0x2c6: {  	[sflag:s29] =	ssyncset.done $0x0  }
0x2c7: {  	s9 =	simm.s32 $0x12200;
	s4 =	rddreg [dreg:$0x1a];
	[sflag:s29] =	ssyncadd.s32 $0xFFFFD000  }
0x2c8: {  	[hbm4b:s4+s3] =	stream.linear.scatter [tilespmem:s9], [sflag:$0xF], $0x3000, $0x38;
	[tilespmem:$0x18200] =	vst v63  }
0x2c9: {  	_ =	swait.ge [sflag:s30], $0x3000  }
0x2ca: {  	[sflag:s30] =	ssyncset.done $0x0  }
0x2cb: {  	[sflag:s30] =	ssyncadd.s32 $0xFFFFD000  }
0x2cc: {  	v3 =	vld [tilespmem:$0x1B0];
	_ =	sdelay $0x4  }
0x2cd: {  	v59 =	vshrl.u32 v3, $0x3  }
0x2ce: {  	v4 =	vmul.u32 $0x30, v59  }
0x2cf: {  	v3 =	vand.u32 $0x7, v3  }
0x2d0: {  	v3 =	vor.u32 v3, v4  }
0x2d1: {  	v4 =	vperm.xlane v3, v0;
	_ =	sdelay $0x1  }
0x2d2: {  	v4 =	vadd.s32 v1, v4;
	_ =	sdelay $0x3  }
0x2d3: {  	s16 =	simm.s32 $0x9200;
	v3 =	vperm.xlane v3, v2  }
0x2d4: {  	[tilespmem:s16], [sflag:$0x4] =	stream.indirect_vreg.gather [hbm4b:s1+s3], $0x80, v4, vm0, $0xb8;
	[tilespmem:$0x18200] =	vst v63  }
0x2d5: {  	s12 =	simm.s32 $0x9A00;
	v3 =	vadd.s32 v1, v3  }
0x2d6: {  	[tilespmem:s12], [sflag:$0x4] =	stream.indirect_vreg.gather [hbm4b:s5+s3], $0x80, v4, vm0, $0xb8;
	[tilespmem:$0x18200] =	vst v63  }
0x2d7: {  	s12 =	simm.s32 $0xA200  }
0x2d8: {  	[tilespmem:s12], [sflag:$0x4] =	stream.indirect_vreg.gather [hbm4b:s6+s3], $0x80, v4, vm0, $0xb8;
	[tilespmem:$0x18200] =	vst v63  }
0x2d9: {  	s12 =	simm.s32 $0xAA00  }
0x2da: {  	[tilespmem:s12], [sflag:$0x4] =	stream.indirect_vreg.gather [hbm4b:s1+s3], $0x80, v3, vm0, $0xb8;
	[tilespmem:$0x18200] =	vst v63  }
0x2db: {  	s12 =	simm.s32 $0xB200  }
0x2dc: {  	[tilespmem:s12], [sflag:$0x4] =	stream.indirect_vreg.gather [hbm4b:s5+s3], $0x80, v3, vm0, $0xb8;
	[tilespmem:$0x18200] =	vst v63  }
0x2dd: {  	s12 =	simm.s32 $0xBA00  }
0x2de: {  	[tilespmem:s12], [sflag:$0x4] =	stream.indirect_vreg.gather [hbm4b:s6+s3], $0x80, v3, vm0, $0xb8;
	[tilespmem:$0x18200] =	vst v63  }
0x2df: {  	_ =	swait.ge [sflag:s31], $0x3000  }
0x2e0: {  	[sflag:s31] =	ssyncset.done $0x0  }
0x2e1: {  	s21 =	simm.s32 $0x15200;
	s4 =	rddreg [dreg:$0x1b];
	[sflag:s31] =	ssyncadd.s32 $0xFFFFD000  }
0x2e2: {  	[hbm4b:s4+s3] =	stream.linear.scatter [tilespmem:s21], [sflag:$0x10], $0x3000, $0x38;
	[tilespmem:$0x18200] =	vst v63  }
0x2e3: {  	_ =	swait.ge [sflag:s8], $0x3000  }
0x2e4: {  	[sflag:s8] =	ssyncset.done $0x0  }
0x2e5: {  	[sflag:s8] =	ssyncadd.s32 $0xFFFFD000  }
0x2e6: {  	v3 =	vld [tilespmem:$0x1C0];
	_ =	sdelay $0x4  }
0x2e7: {  	v60 =	vshrl.u32 v3, $0x3  }
0x2e8: {  	v4 =	vmul.u32 $0x30, v60  }
0x2e9: {  	v3 =	vand.u32 $0x7, v3  }
0x2ea: {  	v3 =	vor.u32 v3, v4  }
0x2eb: {  	v4 =	vperm.xlane v3, v0;
	_ =	sdelay $0x1  }
0x2ec: {  	v4 =	vadd.s32 v1, v4;
	_ =	sdelay $0x3  }
0x2ed: {  	s13 =	simm.s32 $0xC200;
	v3 =	vperm.xlane v3, v2  }
0x2ee: {  	[tilespmem:s13], [sflag:$0x5] =	stream.indirect_vreg.gather [hbm4b:s1+s3], $0x80, v4, vm0, $0xb8;
	[tilespmem:$0x18200] =	vst v63  }
0x2ef: {  	s12 =	simm.s32 $0xCA00;
	v3 =	vadd.s32 v1, v3  }
0x2f0: {  	[tilespmem:s12], [sflag:$0x5] =	stream.indirect_vreg.gather [hbm4b:s5+s3], $0x80, v4, vm0, $0xb8;
	[tilespmem:$0x18200] =	vst v63  }
0x2f1: {  	s12 =	simm.s32 $0xD200  }
0x2f2: {  	[tilespmem:s12], [sflag:$0x5] =	stream.indirect_vreg.gather [hbm4b:s6+s3], $0x80, v4, vm0, $0xb8;
	[tilespmem:$0x18200] =	vst v63  }
0x2f3: {  	s12 =	simm.s32 $0xDA00  }
0x2f4: {  	[tilespmem:s12], [sflag:$0x5] =	stream.indirect_vreg.gather [hbm4b:s1+s3], $0x80, v3, vm0, $0xb8;
	[tilespmem:$0x18200] =	vst v63  }
0x2f5: {  	s12 =	simm.s32 $0xE200  }
0x2f6: {  	[tilespmem:s12], [sflag:$0x5] =	stream.indirect_vreg.gather [hbm4b:s5+s3], $0x80, v3, vm0, $0xb8;
	[tilespmem:$0x18200] =	vst v63  }
0x2f7: {  	s12 =	simm.s32 $0xEA00  }
0x2f8: {  	[tilespmem:s12], [sflag:$0x5] =	stream.indirect_vreg.gather [hbm4b:s6+s3], $0x80, v3, vm0, $0xb8;
	[tilespmem:$0x18200] =	vst v63  }
0x2f9: {  	_ =	swait.ge [sflag:s23], $0x3000  }
0x2fa: {  	[sflag:s23] =	ssyncset.done $0x0  }
0x2fb: {  	s7 =	simm.s32 $0x200;
	s4 =	rddreg [dreg:$0x1c];
	[sflag:s23] =	ssyncadd.s32 $0xFFFFD000  }
0x2fc: {  	[hbm4b:s4+s3] =	stream.linear.scatter [tilespmem:s7], [sflag:$0x9], $0x3000, $0x38;
	[tilespmem:$0x18200] =	vst v63  }
0x2fd: {  	_ =	swait.ge [sflag:s10], $0x3000  }
0x2fe: {  	[sflag:s10] =	ssyncset.done $0x0  }
0x2ff: {  	[sflag:s10] =	ssyncadd.s32 $0xFFFFD000  }
0x300: {  	v3 =	vld [tilespmem:$0x1D0];
	_ =	sdelay $0x4  }
0x301: {  	v61 =	vshrl.u32 v3, $0x3  }
0x302: {  	v4 =	vmul.u32 $0x30, v61  }
0x303: {  	v3 =	vand.u32 $0x7, v3  }
0x304: {  	v3 =	vor.u32 v3, v4  }
0x305: {  	v4 =	vperm.xlane v3, v0;
	_ =	sdelay $0x1  }
0x306: {  	v4 =	vadd.s32 v1, v4;
	_ =	sdelay $0x3  }
0x307: {  	s14 =	simm.s32 $0xF200;
	v3 =	vperm.xlane v3, v2  }
0x308: {  	[tilespmem:s14], [sflag:$0x6] =	stream.indirect_vreg.gather [hbm4b:s1+s3], $0x80, v4, vm0, $0xb8;
	[tilespmem:$0x18200] =	vst v63  }
0x309: {  	s12 =	simm.s32 $0xFA00;
	v3 =	vadd.s32 v1, v3  }
0x30a: {  	[tilespmem:s12], [sflag:$0x6] =	stream.indirect_vreg.gather [hbm4b:s5+s3], $0x80, v4, vm0, $0xb8;
	[tilespmem:$0x18200] =	vst v63  }
0x30b: {  	s7 =	simm.s32 $0x10200  }
0x30c: {  	[tilespmem:s7], [sflag:$0x6] =	stream.indirect_vreg.gather [hbm4b:s6+s3], $0x80, v4, vm0, $0xb8;
	[tilespmem:$0x18200] =	vst v63  }
0x30d: {  	s12 =	simm.s32 $0x10A00  }
0x30e: {  	[tilespmem:s12], [sflag:$0x6] =	stream.indirect_vreg.gather [hbm4b:s1+s3], $0x80, v3, vm0, $0xb8;
	[tilespmem:$0x18200] =	vst v63  }
0x30f: {  	s7 =	simm.s32 $0x11200  }
0x310: {  	[tilespmem:s7], [sflag:$0x6] =	stream.indirect_vreg.gather [hbm4b:s5+s3], $0x80, v3, vm0, $0xb8;
	[tilespmem:$0x18200] =	vst v63  }
0x311: {  	s12 =	simm.s32 $0x11A00  }
0x312: {  	[tilespmem:s12], [sflag:$0x6] =	stream.indirect_vreg.gather [hbm4b:s6+s3], $0x80, v3, vm0, $0xb8;
	[tilespmem:$0x18200] =	vst v63  }
0x313: {  	_ =	swait.ge [sflag:s15], $0x3000  }
0x314: {  	[sflag:s15] =	ssyncset.done $0x0  }
0x315: {  	s0 =	simm.s32 $0x3200;
	s7 =	rddreg [dreg:$0x1d];
	[sflag:s15] =	ssyncadd.s32 $0xFFFFD000  }
0x316: {  	[hbm4b:s7+s3] =	stream.linear.scatter [tilespmem:s0], [sflag:$0xA], $0x3000, $0x38;
	[tilespmem:$0x18200] =	vst v63  }
0x317: {  	_ =	swait.ge [sflag:s11], $0x3000  }
0x318: {  	[sflag:s11] =	ssyncset.done $0x0  }
0x319: {  	[sflag:s11] =	ssyncadd.s32 $0xFFFFD000  }
0x31a: {  	v3 =	vld [tilespmem:$0x1E0];
	_ =	sdelay $0x4  }
0x31b: {  	v62 =	vshrl.u32 v3, $0x3  }
0x31c: {  	v4 =	vmul.u32 $0x30, v62  }
0x31d: {  	v3 =	vand.u32 $0x7, v3  }
0x31e: {  	v3 =	vor.u32 v3, v4  }
0x31f: {  	v4 =	vperm.xlane v3, v0;
	_ =	sdelay $0x1  }
0x320: {  	v4 =	vadd.s32 v1, v4;
	_ =	sdelay $0x3  }
0x321: {  	v3 =	vperm.xlane v3, v2  }
0x322: {  	[tilespmem:s9], [sflag:$0x7] =	stream.indirect_vreg.gather [hbm4b:s1+s3], $0x80, v4, vm0, $0xb8;
	[tilespmem:$0x18200] =	vst v63  }
0x323: {  	v3 =	vadd.s32 v1, v3  }
0x324: {  	[tilespmem:s24], [sflag:$0x7] =	stream.indirect_vreg.gather [hbm4b:s5+s3], $0x80, v4, vm0, $0xb8;
	[tilespmem:$0x18200] =	vst v63  }
0x325: {  	s24 =	simm.s32 $0x13200  }
0x326: {  	[tilespmem:s24], [sflag:$0x7] =	stream.indirect_vreg.gather [hbm4b:s6+s3], $0x80, v4, vm0, $0xb8;
	[tilespmem:$0x18200] =	vst v63  }
0x327: {  	s4 =	simm.s32 $0x13A00  }
0x328: {  	[tilespmem:s4], [sflag:$0x7] =	stream.indirect_vreg.gather [hbm4b:s1+s3], $0x80, v3, vm0, $0xb8;
	[tilespmem:$0x18200] =	vst v63  }
0x329: {  	s7 =	simm.s32 $0x14200  }
0x32a: {  	[tilespmem:s7], [sflag:$0x7] =	stream.indirect_vreg.gather [hbm4b:s5+s3], $0x80, v3, vm0, $0xb8;
	[tilespmem:$0x18200] =	vst v63  }
0x32b: {  	s12 =	simm.s32 $0x14A00  }
0x32c: {  	[tilespmem:s12], [sflag:$0x7] =	stream.indirect_vreg.gather [hbm4b:s6+s3], $0x80, v3, vm0, $0xb8;
	[tilespmem:$0x18200] =	vst v63  }
0x32d: {  	_ =	swait.ge [sflag:s17], $0x3000  }
0x32e: {  	[sflag:s17] =	ssyncset.done $0x0  }
0x32f: {  	s2 =	simm.s32 $0x6200;
	s15 =	rddreg [dreg:$0x1e];
	[sflag:s17] =	ssyncadd.s32 $0xFFFFD000  }
0x330: {  	[hbm4b:s15+s3] =	stream.linear.scatter [tilespmem:s2], [sflag:$0xB], $0x3000, $0x38;
	[tilespmem:$0x18200] =	vst v63  }
0x331: {  	_ =	swait.ge [sflag:s28], $0x3000  }
0x332: {  	[sflag:s28] =	ssyncset.done $0x0  }
0x333: {  	[sflag:s28] =	ssyncadd.s32 $0xFFFFD000  }
0x334: {  	v3 =	vld [tilespmem:$0x1F0];
	_ =	sdelay $0x4  }
0x335: {  	v63 =	vshrl.u32 v3, $0x3  }
0x336: {  	v4 =	vmul.u32 $0x30, v63  }
0x337: {  	v3 =	vand.u32 $0x7, v3  }
0x338: {  	v3 =	vor.u32 v3, v4  }
0x339: {  	v4 =	vperm.xlane v3, v0;
	_ =	sdelay $0x1  }
0x33a: {  	v4 =	vadd.s32 v1, v4;
	_ =	sdelay $0x3  }
0x33b: {  	v3 =	vperm.xlane v3, v2  }
0x33c: {  	[tilespmem:s21], [sflag:$0x8] =	stream.indirect_vreg.gather [hbm4b:s1+s3], $0x80, v4, vm0, $0xb8;
	[tilespmem:$0x18200] =	vst v63  }
0x33d: {  	s24 =	simm.s32 $0x15A00;
	v3 =	vadd.s32 v1, v3  }
0x33e: {  	[tilespmem:s24], [sflag:$0x8] =	stream.indirect_vreg.gather [hbm4b:s5+s3], $0x80, v4, vm0, $0xb8;
	[tilespmem:$0x18200] =	vst v63  }
0x33f: {  	s2 =	simm.s32 $0x16200  }
0x340: {  	[tilespmem:s2], [sflag:$0x8] =	stream.indirect_vreg.gather [hbm4b:s6+s3], $0x80, v4, vm0, $0xb8;
	[tilespmem:$0x18200] =	vst v63  }
0x341: {  	s4 =	simm.s32 $0x16A00  }
0x342: {  	[tilespmem:s4], [sflag:$0x8] =	stream.indirect_vreg.gather [hbm4b:s1+s3], $0x80, v3, vm0, $0xb8;
	[tilespmem:$0x18200] =	vst v63  }
0x343: {  	s7 =	simm.s32 $0x17200  }
0x344: {  	[tilespmem:s7], [sflag:$0x8] =	stream.indirect_vreg.gather [hbm4b:s5+s3], $0x80, v3, vm0, $0xb8;
	[tilespmem:$0x18200] =	vst v63  }
0x345: {  	s12 =	simm.s32 $0x17A00  }
0x346: {  	[tilespmem:s12], [sflag:$0x8] =	stream.indirect_vreg.gather [hbm4b:s6+s3], $0x80, v3, vm0, $0xb8;
	[tilespmem:$0x18200] =	vst v63  }
0x347: {  	_ =	swait.ge [sflag:s18], $0x3000  }
0x348: {  	[sflag:s18] =	ssyncset.done $0x0  }
0x349: {  	s15 =	rddreg [dreg:$0x1f];
	[sflag:s18] =	ssyncadd.s32 $0xFFFFD000  }
0x34a: {  	[hbm4b:s15+s3] =	stream.linear.scatter [tilespmem:s16], [sflag:$0xC], $0x3000, $0x38;
	[tilespmem:$0x18200] =	vst v63  }
0x34b: {  	_ =	swait.ge [sflag:s19], $0x3000  }
0x34c: {  	[sflag:s19] =	ssyncset.done $0x0  }
0x34d: {  	[sflag:s19] =	ssyncadd.s32 $0xFFFFD000  }
0x34e: {  	_ =	swait.ge [sflag:s20], $0x3000  }
0x34f: {  	s16 =	sld [smem:$0x7FA]  }
0x350: {  	[sflag:s20] =	ssyncset.done $0x0  }
0x351: {  	[sflag:s20] =	ssyncadd.s32 $0xFFFFD000  }
0x352: {  	[hbm4b:s16+s3] =	stream.linear.scatter [tilespmem:s13], [sflag:$0xD], $0x3000, $0x38;
	[tilespmem:$0x18200] =	vst v63  }
0x353: {  	_ =	swait.ge [sflag:s22], $0x3000  }
0x354: {  	[sflag:s22] =	ssyncset.done $0x0  }
0x355: {  	[sflag:s22] =	ssyncadd.s32 $0xFFFFD000  }
0x356: {  	_ =	swait.ge [sflag:s25], $0x3000  }
0x357: {  	s24 =	sld [smem:$0x7FB]  }
0x358: {  	[sflag:s25] =	ssyncset.done $0x0  }
0x359: {  	[sflag:s25] =	ssyncadd.s32 $0xFFFFD000  }
0x35a: {  	[hbm4b:s24+s3] =	stream.linear.scatter [tilespmem:s14], [sflag:$0xE], $0x3000, $0x38;
	[tilespmem:$0x18200] =	vst v63  }
0x35b: {  	_ =	swait.ge [sflag:s26], $0x3000  }
0x35c: {  	[sflag:s26] =	ssyncset.done $0x0  }
0x35d: {  	[sflag:s26] =	ssyncadd.s32 $0xFFFFD000  }
0x35e: {  	_ =	swait.ge [sflag:s29], $0x3000  }
0x35f: {  	s26 =	sld [smem:$0x7FC]  }
0x360: {  	[sflag:s29] =	ssyncset.done $0x0  }
0x361: {  	[sflag:s29] =	ssyncadd.s32 $0xFFFFD000  }
0x362: {  	[hbm4b:s26+s3] =	stream.linear.scatter [tilespmem:s9], [sflag:$0xF], $0x3000, $0x38;
	[tilespmem:$0x18200] =	vst v63  }
0x363: {  	s29 =	sld [smem:$0x7F8];
	_ =	swait.ge [sflag:s30], $0x3000  }
0x364: {  	[sflag:s30] =	ssyncset.done $0x0  }
0x365: {  	[sflag:s30] =	ssyncadd.s32 $0xFFFFD000  }
0x366: {  	_ =	swait.ge [sflag:s31], $0x3000  }
0x367: {  	s30 =	sld [smem:$0x7FD]  }
0x368: {  	[sflag:s31] =	ssyncset.done $0x0  }
0x369: {  	[sflag:s31] =	ssyncadd.s32 $0xFFFFD000  }
0x36a: {  	[hbm4b:s30+s3] =	stream.linear.scatter [tilespmem:s21], [sflag:$0x10], $0x3000, $0x38;
	[tilespmem:$0x18200] =	vst v63  }
0x36b: {  	_ =	swait.ge [sflag:s8], $0x3000  }
0x36c: {  	[sflag:s8] =	ssyncset.done $0x0  }
0x36d: {  	[sflag:s8] =	ssyncadd.s32 $0xFFFFD000  }
0x36e: {  	_ =	swait.ge [sflag:s10], $0x3000  }
0x36f: {  	[sflag:s10] =	ssyncset.done $0x0  }
0x370: {  	[sflag:s10] =	ssyncadd.s32 $0xFFFFD000  }
0x371: {  	p0 =	sne.s32 s29, $0x1;
	_ =	swait.ge [sflag:s11], $0x3000  }
.Ltmp0:
0x372: {  	[sflag:s11] =	ssyncset.done $0x0;
	(pc) =	sbr.rel @p0 .LBB2_1-.Ltmp0, $4  }
0x373: {  	[sflag:s11] =	ssyncadd.s32 $0xFFFFD000  }
0x374: {  	_ =	swait.ge [sflag:s28], $0x3000  }
0x375: {  	[sflag:s28] =	ssyncset.done $0x0  }
0x376: {  	s0 =	sadd.s32 $0xFFFFFFFF, s29;
	[sflag:s28] =	ssyncadd.s32 $0xFFFFD000  }
0x377: {  	_ =	sfence.sel $0x180000  }
0x378: {  	[bflag:$0x0] =	sbarrier.arrive $0xFFFF  }
0x379: {  	_ =	strace $0x90000047  }
0x37a: {  	s0 =	stileid.u32;
	[bflag:$0x2] =	sbarrier.arrive $0xFFFF  }
0x37b: {  	p0 =	sne.s32 s0, $0x0;
	s0 =	rddreg [dreg:$0x3]  }
0x37c: {  	s0 =	sadd.s32 @!p0 $0x100000, s0  }
0x37d: {  	[sflag:s0] =	ssyncadd.tile.s32 @!p0 $0x1;
	_ =	shalt  }
.Lfunc_end2:
_tile_overlayer_lowered:
.L_overlay_start_2:
0x37e: {  	(tag) =	ssettag $0x2  }
0x37f: {  	s0 =	rddreg [dreg:$0x0];
	s2 =	stileid.u32  }
0x380: {  	s1 =	rddreg [dreg:$0x1];
	p0 =	sne.s32 s2, $0x0  }
0x381: {  	s3 =	rddreg [dreg:$0x2];
	[bflag:$0x3] =	sbarrier.arrive $0xFFFF;
	s2 =	simm.s32 @!p0 $0x1C11  }
0x382: {  	[timem:s3], [sflag:s2] =	dma.local @!p0 [hbm:s0], s1  }
0x383: {  	s0 =	simm.s32 @!p0 $0x11  }
0x384: {  	_ =	swait.ge @!p0 [sflag:s0], s1  }
0x385: {  	s1 =	ssub.s32 @!p0 $0x0, s1;
	[sflag:s0] =	ssyncset.done @!p0 $0x0  }
0x386: {  	[sflag:s0] =	ssyncadd.s32 @!p0 s1  }
0x387: {  	[bflag:$0x3] =	sbarrier.arrive $0xFFFF  }
0x388: {  	_ =	shalt  }

</sc_bundles>
